<compile_context>
chip_gen: v7x
topology: tpu7x:2x2x1
jax: 0.10.2.dev20260603
libtpu: 0.0.44.dev20260713+nightly
codegen_flags: <defaults>
</compile_context>

<pallas_src>
import functools

import jax
import jax.numpy as jnp
from jax import lax
from jax.experimental import pallas as pl
from jax.experimental.pallas import tpu as pltpu
from jax.experimental.pallas import tpu_sc as plsc

N = 10000
NPAD = 10240
E = 320000
D_IN = 128
D = 64
BN_RS = 1.0 / (1.0 + 1e-5) ** 0.5

NC = 2
NS = 16
NW = NC * NS
CHUNK = 128
NITER = 80
EPT = CHUNK * NITER
EPAD = NW * EPT
RPT = NPAD // NS
DEGW = 16

BLK = 1024
NB = NPAD // BLK

@functools.lru_cache(maxsize=None)
def _sc_mesh():
    return plsc.VectorSubcoreMesh(
        core_axis_name="c", subcore_axis_name="s",
        num_cores=NC, num_subcores=NS)



def _deg_body(dst_hbm, ones_hbm, zeros_hbm, out0_hbm, out1_hbm,
              idx_v, ones_v, zrow_v, acc_sh):
    c = lax.axis_index("c")
    s = lax.axis_index("s")
    w = s * NC + c
    pltpu.sync_copy(zeros_hbm, zrow_v)
    pltpu.sync_copy(zrow_v, acc_sh.at[pl.ds(s * RPT, RPT)])
    pltpu.sync_copy(ones_hbm, ones_v)
    pltpu.sync_copy(dst_hbm.at[w], idx_v)
    plsc.subcore_barrier()

    def body(i, carry):
        pltpu.sync_copy(ones_v, acc_sh.at[idx_v.at[i]], add=True)
        return carry

    lax.fori_loop(0, NITER, body, 0)
    plsc.subcore_barrier()

    @pl.when(c == 0)
    def _():
        pltpu.sync_copy(acc_sh.at[pl.ds(s * RPT, RPT)],
                        out0_hbm.at[pl.ds(s * RPT, RPT)])

    @pl.when(c == 1)
    def _():
        pltpu.sync_copy(acc_sh.at[pl.ds(s * RPT, RPT)],
                        out1_hbm.at[pl.ds(s * RPT, RPT)])


@functools.lru_cache(maxsize=None)
def _deg_kernel_build():
    return pl.kernel(
        _deg_body,
        out_type=[jax.ShapeDtypeStruct((NPAD, DEGW), jnp.float32),
                  jax.ShapeDtypeStruct((NPAD, DEGW), jnp.float32)],
        mesh=_sc_mesh(),
        scratch_types=[
            pltpu.VMEM((NITER, CHUNK), jnp.int32),
            pltpu.VMEM((CHUNK, DEGW), jnp.float32),
            pltpu.VMEM((RPT, DEGW), jnp.float32),
            pltpu.VMEM_SHARED((NPAD, DEGW), jnp.float32),
        ],
        compiler_params=pltpu.CompilerParams(use_tc_tiling_on_sc=False),
    )


def _deg_kernel(*args):
    return _deg_kernel_build()(*args)


NBUF = 8


def _agg_body(h_hbm, src_hbm, dst_hbm, zeros_hbm,
              out0a_hbm, out0b_hbm, out1a_hbm, out1b_hbm,
              idxs_v, idxd_v, r0, r1, r2, r3, r4, r5, r6, r7, zrow_v,
              acc_a, acc_b,
              g0, g1, g2, g3, g4, g5, g6, g7,
              s0, s1, s2, s3, s4, s5, s6, s7):
    rows = (r0, r1, r2, r3, r4, r5, r6, r7)
    sem_g = (g0, g1, g2, g3, g4, g5, g6, g7)
    sem_s = (s0, s1, s2, s3, s4, s5, s6, s7)
    accs = (acc_a, acc_b)
    c = lax.axis_index("c")
    s = lax.axis_index("s")
    w = s * NC + c
    pltpu.sync_copy(zeros_hbm, zrow_v)
    pltpu.sync_copy(zrow_v, acc_a.at[pl.ds(s * RPT, RPT)])
    pltpu.sync_copy(zrow_v, acc_b.at[pl.ds(s * RPT, RPT)])
    pltpu.sync_copy(src_hbm.at[w], idxs_v)
    pltpu.sync_copy(dst_hbm.at[w], idxd_v)
    plsc.subcore_barrier()

    def _wait(buf, sem):
        pltpu.make_async_copy(h_hbm.at[pl.ds(0, CHUNK)], buf, sem).wait()

    for k in range(NBUF):
        pltpu.async_copy(h_hbm.at[idxs_v.at[k]], rows[k], sem_g[k])

    def body(t, carry):
        j = NBUF * t
        for k in range(NBUF):
            _wait(rows[k], sem_g[k])
            pltpu.async_copy(rows[k], accs[k % 2].at[idxd_v.at[j + k]],
                             sem_s[k], add=True)
        for k in range(NBUF):
            @pl.when(j + k + NBUF < NITER)
            def _(k=k):
                _wait(rows[k], sem_s[k])
                pltpu.async_copy(h_hbm.at[idxs_v.at[j + k + NBUF]],
                                 rows[k], sem_g[k])

        return carry

    lax.fori_loop(0, NITER // NBUF, body, 0)
    for k in range(NBUF):
        _wait(rows[k], sem_s[k])
    plsc.subcore_barrier()

    @pl.when(c == 0)
    def _():
        pltpu.sync_copy(acc_a.at[pl.ds(s * RPT, RPT)],
                        out0a_hbm.at[pl.ds(s * RPT, RPT)])
        pltpu.sync_copy(acc_b.at[pl.ds(s * RPT, RPT)],
                        out0b_hbm.at[pl.ds(s * RPT, RPT)])

    @pl.when(c == 1)
    def _():
        pltpu.sync_copy(acc_a.at[pl.ds(s * RPT, RPT)],
                        out1a_hbm.at[pl.ds(s * RPT, RPT)])
        pltpu.sync_copy(acc_b.at[pl.ds(s * RPT, RPT)],
                        out1b_hbm.at[pl.ds(s * RPT, RPT)])


@functools.lru_cache(maxsize=None)
def _agg_kernel_build():
    return pl.kernel(
        _agg_body,
        out_type=[jax.ShapeDtypeStruct((NPAD, D), jnp.bfloat16)] * 4,
        mesh=_sc_mesh(),
        scratch_types=[
            pltpu.VMEM((NITER, CHUNK), jnp.int32),
            pltpu.VMEM((NITER, CHUNK), jnp.int32),
        ] + [pltpu.VMEM((CHUNK, D), jnp.bfloat16)] * NBUF + [
            pltpu.VMEM((RPT, D), jnp.bfloat16),
            pltpu.VMEM_SHARED((NPAD, D), jnp.bfloat16),
            pltpu.VMEM_SHARED((NPAD, D), jnp.bfloat16),
        ] + [pltpu.SemaphoreType.DMA] * (2 * NBUF),
        compiler_params=pltpu.CompilerParams(use_tc_tiling_on_sc=False),
    )


def _agg_kernel(*args):
    return _agg_kernel_build()(*args)



def _mm1_body(x_ref, w_ref, h_ref):
    h_ref[...] = jnp.dot(x_ref[...], w_ref[...],
                         preferred_element_type=jnp.float32)


def _prep1_body(h_ref, d0_ref, d1_ref, b_ref, hhat_ref, self_ref):
    h = h_ref[...]
    deg = d0_ref[:, 0:1] + d1_ref[:, 0:1] + 1.0
    dinv = lax.rsqrt(deg)
    hhat_ref[...] = (h * dinv).astype(jnp.bfloat16)
    self_ref[...] = h * (dinv * dinv) + b_ref[...]


def _mid_body(a0_ref, a1_ref, a2_ref, a3_ref, self_ref, d0_ref, d1_ref,
              g_ref, be_ref, w_ref, b_ref, selfo_ref, hhat_ref):
    deg = d0_ref[:, 0:1] + d1_ref[:, 0:1] + 1.0
    dinv = lax.rsqrt(deg)
    agg = (a0_ref[...].astype(jnp.float32) + a1_ref[...].astype(jnp.float32)
           + a2_ref[...].astype(jnp.float32)
           + a3_ref[...].astype(jnp.float32))
    out = self_ref[...] + dinv * agg
    t = jnp.maximum(out * (g_ref[...] * BN_RS) + be_ref[...], 0.0)
    h = jnp.dot(t, w_ref[...], preferred_element_type=jnp.float32)
    selfo_ref[...] = h * (dinv * dinv) + b_ref[...]
    hhat_ref[...] = (h * dinv).astype(jnp.bfloat16)


def _final_body(a0_ref, a1_ref, a2_ref, a3_ref, self_ref, d0_ref, d1_ref,
                g_ref, be_ref, fc1w_ref, fc1b_ref, fc2w_ref, fc2b_ref,
                out_ref, acc):
    i = pl.program_id(0)
    deg = d0_ref[:, 0:1] + d1_ref[:, 0:1] + 1.0
    dinv = lax.rsqrt(deg)
    agg = (a0_ref[...].astype(jnp.float32) + a1_ref[...].astype(jnp.float32)
           + a2_ref[...].astype(jnp.float32)
           + a3_ref[...].astype(jnp.float32))
    out = self_ref[...] + dinv * agg
    t = jnp.maximum(out * (g_ref[...] * BN_RS) + be_ref[...], 0.0)
    rows = i * BLK + lax.broadcasted_iota(jnp.int32, (BLK, 1), 0)
    t = jnp.where(rows < N, t, 0.0)
    part = jnp.sum(t, axis=0, keepdims=True)

    @pl.when(i == 0)
    def _():
        acc[...] = jnp.zeros_like(acc)

    acc[...] += jnp.broadcast_to(part, acc.shape)

    @pl.when(i == NB - 1)
    def _():
        mean = acc[0:1, :] * (1.0 / N)
        z = jnp.maximum(
            jnp.dot(mean, fc1w_ref[...],
                    preferred_element_type=jnp.float32) + fc1b_ref[...], 0.0)
        logits = jnp.dot(z, fc2w_ref[...],
                         preferred_element_type=jnp.float32) + fc2b_ref[...]
        out_ref[...] = jnp.broadcast_to(logits, out_ref.shape)


def _row_spec(width):
    return pl.BlockSpec((BLK, width), lambda i: (i, 0))


def _fix_spec(shape):
    return pl.BlockSpec(shape, lambda i: tuple(0 for _ in shape))


_mm1_call = pl.pallas_call(
    _mm1_body,
    grid=(NB,),
    in_specs=[_row_spec(D_IN), _fix_spec((D_IN, D))],
    out_specs=_row_spec(D),
    out_shape=jax.ShapeDtypeStruct((NPAD, D), jnp.float32),
)

_prep1_call = pl.pallas_call(
    _prep1_body,
    grid=(NB,),
    in_specs=[_row_spec(D), _row_spec(DEGW), _row_spec(DEGW),
              _fix_spec((1, D))],
    out_specs=[_row_spec(D), _row_spec(D)],
    out_shape=[jax.ShapeDtypeStruct((NPAD, D), jnp.bfloat16),
               jax.ShapeDtypeStruct((NPAD, D), jnp.float32)],
)

_mid_call = pl.pallas_call(
    _mid_body,
    grid=(NB,),
    in_specs=[_row_spec(D), _row_spec(D), _row_spec(D), _row_spec(D),
              _row_spec(D), _row_spec(DEGW), _row_spec(DEGW),
              _fix_spec((1, D)), _fix_spec((1, D)),
              _fix_spec((D, D)), _fix_spec((1, D))],
    out_specs=[_row_spec(D), _row_spec(D)],
    out_shape=[jax.ShapeDtypeStruct((NPAD, D), jnp.float32),
               jax.ShapeDtypeStruct((NPAD, D), jnp.bfloat16)],
)

_final_call = pl.pallas_call(
    _final_body,
    grid=(NB,),
    in_specs=[_row_spec(D), _row_spec(D), _row_spec(D), _row_spec(D),
              _row_spec(D), _row_spec(DEGW), _row_spec(DEGW),
              _fix_spec((1, D)), _fix_spec((1, D)),
              _fix_spec((D, 128)), _fix_spec((1, 128)),
              _fix_spec((128, 128)), _fix_spec((1, 128))],
    out_specs=_fix_spec((8, 128)),
    out_shape=jax.ShapeDtypeStruct((8, 128), jnp.float32),
    scratch_shapes=[pltpu.VMEM((8, D), jnp.float32)],
    compiler_params=pltpu.CompilerParams(
        dimension_semantics=("arbitrary",)),
)


def kernel(x, edge_index, W1, b1, g1, be1, W2, b2, g2, be2, W3, b3, g3, be3,
           fc1_w, fc1_b, fc2_w, fc2_b):
    pad_idx = N + jnp.broadcast_to(
        jnp.arange(NPAD - N, dtype=jnp.int32),
        ((EPAD - E) // (NPAD - N), NPAD - N)).reshape(-1)
    src = jnp.concatenate([edge_index[0].astype(jnp.int32), pad_idx])
    dst = jnp.concatenate([edge_index[1].astype(jnp.int32), pad_idx])
    src = src.reshape(NW, NITER, CHUNK)
    dst = dst.reshape(NW, NITER, CHUNK)
    x_pad = jnp.pad(x, ((0, NPAD - N), (0, 0)))

    ones_deg = jnp.ones((CHUNK, DEGW), jnp.float32)
    zeros_deg = jnp.zeros((RPT, DEGW), jnp.float32)
    zeros_agg = jnp.zeros((RPT, D), jnp.bfloat16)

    h1 = _mm1_call(x_pad, W1)
    deg0, deg1 = _deg_kernel(dst, ones_deg, zeros_deg)

    hhat, selfc = _prep1_call(h1, deg0, deg1, b1.reshape(1, D))

    for g, be, w, b in ((g1, be1, W2, b2), (g2, be2, W3, b3)):
        a0, a1, a2, a3 = _agg_kernel(hhat, src, dst, zeros_agg)
        selfc, hhat = _mid_call(
            a0, a1, a2, a3, selfc, deg0, deg1,
            g.reshape(1, D), be.reshape(1, D), w, b.reshape(1, D))

    a0, a1, a2, a3 = _agg_kernel(hhat, src, dst, zeros_agg)

    fc1w_pad = jnp.pad(fc1_w, ((0, 0), (0, 128 - fc1_w.shape[1])))
    fc1b_pad = jnp.pad(fc1_b, (0, 128 - fc1_b.shape[0])).reshape(1, 128)
    fc2w_pad = jnp.pad(fc2_w, ((0, 128 - fc2_w.shape[0]),
                               (0, 128 - fc2_w.shape[1])))
    fc2b_pad = jnp.pad(fc2_b, (0, 128 - fc2_b.shape[0])).reshape(1, 128)

    out = _final_call(a0, a1, a2, a3, selfc, deg0, deg1, g3.reshape(1, D),
                      be3.reshape(1, D), fc1w_pad, fc1b_pad,
                      fc2w_pad, fc2b_pad)
    return out[0:1, 0:3]

# --- scband reference (transcript-rebuilt; emitter-appended) ---
"""Pipeline reference for scband-cascade-classifier-gnn-16939351015795 (READ-ONLY COPY).

The authoritative reference and input builder live on the scoring server;
editing this copy changes nothing except your own understanding.
"""

import jax, jax.numpy as jnp
import numpy as np

N_NODES = 10000
N_EDGES = 320000
D_IN = 128
D_HID = 64
N_CLASSES = 3
BN_EPS = 1e-5


def setup_inputs(seed: int = 0) -> dict:
    key = jax.random.key(seed)
    ks = jax.random.split(key, 16)
    x = jax.random.normal(ks[0], (N_NODES, D_IN), dtype=jnp.float32)
    edge_index = jax.random.randint(ks[1], (2, N_EDGES), 0, N_NODES, dtype=jnp.int64)
    def glorot(k, shape):
        fan_in, fan_out = shape[0], shape[1]
        lim = jnp.sqrt(6.0 / (fan_in + fan_out))
        return jax.random.uniform(k, shape, dtype=jnp.float32, minval=-lim, maxval=lim)
    inp = {
        'x': x,
        'edge_index': edge_index,
        'W1': glorot(ks[2], (D_IN, D_HID)),
        'b1': jnp.zeros((D_HID,), jnp.float32),
        'g1': jnp.ones((D_HID,), jnp.float32),
        'be1': jnp.zeros((D_HID,), jnp.float32),
        'W2': glorot(ks[3], (D_HID, D_HID)),
        'b2': jnp.zeros((D_HID,), jnp.float32),
        'g2': jnp.ones((D_HID,), jnp.float32),
        'be2': jnp.zeros((D_HID,), jnp.float32),
        'W3': glorot(ks[4], (D_HID, D_HID)),
        'b3': jnp.zeros((D_HID,), jnp.float32),
        'g3': jnp.ones((D_HID,), jnp.float32),
        'be3': jnp.zeros((D_HID,), jnp.float32),
        'fc1_w': glorot(ks[5], (D_HID, D_HID // 2)),
        'fc1_b': jnp.zeros((D_HID // 2,), jnp.float32),
        'fc2_w': glorot(ks[6], (D_HID // 2, N_CLASSES)),
        'fc2_b': jnp.zeros((N_CLASSES,), jnp.float32),
    }
    return inp


def _gcn_conv(h, src, dst, W, b, n):
    # h @ W then symmetric-normalized scatter-add aggregation (GCNConv with self-loops)
    h = h @ W
    ones = jnp.ones_like(dst, dtype=h.dtype)
    deg = jax.ops.segment_sum(ones, dst, num_segments=n)
    dinv = jnp.where(deg > 0, 1.0 / jnp.sqrt(deg), 0.0)
    norm = dinv[src] * dinv[dst]
    msgs = h[src] * norm[:, None]
    out = jax.ops.segment_sum(msgs, dst, num_segments=n)
    return out + b


def _bn_eval(x, g, b):
    # BatchNorm1d eval mode with initial running stats (mean=0, var=1)
    return x / jnp.sqrt(1.0 + BN_EPS) * g + b


def reference(x, edge_index, W1, b1, g1, be1, W2, b2, g2, be2, W3, b3, g3, be3, fc1_w, fc1_b, fc2_w, fc2_b):
    n = x.shape[0]
    loop = jnp.arange(n, dtype=edge_index.dtype)
    src = jnp.concatenate([edge_index[0], loop])
    dst = jnp.concatenate([edge_index[1], loop])

    h = _gcn_conv(x, src, dst, W1, b1, n)
    h = jax.nn.relu(_bn_eval(h, g1, be1))
    h = _gcn_conv(h, src, dst, W2, b2, n)
    h = jax.nn.relu(_bn_eval(h, g2, be2))
    h = _gcn_conv(h, src, dst, W3, b3, n)
    h = jax.nn.relu(_bn_eval(h, g3, be3))

    # batch is None -> global mean over all nodes
    h = jnp.mean(h, axis=0, keepdims=True)
    h = jax.nn.relu(h @ fc1_w + fc1_b)
    logits = h @ fc2_w + fc2_b
    return logits

if __name__ == "__main__":
    import jax
    _d = setup_inputs()
    print(jax.jit(kernel)(*tuple(_d.values())))

</pallas_src>

<mosaic_0001>
#map = affine_map<(d0, d1) -> (0, 0)>
#map1 = affine_map<(d0, d1) -> (0, 0, 0)>
module attributes {stable_mosaic.version = 14 : i64} {
  func.func @_agg_body(%arg0: i32, %arg1: i32, %arg2: memref<10240x64xbf16, #tpu.memory_space<hbm>>, %arg3: memref<32x80x128xi32, #tpu.memory_space<hbm>>, %arg4: memref<32x80x128xi32, #tpu.memory_space<hbm>>, %arg5: memref<640x64xbf16, #tpu.memory_space<hbm>>, %arg6: memref<10240x64xbf16, #tpu.memory_space<hbm>>, %arg7: memref<10240x64xbf16, #tpu.memory_space<hbm>>, %arg8: memref<10240x64xbf16, #tpu.memory_space<hbm>>, %arg9: memref<10240x64xbf16, #tpu.memory_space<hbm>>, %arg10: memref<80x128xi32, #tpu.memory_space<vmem>>, %arg11: memref<80x128xi32, #tpu.memory_space<vmem>>, %arg12: memref<128x64xbf16, #tpu.memory_space<vmem>>, %arg13: memref<128x64xbf16, #tpu.memory_space<vmem>>, %arg14: memref<128x64xbf16, #tpu.memory_space<vmem>>, %arg15: memref<128x64xbf16, #tpu.memory_space<vmem>>, %arg16: memref<128x64xbf16, #tpu.memory_space<vmem>>, %arg17: memref<128x64xbf16, #tpu.memory_space<vmem>>, %arg18: memref<128x64xbf16, #tpu.memory_space<vmem>>, %arg19: memref<128x64xbf16, #tpu.memory_space<vmem>>, %arg20: memref<640x64xbf16, #tpu.memory_space<vmem>>, %arg21: memref<10240x64xbf16, #tpu.memory_space<vmem_shared>>, %arg22: memref<10240x64xbf16, #tpu.memory_space<vmem_shared>>, %arg23: memref<!tpu.dma_semaphore, #tpu.memory_space<semaphore_mem>>, %arg24: memref<!tpu.dma_semaphore, #tpu.memory_space<semaphore_mem>>, %arg25: memref<!tpu.dma_semaphore, #tpu.memory_space<semaphore_mem>>, %arg26: memref<!tpu.dma_semaphore, #tpu.memory_space<semaphore_mem>>, %arg27: memref<!tpu.dma_semaphore, #tpu.memory_space<semaphore_mem>>, %arg28: memref<!tpu.dma_semaphore, #tpu.memory_space<semaphore_mem>>, %arg29: memref<!tpu.dma_semaphore, #tpu.memory_space<semaphore_mem>>, %arg30: memref<!tpu.dma_semaphore, #tpu.memory_space<semaphore_mem>>, %arg31: memref<!tpu.dma_semaphore, #tpu.memory_space<semaphore_mem>>, %arg32: memref<!tpu.dma_semaphore, #tpu.memory_space<semaphore_mem>>, %arg33: memref<!tpu.dma_semaphore, #tpu.memory_space<semaphore_mem>>, %arg34: memref<!tpu.dma_semaphore, #tpu.memory_space<semaphore_mem>>, %arg35: memref<!tpu.dma_semaphore, #tpu.memory_space<semaphore_mem>>, %arg36: memref<!tpu.dma_semaphore, #tpu.memory_space<semaphore_mem>>, %arg37: memref<!tpu.dma_semaphore, #tpu.memory_space<semaphore_mem>>, %arg38: memref<!tpu.dma_semaphore, #tpu.memory_space<semaphore_mem>>) attributes {dimension_semantics = [#tpu.dimension_semantics<core_parallel>, #tpu.dimension_semantics<subcore_parallel>], iteration_bounds = array<i64: 2, 16>, scalar_prefetch = 0 : i64, scratch_operands = 29 : i64, tpu.core_type = #tpu.core_type<sc_vector_subcore>, window_params = [{transform_indices = #map}, {transform_indices = #map1}, {transform_indices = #map1}, {transform_indices = #map}, {transform_indices = #map}, {transform_indices = #map}, {transform_indices = #map}, {transform_indices = #map}]} {
    %mul3A = arith.constant 2 : i32
    %mul3A_0 = arith.muli %arg1, %mul3A : i32
    %add3A = arith.addi %mul3A_0, %arg0 : i32
    "tpu.region"() ({
      %run_scoped3A = tpu.sem_alloc : memref<!tpu.dma_semaphore, #tpu.memory_space<semaphore_mem>>
      tpu.enqueue_dma source(%arg5 : memref<640x64xbf16, #tpu.memory_space<hbm>>) target(%arg20 : memref<640x64xbf16, #tpu.memory_space<vmem>>) target_semaphore(%run_scoped3A : memref<!tpu.dma_semaphore, #tpu.memory_space<semaphore_mem>>)
      tpu.wait_dma2 semaphore(%run_scoped3A : memref<!tpu.dma_semaphore, #tpu.memory_space<semaphore_mem>>) src(%arg5 : memref<640x64xbf16, #tpu.memory_space<hbm>>) dst(%arg20 : memref<640x64xbf16, #tpu.memory_space<vmem>>)
      tpu.yield
    }) : () -> ()
    %mul3A_1 = arith.constant 640 : i32
    %mul3A_2 = arith.muli %arg1, %mul3A_1 : i32
    "tpu.region"() ({
      %run_scoped3A = tpu.sem_alloc : memref<!tpu.dma_semaphore, #tpu.memory_space<semaphore_mem>>
      %dma_start3A_120 = arith.constant 0 : i32
      %dma_start3A_121 = tpu.memref_slice %arg21[%mul3A_2, %dma_start3A_120] : memref<10240x64xbf16, #tpu.memory_space<vmem_shared>> -> memref<640x64xbf16, #tpu.memory_space<vmem_shared>>
      %dma_start3A_122 = arith.constant 0 : i32
      %dma_start3A_123 = tpu.memref_slice %arg21[%mul3A_2, %dma_start3A_122] : memref<10240x64xbf16, #tpu.memory_space<vmem_shared>> -> memref<640x64xbf16, #tpu.memory_space<vmem_shared>>
      tpu.enqueue_dma source(%arg20 : memref<640x64xbf16, #tpu.memory_space<vmem>>) target(%dma_start3A_123 : memref<640x64xbf16, #tpu.memory_space<vmem_shared>>) target_semaphore(%run_scoped3A : memref<!tpu.dma_semaphore, #tpu.memory_space<semaphore_mem>>)
      %dma_wait3A_124 = arith.constant 0 : i32
      %dma_wait3A_125 = tpu.memref_slice %arg21[%mul3A_2, %dma_wait3A_124] : memref<10240x64xbf16, #tpu.memory_space<vmem_shared>> -> memref<640x64xbf16, #tpu.memory_space<vmem_shared>>
      %dma_wait3A_126 = arith.constant 0 : i32
      %dma_wait3A_127 = tpu.memref_slice %arg21[%mul3A_2, %dma_wait3A_126] : memref<10240x64xbf16, #tpu.memory_space<vmem_shared>> -> memref<640x64xbf16, #tpu.memory_space<vmem_shared>>
      tpu.wait_dma2 semaphore(%run_scoped3A : memref<!tpu.dma_semaphore, #tpu.memory_space<semaphore_mem>>) src(%arg20 : memref<640x64xbf16, #tpu.memory_space<vmem>>) dst(%dma_wait3A_127 : memref<640x64xbf16, #tpu.memory_space<vmem_shared>>)
      tpu.yield
    }) : () -> ()
    %mul3A_3 = arith.constant 640 : i32
    %mul3A_4 = arith.muli %arg1, %mul3A_3 : i32
    "tpu.region"() ({
      %run_scoped3A = tpu.sem_alloc : memref<!tpu.dma_semaphore, #tpu.memory_space<semaphore_mem>>
      %dma_start3A_120 = arith.constant 0 : i32
      %dma_start3A_121 = tpu.memref_slice %arg22[%mul3A_4, %dma_start3A_120] : memref<10240x64xbf16, #tpu.memory_space<vmem_shared>> -> memref<640x64xbf16, #tpu.memory_space<vmem_shared>>
      %dma_start3A_122 = arith.constant 0 : i32
      %dma_start3A_123 = tpu.memref_slice %arg22[%mul3A_4, %dma_start3A_122] : memref<10240x64xbf16, #tpu.memory_space<vmem_shared>> -> memref<640x64xbf16, #tpu.memory_space<vmem_shared>>
      tpu.enqueue_dma source(%arg20 : memref<640x64xbf16, #tpu.memory_space<vmem>>) target(%dma_start3A_123 : memref<640x64xbf16, #tpu.memory_space<vmem_shared>>) target_semaphore(%run_scoped3A : memref<!tpu.dma_semaphore, #tpu.memory_space<semaphore_mem>>)
      %dma_wait3A_124 = arith.constant 0 : i32
      %dma_wait3A_125 = tpu.memref_slice %arg22[%mul3A_4, %dma_wait3A_124] : memref<10240x64xbf16, #tpu.memory_space<vmem_shared>> -> memref<640x64xbf16, #tpu.memory_space<vmem_shared>>
      %dma_wait3A_126 = arith.constant 0 : i32
      %dma_wait3A_127 = tpu.memref_slice %arg22[%mul3A_4, %dma_wait3A_126] : memref<10240x64xbf16, #tpu.memory_space<vmem_shared>> -> memref<640x64xbf16, #tpu.memory_space<vmem_shared>>
      tpu.wait_dma2 semaphore(%run_scoped3A : memref<!tpu.dma_semaphore, #tpu.memory_space<semaphore_mem>>) src(%arg20 : memref<640x64xbf16, #tpu.memory_space<vmem>>) dst(%dma_wait3A_127 : memref<640x64xbf16, #tpu.memory_space<vmem_shared>>)
      tpu.yield
    }) : () -> ()
    "tpu.region"() ({
      %run_scoped3A = tpu.sem_alloc : memref<!tpu.dma_semaphore, #tpu.memory_space<semaphore_mem>>
      %dma_start3A_120 = arith.constant 0 : i32
      %dma_start3A_121 = arith.constant 0 : i32
      %dma_start3A_122 = tpu.memref_slice %arg3[%add3A, %dma_start3A_120, %dma_start3A_121] : memref<32x80x128xi32, #tpu.memory_space<hbm>> -> memref<1x80x128xi32, #tpu.memory_space<hbm>>
      %dma_start3A_123 = tpu.memref_squeeze %dma_start3A_122 : memref<1x80x128xi32, #tpu.memory_space<hbm>> -> memref<80x128xi32, #tpu.memory_space<hbm>>
      %dma_start3A_124 = arith.constant 0 : i32
      %dma_start3A_125 = arith.constant 0 : i32
      %dma_start3A_126 = tpu.memref_slice %arg3[%add3A, %dma_start3A_124, %dma_start3A_125] : memref<32x80x128xi32, #tpu.memory_space<hbm>> -> memref<1x80x128xi32, #tpu.memory_space<hbm>>
      %dma_start3A_127 = tpu.memref_squeeze %dma_start3A_126 : memref<1x80x128xi32, #tpu.memory_space<hbm>> -> memref<80x128xi32, #tpu.memory_space<hbm>>
      tpu.enqueue_dma source(%dma_start3A_127 : memref<80x128xi32, #tpu.memory_space<hbm>>) target(%arg10 : memref<80x128xi32, #tpu.memory_space<vmem>>) target_semaphore(%run_scoped3A : memref<!tpu.dma_semaphore, #tpu.memory_space<semaphore_mem>>)
      %dma_wait3A_128 = arith.constant 0 : i32
      %dma_wait3A_129 = arith.constant 0 : i32
      %dma_wait3A_130 = tpu.memref_slice %arg3[%add3A, %dma_wait3A_128, %dma_wait3A_129] : memref<32x80x128xi32, #tpu.memory_space<hbm>> -> memref<1x80x128xi32, #tpu.memory_space<hbm>>
      %dma_wait3A_131 = tpu.memref_squeeze %dma_wait3A_130 : memref<1x80x128xi32, #tpu.memory_space<hbm>> -> memref<80x128xi32, #tpu.memory_space<hbm>>
      %dma_wait3A_132 = arith.constant 0 : i32
      %dma_wait3A_133 = arith.constant 0 : i32
      %dma_wait3A_134 = tpu.memref_slice %arg3[%add3A, %dma_wait3A_132, %dma_wait3A_133] : memref<32x80x128xi32, #tpu.memory_space<hbm>> -> memref<1x80x128xi32, #tpu.memory_space<hbm>>
      %dma_wait3A_135 = tpu.memref_squeeze %dma_wait3A_134 : memref<1x80x128xi32, #tpu.memory_space<hbm>> -> memref<80x128xi32, #tpu.memory_space<hbm>>
      tpu.wait_dma2 semaphore(%run_scoped3A : memref<!tpu.dma_semaphore, #tpu.memory_space<semaphore_mem>>) src(%dma_wait3A_135 : memref<80x128xi32, #tpu.memory_space<hbm>>) dst(%arg10 : memref<80x128xi32, #tpu.memory_space<vmem>>)
      tpu.yield
    }) : () -> ()
    "tpu.region"() ({
      %run_scoped3A = tpu.sem_alloc : memref<!tpu.dma_semaphore, #tpu.memory_space<semaphore_mem>>
      %dma_start3A_120 = arith.constant 0 : i32
      %dma_start3A_121 = arith.constant 0 : i32
      %dma_start3A_122 = tpu.memref_slice %arg4[%add3A, %dma_start3A_120, %dma_start3A_121] : memref<32x80x128xi32, #tpu.memory_space<hbm>> -> memref<1x80x128xi32, #tpu.memory_space<hbm>>
      %dma_start3A_123 = tpu.memref_squeeze %dma_start3A_122 : memref<1x80x128xi32, #tpu.memory_space<hbm>> -> memref<80x128xi32, #tpu.memory_space<hbm>>
      %dma_start3A_124 = arith.constant 0 : i32
      %dma_start3A_125 = arith.constant 0 : i32
      %dma_start3A_126 = tpu.memref_slice %arg4[%add3A, %dma_start3A_124, %dma_start3A_125] : memref<32x80x128xi32, #tpu.memory_space<hbm>> -> memref<1x80x128xi32, #tpu.memory_space<hbm>>
      %dma_start3A_127 = tpu.memref_squeeze %dma_start3A_126 : memref<1x80x128xi32, #tpu.memory_space<hbm>> -> memref<80x128xi32, #tpu.memory_space<hbm>>
      tpu.enqueue_dma source(%dma_start3A_127 : memref<80x128xi32, #tpu.memory_space<hbm>>) target(%arg11 : memref<80x128xi32, #tpu.memory_space<vmem>>) target_semaphore(%run_scoped3A : memref<!tpu.dma_semaphore, #tpu.memory_space<semaphore_mem>>)
      %dma_wait3A_128 = arith.constant 0 : i32
      %dma_wait3A_129 = arith.constant 0 : i32
      %dma_wait3A_130 = tpu.memref_slice %arg4[%add3A, %dma_wait3A_128, %dma_wait3A_129] : memref<32x80x128xi32, #tpu.memory_space<hbm>> -> memref<1x80x128xi32, #tpu.memory_space<hbm>>
      %dma_wait3A_131 = tpu.memref_squeeze %dma_wait3A_130 : memref<1x80x128xi32, #tpu.memory_space<hbm>> -> memref<80x128xi32, #tpu.memory_space<hbm>>
      %dma_wait3A_132 = arith.constant 0 : i32
      %dma_wait3A_133 = arith.constant 0 : i32
      %dma_wait3A_134 = tpu.memref_slice %arg4[%add3A, %dma_wait3A_132, %dma_wait3A_133] : memref<32x80x128xi32, #tpu.memory_space<hbm>> -> memref<1x80x128xi32, #tpu.memory_space<hbm>>
      %dma_wait3A_135 = tpu.memref_squeeze %dma_wait3A_134 : memref<1x80x128xi32, #tpu.memory_space<hbm>> -> memref<80x128xi32, #tpu.memory_space<hbm>>
      tpu.wait_dma2 semaphore(%run_scoped3A : memref<!tpu.dma_semaphore, #tpu.memory_space<semaphore_mem>>) src(%dma_wait3A_135 : memref<80x128xi32, #tpu.memory_space<hbm>>) dst(%arg11 : memref<80x128xi32, #tpu.memory_space<vmem>>)
      tpu.yield
    }) : () -> ()
    %barrier3A = arith.constant 0 : index
    tpu.barrier barrier_id(%barrier3A)
    %dma_start3A = arith.constant 0 : i32
    %dma_start3A_5 = arith.constant 0 : i32
    %dma_start3A_6 = tpu.memref_slice %arg10[%dma_start3A, %dma_start3A_5] : memref<80x128xi32, #tpu.memory_space<vmem>> -> memref<1x128xi32, #tpu.memory_space<vmem>>
    %dma_start3A_7 = tpu.memref_squeeze %dma_start3A_6 : memref<1x128xi32, #tpu.memory_space<vmem>> -> memref<128xi32, #tpu.memory_space<vmem>>
    %dma_start3A_8 = arith.constant 0 : i32
    %dma_start3A_9 = arith.constant 0 : i32
    %dma_start3A_10 = tpu.memref_slice %arg2[%dma_start3A_8, %dma_start3A_9] : memref<10240x64xbf16, #tpu.memory_space<hbm>> -> memref<10240x64xbf16, #tpu.memory_space<hbm>>
    tpu.enqueue_indirect_dma source(%dma_start3A_10 : memref<10240x64xbf16, #tpu.memory_space<hbm>>) target(%arg12 : memref<128x64xbf16, #tpu.memory_space<vmem>>) offsets(%dma_start3A_7 : memref<128xi32, #tpu.memory_space<vmem>>) semaphore(%arg23 : memref<!tpu.dma_semaphore, #tpu.memory_space<semaphore_mem>>)
    %dma_start3A_11 = arith.constant 1 : i32
    %dma_start3A_12 = arith.constant 0 : i32
    %dma_start3A_13 = tpu.memref_slice %arg10[%dma_start3A_11, %dma_start3A_12] : memref<80x128xi32, #tpu.memory_space<vmem>> -> memref<1x128xi32, #tpu.memory_space<vmem>>
    %dma_start3A_14 = tpu.memref_squeeze %dma_start3A_13 : memref<1x128xi32, #tpu.memory_space<vmem>> -> memref<128xi32, #tpu.memory_space<vmem>>
    %dma_start3A_15 = arith.constant 0 : i32
    %dma_start3A_16 = arith.constant 0 : i32
    %dma_start3A_17 = tpu.memref_slice %arg2[%dma_start3A_15, %dma_start3A_16] : memref<10240x64xbf16, #tpu.memory_space<hbm>> -> memref<10240x64xbf16, #tpu.memory_space<hbm>>
    tpu.enqueue_indirect_dma source(%dma_start3A_17 : memref<10240x64xbf16, #tpu.memory_space<hbm>>) target(%arg13 : memref<128x64xbf16, #tpu.memory_space<vmem>>) offsets(%dma_start3A_14 : memref<128xi32, #tpu.memory_space<vmem>>) semaphore(%arg24 : memref<!tpu.dma_semaphore, #tpu.memory_space<semaphore_mem>>)
    %dma_start3A_18 = arith.constant 2 : i32
    %dma_start3A_19 = arith.constant 0 : i32
    %dma_start3A_20 = tpu.memref_slice %arg10[%dma_start3A_18, %dma_start3A_19] : memref<80x128xi32, #tpu.memory_space<vmem>> -> memref<1x128xi32, #tpu.memory_space<vmem>>
    %dma_start3A_21 = tpu.memref_squeeze %dma_start3A_20 : memref<1x128xi32, #tpu.memory_space<vmem>> -> memref<128xi32, #tpu.memory_space<vmem>>
    %dma_start3A_22 = arith.constant 0 : i32
    %dma_start3A_23 = arith.constant 0 : i32
    %dma_start3A_24 = tpu.memref_slice %arg2[%dma_start3A_22, %dma_start3A_23] : memref<10240x64xbf16, #tpu.memory_space<hbm>> -> memref<10240x64xbf16, #tpu.memory_space<hbm>>
    tpu.enqueue_indirect_dma source(%dma_start3A_24 : memref<10240x64xbf16, #tpu.memory_space<hbm>>) target(%arg14 : memref<128x64xbf16, #tpu.memory_space<vmem>>) offsets(%dma_start3A_21 : memref<128xi32, #tpu.memory_space<vmem>>) semaphore(%arg25 : memref<!tpu.dma_semaphore, #tpu.memory_space<semaphore_mem>>)
    %dma_start3A_25 = arith.constant 3 : i32
    %dma_start3A_26 = arith.constant 0 : i32
    %dma_start3A_27 = tpu.memref_slice %arg10[%dma_start3A_25, %dma_start3A_26] : memref<80x128xi32, #tpu.memory_space<vmem>> -> memref<1x128xi32, #tpu.memory_space<vmem>>
    %dma_start3A_28 = tpu.memref_squeeze %dma_start3A_27 : memref<1x128xi32, #tpu.memory_space<vmem>> -> memref<128xi32, #tpu.memory_space<vmem>>
    %dma_start3A_29 = arith.constant 0 : i32
    %dma_start3A_30 = arith.constant 0 : i32
    %dma_start3A_31 = tpu.memref_slice %arg2[%dma_start3A_29, %dma_start3A_30] : memref<10240x64xbf16, #tpu.memory_space<hbm>> -> memref<10240x64xbf16, #tpu.memory_space<hbm>>
    tpu.enqueue_indirect_dma source(%dma_start3A_31 : memref<10240x64xbf16, #tpu.memory_space<hbm>>) target(%arg15 : memref<128x64xbf16, #tpu.memory_space<vmem>>) offsets(%dma_start3A_28 : memref<128xi32, #tpu.memory_space<vmem>>) semaphore(%arg26 : memref<!tpu.dma_semaphore, #tpu.memory_space<semaphore_mem>>)
    %dma_start3A_32 = arith.constant 4 : i32
    %dma_start3A_33 = arith.constant 0 : i32
    %dma_start3A_34 = tpu.memref_slice %arg10[%dma_start3A_32, %dma_start3A_33] : memref<80x128xi32, #tpu.memory_space<vmem>> -> memref<1x128xi32, #tpu.memory_space<vmem>>
    %dma_start3A_35 = tpu.memref_squeeze %dma_start3A_34 : memref<1x128xi32, #tpu.memory_space<vmem>> -> memref<128xi32, #tpu.memory_space<vmem>>
    %dma_start3A_36 = arith.constant 0 : i32
    %dma_start3A_37 = arith.constant 0 : i32
    %dma_start3A_38 = tpu.memref_slice %arg2[%dma_start3A_36, %dma_start3A_37] : memref<10240x64xbf16, #tpu.memory_space<hbm>> -> memref<10240x64xbf16, #tpu.memory_space<hbm>>
    tpu.enqueue_indirect_dma source(%dma_start3A_38 : memref<10240x64xbf16, #tpu.memory_space<hbm>>) target(%arg16 : memref<128x64xbf16, #tpu.memory_space<vmem>>) offsets(%dma_start3A_35 : memref<128xi32, #tpu.memory_space<vmem>>) semaphore(%arg27 : memref<!tpu.dma_semaphore, #tpu.memory_space<semaphore_mem>>)
    %dma_start3A_39 = arith.constant 5 : i32
    %dma_start3A_40 = arith.constant 0 : i32
    %dma_start3A_41 = tpu.memref_slice %arg10[%dma_start3A_39, %dma_start3A_40] : memref<80x128xi32, #tpu.memory_space<vmem>> -> memref<1x128xi32, #tpu.memory_space<vmem>>
    %dma_start3A_42 = tpu.memref_squeeze %dma_start3A_41 : memref<1x128xi32, #tpu.memory_space<vmem>> -> memref<128xi32, #tpu.memory_space<vmem>>
    %dma_start3A_43 = arith.constant 0 : i32
    %dma_start3A_44 = arith.constant 0 : i32
    %dma_start3A_45 = tpu.memref_slice %arg2[%dma_start3A_43, %dma_start3A_44] : memref<10240x64xbf16, #tpu.memory_space<hbm>> -> memref<10240x64xbf16, #tpu.memory_space<hbm>>
    tpu.enqueue_indirect_dma source(%dma_start3A_45 : memref<10240x64xbf16, #tpu.memory_space<hbm>>) target(%arg17 : memref<128x64xbf16, #tpu.memory_space<vmem>>) offsets(%dma_start3A_42 : memref<128xi32, #tpu.memory_space<vmem>>) semaphore(%arg28 : memref<!tpu.dma_semaphore, #tpu.memory_space<semaphore_mem>>)
    %dma_start3A_46 = arith.constant 6 : i32
    %dma_start3A_47 = arith.constant 0 : i32
    %dma_start3A_48 = tpu.memref_slice %arg10[%dma_start3A_46, %dma_start3A_47] : memref<80x128xi32, #tpu.memory_space<vmem>> -> memref<1x128xi32, #tpu.memory_space<vmem>>
    %dma_start3A_49 = tpu.memref_squeeze %dma_start3A_48 : memref<1x128xi32, #tpu.memory_space<vmem>> -> memref<128xi32, #tpu.memory_space<vmem>>
    %dma_start3A_50 = arith.constant 0 : i32
    %dma_start3A_51 = arith.constant 0 : i32
    %dma_start3A_52 = tpu.memref_slice %arg2[%dma_start3A_50, %dma_start3A_51] : memref<10240x64xbf16, #tpu.memory_space<hbm>> -> memref<10240x64xbf16, #tpu.memory_space<hbm>>
    tpu.enqueue_indirect_dma source(%dma_start3A_52 : memref<10240x64xbf16, #tpu.memory_space<hbm>>) target(%arg18 : memref<128x64xbf16, #tpu.memory_space<vmem>>) offsets(%dma_start3A_49 : memref<128xi32, #tpu.memory_space<vmem>>) semaphore(%arg29 : memref<!tpu.dma_semaphore, #tpu.memory_space<semaphore_mem>>)
    %dma_start3A_53 = arith.constant 7 : i32
    %dma_start3A_54 = arith.constant 0 : i32
    %dma_start3A_55 = tpu.memref_slice %arg10[%dma_start3A_53, %dma_start3A_54] : memref<80x128xi32, #tpu.memory_space<vmem>> -> memref<1x128xi32, #tpu.memory_space<vmem>>
    %dma_start3A_56 = tpu.memref_squeeze %dma_start3A_55 : memref<1x128xi32, #tpu.memory_space<vmem>> -> memref<128xi32, #tpu.memory_space<vmem>>
    %dma_start3A_57 = arith.constant 0 : i32
    %dma_start3A_58 = arith.constant 0 : i32
    %dma_start3A_59 = tpu.memref_slice %arg2[%dma_start3A_57, %dma_start3A_58] : memref<10240x64xbf16, #tpu.memory_space<hbm>> -> memref<10240x64xbf16, #tpu.memory_space<hbm>>
    tpu.enqueue_indirect_dma source(%dma_start3A_59 : memref<10240x64xbf16, #tpu.memory_space<hbm>>) target(%arg19 : memref<128x64xbf16, #tpu.memory_space<vmem>>) offsets(%dma_start3A_56 : memref<128xi32, #tpu.memory_space<vmem>>) semaphore(%arg30 : memref<!tpu.dma_semaphore, #tpu.memory_space<semaphore_mem>>)
    %scan3A = arith.constant 0 : i32
    %scan3A_60 = arith.constant 0 : i32
    %scan3A_61 = arith.constant 10 : i32
    %scan3A_62 = arith.addi %scan3A_60, %scan3A_61 : i32
    %scan3A_63 = arith.constant 1 : i32
    scf.for %scan3A_120 = %scan3A_60 to %scan3A_62 step %scan3A_63  : i32 {
      %mul3A_121 = arith.constant 8 : i32
      %mul3A_122 = arith.muli %mul3A_121, %scan3A_120 : i32
      %dma_wait3A_123 = arith.constant 0 : i32
      %dma_wait3A_124 = arith.constant 0 : i32
      %dma_wait3A_125 = tpu.memref_slice %arg2[%dma_wait3A_123, %dma_wait3A_124] : memref<10240x64xbf16, #tpu.memory_space<hbm>> -> memref<128x64xbf16, #tpu.memory_space<hbm>>
      %dma_wait3A_126 = arith.constant 0 : i32
      %dma_wait3A_127 = arith.constant 0 : i32
      %dma_wait3A_128 = tpu.memref_slice %arg2[%dma_wait3A_126, %dma_wait3A_127] : memref<10240x64xbf16, #tpu.memory_space<hbm>> -> memref<128x64xbf16, #tpu.memory_space<hbm>>
      tpu.wait_dma2 semaphore(%arg23 : memref<!tpu.dma_semaphore, #tpu.memory_space<semaphore_mem>>) src(%dma_wait3A_128 : memref<128x64xbf16, #tpu.memory_space<hbm>>) dst(%arg12 : memref<128x64xbf16, #tpu.memory_space<vmem>>)
      %add3A_129 = arith.constant 0 : i32
      %add3A_130 = arith.addi %mul3A_122, %add3A_129 : i32
      %dma_start3A_131 = arith.constant 0 : i32
      %dma_start3A_132 = tpu.memref_slice %arg11[%add3A_130, %dma_start3A_131] : memref<80x128xi32, #tpu.memory_space<vmem>> -> memref<1x128xi32, #tpu.memory_space<vmem>>
      %dma_start3A_133 = tpu.memref_squeeze %dma_start3A_132 : memref<1x128xi32, #tpu.memory_space<vmem>> -> memref<128xi32, #tpu.memory_space<vmem>>
      %dma_start3A_134 = arith.constant 0 : i32
      %dma_start3A_135 = arith.constant 0 : i32
      %dma_start3A_136 = tpu.memref_slice %arg21[%dma_start3A_134, %dma_start3A_135] : memref<10240x64xbf16, #tpu.memory_space<vmem_shared>> -> memref<10240x64xbf16, #tpu.memory_space<vmem_shared>>
      tpu.enqueue_indirect_dma source(%arg12 : memref<128x64xbf16, #tpu.memory_space<vmem>>) target(%dma_start3A_136 : memref<10240x64xbf16, #tpu.memory_space<vmem_shared>>) offsets(%dma_start3A_133 : memref<128xi32, #tpu.memory_space<vmem>>) semaphore(%arg31 : memref<!tpu.dma_semaphore, #tpu.memory_space<semaphore_mem>>) {add = true}
      %dma_wait3A_137 = arith.constant 0 : i32
      %dma_wait3A_138 = arith.constant 0 : i32
      %dma_wait3A_139 = tpu.memref_slice %arg2[%dma_wait3A_137, %dma_wait3A_138] : memref<10240x64xbf16, #tpu.memory_space<hbm>> -> memref<128x64xbf16, #tpu.memory_space<hbm>>
      %dma_wait3A_140 = arith.constant 0 : i32
      %dma_wait3A_141 = arith.constant 0 : i32
      %dma_wait3A_142 = tpu.memref_slice %arg2[%dma_wait3A_140, %dma_wait3A_141] : memref<10240x64xbf16, #tpu.memory_space<hbm>> -> memref<128x64xbf16, #tpu.memory_space<hbm>>
      tpu.wait_dma2 semaphore(%arg24 : memref<!tpu.dma_semaphore, #tpu.memory_space<semaphore_mem>>) src(%dma_wait3A_142 : memref<128x64xbf16, #tpu.memory_space<hbm>>) dst(%arg13 : memref<128x64xbf16, #tpu.memory_space<vmem>>)
      %add3A_143 = arith.constant 1 : i32
      %add3A_144 = arith.addi %mul3A_122, %add3A_143 : i32
      %dma_start3A_145 = arith.constant 0 : i32
      %dma_start3A_146 = tpu.memref_slice %arg11[%add3A_144, %dma_start3A_145] : memref<80x128xi32, #tpu.memory_space<vmem>> -> memref<1x128xi32, #tpu.memory_space<vmem>>
      %dma_start3A_147 = tpu.memref_squeeze %dma_start3A_146 : memref<1x128xi32, #tpu.memory_space<vmem>> -> memref<128xi32, #tpu.memory_space<vmem>>
      %dma_start3A_148 = arith.constant 0 : i32
      %dma_start3A_149 = arith.constant 0 : i32
      %dma_start3A_150 = tpu.memref_slice %arg22[%dma_start3A_148, %dma_start3A_149] : memref<10240x64xbf16, #tpu.memory_space<vmem_shared>> -> memref<10240x64xbf16, #tpu.memory_space<vmem_shared>>
      tpu.enqueue_indirect_dma source(%arg13 : memref<128x64xbf16, #tpu.memory_space<vmem>>) target(%dma_start3A_150 : memref<10240x64xbf16, #tpu.memory_space<vmem_shared>>) offsets(%dma_start3A_147 : memref<128xi32, #tpu.memory_space<vmem>>) semaphore(%arg32 : memref<!tpu.dma_semaphore, #tpu.memory_space<semaphore_mem>>) {add = true}
      %dma_wait3A_151 = arith.constant 0 : i32
      %dma_wait3A_152 = arith.constant 0 : i32
      %dma_wait3A_153 = tpu.memref_slice %arg2[%dma_wait3A_151, %dma_wait3A_152] : memref<10240x64xbf16, #tpu.memory_space<hbm>> -> memref<128x64xbf16, #tpu.memory_space<hbm>>
      %dma_wait3A_154 = arith.constant 0 : i32
      %dma_wait3A_155 = arith.constant 0 : i32
      %dma_wait3A_156 = tpu.memref_slice %arg2[%dma_wait3A_154, %dma_wait3A_155] : memref<10240x64xbf16, #tpu.memory_space<hbm>> -> memref<128x64xbf16, #tpu.memory_space<hbm>>
      tpu.wait_dma2 semaphore(%arg25 : memref<!tpu.dma_semaphore, #tpu.memory_space<semaphore_mem>>) src(%dma_wait3A_156 : memref<128x64xbf16, #tpu.memory_space<hbm>>) dst(%arg14 : memref<128x64xbf16, #tpu.memory_space<vmem>>)
      %add3A_157 = arith.constant 2 : i32
      %add3A_158 = arith.addi %mul3A_122, %add3A_157 : i32
      %dma_start3A_159 = arith.constant 0 : i32
      %dma_start3A_160 = tpu.memref_slice %arg11[%add3A_158, %dma_start3A_159] : memref<80x128xi32, #tpu.memory_space<vmem>> -> memref<1x128xi32, #tpu.memory_space<vmem>>
      %dma_start3A_161 = tpu.memref_squeeze %dma_start3A_160 : memref<1x128xi32, #tpu.memory_space<vmem>> -> memref<128xi32, #tpu.memory_space<vmem>>
      %dma_start3A_162 = arith.constant 0 : i32
      %dma_start3A_163 = arith.constant 0 : i32
      %dma_start3A_164 = tpu.memref_slice %arg21[%dma_start3A_162, %dma_start3A_163] : memref<10240x64xbf16, #tpu.memory_space<vmem_shared>> -> memref<10240x64xbf16, #tpu.memory_space<vmem_shared>>
      tpu.enqueue_indirect_dma source(%arg14 : memref<128x64xbf16, #tpu.memory_space<vmem>>) target(%dma_start3A_164 : memref<10240x64xbf16, #tpu.memory_space<vmem_shared>>) offsets(%dma_start3A_161 : memref<128xi32, #tpu.memory_space<vmem>>) semaphore(%arg33 : memref<!tpu.dma_semaphore, #tpu.memory_space<semaphore_mem>>) {add = true}
      %dma_wait3A_165 = arith.constant 0 : i32
      %dma_wait3A_166 = arith.constant 0 : i32
      %dma_wait3A_167 = tpu.memref_slice %arg2[%dma_wait3A_165, %dma_wait3A_166] : memref<10240x64xbf16, #tpu.memory_space<hbm>> -> memref<128x64xbf16, #tpu.memory_space<hbm>>
      %dma_wait3A_168 = arith.constant 0 : i32
      %dma_wait3A_169 = arith.constant 0 : i32
      %dma_wait3A_170 = tpu.memref_slice %arg2[%dma_wait3A_168, %dma_wait3A_169] : memref<10240x64xbf16, #tpu.memory_space<hbm>> -> memref<128x64xbf16, #tpu.memory_space<hbm>>
      tpu.wait_dma2 semaphore(%arg26 : memref<!tpu.dma_semaphore, #tpu.memory_space<semaphore_mem>>) src(%dma_wait3A_170 : memref<128x64xbf16, #tpu.memory_space<hbm>>) dst(%arg15 : memref<128x64xbf16, #tpu.memory_space<vmem>>)
      %add3A_171 = arith.constant 3 : i32
      %add3A_172 = arith.addi %mul3A_122, %add3A_171 : i32
      %dma_start3A_173 = arith.constant 0 : i32
      %dma_start3A_174 = tpu.memref_slice %arg11[%add3A_172, %dma_start3A_173] : memref<80x128xi32, #tpu.memory_space<vmem>> -> memref<1x128xi32, #tpu.memory_space<vmem>>
      %dma_start3A_175 = tpu.memref_squeeze %dma_start3A_174 : memref<1x128xi32, #tpu.memory_space<vmem>> -> memref<128xi32, #tpu.memory_space<vmem>>
      %dma_start3A_176 = arith.constant 0 : i32
      %dma_start3A_177 = arith.constant 0 : i32
      %dma_start3A_178 = tpu.memref_slice %arg22[%dma_start3A_176, %dma_start3A_177] : memref<10240x64xbf16, #tpu.memory_space<vmem_shared>> -> memref<10240x64xbf16, #tpu.memory_space<vmem_shared>>
      tpu.enqueue_indirect_dma source(%arg15 : memref<128x64xbf16, #tpu.memory_space<vmem>>) target(%dma_start3A_178 : memref<10240x64xbf16, #tpu.memory_space<vmem_shared>>) offsets(%dma_start3A_175 : memref<128xi32, #tpu.memory_space<vmem>>) semaphore(%arg34 : memref<!tpu.dma_semaphore, #tpu.memory_space<semaphore_mem>>) {add = true}
      %dma_wait3A_179 = arith.constant 0 : i32
      %dma_wait3A_180 = arith.constant 0 : i32
      %dma_wait3A_181 = tpu.memref_slice %arg2[%dma_wait3A_179, %dma_wait3A_180] : memref<10240x64xbf16, #tpu.memory_space<hbm>> -> memref<128x64xbf16, #tpu.memory_space<hbm>>
      %dma_wait3A_182 = arith.constant 0 : i32
      %dma_wait3A_183 = arith.constant 0 : i32
      %dma_wait3A_184 = tpu.memref_slice %arg2[%dma_wait3A_182, %dma_wait3A_183] : memref<10240x64xbf16, #tpu.memory_space<hbm>> -> memref<128x64xbf16, #tpu.memory_space<hbm>>
      tpu.wait_dma2 semaphore(%arg27 : memref<!tpu.dma_semaphore, #tpu.memory_space<semaphore_mem>>) src(%dma_wait3A_184 : memref<128x64xbf16, #tpu.memory_space<hbm>>) dst(%arg16 : memref<128x64xbf16, #tpu.memory_space<vmem>>)
      %add3A_185 = arith.constant 4 : i32
      %add3A_186 = arith.addi %mul3A_122, %add3A_185 : i32
      %dma_start3A_187 = arith.constant 0 : i32
      %dma_start3A_188 = tpu.memref_slice %arg11[%add3A_186, %dma_start3A_187] : memref<80x128xi32, #tpu.memory_space<vmem>> -> memref<1x128xi32, #tpu.memory_space<vmem>>
      %dma_start3A_189 = tpu.memref_squeeze %dma_start3A_188 : memref<1x128xi32, #tpu.memory_space<vmem>> -> memref<128xi32, #tpu.memory_space<vmem>>
      %dma_start3A_190 = arith.constant 0 : i32
      %dma_start3A_191 = arith.constant 0 : i32
      %dma_start3A_192 = tpu.memref_slice %arg21[%dma_start3A_190, %dma_start3A_191] : memref<10240x64xbf16, #tpu.memory_space<vmem_shared>> -> memref<10240x64xbf16, #tpu.memory_space<vmem_shared>>
      tpu.enqueue_indirect_dma source(%arg16 : memref<128x64xbf16, #tpu.memory_space<vmem>>) target(%dma_start3A_192 : memref<10240x64xbf16, #tpu.memory_space<vmem_shared>>) offsets(%dma_start3A_189 : memref<128xi32, #tpu.memory_space<vmem>>) semaphore(%arg35 : memref<!tpu.dma_semaphore, #tpu.memory_space<semaphore_mem>>) {add = true}
      %dma_wait3A_193 = arith.constant 0 : i32
      %dma_wait3A_194 = arith.constant 0 : i32
      %dma_wait3A_195 = tpu.memref_slice %arg2[%dma_wait3A_193, %dma_wait3A_194] : memref<10240x64xbf16, #tpu.memory_space<hbm>> -> memref<128x64xbf16, #tpu.memory_space<hbm>>
      %dma_wait3A_196 = arith.constant 0 : i32
      %dma_wait3A_197 = arith.constant 0 : i32
      %dma_wait3A_198 = tpu.memref_slice %arg2[%dma_wait3A_196, %dma_wait3A_197] : memref<10240x64xbf16, #tpu.memory_space<hbm>> -> memref<128x64xbf16, #tpu.memory_space<hbm>>
      tpu.wait_dma2 semaphore(%arg28 : memref<!tpu.dma_semaphore, #tpu.memory_space<semaphore_mem>>) src(%dma_wait3A_198 : memref<128x64xbf16, #tpu.memory_space<hbm>>) dst(%arg17 : memref<128x64xbf16, #tpu.memory_space<vmem>>)
      %add3A_199 = arith.constant 5 : i32
      %add3A_200 = arith.addi %mul3A_122, %add3A_199 : i32
      %dma_start3A_201 = arith.constant 0 : i32
      %dma_start3A_202 = tpu.memref_slice %arg11[%add3A_200, %dma_start3A_201] : memref<80x128xi32, #tpu.memory_space<vmem>> -> memref<1x128xi32, #tpu.memory_space<vmem>>
      %dma_start3A_203 = tpu.memref_squeeze %dma_start3A_202 : memref<1x128xi32, #tpu.memory_space<vmem>> -> memref<128xi32, #tpu.memory_space<vmem>>
      %dma_start3A_204 = arith.constant 0 : i32
      %dma_start3A_205 = arith.constant 0 : i32
      %dma_start3A_206 = tpu.memref_slice %arg22[%dma_start3A_204, %dma_start3A_205] : memref<10240x64xbf16, #tpu.memory_space<vmem_shared>> -> memref<10240x64xbf16, #tpu.memory_space<vmem_shared>>
      tpu.enqueue_indirect_dma source(%arg17 : memref<128x64xbf16, #tpu.memory_space<vmem>>) target(%dma_start3A_206 : memref<10240x64xbf16, #tpu.memory_space<vmem_shared>>) offsets(%dma_start3A_203 : memref<128xi32, #tpu.memory_space<vmem>>) semaphore(%arg36 : memref<!tpu.dma_semaphore, #tpu.memory_space<semaphore_mem>>) {add = true}
      %dma_wait3A_207 = arith.constant 0 : i32
      %dma_wait3A_208 = arith.constant 0 : i32
      %dma_wait3A_209 = tpu.memref_slice %arg2[%dma_wait3A_207, %dma_wait3A_208] : memref<10240x64xbf16, #tpu.memory_space<hbm>> -> memref<128x64xbf16, #tpu.memory_space<hbm>>
      %dma_wait3A_210 = arith.constant 0 : i32
      %dma_wait3A_211 = arith.constant 0 : i32
      %dma_wait3A_212 = tpu.memref_slice %arg2[%dma_wait3A_210, %dma_wait3A_211] : memref<10240x64xbf16, #tpu.memory_space<hbm>> -> memref<128x64xbf16, #tpu.memory_space<hbm>>
      tpu.wait_dma2 semaphore(%arg29 : memref<!tpu.dma_semaphore, #tpu.memory_space<semaphore_mem>>) src(%dma_wait3A_212 : memref<128x64xbf16, #tpu.memory_space<hbm>>) dst(%arg18 : memref<128x64xbf16, #tpu.memory_space<vmem>>)
      %add3A_213 = arith.constant 6 : i32
      %add3A_214 = arith.addi %mul3A_122, %add3A_213 : i32
      %dma_start3A_215 = arith.constant 0 : i32
      %dma_start3A_216 = tpu.memref_slice %arg11[%add3A_214, %dma_start3A_215] : memref<80x128xi32, #tpu.memory_space<vmem>> -> memref<1x128xi32, #tpu.memory_space<vmem>>
      %dma_start3A_217 = tpu.memref_squeeze %dma_start3A_216 : memref<1x128xi32, #tpu.memory_space<vmem>> -> memref<128xi32, #tpu.memory_space<vmem>>
      %dma_start3A_218 = arith.constant 0 : i32
      %dma_start3A_219 = arith.constant 0 : i32
      %dma_start3A_220 = tpu.memref_slice %arg21[%dma_start3A_218, %dma_start3A_219] : memref<10240x64xbf16, #tpu.memory_space<vmem_shared>> -> memref<10240x64xbf16, #tpu.memory_space<vmem_shared>>
      tpu.enqueue_indirect_dma source(%arg18 : memref<128x64xbf16, #tpu.memory_space<vmem>>) target(%dma_start3A_220 : memref<10240x64xbf16, #tpu.memory_space<vmem_shared>>) offsets(%dma_start3A_217 : memref<128xi32, #tpu.memory_space<vmem>>) semaphore(%arg37 : memref<!tpu.dma_semaphore, #tpu.memory_space<semaphore_mem>>) {add = true}
      %dma_wait3A_221 = arith.constant 0 : i32
      %dma_wait3A_222 = arith.constant 0 : i32
      %dma_wait3A_223 = tpu.memref_slice %arg2[%dma_wait3A_221, %dma_wait3A_222] : memref<10240x64xbf16, #tpu.memory_space<hbm>> -> memref<128x64xbf16, #tpu.memory_space<hbm>>
      %dma_wait3A_224 = arith.constant 0 : i32
      %dma_wait3A_225 = arith.constant 0 : i32
      %dma_wait3A_226 = tpu.memref_slice %arg2[%dma_wait3A_224, %dma_wait3A_225] : memref<10240x64xbf16, #tpu.memory_space<hbm>> -> memref<128x64xbf16, #tpu.memory_space<hbm>>
      tpu.wait_dma2 semaphore(%arg30 : memref<!tpu.dma_semaphore, #tpu.memory_space<semaphore_mem>>) src(%dma_wait3A_226 : memref<128x64xbf16, #tpu.memory_space<hbm>>) dst(%arg19 : memref<128x64xbf16, #tpu.memory_space<vmem>>)
      %add3A_227 = arith.constant 7 : i32
      %add3A_228 = arith.addi %mul3A_122, %add3A_227 : i32
      %dma_start3A_229 = arith.constant 0 : i32
      %dma_start3A_230 = tpu.memref_slice %arg11[%add3A_228, %dma_start3A_229] : memref<80x128xi32, #tpu.memory_space<vmem>> -> memref<1x128xi32, #tpu.memory_space<vmem>>
      %dma_start3A_231 = tpu.memref_squeeze %dma_start3A_230 : memref<1x128xi32, #tpu.memory_space<vmem>> -> memref<128xi32, #tpu.memory_space<vmem>>
      %dma_start3A_232 = arith.constant 0 : i32
      %dma_start3A_233 = arith.constant 0 : i32
      %dma_start3A_234 = tpu.memref_slice %arg22[%dma_start3A_232, %dma_start3A_233] : memref<10240x64xbf16, #tpu.memory_space<vmem_shared>> -> memref<10240x64xbf16, #tpu.memory_space<vmem_shared>>
      tpu.enqueue_indirect_dma source(%arg19 : memref<128x64xbf16, #tpu.memory_space<vmem>>) target(%dma_start3A_234 : memref<10240x64xbf16, #tpu.memory_space<vmem_shared>>) offsets(%dma_start3A_231 : memref<128xi32, #tpu.memory_space<vmem>>) semaphore(%arg38 : memref<!tpu.dma_semaphore, #tpu.memory_space<semaphore_mem>>) {add = true}
      %add3A_235 = arith.constant 0 : i32
      %add3A_236 = arith.addi %mul3A_122, %add3A_235 : i32
      %add3A_237 = arith.constant 8 : i32
      %add3A_238 = arith.addi %add3A_236, %add3A_237 : i32
      %lt3A = arith.constant 80 : i32
      %lt3A_239 = arith.cmpi slt, %add3A_238, %lt3A : i32
      %convert_element_type3A_240 = arith.extui %lt3A_239 : i1 to i32
      %cond3A_241 = arith.constant 0 : i32
      %cond3A_242 = arith.cmpi ne, %convert_element_type3A_240, %cond3A_241 : i32
      scf.if %cond3A_242 {
        %dma_wait3A_306 = arith.constant 0 : i32
        %dma_wait3A_307 = arith.constant 0 : i32
        %dma_wait3A_308 = tpu.memref_slice %arg2[%dma_wait3A_306, %dma_wait3A_307] : memref<10240x64xbf16, #tpu.memory_space<hbm>> -> memref<128x64xbf16, #tpu.memory_space<hbm>>
        %dma_wait3A_309 = arith.constant 0 : i32
        %dma_wait3A_310 = arith.constant 0 : i32
        %dma_wait3A_311 = tpu.memref_slice %arg2[%dma_wait3A_309, %dma_wait3A_310] : memref<10240x64xbf16, #tpu.memory_space<hbm>> -> memref<128x64xbf16, #tpu.memory_space<hbm>>
        tpu.wait_dma2 semaphore(%arg31 : memref<!tpu.dma_semaphore, #tpu.memory_space<semaphore_mem>>) src(%dma_wait3A_311 : memref<128x64xbf16, #tpu.memory_space<hbm>>) dst(%arg12 : memref<128x64xbf16, #tpu.memory_space<vmem>>)
        %add3A_312 = arith.constant 0 : i32
        %add3A_313 = arith.addi %mul3A_122, %add3A_312 : i32
        %add3A_314 = arith.constant 8 : i32
        %add3A_315 = arith.addi %add3A_313, %add3A_314 : i32
        %dma_start3A_316 = arith.constant 0 : i32
        %dma_start3A_317 = tpu.memref_slice %arg10[%add3A_315, %dma_start3A_316] : memref<80x128xi32, #tpu.memory_space<vmem>> -> memref<1x128xi32, #tpu.memory_space<vmem>>
        %dma_start3A_318 = tpu.memref_squeeze %dma_start3A_317 : memref<1x128xi32, #tpu.memory_space<vmem>> -> memref<128xi32, #tpu.memory_space<vmem>>
        %dma_start3A_319 = arith.constant 0 : i32
        %dma_start3A_320 = arith.constant 0 : i32
        %dma_start3A_321 = tpu.memref_slice %arg2[%dma_start3A_319, %dma_start3A_320] : memref<10240x64xbf16, #tpu.memory_space<hbm>> -> memref<10240x64xbf16, #tpu.memory_space<hbm>>
        tpu.enqueue_indirect_dma source(%dma_start3A_321 : memref<10240x64xbf16, #tpu.memory_space<hbm>>) target(%arg12 : memref<128x64xbf16, #tpu.memory_space<vmem>>) offsets(%dma_start3A_318 : memref<128xi32, #tpu.memory_space<vmem>>) semaphore(%arg23 : memref<!tpu.dma_semaphore, #tpu.memory_space<semaphore_mem>>)
      } else {
      }
      %add3A_243 = arith.constant 1 : i32
      %add3A_244 = arith.addi %mul3A_122, %add3A_243 : i32
      %add3A_245 = arith.constant 8 : i32
      %add3A_246 = arith.addi %add3A_244, %add3A_245 : i32
      %lt3A_247 = arith.constant 80 : i32
      %lt3A_248 = arith.cmpi slt, %add3A_246, %lt3A_247 : i32
      %convert_element_type3A_249 = arith.extui %lt3A_248 : i1 to i32
      %cond3A_250 = arith.constant 0 : i32
      %cond3A_251 = arith.cmpi ne, %convert_element_type3A_249, %cond3A_250 : i32
      scf.if %cond3A_251 {
        %dma_wait3A_306 = arith.constant 0 : i32
        %dma_wait3A_307 = arith.constant 0 : i32
        %dma_wait3A_308 = tpu.memref_slice %arg2[%dma_wait3A_306, %dma_wait3A_307] : memref<10240x64xbf16, #tpu.memory_space<hbm>> -> memref<128x64xbf16, #tpu.memory_space<hbm>>
        %dma_wait3A_309 = arith.constant 0 : i32
        %dma_wait3A_310 = arith.constant 0 : i32
        %dma_wait3A_311 = tpu.memref_slice %arg2[%dma_wait3A_309, %dma_wait3A_310] : memref<10240x64xbf16, #tpu.memory_space<hbm>> -> memref<128x64xbf16, #tpu.memory_space<hbm>>
        tpu.wait_dma2 semaphore(%arg32 : memref<!tpu.dma_semaphore, #tpu.memory_space<semaphore_mem>>) src(%dma_wait3A_311 : memref<128x64xbf16, #tpu.memory_space<hbm>>) dst(%arg13 : memref<128x64xbf16, #tpu.memory_space<vmem>>)
        %add3A_312 = arith.constant 1 : i32
        %add3A_313 = arith.addi %mul3A_122, %add3A_312 : i32
        %add3A_314 = arith.constant 8 : i32
        %add3A_315 = arith.addi %add3A_313, %add3A_314 : i32
        %dma_start3A_316 = arith.constant 0 : i32
        %dma_start3A_317 = tpu.memref_slice %arg10[%add3A_315, %dma_start3A_316] : memref<80x128xi32, #tpu.memory_space<vmem>> -> memref<1x128xi32, #tpu.memory_space<vmem>>
        %dma_start3A_318 = tpu.memref_squeeze %dma_start3A_317 : memref<1x128xi32, #tpu.memory_space<vmem>> -> memref<128xi32, #tpu.memory_space<vmem>>
        %dma_start3A_319 = arith.constant 0 : i32
        %dma_start3A_320 = arith.constant 0 : i32
        %dma_start3A_321 = tpu.memref_slice %arg2[%dma_start3A_319, %dma_start3A_320] : memref<10240x64xbf16, #tpu.memory_space<hbm>> -> memref<10240x64xbf16, #tpu.memory_space<hbm>>
        tpu.enqueue_indirect_dma source(%dma_start3A_321 : memref<10240x64xbf16, #tpu.memory_space<hbm>>) target(%arg13 : memref<128x64xbf16, #tpu.memory_space<vmem>>) offsets(%dma_start3A_318 : memref<128xi32, #tpu.memory_space<vmem>>) semaphore(%arg24 : memref<!tpu.dma_semaphore, #tpu.memory_space<semaphore_mem>>)
      } else {
      }
      %add3A_252 = arith.constant 2 : i32
      %add3A_253 = arith.addi %mul3A_122, %add3A_252 : i32
      %add3A_254 = arith.constant 8 : i32
      %add3A_255 = arith.addi %add3A_253, %add3A_254 : i32
      %lt3A_256 = arith.constant 80 : i32
      %lt3A_257 = arith.cmpi slt, %add3A_255, %lt3A_256 : i32
      %convert_element_type3A_258 = arith.extui %lt3A_257 : i1 to i32
      %cond3A_259 = arith.constant 0 : i32
      %cond3A_260 = arith.cmpi ne, %convert_element_type3A_258, %cond3A_259 : i32
      scf.if %cond3A_260 {
        %dma_wait3A_306 = arith.constant 0 : i32
        %dma_wait3A_307 = arith.constant 0 : i32
        %dma_wait3A_308 = tpu.memref_slice %arg2[%dma_wait3A_306, %dma_wait3A_307] : memref<10240x64xbf16, #tpu.memory_space<hbm>> -> memref<128x64xbf16, #tpu.memory_space<hbm>>
        %dma_wait3A_309 = arith.constant 0 : i32
        %dma_wait3A_310 = arith.constant 0 : i32
        %dma_wait3A_311 = tpu.memref_slice %arg2[%dma_wait3A_309, %dma_wait3A_310] : memref<10240x64xbf16, #tpu.memory_space<hbm>> -> memref<128x64xbf16, #tpu.memory_space<hbm>>
        tpu.wait_dma2 semaphore(%arg33 : memref<!tpu.dma_semaphore, #tpu.memory_space<semaphore_mem>>) src(%dma_wait3A_311 : memref<128x64xbf16, #tpu.memory_space<hbm>>) dst(%arg14 : memref<128x64xbf16, #tpu.memory_space<vmem>>)
        %add3A_312 = arith.constant 2 : i32
        %add3A_313 = arith.addi %mul3A_122, %add3A_312 : i32
        %add3A_314 = arith.constant 8 : i32
        %add3A_315 = arith.addi %add3A_313, %add3A_314 : i32
        %dma_start3A_316 = arith.constant 0 : i32
        %dma_start3A_317 = tpu.memref_slice %arg10[%add3A_315, %dma_start3A_316] : memref<80x128xi32, #tpu.memory_space<vmem>> -> memref<1x128xi32, #tpu.memory_space<vmem>>
        %dma_start3A_318 = tpu.memref_squeeze %dma_start3A_317 : memref<1x128xi32, #tpu.memory_space<vmem>> -> memref<128xi32, #tpu.memory_space<vmem>>
        %dma_start3A_319 = arith.constant 0 : i32
        %dma_start3A_320 = arith.constant 0 : i32
        %dma_start3A_321 = tpu.memref_slice %arg2[%dma_start3A_319, %dma_start3A_320] : memref<10240x64xbf16, #tpu.memory_space<hbm>> -> memref<10240x64xbf16, #tpu.memory_space<hbm>>
        tpu.enqueue_indirect_dma source(%dma_start3A_321 : memref<10240x64xbf16, #tpu.memory_space<hbm>>) target(%arg14 : memref<128x64xbf16, #tpu.memory_space<vmem>>) offsets(%dma_start3A_318 : memref<128xi32, #tpu.memory_space<vmem>>) semaphore(%arg25 : memref<!tpu.dma_semaphore, #tpu.memory_space<semaphore_mem>>)
      } else {
      }
      %add3A_261 = arith.constant 3 : i32
      %add3A_262 = arith.addi %mul3A_122, %add3A_261 : i32
      %add3A_263 = arith.constant 8 : i32
      %add3A_264 = arith.addi %add3A_262, %add3A_263 : i32
      %lt3A_265 = arith.constant 80 : i32
      %lt3A_266 = arith.cmpi slt, %add3A_264, %lt3A_265 : i32
      %convert_element_type3A_267 = arith.extui %lt3A_266 : i1 to i32
      %cond3A_268 = arith.constant 0 : i32
      %cond3A_269 = arith.cmpi ne, %convert_element_type3A_267, %cond3A_268 : i32
      scf.if %cond3A_269 {
        %dma_wait3A_306 = arith.constant 0 : i32
        %dma_wait3A_307 = arith.constant 0 : i32
        %dma_wait3A_308 = tpu.memref_slice %arg2[%dma_wait3A_306, %dma_wait3A_307] : memref<10240x64xbf16, #tpu.memory_space<hbm>> -> memref<128x64xbf16, #tpu.memory_space<hbm>>
        %dma_wait3A_309 = arith.constant 0 : i32
        %dma_wait3A_310 = arith.constant 0 : i32
        %dma_wait3A_311 = tpu.memref_slice %arg2[%dma_wait3A_309, %dma_wait3A_310] : memref<10240x64xbf16, #tpu.memory_space<hbm>> -> memref<128x64xbf16, #tpu.memory_space<hbm>>
        tpu.wait_dma2 semaphore(%arg34 : memref<!tpu.dma_semaphore, #tpu.memory_space<semaphore_mem>>) src(%dma_wait3A_311 : memref<128x64xbf16, #tpu.memory_space<hbm>>) dst(%arg15 : memref<128x64xbf16, #tpu.memory_space<vmem>>)
        %add3A_312 = arith.constant 3 : i32
        %add3A_313 = arith.addi %mul3A_122, %add3A_312 : i32
        %add3A_314 = arith.constant 8 : i32
        %add3A_315 = arith.addi %add3A_313, %add3A_314 : i32
        %dma_start3A_316 = arith.constant 0 : i32
        %dma_start3A_317 = tpu.memref_slice %arg10[%add3A_315, %dma_start3A_316] : memref<80x128xi32, #tpu.memory_space<vmem>> -> memref<1x128xi32, #tpu.memory_space<vmem>>
        %dma_start3A_318 = tpu.memref_squeeze %dma_start3A_317 : memref<1x128xi32, #tpu.memory_space<vmem>> -> memref<128xi32, #tpu.memory_space<vmem>>
        %dma_start3A_319 = arith.constant 0 : i32
        %dma_start3A_320 = arith.constant 0 : i32
        %dma_start3A_321 = tpu.memref_slice %arg2[%dma_start3A_319, %dma_start3A_320] : memref<10240x64xbf16, #tpu.memory_space<hbm>> -> memref<10240x64xbf16, #tpu.memory_space<hbm>>
        tpu.enqueue_indirect_dma source(%dma_start3A_321 : memref<10240x64xbf16, #tpu.memory_space<hbm>>) target(%arg15 : memref<128x64xbf16, #tpu.memory_space<vmem>>) offsets(%dma_start3A_318 : memref<128xi32, #tpu.memory_space<vmem>>) semaphore(%arg26 : memref<!tpu.dma_semaphore, #tpu.memory_space<semaphore_mem>>)
      } else {
      }
      %add3A_270 = arith.constant 4 : i32
      %add3A_271 = arith.addi %mul3A_122, %add3A_270 : i32
      %add3A_272 = arith.constant 8 : i32
      %add3A_273 = arith.addi %add3A_271, %add3A_272 : i32
      %lt3A_274 = arith.constant 80 : i32
      %lt3A_275 = arith.cmpi slt, %add3A_273, %lt3A_274 : i32
      %convert_element_type3A_276 = arith.extui %lt3A_275 : i1 to i32
      %cond3A_277 = arith.constant 0 : i32
      %cond3A_278 = arith.cmpi ne, %convert_element_type3A_276, %cond3A_277 : i32
      scf.if %cond3A_278 {
        %dma_wait3A_306 = arith.constant 0 : i32
        %dma_wait3A_307 = arith.constant 0 : i32
        %dma_wait3A_308 = tpu.memref_slice %arg2[%dma_wait3A_306, %dma_wait3A_307] : memref<10240x64xbf16, #tpu.memory_space<hbm>> -> memref<128x64xbf16, #tpu.memory_space<hbm>>
        %dma_wait3A_309 = arith.constant 0 : i32
        %dma_wait3A_310 = arith.constant 0 : i32
        %dma_wait3A_311 = tpu.memref_slice %arg2[%dma_wait3A_309, %dma_wait3A_310] : memref<10240x64xbf16, #tpu.memory_space<hbm>> -> memref<128x64xbf16, #tpu.memory_space<hbm>>
        tpu.wait_dma2 semaphore(%arg35 : memref<!tpu.dma_semaphore, #tpu.memory_space<semaphore_mem>>) src(%dma_wait3A_311 : memref<128x64xbf16, #tpu.memory_space<hbm>>) dst(%arg16 : memref<128x64xbf16, #tpu.memory_space<vmem>>)
        %add3A_312 = arith.constant 4 : i32
        %add3A_313 = arith.addi %mul3A_122, %add3A_312 : i32
        %add3A_314 = arith.constant 8 : i32
        %add3A_315 = arith.addi %add3A_313, %add3A_314 : i32
        %dma_start3A_316 = arith.constant 0 : i32
        %dma_start3A_317 = tpu.memref_slice %arg10[%add3A_315, %dma_start3A_316] : memref<80x128xi32, #tpu.memory_space<vmem>> -> memref<1x128xi32, #tpu.memory_space<vmem>>
        %dma_start3A_318 = tpu.memref_squeeze %dma_start3A_317 : memref<1x128xi32, #tpu.memory_space<vmem>> -> memref<128xi32, #tpu.memory_space<vmem>>
        %dma_start3A_319 = arith.constant 0 : i32
        %dma_start3A_320 = arith.constant 0 : i32
        %dma_start3A_321 = tpu.memref_slice %arg2[%dma_start3A_319, %dma_start3A_320] : memref<10240x64xbf16, #tpu.memory_space<hbm>> -> memref<10240x64xbf16, #tpu.memory_space<hbm>>
        tpu.enqueue_indirect_dma source(%dma_start3A_321 : memref<10240x64xbf16, #tpu.memory_space<hbm>>) target(%arg16 : memref<128x64xbf16, #tpu.memory_space<vmem>>) offsets(%dma_start3A_318 : memref<128xi32, #tpu.memory_space<vmem>>) semaphore(%arg27 : memref<!tpu.dma_semaphore, #tpu.memory_space<semaphore_mem>>)
      } else {
      }
      %add3A_279 = arith.constant 5 : i32
      %add3A_280 = arith.addi %mul3A_122, %add3A_279 : i32
      %add3A_281 = arith.constant 8 : i32
      %add3A_282 = arith.addi %add3A_280, %add3A_281 : i32
      %lt3A_283 = arith.constant 80 : i32
      %lt3A_284 = arith.cmpi slt, %add3A_282, %lt3A_283 : i32
      %convert_element_type3A_285 = arith.extui %lt3A_284 : i1 to i32
      %cond3A_286 = arith.constant 0 : i32
      %cond3A_287 = arith.cmpi ne, %convert_element_type3A_285, %cond3A_286 : i32
      scf.if %cond3A_287 {
        %dma_wait3A_306 = arith.constant 0 : i32
        %dma_wait3A_307 = arith.constant 0 : i32
        %dma_wait3A_308 = tpu.memref_slice %arg2[%dma_wait3A_306, %dma_wait3A_307] : memref<10240x64xbf16, #tpu.memory_space<hbm>> -> memref<128x64xbf16, #tpu.memory_space<hbm>>
        %dma_wait3A_309 = arith.constant 0 : i32
        %dma_wait3A_310 = arith.constant 0 : i32
        %dma_wait3A_311 = tpu.memref_slice %arg2[%dma_wait3A_309, %dma_wait3A_310] : memref<10240x64xbf16, #tpu.memory_space<hbm>> -> memref<128x64xbf16, #tpu.memory_space<hbm>>
        tpu.wait_dma2 semaphore(%arg36 : memref<!tpu.dma_semaphore, #tpu.memory_space<semaphore_mem>>) src(%dma_wait3A_311 : memref<128x64xbf16, #tpu.memory_space<hbm>>) dst(%arg17 : memref<128x64xbf16, #tpu.memory_space<vmem>>)
        %add3A_312 = arith.constant 5 : i32
        %add3A_313 = arith.addi %mul3A_122, %add3A_312 : i32
        %add3A_314 = arith.constant 8 : i32
        %add3A_315 = arith.addi %add3A_313, %add3A_314 : i32
        %dma_start3A_316 = arith.constant 0 : i32
        %dma_start3A_317 = tpu.memref_slice %arg10[%add3A_315, %dma_start3A_316] : memref<80x128xi32, #tpu.memory_space<vmem>> -> memref<1x128xi32, #tpu.memory_space<vmem>>
        %dma_start3A_318 = tpu.memref_squeeze %dma_start3A_317 : memref<1x128xi32, #tpu.memory_space<vmem>> -> memref<128xi32, #tpu.memory_space<vmem>>
        %dma_start3A_319 = arith.constant 0 : i32
        %dma_start3A_320 = arith.constant 0 : i32
        %dma_start3A_321 = tpu.memref_slice %arg2[%dma_start3A_319, %dma_start3A_320] : memref<10240x64xbf16, #tpu.memory_space<hbm>> -> memref<10240x64xbf16, #tpu.memory_space<hbm>>
        tpu.enqueue_indirect_dma source(%dma_start3A_321 : memref<10240x64xbf16, #tpu.memory_space<hbm>>) target(%arg17 : memref<128x64xbf16, #tpu.memory_space<vmem>>) offsets(%dma_start3A_318 : memref<128xi32, #tpu.memory_space<vmem>>) semaphore(%arg28 : memref<!tpu.dma_semaphore, #tpu.memory_space<semaphore_mem>>)
      } else {
      }
      %add3A_288 = arith.constant 6 : i32
      %add3A_289 = arith.addi %mul3A_122, %add3A_288 : i32
      %add3A_290 = arith.constant 8 : i32
      %add3A_291 = arith.addi %add3A_289, %add3A_290 : i32
      %lt3A_292 = arith.constant 80 : i32
      %lt3A_293 = arith.cmpi slt, %add3A_291, %lt3A_292 : i32
      %convert_element_type3A_294 = arith.extui %lt3A_293 : i1 to i32
      %cond3A_295 = arith.constant 0 : i32
      %cond3A_296 = arith.cmpi ne, %convert_element_type3A_294, %cond3A_295 : i32
      scf.if %cond3A_296 {
        %dma_wait3A_306 = arith.constant 0 : i32
        %dma_wait3A_307 = arith.constant 0 : i32
        %dma_wait3A_308 = tpu.memref_slice %arg2[%dma_wait3A_306, %dma_wait3A_307] : memref<10240x64xbf16, #tpu.memory_space<hbm>> -> memref<128x64xbf16, #tpu.memory_space<hbm>>
        %dma_wait3A_309 = arith.constant 0 : i32
        %dma_wait3A_310 = arith.constant 0 : i32
        %dma_wait3A_311 = tpu.memref_slice %arg2[%dma_wait3A_309, %dma_wait3A_310] : memref<10240x64xbf16, #tpu.memory_space<hbm>> -> memref<128x64xbf16, #tpu.memory_space<hbm>>
        tpu.wait_dma2 semaphore(%arg37 : memref<!tpu.dma_semaphore, #tpu.memory_space<semaphore_mem>>) src(%dma_wait3A_311 : memref<128x64xbf16, #tpu.memory_space<hbm>>) dst(%arg18 : memref<128x64xbf16, #tpu.memory_space<vmem>>)
        %add3A_312 = arith.constant 6 : i32
        %add3A_313 = arith.addi %mul3A_122, %add3A_312 : i32
        %add3A_314 = arith.constant 8 : i32
        %add3A_315 = arith.addi %add3A_313, %add3A_314 : i32
        %dma_start3A_316 = arith.constant 0 : i32
        %dma_start3A_317 = tpu.memref_slice %arg10[%add3A_315, %dma_start3A_316] : memref<80x128xi32, #tpu.memory_space<vmem>> -> memref<1x128xi32, #tpu.memory_space<vmem>>
        %dma_start3A_318 = tpu.memref_squeeze %dma_start3A_317 : memref<1x128xi32, #tpu.memory_space<vmem>> -> memref<128xi32, #tpu.memory_space<vmem>>
        %dma_start3A_319 = arith.constant 0 : i32
        %dma_start3A_320 = arith.constant 0 : i32
        %dma_start3A_321 = tpu.memref_slice %arg2[%dma_start3A_319, %dma_start3A_320] : memref<10240x64xbf16, #tpu.memory_space<hbm>> -> memref<10240x64xbf16, #tpu.memory_space<hbm>>
        tpu.enqueue_indirect_dma source(%dma_start3A_321 : memref<10240x64xbf16, #tpu.memory_space<hbm>>) target(%arg18 : memref<128x64xbf16, #tpu.memory_space<vmem>>) offsets(%dma_start3A_318 : memref<128xi32, #tpu.memory_space<vmem>>) semaphore(%arg29 : memref<!tpu.dma_semaphore, #tpu.memory_space<semaphore_mem>>)
      } else {
      }
      %add3A_297 = arith.constant 7 : i32
      %add3A_298 = arith.addi %mul3A_122, %add3A_297 : i32
      %add3A_299 = arith.constant 8 : i32
      %add3A_300 = arith.addi %add3A_298, %add3A_299 : i32
      %lt3A_301 = arith.constant 80 : i32
      %lt3A_302 = arith.cmpi slt, %add3A_300, %lt3A_301 : i32
      %convert_element_type3A_303 = arith.extui %lt3A_302 : i1 to i32
      %cond3A_304 = arith.constant 0 : i32
      %cond3A_305 = arith.cmpi ne, %convert_element_type3A_303, %cond3A_304 : i32
      scf.if %cond3A_305 {
        %dma_wait3A_306 = arith.constant 0 : i32
        %dma_wait3A_307 = arith.constant 0 : i32
        %dma_wait3A_308 = tpu.memref_slice %arg2[%dma_wait3A_306, %dma_wait3A_307] : memref<10240x64xbf16, #tpu.memory_space<hbm>> -> memref<128x64xbf16, #tpu.memory_space<hbm>>
        %dma_wait3A_309 = arith.constant 0 : i32
        %dma_wait3A_310 = arith.constant 0 : i32
        %dma_wait3A_311 = tpu.memref_slice %arg2[%dma_wait3A_309, %dma_wait3A_310] : memref<10240x64xbf16, #tpu.memory_space<hbm>> -> memref<128x64xbf16, #tpu.memory_space<hbm>>
        tpu.wait_dma2 semaphore(%arg38 : memref<!tpu.dma_semaphore, #tpu.memory_space<semaphore_mem>>) src(%dma_wait3A_311 : memref<128x64xbf16, #tpu.memory_space<hbm>>) dst(%arg19 : memref<128x64xbf16, #tpu.memory_space<vmem>>)
        %add3A_312 = arith.constant 7 : i32
        %add3A_313 = arith.addi %mul3A_122, %add3A_312 : i32
        %add3A_314 = arith.constant 8 : i32
        %add3A_315 = arith.addi %add3A_313, %add3A_314 : i32
        %dma_start3A_316 = arith.constant 0 : i32
        %dma_start3A_317 = tpu.memref_slice %arg10[%add3A_315, %dma_start3A_316] : memref<80x128xi32, #tpu.memory_space<vmem>> -> memref<1x128xi32, #tpu.memory_space<vmem>>
        %dma_start3A_318 = tpu.memref_squeeze %dma_start3A_317 : memref<1x128xi32, #tpu.memory_space<vmem>> -> memref<128xi32, #tpu.memory_space<vmem>>
        %dma_start3A_319 = arith.constant 0 : i32
        %dma_start3A_320 = arith.constant 0 : i32
        %dma_start3A_321 = tpu.memref_slice %arg2[%dma_start3A_319, %dma_start3A_320] : memref<10240x64xbf16, #tpu.memory_space<hbm>> -> memref<10240x64xbf16, #tpu.memory_space<hbm>>
        tpu.enqueue_indirect_dma source(%dma_start3A_321 : memref<10240x64xbf16, #tpu.memory_space<hbm>>) target(%arg19 : memref<128x64xbf16, #tpu.memory_space<vmem>>) offsets(%dma_start3A_318 : memref<128xi32, #tpu.memory_space<vmem>>) semaphore(%arg30 : memref<!tpu.dma_semaphore, #tpu.memory_space<semaphore_mem>>)
      } else {
      }
    }
    %scan3A_64 = arith.constant 10 : i32
    %dma_wait3A = arith.constant 0 : i32
    %dma_wait3A_65 = arith.constant 0 : i32
    %dma_wait3A_66 = tpu.memref_slice %arg2[%dma_wait3A, %dma_wait3A_65] : memref<10240x64xbf16, #tpu.memory_space<hbm>> -> memref<128x64xbf16, #tpu.memory_space<hbm>>
    %dma_wait3A_67 = arith.constant 0 : i32
    %dma_wait3A_68 = arith.constant 0 : i32
    %dma_wait3A_69 = tpu.memref_slice %arg2[%dma_wait3A_67, %dma_wait3A_68] : memref<10240x64xbf16, #tpu.memory_space<hbm>> -> memref<128x64xbf16, #tpu.memory_space<hbm>>
    tpu.wait_dma2 semaphore(%arg31 : memref<!tpu.dma_semaphore, #tpu.memory_space<semaphore_mem>>) src(%dma_wait3A_69 : memref<128x64xbf16, #tpu.memory_space<hbm>>) dst(%arg12 : memref<128x64xbf16, #tpu.memory_space<vmem>>)
    %dma_wait3A_70 = arith.constant 0 : i32
    %dma_wait3A_71 = arith.constant 0 : i32
    %dma_wait3A_72 = tpu.memref_slice %arg2[%dma_wait3A_70, %dma_wait3A_71] : memref<10240x64xbf16, #tpu.memory_space<hbm>> -> memref<128x64xbf16, #tpu.memory_space<hbm>>
    %dma_wait3A_73 = arith.constant 0 : i32
    %dma_wait3A_74 = arith.constant 0 : i32
    %dma_wait3A_75 = tpu.memref_slice %arg2[%dma_wait3A_73, %dma_wait3A_74] : memref<10240x64xbf16, #tpu.memory_space<hbm>> -> memref<128x64xbf16, #tpu.memory_space<hbm>>
    tpu.wait_dma2 semaphore(%arg32 : memref<!tpu.dma_semaphore, #tpu.memory_space<semaphore_mem>>) src(%dma_wait3A_75 : memref<128x64xbf16, #tpu.memory_space<hbm>>) dst(%arg13 : memref<128x64xbf16, #tpu.memory_space<vmem>>)
    %dma_wait3A_76 = arith.constant 0 : i32
    %dma_wait3A_77 = arith.constant 0 : i32
    %dma_wait3A_78 = tpu.memref_slice %arg2[%dma_wait3A_76, %dma_wait3A_77] : memref<10240x64xbf16, #tpu.memory_space<hbm>> -> memref<128x64xbf16, #tpu.memory_space<hbm>>
    %dma_wait3A_79 = arith.constant 0 : i32
    %dma_wait3A_80 = arith.constant 0 : i32
    %dma_wait3A_81 = tpu.memref_slice %arg2[%dma_wait3A_79, %dma_wait3A_80] : memref<10240x64xbf16, #tpu.memory_space<hbm>> -> memref<128x64xbf16, #tpu.memory_space<hbm>>
    tpu.wait_dma2 semaphore(%arg33 : memref<!tpu.dma_semaphore, #tpu.memory_space<semaphore_mem>>) src(%dma_wait3A_81 : memref<128x64xbf16, #tpu.memory_space<hbm>>) dst(%arg14 : memref<128x64xbf16, #tpu.memory_space<vmem>>)
    %dma_wait3A_82 = arith.constant 0 : i32
    %dma_wait3A_83 = arith.constant 0 : i32
    %dma_wait3A_84 = tpu.memref_slice %arg2[%dma_wait3A_82, %dma_wait3A_83] : memref<10240x64xbf16, #tpu.memory_space<hbm>> -> memref<128x64xbf16, #tpu.memory_space<hbm>>
    %dma_wait3A_85 = arith.constant 0 : i32
    %dma_wait3A_86 = arith.constant 0 : i32
    %dma_wait3A_87 = tpu.memref_slice %arg2[%dma_wait3A_85, %dma_wait3A_86] : memref<10240x64xbf16, #tpu.memory_space<hbm>> -> memref<128x64xbf16, #tpu.memory_space<hbm>>
    tpu.wait_dma2 semaphore(%arg34 : memref<!tpu.dma_semaphore, #tpu.memory_space<semaphore_mem>>) src(%dma_wait3A_87 : memref<128x64xbf16, #tpu.memory_space<hbm>>) dst(%arg15 : memref<128x64xbf16, #tpu.memory_space<vmem>>)
    %dma_wait3A_88 = arith.constant 0 : i32
    %dma_wait3A_89 = arith.constant 0 : i32
    %dma_wait3A_90 = tpu.memref_slice %arg2[%dma_wait3A_88, %dma_wait3A_89] : memref<10240x64xbf16, #tpu.memory_space<hbm>> -> memref<128x64xbf16, #tpu.memory_space<hbm>>
    %dma_wait3A_91 = arith.constant 0 : i32
    %dma_wait3A_92 = arith.constant 0 : i32
    %dma_wait3A_93 = tpu.memref_slice %arg2[%dma_wait3A_91, %dma_wait3A_92] : memref<10240x64xbf16, #tpu.memory_space<hbm>> -> memref<128x64xbf16, #tpu.memory_space<hbm>>
    tpu.wait_dma2 semaphore(%arg35 : memref<!tpu.dma_semaphore, #tpu.memory_space<semaphore_mem>>) src(%dma_wait3A_93 : memref<128x64xbf16, #tpu.memory_space<hbm>>) dst(%arg16 : memref<128x64xbf16, #tpu.memory_space<vmem>>)
    %dma_wait3A_94 = arith.constant 0 : i32
    %dma_wait3A_95 = arith.constant 0 : i32
    %dma_wait3A_96 = tpu.memref_slice %arg2[%dma_wait3A_94, %dma_wait3A_95] : memref<10240x64xbf16, #tpu.memory_space<hbm>> -> memref<128x64xbf16, #tpu.memory_space<hbm>>
    %dma_wait3A_97 = arith.constant 0 : i32
    %dma_wait3A_98 = arith.constant 0 : i32
    %dma_wait3A_99 = tpu.memref_slice %arg2[%dma_wait3A_97, %dma_wait3A_98] : memref<10240x64xbf16, #tpu.memory_space<hbm>> -> memref<128x64xbf16, #tpu.memory_space<hbm>>
    tpu.wait_dma2 semaphore(%arg36 : memref<!tpu.dma_semaphore, #tpu.memory_space<semaphore_mem>>) src(%dma_wait3A_99 : memref<128x64xbf16, #tpu.memory_space<hbm>>) dst(%arg17 : memref<128x64xbf16, #tpu.memory_space<vmem>>)
    %dma_wait3A_100 = arith.constant 0 : i32
    %dma_wait3A_101 = arith.constant 0 : i32
    %dma_wait3A_102 = tpu.memref_slice %arg2[%dma_wait3A_100, %dma_wait3A_101] : memref<10240x64xbf16, #tpu.memory_space<hbm>> -> memref<128x64xbf16, #tpu.memory_space<hbm>>
    %dma_wait3A_103 = arith.constant 0 : i32
    %dma_wait3A_104 = arith.constant 0 : i32
    %dma_wait3A_105 = tpu.memref_slice %arg2[%dma_wait3A_103, %dma_wait3A_104] : memref<10240x64xbf16, #tpu.memory_space<hbm>> -> memref<128x64xbf16, #tpu.memory_space<hbm>>
    tpu.wait_dma2 semaphore(%arg37 : memref<!tpu.dma_semaphore, #tpu.memory_space<semaphore_mem>>) src(%dma_wait3A_105 : memref<128x64xbf16, #tpu.memory_space<hbm>>) dst(%arg18 : memref<128x64xbf16, #tpu.memory_space<vmem>>)
    %dma_wait3A_106 = arith.constant 0 : i32
    %dma_wait3A_107 = arith.constant 0 : i32
    %dma_wait3A_108 = tpu.memref_slice %arg2[%dma_wait3A_106, %dma_wait3A_107] : memref<10240x64xbf16, #tpu.memory_space<hbm>> -> memref<128x64xbf16, #tpu.memory_space<hbm>>
    %dma_wait3A_109 = arith.constant 0 : i32
    %dma_wait3A_110 = arith.constant 0 : i32
    %dma_wait3A_111 = tpu.memref_slice %arg2[%dma_wait3A_109, %dma_wait3A_110] : memref<10240x64xbf16, #tpu.memory_space<hbm>> -> memref<128x64xbf16, #tpu.memory_space<hbm>>
    tpu.wait_dma2 semaphore(%arg38 : memref<!tpu.dma_semaphore, #tpu.memory_space<semaphore_mem>>) src(%dma_wait3A_111 : memref<128x64xbf16, #tpu.memory_space<hbm>>) dst(%arg19 : memref<128x64xbf16, #tpu.memory_space<vmem>>)
    %barrier3A_112 = arith.constant 0 : index
    tpu.barrier barrier_id(%barrier3A_112)
    %eq3A = arith.constant 0 : i32
    %eq3A_113 = arith.cmpi eq, %arg0, %eq3A : i32
    %convert_element_type3A = arith.extui %eq3A_113 : i1 to i32
    %cond3A = arith.constant 0 : i32
    %cond3A_114 = arith.cmpi ne, %convert_element_type3A, %cond3A : i32
    scf.if %cond3A_114 {
      %mul3A_120 = arith.constant 640 : i32
      %mul3A_121 = arith.muli %arg1, %mul3A_120 : i32
      %mul3A_122 = arith.constant 640 : i32
      %mul3A_123 = arith.muli %arg1, %mul3A_122 : i32
      "tpu.region"() ({
        %run_scoped3A = tpu.sem_alloc : memref<!tpu.dma_semaphore, #tpu.memory_space<semaphore_mem>>
        %dma_start3A_128 = arith.constant 0 : i32
        %dma_start3A_129 = tpu.memref_slice %arg6[%mul3A_123, %dma_start3A_128] : memref<10240x64xbf16, #tpu.memory_space<hbm>> -> memref<640x64xbf16, #tpu.memory_space<hbm>>
        %dma_start3A_130 = arith.constant 0 : i32
        %dma_start3A_131 = tpu.memref_slice %arg21[%mul3A_121, %dma_start3A_130] : memref<10240x64xbf16, #tpu.memory_space<vmem_shared>> -> memref<640x64xbf16, #tpu.memory_space<vmem_shared>>
        tpu.enqueue_dma source(%dma_start3A_131 : memref<640x64xbf16, #tpu.memory_space<vmem_shared>>) target(%dma_start3A_129 : memref<640x64xbf16, #tpu.memory_space<hbm>>) target_semaphore(%run_scoped3A : memref<!tpu.dma_semaphore, #tpu.memory_space<semaphore_mem>>)
        %dma_wait3A_132 = arith.constant 0 : i32
        %dma_wait3A_133 = tpu.memref_slice %arg6[%mul3A_123, %dma_wait3A_132] : memref<10240x64xbf16, #tpu.memory_space<hbm>> -> memref<640x64xbf16, #tpu.memory_space<hbm>>
        %dma_wait3A_134 = arith.constant 0 : i32
        %dma_wait3A_135 = tpu.memref_slice %arg21[%mul3A_121, %dma_wait3A_134] : memref<10240x64xbf16, #tpu.memory_space<vmem_shared>> -> memref<640x64xbf16, #tpu.memory_space<vmem_shared>>
        tpu.wait_dma2 semaphore(%run_scoped3A : memref<!tpu.dma_semaphore, #tpu.memory_space<semaphore_mem>>) src(%dma_wait3A_135 : memref<640x64xbf16, #tpu.memory_space<vmem_shared>>) dst(%dma_wait3A_133 : memref<640x64xbf16, #tpu.memory_space<hbm>>)
        tpu.yield
      }) : () -> ()
      %mul3A_124 = arith.constant 640 : i32
      %mul3A_125 = arith.muli %arg1, %mul3A_124 : i32
      %mul3A_126 = arith.constant 640 : i32
      %mul3A_127 = arith.muli %arg1, %mul3A_126 : i32
      "tpu.region"() ({
        %run_scoped3A = tpu.sem_alloc : memref<!tpu.dma_semaphore, #tpu.memory_space<semaphore_mem>>
        %dma_start3A_128 = arith.constant 0 : i32
        %dma_start3A_129 = tpu.memref_slice %arg7[%mul3A_127, %dma_start3A_128] : memref<10240x64xbf16, #tpu.memory_space<hbm>> -> memref<640x64xbf16, #tpu.memory_space<hbm>>
        %dma_start3A_130 = arith.constant 0 : i32
        %dma_start3A_131 = tpu.memref_slice %arg22[%mul3A_125, %dma_start3A_130] : memref<10240x64xbf16, #tpu.memory_space<vmem_shared>> -> memref<640x64xbf16, #tpu.memory_space<vmem_shared>>
        tpu.enqueue_dma source(%dma_start3A_131 : memref<640x64xbf16, #tpu.memory_space<vmem_shared>>) target(%dma_start3A_129 : memref<640x64xbf16, #tpu.memory_space<hbm>>) target_semaphore(%run_scoped3A : memref<!tpu.dma_semaphore, #tpu.memory_space<semaphore_mem>>)
        %dma_wait3A_132 = arith.constant 0 : i32
        %dma_wait3A_133 = tpu.memref_slice %arg7[%mul3A_127, %dma_wait3A_132] : memref<10240x64xbf16, #tpu.memory_space<hbm>> -> memref<640x64xbf16, #tpu.memory_space<hbm>>
        %dma_wait3A_134 = arith.constant 0 : i32
        %dma_wait3A_135 = tpu.memref_slice %arg22[%mul3A_125, %dma_wait3A_134] : memref<10240x64xbf16, #tpu.memory_space<vmem_shared>> -> memref<640x64xbf16, #tpu.memory_space<vmem_shared>>
        tpu.wait_dma2 semaphore(%run_scoped3A : memref<!tpu.dma_semaphore, #tpu.memory_space<semaphore_mem>>) src(%dma_wait3A_135 : memref<640x64xbf16, #tpu.memory_space<vmem_shared>>) dst(%dma_wait3A_133 : memref<640x64xbf16, #tpu.memory_space<hbm>>)
        tpu.yield
      }) : () -> ()
    } else {
    }
    %eq3A_115 = arith.constant 1 : i32
    %eq3A_116 = arith.cmpi eq, %arg0, %eq3A_115 : i32
    %convert_element_type3A_117 = arith.extui %eq3A_116 : i1 to i32
    %cond3A_118 = arith.constant 0 : i32
    %cond3A_119 = arith.cmpi ne, %convert_element_type3A_117, %cond3A_118 : i32
    scf.if %cond3A_119 {
      %mul3A_120 = arith.constant 640 : i32
      %mul3A_121 = arith.muli %arg1, %mul3A_120 : i32
      %mul3A_122 = arith.constant 640 : i32
      %mul3A_123 = arith.muli %arg1, %mul3A_122 : i32
      "tpu.region"() ({
        %run_scoped3A = tpu.sem_alloc : memref<!tpu.dma_semaphore, #tpu.memory_space<semaphore_mem>>
        %dma_start3A_128 = arith.constant 0 : i32
        %dma_start3A_129 = tpu.memref_slice %arg8[%mul3A_123, %dma_start3A_128] : memref<10240x64xbf16, #tpu.memory_space<hbm>> -> memref<640x64xbf16, #tpu.memory_space<hbm>>
        %dma_start3A_130 = arith.constant 0 : i32
        %dma_start3A_131 = tpu.memref_slice %arg21[%mul3A_121, %dma_start3A_130] : memref<10240x64xbf16, #tpu.memory_space<vmem_shared>> -> memref<640x64xbf16, #tpu.memory_space<vmem_shared>>
        tpu.enqueue_dma source(%dma_start3A_131 : memref<640x64xbf16, #tpu.memory_space<vmem_shared>>) target(%dma_start3A_129 : memref<640x64xbf16, #tpu.memory_space<hbm>>) target_semaphore(%run_scoped3A : memref<!tpu.dma_semaphore, #tpu.memory_space<semaphore_mem>>)
        %dma_wait3A_132 = arith.constant 0 : i32
        %dma_wait3A_133 = tpu.memref_slice %arg8[%mul3A_123, %dma_wait3A_132] : memref<10240x64xbf16, #tpu.memory_space<hbm>> -> memref<640x64xbf16, #tpu.memory_space<hbm>>
        %dma_wait3A_134 = arith.constant 0 : i32
        %dma_wait3A_135 = tpu.memref_slice %arg21[%mul3A_121, %dma_wait3A_134] : memref<10240x64xbf16, #tpu.memory_space<vmem_shared>> -> memref<640x64xbf16, #tpu.memory_space<vmem_shared>>
        tpu.wait_dma2 semaphore(%run_scoped3A : memref<!tpu.dma_semaphore, #tpu.memory_space<semaphore_mem>>) src(%dma_wait3A_135 : memref<640x64xbf16, #tpu.memory_space<vmem_shared>>) dst(%dma_wait3A_133 : memref<640x64xbf16, #tpu.memory_space<hbm>>)
        tpu.yield
      }) : () -> ()
      %mul3A_124 = arith.constant 640 : i32
      %mul3A_125 = arith.muli %arg1, %mul3A_124 : i32
      %mul3A_126 = arith.constant 640 : i32
      %mul3A_127 = arith.muli %arg1, %mul3A_126 : i32
      "tpu.region"() ({
        %run_scoped3A = tpu.sem_alloc : memref<!tpu.dma_semaphore, #tpu.memory_space<semaphore_mem>>
        %dma_start3A_128 = arith.constant 0 : i32
        %dma_start3A_129 = tpu.memref_slice %arg9[%mul3A_127, %dma_start3A_128] : memref<10240x64xbf16, #tpu.memory_space<hbm>> -> memref<640x64xbf16, #tpu.memory_space<hbm>>
        %dma_start3A_130 = arith.constant 0 : i32
        %dma_start3A_131 = tpu.memref_slice %arg22[%mul3A_125, %dma_start3A_130] : memref<10240x64xbf16, #tpu.memory_space<vmem_shared>> -> memref<640x64xbf16, #tpu.memory_space<vmem_shared>>
        tpu.enqueue_dma source(%dma_start3A_131 : memref<640x64xbf16, #tpu.memory_space<vmem_shared>>) target(%dma_start3A_129 : memref<640x64xbf16, #tpu.memory_space<hbm>>) target_semaphore(%run_scoped3A : memref<!tpu.dma_semaphore, #tpu.memory_space<semaphore_mem>>)
        %dma_wait3A_132 = arith.constant 0 : i32
        %dma_wait3A_133 = tpu.memref_slice %arg9[%mul3A_127, %dma_wait3A_132] : memref<10240x64xbf16, #tpu.memory_space<hbm>> -> memref<640x64xbf16, #tpu.memory_space<hbm>>
        %dma_wait3A_134 = arith.constant 0 : i32
        %dma_wait3A_135 = tpu.memref_slice %arg22[%mul3A_125, %dma_wait3A_134] : memref<10240x64xbf16, #tpu.memory_space<vmem_shared>> -> memref<640x64xbf16, #tpu.memory_space<vmem_shared>>
        tpu.wait_dma2 semaphore(%run_scoped3A : memref<!tpu.dma_semaphore, #tpu.memory_space<semaphore_mem>>) src(%dma_wait3A_135 : memref<640x64xbf16, #tpu.memory_space<vmem_shared>>) dst(%dma_wait3A_133 : memref<640x64xbf16, #tpu.memory_space<hbm>>)
        tpu.yield
      }) : () -> ()
    } else {
    }
    return
  }
}

#map = affine_map<(d0, d1) -> (0, 0, 0)>
#map1 = affine_map<(d0, d1) -> (0, 0)>
module attributes {stable_mosaic.version = 14 : i64} {
  func.func @_deg_body(%arg0: i32, %arg1: i32, %arg2: memref<32x80x128xi32, #tpu.memory_space<hbm>>, %arg3: memref<128x16xf32, #tpu.memory_space<hbm>>, %arg4: memref<640x16xf32, #tpu.memory_space<hbm>>, %arg5: memref<10240x16xf32, #tpu.memory_space<hbm>>, %arg6: memref<10240x16xf32, #tpu.memory_space<hbm>>, %arg7: memref<80x128xi32, #tpu.memory_space<vmem>>, %arg8: memref<128x16xf32, #tpu.memory_space<vmem>>, %arg9: memref<640x16xf32, #tpu.memory_space<vmem>>, %arg10: memref<10240x16xf32, #tpu.memory_space<vmem_shared>>) attributes {dimension_semantics = [#tpu.dimension_semantics<core_parallel>, #tpu.dimension_semantics<subcore_parallel>], iteration_bounds = array<i64: 2, 16>, scalar_prefetch = 0 : i64, scratch_operands = 4 : i64, tpu.core_type = #tpu.core_type<sc_vector_subcore>, window_params = [{transform_indices = #map}, {transform_indices = #map1}, {transform_indices = #map1}, {transform_indices = #map1}, {transform_indices = #map1}]} {
    %mul3A = arith.constant 2 : i32
    %mul3A_0 = arith.muli %arg1, %mul3A : i32
    %add3A = arith.addi %mul3A_0, %arg0 : i32
    "tpu.region"() ({
      %run_scoped3A = tpu.sem_alloc : memref<!tpu.dma_semaphore, #tpu.memory_space<semaphore_mem>>
      tpu.enqueue_dma source(%arg4 : memref<640x16xf32, #tpu.memory_space<hbm>>) target(%arg9 : memref<640x16xf32, #tpu.memory_space<vmem>>) target_semaphore(%run_scoped3A : memref<!tpu.dma_semaphore, #tpu.memory_space<semaphore_mem>>)
      tpu.wait_dma2 semaphore(%run_scoped3A : memref<!tpu.dma_semaphore, #tpu.memory_space<semaphore_mem>>) src(%arg4 : memref<640x16xf32, #tpu.memory_space<hbm>>) dst(%arg9 : memref<640x16xf32, #tpu.memory_space<vmem>>)
      tpu.yield
    }) : () -> ()
    %mul3A_1 = arith.constant 640 : i32
    %mul3A_2 = arith.muli %arg1, %mul3A_1 : i32
    "tpu.region"() ({
      %run_scoped3A = tpu.sem_alloc : memref<!tpu.dma_semaphore, #tpu.memory_space<semaphore_mem>>
      %dma_start3A = arith.constant 0 : i32
      %dma_start3A_16 = tpu.memref_slice %arg10[%mul3A_2, %dma_start3A] : memref<10240x16xf32, #tpu.memory_space<vmem_shared>> -> memref<640x16xf32, #tpu.memory_space<vmem_shared>>
      %dma_start3A_17 = arith.constant 0 : i32
      %dma_start3A_18 = tpu.memref_slice %arg10[%mul3A_2, %dma_start3A_17] : memref<10240x16xf32, #tpu.memory_space<vmem_shared>> -> memref<640x16xf32, #tpu.memory_space<vmem_shared>>
      tpu.enqueue_dma source(%arg9 : memref<640x16xf32, #tpu.memory_space<vmem>>) target(%dma_start3A_18 : memref<640x16xf32, #tpu.memory_space<vmem_shared>>) target_semaphore(%run_scoped3A : memref<!tpu.dma_semaphore, #tpu.memory_space<semaphore_mem>>)
      %dma_wait3A = arith.constant 0 : i32
      %dma_wait3A_19 = tpu.memref_slice %arg10[%mul3A_2, %dma_wait3A] : memref<10240x16xf32, #tpu.memory_space<vmem_shared>> -> memref<640x16xf32, #tpu.memory_space<vmem_shared>>
      %dma_wait3A_20 = arith.constant 0 : i32
      %dma_wait3A_21 = tpu.memref_slice %arg10[%mul3A_2, %dma_wait3A_20] : memref<10240x16xf32, #tpu.memory_space<vmem_shared>> -> memref<640x16xf32, #tpu.memory_space<vmem_shared>>
      tpu.wait_dma2 semaphore(%run_scoped3A : memref<!tpu.dma_semaphore, #tpu.memory_space<semaphore_mem>>) src(%arg9 : memref<640x16xf32, #tpu.memory_space<vmem>>) dst(%dma_wait3A_21 : memref<640x16xf32, #tpu.memory_space<vmem_shared>>)
      tpu.yield
    }) : () -> ()
    "tpu.region"() ({
      %run_scoped3A = tpu.sem_alloc : memref<!tpu.dma_semaphore, #tpu.memory_space<semaphore_mem>>
      tpu.enqueue_dma source(%arg3 : memref<128x16xf32, #tpu.memory_space<hbm>>) target(%arg8 : memref<128x16xf32, #tpu.memory_space<vmem>>) target_semaphore(%run_scoped3A : memref<!tpu.dma_semaphore, #tpu.memory_space<semaphore_mem>>)
      tpu.wait_dma2 semaphore(%run_scoped3A : memref<!tpu.dma_semaphore, #tpu.memory_space<semaphore_mem>>) src(%arg3 : memref<128x16xf32, #tpu.memory_space<hbm>>) dst(%arg8 : memref<128x16xf32, #tpu.memory_space<vmem>>)
      tpu.yield
    }) : () -> ()
    "tpu.region"() ({
      %run_scoped3A = tpu.sem_alloc : memref<!tpu.dma_semaphore, #tpu.memory_space<semaphore_mem>>
      %dma_start3A = arith.constant 0 : i32
      %dma_start3A_16 = arith.constant 0 : i32
      %dma_start3A_17 = tpu.memref_slice %arg2[%add3A, %dma_start3A, %dma_start3A_16] : memref<32x80x128xi32, #tpu.memory_space<hbm>> -> memref<1x80x128xi32, #tpu.memory_space<hbm>>
      %dma_start3A_18 = tpu.memref_squeeze %dma_start3A_17 : memref<1x80x128xi32, #tpu.memory_space<hbm>> -> memref<80x128xi32, #tpu.memory_space<hbm>>
      %dma_start3A_19 = arith.constant 0 : i32
      %dma_start3A_20 = arith.constant 0 : i32
      %dma_start3A_21 = tpu.memref_slice %arg2[%add3A, %dma_start3A_19, %dma_start3A_20] : memref<32x80x128xi32, #tpu.memory_space<hbm>> -> memref<1x80x128xi32, #tpu.memory_space<hbm>>
      %dma_start3A_22 = tpu.memref_squeeze %dma_start3A_21 : memref<1x80x128xi32, #tpu.memory_space<hbm>> -> memref<80x128xi32, #tpu.memory_space<hbm>>
      tpu.enqueue_dma source(%dma_start3A_22 : memref<80x128xi32, #tpu.memory_space<hbm>>) target(%arg7 : memref<80x128xi32, #tpu.memory_space<vmem>>) target_semaphore(%run_scoped3A : memref<!tpu.dma_semaphore, #tpu.memory_space<semaphore_mem>>)
      %dma_wait3A = arith.constant 0 : i32
      %dma_wait3A_23 = arith.constant 0 : i32
      %dma_wait3A_24 = tpu.memref_slice %arg2[%add3A, %dma_wait3A, %dma_wait3A_23] : memref<32x80x128xi32, #tpu.memory_space<hbm>> -> memref<1x80x128xi32, #tpu.memory_space<hbm>>
      %dma_wait3A_25 = tpu.memref_squeeze %dma_wait3A_24 : memref<1x80x128xi32, #tpu.memory_space<hbm>> -> memref<80x128xi32, #tpu.memory_space<hbm>>
      %dma_wait3A_26 = arith.constant 0 : i32
      %dma_wait3A_27 = arith.constant 0 : i32
      %dma_wait3A_28 = tpu.memref_slice %arg2[%add3A, %dma_wait3A_26, %dma_wait3A_27] : memref<32x80x128xi32, #tpu.memory_space<hbm>> -> memref<1x80x128xi32, #tpu.memory_space<hbm>>
      %dma_wait3A_29 = tpu.memref_squeeze %dma_wait3A_28 : memref<1x80x128xi32, #tpu.memory_space<hbm>> -> memref<80x128xi32, #tpu.memory_space<hbm>>
      tpu.wait_dma2 semaphore(%run_scoped3A : memref<!tpu.dma_semaphore, #tpu.memory_space<semaphore_mem>>) src(%dma_wait3A_29 : memref<80x128xi32, #tpu.memory_space<hbm>>) dst(%arg7 : memref<80x128xi32, #tpu.memory_space<vmem>>)
      tpu.yield
    }) : () -> ()
    %barrier3A = arith.constant 0 : index
    tpu.barrier barrier_id(%barrier3A)
    %scan3A = arith.constant 0 : i32
    %scan3A_3 = arith.constant 0 : i32
    %scan3A_4 = arith.constant 80 : i32
    %scan3A_5 = arith.addi %scan3A_3, %scan3A_4 : i32
    %scan3A_6 = arith.constant 1 : i32
    scf.for %scan3A_16 = %scan3A_3 to %scan3A_5 step %scan3A_6  : i32 {
      "tpu.region"() ({
        %run_scoped3A = tpu.sem_alloc : memref<!tpu.dma_semaphore, #tpu.memory_space<semaphore_mem>>
        %dma_start3A = arith.constant 0 : i32
        %dma_start3A_17 = tpu.memref_slice %arg7[%scan3A_16, %dma_start3A] : memref<80x128xi32, #tpu.memory_space<vmem>> -> memref<1x128xi32, #tpu.memory_space<vmem>>
        %dma_start3A_18 = tpu.memref_squeeze %dma_start3A_17 : memref<1x128xi32, #tpu.memory_space<vmem>> -> memref<128xi32, #tpu.memory_space<vmem>>
        %dma_start3A_19 = arith.constant 0 : i32
        %dma_start3A_20 = arith.constant 0 : i32
        %dma_start3A_21 = tpu.memref_slice %arg10[%dma_start3A_19, %dma_start3A_20] : memref<10240x16xf32, #tpu.memory_space<vmem_shared>> -> memref<10240x16xf32, #tpu.memory_space<vmem_shared>>
        tpu.enqueue_indirect_dma source(%arg8 : memref<128x16xf32, #tpu.memory_space<vmem>>) target(%dma_start3A_21 : memref<10240x16xf32, #tpu.memory_space<vmem_shared>>) offsets(%dma_start3A_18 : memref<128xi32, #tpu.memory_space<vmem>>) semaphore(%run_scoped3A : memref<!tpu.dma_semaphore, #tpu.memory_space<semaphore_mem>>) {add = true}
        %dma_wait3A = arith.constant 0 : i32
        %dma_wait3A_22 = tpu.memref_slice %arg7[%scan3A_16, %dma_wait3A] : memref<80x128xi32, #tpu.memory_space<vmem>> -> memref<1x128xi32, #tpu.memory_space<vmem>>
        %dma_wait3A_23 = tpu.memref_squeeze %dma_wait3A_22 : memref<1x128xi32, #tpu.memory_space<vmem>> -> memref<128xi32, #tpu.memory_space<vmem>>
        %dma_wait3A_24 = arith.constant 0 : i32
        %dma_wait3A_25 = arith.constant 0 : i32
        %dma_wait3A_26 = tpu.memref_slice %arg10[%dma_wait3A_24, %dma_wait3A_25] : memref<10240x16xf32, #tpu.memory_space<vmem_shared>> -> memref<10240x16xf32, #tpu.memory_space<vmem_shared>>
        tpu.wait_indirect_dma semaphore(%run_scoped3A : memref<!tpu.dma_semaphore, #tpu.memory_space<semaphore_mem>>) src(%arg8 : memref<128x16xf32, #tpu.memory_space<vmem>>) dst(%dma_wait3A_26 : memref<10240x16xf32, #tpu.memory_space<vmem_shared>>)
        tpu.yield
      }) : () -> ()
    }
    %scan3A_7 = arith.constant 80 : i32
    %barrier3A_8 = arith.constant 0 : index
    tpu.barrier barrier_id(%barrier3A_8)
    %eq3A = arith.constant 0 : i32
    %eq3A_9 = arith.cmpi eq, %arg0, %eq3A : i32
    %convert_element_type3A = arith.extui %eq3A_9 : i1 to i32
    %cond3A = arith.constant 0 : i32
    %cond3A_10 = arith.cmpi ne, %convert_element_type3A, %cond3A : i32
    scf.if %cond3A_10 {
      %mul3A_16 = arith.constant 640 : i32
      %mul3A_17 = arith.muli %arg1, %mul3A_16 : i32
      %mul3A_18 = arith.constant 640 : i32
      %mul3A_19 = arith.muli %arg1, %mul3A_18 : i32
      "tpu.region"() ({
        %run_scoped3A = tpu.sem_alloc : memref<!tpu.dma_semaphore, #tpu.memory_space<semaphore_mem>>
        %dma_start3A = arith.constant 0 : i32
        %dma_start3A_20 = tpu.memref_slice %arg5[%mul3A_19, %dma_start3A] : memref<10240x16xf32, #tpu.memory_space<hbm>> -> memref<640x16xf32, #tpu.memory_space<hbm>>
        %dma_start3A_21 = arith.constant 0 : i32
        %dma_start3A_22 = tpu.memref_slice %arg10[%mul3A_17, %dma_start3A_21] : memref<10240x16xf32, #tpu.memory_space<vmem_shared>> -> memref<640x16xf32, #tpu.memory_space<vmem_shared>>
        tpu.enqueue_dma source(%dma_start3A_22 : memref<640x16xf32, #tpu.memory_space<vmem_shared>>) target(%dma_start3A_20 : memref<640x16xf32, #tpu.memory_space<hbm>>) target_semaphore(%run_scoped3A : memref<!tpu.dma_semaphore, #tpu.memory_space<semaphore_mem>>)
        %dma_wait3A = arith.constant 0 : i32
        %dma_wait3A_23 = tpu.memref_slice %arg5[%mul3A_19, %dma_wait3A] : memref<10240x16xf32, #tpu.memory_space<hbm>> -> memref<640x16xf32, #tpu.memory_space<hbm>>
        %dma_wait3A_24 = arith.constant 0 : i32
        %dma_wait3A_25 = tpu.memref_slice %arg10[%mul3A_17, %dma_wait3A_24] : memref<10240x16xf32, #tpu.memory_space<vmem_shared>> -> memref<640x16xf32, #tpu.memory_space<vmem_shared>>
        tpu.wait_dma2 semaphore(%run_scoped3A : memref<!tpu.dma_semaphore, #tpu.memory_space<semaphore_mem>>) src(%dma_wait3A_25 : memref<640x16xf32, #tpu.memory_space<vmem_shared>>) dst(%dma_wait3A_23 : memref<640x16xf32, #tpu.memory_space<hbm>>)
        tpu.yield
      }) : () -> ()
    } else {
    }
    %eq3A_11 = arith.constant 1 : i32
    %eq3A_12 = arith.cmpi eq, %arg0, %eq3A_11 : i32
    %convert_element_type3A_13 = arith.extui %eq3A_12 : i1 to i32
    %cond3A_14 = arith.constant 0 : i32
    %cond3A_15 = arith.cmpi ne, %convert_element_type3A_13, %cond3A_14 : i32
    scf.if %cond3A_15 {
      %mul3A_16 = arith.constant 640 : i32
      %mul3A_17 = arith.muli %arg1, %mul3A_16 : i32
      %mul3A_18 = arith.constant 640 : i32
      %mul3A_19 = arith.muli %arg1, %mul3A_18 : i32
      "tpu.region"() ({
        %run_scoped3A = tpu.sem_alloc : memref<!tpu.dma_semaphore, #tpu.memory_space<semaphore_mem>>
        %dma_start3A = arith.constant 0 : i32
        %dma_start3A_20 = tpu.memref_slice %arg6[%mul3A_19, %dma_start3A] : memref<10240x16xf32, #tpu.memory_space<hbm>> -> memref<640x16xf32, #tpu.memory_space<hbm>>
        %dma_start3A_21 = arith.constant 0 : i32
        %dma_start3A_22 = tpu.memref_slice %arg10[%mul3A_17, %dma_start3A_21] : memref<10240x16xf32, #tpu.memory_space<vmem_shared>> -> memref<640x16xf32, #tpu.memory_space<vmem_shared>>
        tpu.enqueue_dma source(%dma_start3A_22 : memref<640x16xf32, #tpu.memory_space<vmem_shared>>) target(%dma_start3A_20 : memref<640x16xf32, #tpu.memory_space<hbm>>) target_semaphore(%run_scoped3A : memref<!tpu.dma_semaphore, #tpu.memory_space<semaphore_mem>>)
        %dma_wait3A = arith.constant 0 : i32
        %dma_wait3A_23 = tpu.memref_slice %arg6[%mul3A_19, %dma_wait3A] : memref<10240x16xf32, #tpu.memory_space<hbm>> -> memref<640x16xf32, #tpu.memory_space<hbm>>
        %dma_wait3A_24 = arith.constant 0 : i32
        %dma_wait3A_25 = tpu.memref_slice %arg10[%mul3A_17, %dma_wait3A_24] : memref<10240x16xf32, #tpu.memory_space<vmem_shared>> -> memref<640x16xf32, #tpu.memory_space<vmem_shared>>
        tpu.wait_dma2 semaphore(%run_scoped3A : memref<!tpu.dma_semaphore, #tpu.memory_space<semaphore_mem>>) src(%dma_wait3A_25 : memref<640x16xf32, #tpu.memory_space<vmem_shared>>) dst(%dma_wait3A_23 : memref<640x16xf32, #tpu.memory_space<hbm>>)
        tpu.yield
      }) : () -> ()
    } else {
    }
    return
  }
}

#map = affine_map<(d0, d1) -> (0, 0)>
#map1 = affine_map<(d0, d1) -> (0, 0, 0)>
module attributes {stable_mosaic.version = 14 : i64} {
  func.func @_agg_body(%arg0: i32, %arg1: i32, %arg2: memref<10240x64xbf16, #tpu.memory_space<hbm>>, %arg3: memref<32x80x128xi32, #tpu.memory_space<hbm>>, %arg4: memref<32x80x128xi32, #tpu.memory_space<hbm>>, %arg5: memref<640x64xbf16, #tpu.memory_space<hbm>>, %arg6: memref<10240x64xbf16, #tpu.memory_space<hbm>>, %arg7: memref<10240x64xbf16, #tpu.memory_space<hbm>>, %arg8: memref<10240x64xbf16, #tpu.memory_space<hbm>>, %arg9: memref<10240x64xbf16, #tpu.memory_space<hbm>>, %arg10: memref<80x128xi32, #tpu.memory_space<vmem>>, %arg11: memref<80x128xi32, #tpu.memory_space<vmem>>, %arg12: memref<128x64xbf16, #tpu.memory_space<vmem>>, %arg13: memref<128x64xbf16, #tpu.memory_space<vmem>>, %arg14: memref<128x64xbf16, #tpu.memory_space<vmem>>, %arg15: memref<128x64xbf16, #tpu.memory_space<vmem>>, %arg16: memref<128x64xbf16, #tpu.memory_space<vmem>>, %arg17: memref<128x64xbf16, #tpu.memory_space<vmem>>, %arg18: memref<128x64xbf16, #tpu.memory_space<vmem>>, %arg19: memref<128x64xbf16, #tpu.memory_space<vmem>>, %arg20: memref<640x64xbf16, #tpu.memory_space<vmem>>, %arg21: memref<10240x64xbf16, #tpu.memory_space<vmem_shared>>, %arg22: memref<10240x64xbf16, #tpu.memory_space<vmem_shared>>, %arg23: memref<!tpu.dma_semaphore, #tpu.memory_space<semaphore_mem>>, %arg24: memref<!tpu.dma_semaphore, #tpu.memory_space<semaphore_mem>>, %arg25: memref<!tpu.dma_semaphore, #tpu.memory_space<semaphore_mem>>, %arg26: memref<!tpu.dma_semaphore, #tpu.memory_space<semaphore_mem>>, %arg27: memref<!tpu.dma_semaphore, #tpu.memory_space<semaphore_mem>>, %arg28: memref<!tpu.dma_semaphore, #tpu.memory_space<semaphore_mem>>, %arg29: memref<!tpu.dma_semaphore, #tpu.memory_space<semaphore_mem>>, %arg30: memref<!tpu.dma_semaphore, #tpu.memory_space<semaphore_mem>>, %arg31: memref<!tpu.dma_semaphore, #tpu.memory_space<semaphore_mem>>, %arg32: memref<!tpu.dma_semaphore, #tpu.memory_space<semaphore_mem>>, %arg33: memref<!tpu.dma_semaphore, #tpu.memory_space<semaphore_mem>>, %arg34: memref<!tpu.dma_semaphore, #tpu.memory_space<semaphore_mem>>, %arg35: memref<!tpu.dma_semaphore, #tpu.memory_space<semaphore_mem>>, %arg36: memref<!tpu.dma_semaphore, #tpu.memory_space<semaphore_mem>>, %arg37: memref<!tpu.dma_semaphore, #tpu.memory_space<semaphore_mem>>, %arg38: memref<!tpu.dma_semaphore, #tpu.memory_space<semaphore_mem>>) attributes {dimension_semantics = [#tpu.dimension_semantics<core_parallel>, #tpu.dimension_semantics<subcore_parallel>], iteration_bounds = array<i64: 2, 16>, scalar_prefetch = 0 : i64, scratch_operands = 29 : i64, tpu.core_type = #tpu.core_type<sc_vector_subcore>, window_params = [{transform_indices = #map}, {transform_indices = #map1}, {transform_indices = #map1}, {transform_indices = #map}, {transform_indices = #map}, {transform_indices = #map}, {transform_indices = #map}, {transform_indices = #map}]} {
    %mul3A = arith.constant 2 : i32
    %mul3A_0 = arith.muli %arg1, %mul3A : i32
    %add3A = arith.addi %mul3A_0, %arg0 : i32
    "tpu.region"() ({
      %run_scoped3A = tpu.sem_alloc : memref<!tpu.dma_semaphore, #tpu.memory_space<semaphore_mem>>
      tpu.enqueue_dma source(%arg5 : memref<640x64xbf16, #tpu.memory_space<hbm>>) target(%arg20 : memref<640x64xbf16, #tpu.memory_space<vmem>>) target_semaphore(%run_scoped3A : memref<!tpu.dma_semaphore, #tpu.memory_space<semaphore_mem>>)
      tpu.wait_dma2 semaphore(%run_scoped3A : memref<!tpu.dma_semaphore, #tpu.memory_space<semaphore_mem>>) src(%arg5 : memref<640x64xbf16, #tpu.memory_space<hbm>>) dst(%arg20 : memref<640x64xbf16, #tpu.memory_space<vmem>>)
      tpu.yield
    }) : () -> ()
    %mul3A_1 = arith.constant 640 : i32
    %mul3A_2 = arith.muli %arg1, %mul3A_1 : i32
    "tpu.region"() ({
      %run_scoped3A = tpu.sem_alloc : memref<!tpu.dma_semaphore, #tpu.memory_space<semaphore_mem>>
      %dma_start3A_120 = arith.constant 0 : i32
      %dma_start3A_121 = tpu.memref_slice %arg21[%mul3A_2, %dma_start3A_120] : memref<10240x64xbf16, #tpu.memory_space<vmem_shared>> -> memref<640x64xbf16, #tpu.memory_space<vmem_shared>>
      %dma_start3A_122 = arith.constant 0 : i32
      %dma_start3A_123 = tpu.memref_slice %arg21[%mul3A_2, %dma_start3A_122] : memref<10240x64xbf16, #tpu.memory_space<vmem_shared>> -> memref<640x64xbf16, #tpu.memory_space<vmem_shared>>
      tpu.enqueue_dma source(%arg20 : memref<640x64xbf16, #tpu.memory_space<vmem>>) target(%dma_start3A_123 : memref<640x64xbf16, #tpu.memory_space<vmem_shared>>) target_semaphore(%run_scoped3A : memref<!tpu.dma_semaphore, #tpu.memory_space<semaphore_mem>>)
      %dma_wait3A_124 = arith.constant 0 : i32
      %dma_wait3A_125 = tpu.memref_slice %arg21[%mul3A_2, %dma_wait3A_124] : memref<10240x64xbf16, #tpu.memory_space<vmem_shared>> -> memref<640x64xbf16, #tpu.memory_space<vmem_shared>>
      %dma_wait3A_126 = arith.constant 0 : i32
      %dma_wait3A_127 = tpu.memref_slice %arg21[%mul3A_2, %dma_wait3A_126] : memref<10240x64xbf16, #tpu.memory_space<vmem_shared>> -> memref<640x64xbf16, #tpu.memory_space<vmem_shared>>
      tpu.wait_dma2 semaphore(%run_scoped3A : memref<!tpu.dma_semaphore, #tpu.memory_space<semaphore_mem>>) src(%arg20 : memref<640x64xbf16, #tpu.memory_space<vmem>>) dst(%dma_wait3A_127 : memref<640x64xbf16, #tpu.memory_space<vmem_shared>>)
      tpu.yield
    }) : () -> ()
    %mul3A_3 = arith.constant 640 : i32
    %mul3A_4 = arith.muli %arg1, %mul3A_3 : i32
    "tpu.region"() ({
      %run_scoped3A = tpu.sem_alloc : memref<!tpu.dma_semaphore, #tpu.memory_space<semaphore_mem>>
      %dma_start3A_120 = arith.constant 0 : i32
      %dma_start3A_121 = tpu.memref_slice %arg22[%mul3A_4, %dma_start3A_120] : memref<10240x64xbf16, #tpu.memory_space<vmem_shared>> -> memref<640x64xbf16, #tpu.memory_space<vmem_shared>>
      %dma_start3A_122 = arith.constant 0 : i32
      %dma_start3A_123 = tpu.memref_slice %arg22[%mul3A_4, %dma_start3A_122] : memref<10240x64xbf16, #tpu.memory_space<vmem_shared>> -> memref<640x64xbf16, #tpu.memory_space<vmem_shared>>
      tpu.enqueue_dma source(%arg20 : memref<640x64xbf16, #tpu.memory_space<vmem>>) target(%dma_start3A_123 : memref<640x64xbf16, #tpu.memory_space<vmem_shared>>) target_semaphore(%run_scoped3A : memref<!tpu.dma_semaphore, #tpu.memory_space<semaphore_mem>>)
      %dma_wait3A_124 = arith.constant 0 : i32
      %dma_wait3A_125 = tpu.memref_slice %arg22[%mul3A_4, %dma_wait3A_124] : memref<10240x64xbf16, #tpu.memory_space<vmem_shared>> -> memref<640x64xbf16, #tpu.memory_space<vmem_shared>>
      %dma_wait3A_126 = arith.constant 0 : i32
      %dma_wait3A_127 = tpu.memref_slice %arg22[%mul3A_4, %dma_wait3A_126] : memref<10240x64xbf16, #tpu.memory_space<vmem_shared>> -> memref<640x64xbf16, #tpu.memory_space<vmem_shared>>
      tpu.wait_dma2 semaphore(%run_scoped3A : memref<!tpu.dma_semaphore, #tpu.memory_space<semaphore_mem>>) src(%arg20 : memref<640x64xbf16, #tpu.memory_space<vmem>>) dst(%dma_wait3A_127 : memref<640x64xbf16, #tpu.memory_space<vmem_shared>>)
      tpu.yield
    }) : () -> ()
    "tpu.region"() ({
      %run_scoped3A = tpu.sem_alloc : memref<!tpu.dma_semaphore, #tpu.memory_space<semaphore_mem>>
      %dma_start3A_120 = arith.constant 0 : i32
      %dma_start3A_121 = arith.constant 0 : i32
      %dma_start3A_122 = tpu.memref_slice %arg3[%add3A, %dma_start3A_120, %dma_start3A_121] : memref<32x80x128xi32, #tpu.memory_space<hbm>> -> memref<1x80x128xi32, #tpu.memory_space<hbm>>
      %dma_start3A_123 = tpu.memref_squeeze %dma_start3A_122 : memref<1x80x128xi32, #tpu.memory_space<hbm>> -> memref<80x128xi32, #tpu.memory_space<hbm>>
      %dma_start3A_124 = arith.constant 0 : i32
      %dma_start3A_125 = arith.constant 0 : i32
      %dma_start3A_126 = tpu.memref_slice %arg3[%add3A, %dma_start3A_124, %dma_start3A_125] : memref<32x80x128xi32, #tpu.memory_space<hbm>> -> memref<1x80x128xi32, #tpu.memory_space<hbm>>
      %dma_start3A_127 = tpu.memref_squeeze %dma_start3A_126 : memref<1x80x128xi32, #tpu.memory_space<hbm>> -> memref<80x128xi32, #tpu.memory_space<hbm>>
      tpu.enqueue_dma source(%dma_start3A_127 : memref<80x128xi32, #tpu.memory_space<hbm>>) target(%arg10 : memref<80x128xi32, #tpu.memory_space<vmem>>) target_semaphore(%run_scoped3A : memref<!tpu.dma_semaphore, #tpu.memory_space<semaphore_mem>>)
      %dma_wait3A_128 = arith.constant 0 : i32
      %dma_wait3A_129 = arith.constant 0 : i32
      %dma_wait3A_130 = tpu.memref_slice %arg3[%add3A, %dma_wait3A_128, %dma_wait3A_129] : memref<32x80x128xi32, #tpu.memory_space<hbm>> -> memref<1x80x128xi32, #tpu.memory_space<hbm>>
      %dma_wait3A_131 = tpu.memref_squeeze %dma_wait3A_130 : memref<1x80x128xi32, #tpu.memory_space<hbm>> -> memref<80x128xi32, #tpu.memory_space<hbm>>
      %dma_wait3A_132 = arith.constant 0 : i32
      %dma_wait3A_133 = arith.constant 0 : i32
      %dma_wait3A_134 = tpu.memref_slice %arg3[%add3A, %dma_wait3A_132, %dma_wait3A_133] : memref<32x80x128xi32, #tpu.memory_space<hbm>> -> memref<1x80x128xi32, #tpu.memory_space<hbm>>
      %dma_wait3A_135 = tpu.memref_squeeze %dma_wait3A_134 : memref<1x80x128xi32, #tpu.memory_space<hbm>> -> memref<80x128xi32, #tpu.memory_space<hbm>>
      tpu.wait_dma2 semaphore(%run_scoped3A : memref<!tpu.dma_semaphore, #tpu.memory_space<semaphore_mem>>) src(%dma_wait3A_135 : memref<80x128xi32, #tpu.memory_space<hbm>>) dst(%arg10 : memref<80x128xi32, #tpu.memory_space<vmem>>)
      tpu.yield
    }) : () -> ()
    "tpu.region"() ({
      %run_scoped3A = tpu.sem_alloc : memref<!tpu.dma_semaphore, #tpu.memory_space<semaphore_mem>>
      %dma_start3A_120 = arith.constant 0 : i32
      %dma_start3A_121 = arith.constant 0 : i32
      %dma_start3A_122 = tpu.memref_slice %arg4[%add3A, %dma_start3A_120, %dma_start3A_121] : memref<32x80x128xi32, #tpu.memory_space<hbm>> -> memref<1x80x128xi32, #tpu.memory_space<hbm>>
      %dma_start3A_123 = tpu.memref_squeeze %dma_start3A_122 : memref<1x80x128xi32, #tpu.memory_space<hbm>> -> memref<80x128xi32, #tpu.memory_space<hbm>>
      %dma_start3A_124 = arith.constant 0 : i32
      %dma_start3A_125 = arith.constant 0 : i32
      %dma_start3A_126 = tpu.memref_slice %arg4[%add3A, %dma_start3A_124, %dma_start3A_125] : memref<32x80x128xi32, #tpu.memory_space<hbm>> -> memref<1x80x128xi32, #tpu.memory_space<hbm>>
      %dma_start3A_127 = tpu.memref_squeeze %dma_start3A_126 : memref<1x80x128xi32, #tpu.memory_space<hbm>> -> memref<80x128xi32, #tpu.memory_space<hbm>>
      tpu.enqueue_dma source(%dma_start3A_127 : memref<80x128xi32, #tpu.memory_space<hbm>>) target(%arg11 : memref<80x128xi32, #tpu.memory_space<vmem>>) target_semaphore(%run_scoped3A : memref<!tpu.dma_semaphore, #tpu.memory_space<semaphore_mem>>)
      %dma_wait3A_128 = arith.constant 0 : i32
      %dma_wait3A_129 = arith.constant 0 : i32
      %dma_wait3A_130 = tpu.memref_slice %arg4[%add3A, %dma_wait3A_128, %dma_wait3A_129] : memref<32x80x128xi32, #tpu.memory_space<hbm>> -> memref<1x80x128xi32, #tpu.memory_space<hbm>>
      %dma_wait3A_131 = tpu.memref_squeeze %dma_wait3A_130 : memref<1x80x128xi32, #tpu.memory_space<hbm>> -> memref<80x128xi32, #tpu.memory_space<hbm>>
      %dma_wait3A_132 = arith.constant 0 : i32
      %dma_wait3A_133 = arith.constant 0 : i32
      %dma_wait3A_134 = tpu.memref_slice %arg4[%add3A, %dma_wait3A_132, %dma_wait3A_133] : memref<32x80x128xi32, #tpu.memory_space<hbm>> -> memref<1x80x128xi32, #tpu.memory_space<hbm>>
      %dma_wait3A_135 = tpu.memref_squeeze %dma_wait3A_134 : memref<1x80x128xi32, #tpu.memory_space<hbm>> -> memref<80x128xi32, #tpu.memory_space<hbm>>
      tpu.wait_dma2 semaphore(%run_scoped3A : memref<!tpu.dma_semaphore, #tpu.memory_space<semaphore_mem>>) src(%dma_wait3A_135 : memref<80x128xi32, #tpu.memory_space<hbm>>) dst(%arg11 : memref<80x128xi32, #tpu.memory_space<vmem>>)
      tpu.yield
    }) : () -> ()
    %barrier3A = arith.constant 0 : index
    tpu.barrier barrier_id(%barrier3A)
    %dma_start3A = arith.constant 0 : i32
    %dma_start3A_5 = arith.constant 0 : i32
    %dma_start3A_6 = tpu.memref_slice %arg10[%dma_start3A, %dma_start3A_5] : memref<80x128xi32, #tpu.memory_space<vmem>> -> memref<1x128xi32, #tpu.memory_space<vmem>>
    %dma_start3A_7 = tpu.memref_squeeze %dma_start3A_6 : memref<1x128xi32, #tpu.memory_space<vmem>> -> memref<128xi32, #tpu.memory_space<vmem>>
    %dma_start3A_8 = arith.constant 0 : i32
    %dma_start3A_9 = arith.constant 0 : i32
    %dma_start3A_10 = tpu.memref_slice %arg2[%dma_start3A_8, %dma_start3A_9] : memref<10240x64xbf16, #tpu.memory_space<hbm>> -> memref<10240x64xbf16, #tpu.memory_space<hbm>>
    tpu.enqueue_indirect_dma source(%dma_start3A_10 : memref<10240x64xbf16, #tpu.memory_space<hbm>>) target(%arg12 : memref<128x64xbf16, #tpu.memory_space<vmem>>) offsets(%dma_start3A_7 : memref<128xi32, #tpu.memory_space<vmem>>) semaphore(%arg23 : memref<!tpu.dma_semaphore, #tpu.memory_space<semaphore_mem>>)
    %dma_start3A_11 = arith.constant 1 : i32
    %dma_start3A_12 = arith.constant 0 : i32
    %dma_start3A_13 = tpu.memref_slice %arg10[%dma_start3A_11, %dma_start3A_12] : memref<80x128xi32, #tpu.memory_space<vmem>> -> memref<1x128xi32, #tpu.memory_space<vmem>>
    %dma_start3A_14 = tpu.memref_squeeze %dma_start3A_13 : memref<1x128xi32, #tpu.memory_space<vmem>> -> memref<128xi32, #tpu.memory_space<vmem>>
    %dma_start3A_15 = arith.constant 0 : i32
    %dma_start3A_16 = arith.constant 0 : i32
    %dma_start3A_17 = tpu.memref_slice %arg2[%dma_start3A_15, %dma_start3A_16] : memref<10240x64xbf16, #tpu.memory_space<hbm>> -> memref<10240x64xbf16, #tpu.memory_space<hbm>>
    tpu.enqueue_indirect_dma source(%dma_start3A_17 : memref<10240x64xbf16, #tpu.memory_space<hbm>>) target(%arg13 : memref<128x64xbf16, #tpu.memory_space<vmem>>) offsets(%dma_start3A_14 : memref<128xi32, #tpu.memory_space<vmem>>) semaphore(%arg24 : memref<!tpu.dma_semaphore, #tpu.memory_space<semaphore_mem>>)
    %dma_start3A_18 = arith.constant 2 : i32
    %dma_start3A_19 = arith.constant 0 : i32
    %dma_start3A_20 = tpu.memref_slice %arg10[%dma_start3A_18, %dma_start3A_19] : memref<80x128xi32, #tpu.memory_space<vmem>> -> memref<1x128xi32, #tpu.memory_space<vmem>>
    %dma_start3A_21 = tpu.memref_squeeze %dma_start3A_20 : memref<1x128xi32, #tpu.memory_space<vmem>> -> memref<128xi32, #tpu.memory_space<vmem>>
    %dma_start3A_22 = arith.constant 0 : i32
    %dma_start3A_23 = arith.constant 0 : i32
    %dma_start3A_24 = tpu.memref_slice %arg2[%dma_start3A_22, %dma_start3A_23] : memref<10240x64xbf16, #tpu.memory_space<hbm>> -> memref<10240x64xbf16, #tpu.memory_space<hbm>>
    tpu.enqueue_indirect_dma source(%dma_start3A_24 : memref<10240x64xbf16, #tpu.memory_space<hbm>>) target(%arg14 : memref<128x64xbf16, #tpu.memory_space<vmem>>) offsets(%dma_start3A_21 : memref<128xi32, #tpu.memory_space<vmem>>) semaphore(%arg25 : memref<!tpu.dma_semaphore, #tpu.memory_space<semaphore_mem>>)
    %dma_start3A_25 = arith.constant 3 : i32
    %dma_start3A_26 = arith.constant 0 : i32
    %dma_start3A_27 = tpu.memref_slice %arg10[%dma_start3A_25, %dma_start3A_26] : memref<80x128xi32, #tpu.memory_space<vmem>> -> memref<1x128xi32, #tpu.memory_space<vmem>>
    %dma_start3A_28 = tpu.memref_squeeze %dma_start3A_27 : memref<1x128xi32, #tpu.memory_space<vmem>> -> memref<128xi32, #tpu.memory_space<vmem>>
    %dma_start3A_29 = arith.constant 0 : i32
    %dma_start3A_30 = arith.constant 0 : i32
    %dma_start3A_31 = tpu.memref_slice %arg2[%dma_start3A_29, %dma_start3A_30] : memref<10240x64xbf16, #tpu.memory_space<hbm>> -> memref<10240x64xbf16, #tpu.memory_space<hbm>>
    tpu.enqueue_indirect_dma source(%dma_start3A_31 : memref<10240x64xbf16, #tpu.memory_space<hbm>>) target(%arg15 : memref<128x64xbf16, #tpu.memory_space<vmem>>) offsets(%dma_start3A_28 : memref<128xi32, #tpu.memory_space<vmem>>) semaphore(%arg26 : memref<!tpu.dma_semaphore, #tpu.memory_space<semaphore_mem>>)
    %dma_start3A_32 = arith.constant 4 : i32
    %dma_start3A_33 = arith.constant 0 : i32
    %dma_start3A_34 = tpu.memref_slice %arg10[%dma_start3A_32, %dma_start3A_33] : memref<80x128xi32, #tpu.memory_space<vmem>> -> memref<1x128xi32, #tpu.memory_space<vmem>>
    %dma_start3A_35 = tpu.memref_squeeze %dma_start3A_34 : memref<1x128xi32, #tpu.memory_space<vmem>> -> memref<128xi32, #tpu.memory_space<vmem>>
    %dma_start3A_36 = arith.constant 0 : i32
    %dma_start3A_37 = arith.constant 0 : i32
    %dma_start3A_38 = tpu.memref_slice %arg2[%dma_start3A_36, %dma_start3A_37] : memref<10240x64xbf16, #tpu.memory_space<hbm>> -> memref<10240x64xbf16, #tpu.memory_space<hbm>>
    tpu.enqueue_indirect_dma source(%dma_start3A_38 : memref<10240x64xbf16, #tpu.memory_space<hbm>>) target(%arg16 : memref<128x64xbf16, #tpu.memory_space<vmem>>) offsets(%dma_start3A_35 : memref<128xi32, #tpu.memory_space<vmem>>) semaphore(%arg27 : memref<!tpu.dma_semaphore, #tpu.memory_space<semaphore_mem>>)
    %dma_start3A_39 = arith.constant 5 : i32
    %dma_start3A_40 = arith.constant 0 : i32
    %dma_start3A_41 = tpu.memref_slice %arg10[%dma_start3A_39, %dma_start3A_40] : memref<80x128xi32, #tpu.memory_space<vmem>> -> memref<1x128xi32, #tpu.memory_space<vmem>>
    %dma_start3A_42 = tpu.memref_squeeze %dma_start3A_41 : memref<1x128xi32, #tpu.memory_space<vmem>> -> memref<128xi32, #tpu.memory_space<vmem>>
    %dma_start3A_43 = arith.constant 0 : i32
    %dma_start3A_44 = arith.constant 0 : i32
    %dma_start3A_45 = tpu.memref_slice %arg2[%dma_start3A_43, %dma_start3A_44] : memref<10240x64xbf16, #tpu.memory_space<hbm>> -> memref<10240x64xbf16, #tpu.memory_space<hbm>>
    tpu.enqueue_indirect_dma source(%dma_start3A_45 : memref<10240x64xbf16, #tpu.memory_space<hbm>>) target(%arg17 : memref<128x64xbf16, #tpu.memory_space<vmem>>) offsets(%dma_start3A_42 : memref<128xi32, #tpu.memory_space<vmem>>) semaphore(%arg28 : memref<!tpu.dma_semaphore, #tpu.memory_space<semaphore_mem>>)
    %dma_start3A_46 = arith.constant 6 : i32
    %dma_start3A_47 = arith.constant 0 : i32
    %dma_start3A_48 = tpu.memref_slice %arg10[%dma_start3A_46, %dma_start3A_47] : memref<80x128xi32, #tpu.memory_space<vmem>> -> memref<1x128xi32, #tpu.memory_space<vmem>>
    %dma_start3A_49 = tpu.memref_squeeze %dma_start3A_48 : memref<1x128xi32, #tpu.memory_space<vmem>> -> memref<128xi32, #tpu.memory_space<vmem>>
    %dma_start3A_50 = arith.constant 0 : i32
    %dma_start3A_51 = arith.constant 0 : i32
    %dma_start3A_52 = tpu.memref_slice %arg2[%dma_start3A_50, %dma_start3A_51] : memref<10240x64xbf16, #tpu.memory_space<hbm>> -> memref<10240x64xbf16, #tpu.memory_space<hbm>>
    tpu.enqueue_indirect_dma source(%dma_start3A_52 : memref<10240x64xbf16, #tpu.memory_space<hbm>>) target(%arg18 : memref<128x64xbf16, #tpu.memory_space<vmem>>) offsets(%dma_start3A_49 : memref<128xi32, #tpu.memory_space<vmem>>) semaphore(%arg29 : memref<!tpu.dma_semaphore, #tpu.memory_space<semaphore_mem>>)
    %dma_start3A_53 = arith.constant 7 : i32
    %dma_start3A_54 = arith.constant 0 : i32
    %dma_start3A_55 = tpu.memref_slice %arg10[%dma_start3A_53, %dma_start3A_54] : memref<80x128xi32, #tpu.memory_space<vmem>> -> memref<1x128xi32, #tpu.memory_space<vmem>>
    %dma_start3A_56 = tpu.memref_squeeze %dma_start3A_55 : memref<1x128xi32, #tpu.memory_space<vmem>> -> memref<128xi32, #tpu.memory_space<vmem>>
    %dma_start3A_57 = arith.constant 0 : i32
    %dma_start3A_58 = arith.constant 0 : i32
    %dma_start3A_59 = tpu.memref_slice %arg2[%dma_start3A_57, %dma_start3A_58] : memref<10240x64xbf16, #tpu.memory_space<hbm>> -> memref<10240x64xbf16, #tpu.memory_space<hbm>>
    tpu.enqueue_indirect_dma source(%dma_start3A_59 : memref<10240x64xbf16, #tpu.memory_space<hbm>>) target(%arg19 : memref<128x64xbf16, #tpu.memory_space<vmem>>) offsets(%dma_start3A_56 : memref<128xi32, #tpu.memory_space<vmem>>) semaphore(%arg30 : memref<!tpu.dma_semaphore, #tpu.memory_space<semaphore_mem>>)
    %scan3A = arith.constant 0 : i32
    %scan3A_60 = arith.constant 0 : i32
    %scan3A_61 = arith.constant 10 : i32
    %scan3A_62 = arith.addi %scan3A_60, %scan3A_61 : i32
    %scan3A_63 = arith.constant 1 : i32
    scf.for %scan3A_120 = %scan3A_60 to %scan3A_62 step %scan3A_63  : i32 {
      %mul3A_121 = arith.constant 8 : i32
      %mul3A_122 = arith.muli %mul3A_121, %scan3A_120 : i32
      %dma_wait3A_123 = arith.constant 0 : i32
      %dma_wait3A_124 = arith.constant 0 : i32
      %dma_wait3A_125 = tpu.memref_slice %arg2[%dma_wait3A_123, %dma_wait3A_124] : memref<10240x64xbf16, #tpu.memory_space<hbm>> -> memref<128x64xbf16, #tpu.memory_space<hbm>>
      %dma_wait3A_126 = arith.constant 0 : i32
      %dma_wait3A_127 = arith.constant 0 : i32
      %dma_wait3A_128 = tpu.memref_slice %arg2[%dma_wait3A_126, %dma_wait3A_127] : memref<10240x64xbf16, #tpu.memory_space<hbm>> -> memref<128x64xbf16, #tpu.memory_space<hbm>>
      tpu.wait_dma2 semaphore(%arg23 : memref<!tpu.dma_semaphore, #tpu.memory_space<semaphore_mem>>) src(%dma_wait3A_128 : memref<128x64xbf16, #tpu.memory_space<hbm>>) dst(%arg12 : memref<128x64xbf16, #tpu.memory_space<vmem>>)
      %add3A_129 = arith.constant 0 : i32
      %add3A_130 = arith.addi %mul3A_122, %add3A_129 : i32
      %dma_start3A_131 = arith.constant 0 : i32
      %dma_start3A_132 = tpu.memref_slice %arg11[%add3A_130, %dma_start3A_131] : memref<80x128xi32, #tpu.memory_space<vmem>> -> memref<1x128xi32, #tpu.memory_space<vmem>>
      %dma_start3A_133 = tpu.memref_squeeze %dma_start3A_132 : memref<1x128xi32, #tpu.memory_space<vmem>> -> memref<128xi32, #tpu.memory_space<vmem>>
      %dma_start3A_134 = arith.constant 0 : i32
      %dma_start3A_135 = arith.constant 0 : i32
      %dma_start3A_136 = tpu.memref_slice %arg21[%dma_start3A_134, %dma_start3A_135] : memref<10240x64xbf16, #tpu.memory_space<vmem_shared>> -> memref<10240x64xbf16, #tpu.memory_space<vmem_shared>>
      tpu.enqueue_indirect_dma source(%arg12 : memref<128x64xbf16, #tpu.memory_space<vmem>>) target(%dma_start3A_136 : memref<10240x64xbf16, #tpu.memory_space<vmem_shared>>) offsets(%dma_start3A_133 : memref<128xi32, #tpu.memory_space<vmem>>) semaphore(%arg31 : memref<!tpu.dma_semaphore, #tpu.memory_space<semaphore_mem>>) {add = true}
      %dma_wait3A_137 = arith.constant 0 : i32
      %dma_wait3A_138 = arith.constant 0 : i32
      %dma_wait3A_139 = tpu.memref_slice %arg2[%dma_wait3A_137, %dma_wait3A_138] : memref<10240x64xbf16, #tpu.memory_space<hbm>> -> memref<128x64xbf16, #tpu.memory_space<hbm>>
      %dma_wait3A_140 = arith.constant 0 : i32
      %dma_wait3A_141 = arith.constant 0 : i32
      %dma_wait3A_142 = tpu.memref_slice %arg2[%dma_wait3A_140, %dma_wait3A_141] : memref<10240x64xbf16, #tpu.memory_space<hbm>> -> memref<128x64xbf16, #tpu.memory_space<hbm>>
      tpu.wait_dma2 semaphore(%arg24 : memref<!tpu.dma_semaphore, #tpu.memory_space<semaphore_mem>>) src(%dma_wait3A_142 : memref<128x64xbf16, #tpu.memory_space<hbm>>) dst(%arg13 : memref<128x64xbf16, #tpu.memory_space<vmem>>)
      %add3A_143 = arith.constant 1 : i32
      %add3A_144 = arith.addi %mul3A_122, %add3A_143 : i32
      %dma_start3A_145 = arith.constant 0 : i32
      %dma_start3A_146 = tpu.memref_slice %arg11[%add3A_144, %dma_start3A_145] : memref<80x128xi32, #tpu.memory_space<vmem>> -> memref<1x128xi32, #tpu.memory_space<vmem>>
      %dma_start3A_147 = tpu.memref_squeeze %dma_start3A_146 : memref<1x128xi32, #tpu.memory_space<vmem>> -> memref<128xi32, #tpu.memory_space<vmem>>
      %dma_start3A_148 = arith.constant 0 : i32
      %dma_start3A_149 = arith.constant 0 : i32
      %dma_start3A_150 = tpu.memref_slice %arg22[%dma_start3A_148, %dma_start3A_149] : memref<10240x64xbf16, #tpu.memory_space<vmem_shared>> -> memref<10240x64xbf16, #tpu.memory_space<vmem_shared>>
      tpu.enqueue_indirect_dma source(%arg13 : memref<128x64xbf16, #tpu.memory_space<vmem>>) target(%dma_start3A_150 : memref<10240x64xbf16, #tpu.memory_space<vmem_shared>>) offsets(%dma_start3A_147 : memref<128xi32, #tpu.memory_space<vmem>>) semaphore(%arg32 : memref<!tpu.dma_semaphore, #tpu.memory_space<semaphore_mem>>) {add = true}
      %dma_wait3A_151 = arith.constant 0 : i32
      %dma_wait3A_152 = arith.constant 0 : i32
      %dma_wait3A_153 = tpu.memref_slice %arg2[%dma_wait3A_151, %dma_wait3A_152] : memref<10240x64xbf16, #tpu.memory_space<hbm>> -> memref<128x64xbf16, #tpu.memory_space<hbm>>
      %dma_wait3A_154 = arith.constant 0 : i32
      %dma_wait3A_155 = arith.constant 0 : i32
      %dma_wait3A_156 = tpu.memref_slice %arg2[%dma_wait3A_154, %dma_wait3A_155] : memref<10240x64xbf16, #tpu.memory_space<hbm>> -> memref<128x64xbf16, #tpu.memory_space<hbm>>
      tpu.wait_dma2 semaphore(%arg25 : memref<!tpu.dma_semaphore, #tpu.memory_space<semaphore_mem>>) src(%dma_wait3A_156 : memref<128x64xbf16, #tpu.memory_space<hbm>>) dst(%arg14 : memref<128x64xbf16, #tpu.memory_space<vmem>>)
      %add3A_157 = arith.constant 2 : i32
      %add3A_158 = arith.addi %mul3A_122, %add3A_157 : i32
      %dma_start3A_159 = arith.constant 0 : i32
      %dma_start3A_160 = tpu.memref_slice %arg11[%add3A_158, %dma_start3A_159] : memref<80x128xi32, #tpu.memory_space<vmem>> -> memref<1x128xi32, #tpu.memory_space<vmem>>
      %dma_start3A_161 = tpu.memref_squeeze %dma_start3A_160 : memref<1x128xi32, #tpu.memory_space<vmem>> -> memref<128xi32, #tpu.memory_space<vmem>>
      %dma_start3A_162 = arith.constant 0 : i32
      %dma_start3A_163 = arith.constant 0 : i32
      %dma_start3A_164 = tpu.memref_slice %arg21[%dma_start3A_162, %dma_start3A_163] : memref<10240x64xbf16, #tpu.memory_space<vmem_shared>> -> memref<10240x64xbf16, #tpu.memory_space<vmem_shared>>
      tpu.enqueue_indirect_dma source(%arg14 : memref<128x64xbf16, #tpu.memory_space<vmem>>) target(%dma_start3A_164 : memref<10240x64xbf16, #tpu.memory_space<vmem_shared>>) offsets(%dma_start3A_161 : memref<128xi32, #tpu.memory_space<vmem>>) semaphore(%arg33 : memref<!tpu.dma_semaphore, #tpu.memory_space<semaphore_mem>>) {add = true}
      %dma_wait3A_165 = arith.constant 0 : i32
      %dma_wait3A_166 = arith.constant 0 : i32
      %dma_wait3A_167 = tpu.memref_slice %arg2[%dma_wait3A_165, %dma_wait3A_166] : memref<10240x64xbf16, #tpu.memory_space<hbm>> -> memref<128x64xbf16, #tpu.memory_space<hbm>>
      %dma_wait3A_168 = arith.constant 0 : i32
      %dma_wait3A_169 = arith.constant 0 : i32
      %dma_wait3A_170 = tpu.memref_slice %arg2[%dma_wait3A_168, %dma_wait3A_169] : memref<10240x64xbf16, #tpu.memory_space<hbm>> -> memref<128x64xbf16, #tpu.memory_space<hbm>>
      tpu.wait_dma2 semaphore(%arg26 : memref<!tpu.dma_semaphore, #tpu.memory_space<semaphore_mem>>) src(%dma_wait3A_170 : memref<128x64xbf16, #tpu.memory_space<hbm>>) dst(%arg15 : memref<128x64xbf16, #tpu.memory_space<vmem>>)
      %add3A_171 = arith.constant 3 : i32
      %add3A_172 = arith.addi %mul3A_122, %add3A_171 : i32
      %dma_start3A_173 = arith.constant 0 : i32
      %dma_start3A_174 = tpu.memref_slice %arg11[%add3A_172, %dma_start3A_173] : memref<80x128xi32, #tpu.memory_space<vmem>> -> memref<1x128xi32, #tpu.memory_space<vmem>>
      %dma_start3A_175 = tpu.memref_squeeze %dma_start3A_174 : memref<1x128xi32, #tpu.memory_space<vmem>> -> memref<128xi32, #tpu.memory_space<vmem>>
      %dma_start3A_176 = arith.constant 0 : i32
      %dma_start3A_177 = arith.constant 0 : i32
      %dma_start3A_178 = tpu.memref_slice %arg22[%dma_start3A_176, %dma_start3A_177] : memref<10240x64xbf16, #tpu.memory_space<vmem_shared>> -> memref<10240x64xbf16, #tpu.memory_space<vmem_shared>>
      tpu.enqueue_indirect_dma source(%arg15 : memref<128x64xbf16, #tpu.memory_space<vmem>>) target(%dma_start3A_178 : memref<10240x64xbf16, #tpu.memory_space<vmem_shared>>) offsets(%dma_start3A_175 : memref<128xi32, #tpu.memory_space<vmem>>) semaphore(%arg34 : memref<!tpu.dma_semaphore, #tpu.memory_space<semaphore_mem>>) {add = true}
      %dma_wait3A_179 = arith.constant 0 : i32
      %dma_wait3A_180 = arith.constant 0 : i32
      %dma_wait3A_181 = tpu.memref_slice %arg2[%dma_wait3A_179, %dma_wait3A_180] : memref<10240x64xbf16, #tpu.memory_space<hbm>> -> memref<128x64xbf16, #tpu.memory_space<hbm>>
      %dma_wait3A_182 = arith.constant 0 : i32
      %dma_wait3A_183 = arith.constant 0 : i32
      %dma_wait3A_184 = tpu.memref_slice %arg2[%dma_wait3A_182, %dma_wait3A_183] : memref<10240x64xbf16, #tpu.memory_space<hbm>> -> memref<128x64xbf16, #tpu.memory_space<hbm>>
      tpu.wait_dma2 semaphore(%arg27 : memref<!tpu.dma_semaphore, #tpu.memory_space<semaphore_mem>>) src(%dma_wait3A_184 : memref<128x64xbf16, #tpu.memory_space<hbm>>) dst(%arg16 : memref<128x64xbf16, #tpu.memory_space<vmem>>)
      %add3A_185 = arith.constant 4 : i32
      %add3A_186 = arith.addi %mul3A_122, %add3A_185 : i32
      %dma_start3A_187 = arith.constant 0 : i32
      %dma_start3A_188 = tpu.memref_slice %arg11[%add3A_186, %dma_start3A_187] : memref<80x128xi32, #tpu.memory_space<vmem>> -> memref<1x128xi32, #tpu.memory_space<vmem>>
      %dma_start3A_189 = tpu.memref_squeeze %dma_start3A_188 : memref<1x128xi32, #tpu.memory_space<vmem>> -> memref<128xi32, #tpu.memory_space<vmem>>
      %dma_start3A_190 = arith.constant 0 : i32
      %dma_start3A_191 = arith.constant 0 : i32
      %dma_start3A_192 = tpu.memref_slice %arg21[%dma_start3A_190, %dma_start3A_191] : memref<10240x64xbf16, #tpu.memory_space<vmem_shared>> -> memref<10240x64xbf16, #tpu.memory_space<vmem_shared>>
      tpu.enqueue_indirect_dma source(%arg16 : memref<128x64xbf16, #tpu.memory_space<vmem>>) target(%dma_start3A_192 : memref<10240x64xbf16, #tpu.memory_space<vmem_shared>>) offsets(%dma_start3A_189 : memref<128xi32, #tpu.memory_space<vmem>>) semaphore(%arg35 : memref<!tpu.dma_semaphore, #tpu.memory_space<semaphore_mem>>) {add = true}
      %dma_wait3A_193 = arith.constant 0 : i32
      %dma_wait3A_194 = arith.constant 0 : i32
      %dma_wait3A_195 = tpu.memref_slice %arg2[%dma_wait3A_193, %dma_wait3A_194] : memref<10240x64xbf16, #tpu.memory_space<hbm>> -> memref<128x64xbf16, #tpu.memory_space<hbm>>
      %dma_wait3A_196 = arith.constant 0 : i32
      %dma_wait3A_197 = arith.constant 0 : i32
      %dma_wait3A_198 = tpu.memref_slice %arg2[%dma_wait3A_196, %dma_wait3A_197] : memref<10240x64xbf16, #tpu.memory_space<hbm>> -> memref<128x64xbf16, #tpu.memory_space<hbm>>
      tpu.wait_dma2 semaphore(%arg28 : memref<!tpu.dma_semaphore, #tpu.memory_space<semaphore_mem>>) src(%dma_wait3A_198 : memref<128x64xbf16, #tpu.memory_space<hbm>>) dst(%arg17 : memref<128x64xbf16, #tpu.memory_space<vmem>>)
      %add3A_199 = arith.constant 5 : i32
      %add3A_200 = arith.addi %mul3A_122, %add3A_199 : i32
      %dma_start3A_201 = arith.constant 0 : i32
      %dma_start3A_202 = tpu.memref_slice %arg11[%add3A_200, %dma_start3A_201] : memref<80x128xi32, #tpu.memory_space<vmem>> -> memref<1x128xi32, #tpu.memory_space<vmem>>
      %dma_start3A_203 = tpu.memref_squeeze %dma_start3A_202 : memref<1x128xi32, #tpu.memory_space<vmem>> -> memref<128xi32, #tpu.memory_space<vmem>>
      %dma_start3A_204 = arith.constant 0 : i32
      %dma_start3A_205 = arith.constant 0 : i32
      %dma_start3A_206 = tpu.memref_slice %arg22[%dma_start3A_204, %dma_start3A_205] : memref<10240x64xbf16, #tpu.memory_space<vmem_shared>> -> memref<10240x64xbf16, #tpu.memory_space<vmem_shared>>
      tpu.enqueue_indirect_dma source(%arg17 : memref<128x64xbf16, #tpu.memory_space<vmem>>) target(%dma_start3A_206 : memref<10240x64xbf16, #tpu.memory_space<vmem_shared>>) offsets(%dma_start3A_203 : memref<128xi32, #tpu.memory_space<vmem>>) semaphore(%arg36 : memref<!tpu.dma_semaphore, #tpu.memory_space<semaphore_mem>>) {add = true}
      %dma_wait3A_207 = arith.constant 0 : i32
      %dma_wait3A_208 = arith.constant 0 : i32
      %dma_wait3A_209 = tpu.memref_slice %arg2[%dma_wait3A_207, %dma_wait3A_208] : memref<10240x64xbf16, #tpu.memory_space<hbm>> -> memref<128x64xbf16, #tpu.memory_space<hbm>>
      %dma_wait3A_210 = arith.constant 0 : i32
      %dma_wait3A_211 = arith.constant 0 : i32
      %dma_wait3A_212 = tpu.memref_slice %arg2[%dma_wait3A_210, %dma_wait3A_211] : memref<10240x64xbf16, #tpu.memory_space<hbm>> -> memref<128x64xbf16, #tpu.memory_space<hbm>>
      tpu.wait_dma2 semaphore(%arg29 : memref<!tpu.dma_semaphore, #tpu.memory_space<semaphore_mem>>) src(%dma_wait3A_212 : memref<128x64xbf16, #tpu.memory_space<hbm>>) dst(%arg18 : memref<128x64xbf16, #tpu.memory_space<vmem>>)
      %add3A_213 = arith.constant 6 : i32
      %add3A_214 = arith.addi %mul3A_122, %add3A_213 : i32
      %dma_start3A_215 = arith.constant 0 : i32
      %dma_start3A_216 = tpu.memref_slice %arg11[%add3A_214, %dma_start3A_215] : memref<80x128xi32, #tpu.memory_space<vmem>> -> memref<1x128xi32, #tpu.memory_space<vmem>>
      %dma_start3A_217 = tpu.memref_squeeze %dma_start3A_216 : memref<1x128xi32, #tpu.memory_space<vmem>> -> memref<128xi32, #tpu.memory_space<vmem>>
      %dma_start3A_218 = arith.constant 0 : i32
      %dma_start3A_219 = arith.constant 0 : i32
      %dma_start3A_220 = tpu.memref_slice %arg21[%dma_start3A_218, %dma_start3A_219] : memref<10240x64xbf16, #tpu.memory_space<vmem_shared>> -> memref<10240x64xbf16, #tpu.memory_space<vmem_shared>>
      tpu.enqueue_indirect_dma source(%arg18 : memref<128x64xbf16, #tpu.memory_space<vmem>>) target(%dma_start3A_220 : memref<10240x64xbf16, #tpu.memory_space<vmem_shared>>) offsets(%dma_start3A_217 : memref<128xi32, #tpu.memory_space<vmem>>) semaphore(%arg37 : memref<!tpu.dma_semaphore, #tpu.memory_space<semaphore_mem>>) {add = true}
      %dma_wait3A_221 = arith.constant 0 : i32
      %dma_wait3A_222 = arith.constant 0 : i32
      %dma_wait3A_223 = tpu.memref_slice %arg2[%dma_wait3A_221, %dma_wait3A_222] : memref<10240x64xbf16, #tpu.memory_space<hbm>> -> memref<128x64xbf16, #tpu.memory_space<hbm>>
      %dma_wait3A_224 = arith.constant 0 : i32
      %dma_wait3A_225 = arith.constant 0 : i32
      %dma_wait3A_226 = tpu.memref_slice %arg2[%dma_wait3A_224, %dma_wait3A_225] : memref<10240x64xbf16, #tpu.memory_space<hbm>> -> memref<128x64xbf16, #tpu.memory_space<hbm>>
      tpu.wait_dma2 semaphore(%arg30 : memref<!tpu.dma_semaphore, #tpu.memory_space<semaphore_mem>>) src(%dma_wait3A_226 : memref<128x64xbf16, #tpu.memory_space<hbm>>) dst(%arg19 : memref<128x64xbf16, #tpu.memory_space<vmem>>)
      %add3A_227 = arith.constant 7 : i32
      %add3A_228 = arith.addi %mul3A_122, %add3A_227 : i32
      %dma_start3A_229 = arith.constant 0 : i32
      %dma_start3A_230 = tpu.memref_slice %arg11[%add3A_228, %dma_start3A_229] : memref<80x128xi32, #tpu.memory_space<vmem>> -> memref<1x128xi32, #tpu.memory_space<vmem>>
      %dma_start3A_231 = tpu.memref_squeeze %dma_start3A_230 : memref<1x128xi32, #tpu.memory_space<vmem>> -> memref<128xi32, #tpu.memory_space<vmem>>
      %dma_start3A_232 = arith.constant 0 : i32
      %dma_start3A_233 = arith.constant 0 : i32
      %dma_start3A_234 = tpu.memref_slice %arg22[%dma_start3A_232, %dma_start3A_233] : memref<10240x64xbf16, #tpu.memory_space<vmem_shared>> -> memref<10240x64xbf16, #tpu.memory_space<vmem_shared>>
      tpu.enqueue_indirect_dma source(%arg19 : memref<128x64xbf16, #tpu.memory_space<vmem>>) target(%dma_start3A_234 : memref<10240x64xbf16, #tpu.memory_space<vmem_shared>>) offsets(%dma_start3A_231 : memref<128xi32, #tpu.memory_space<vmem>>) semaphore(%arg38 : memref<!tpu.dma_semaphore, #tpu.memory_space<semaphore_mem>>) {add = true}
      %add3A_235 = arith.constant 0 : i32
      %add3A_236 = arith.addi %mul3A_122, %add3A_235 : i32
      %add3A_237 = arith.constant 8 : i32
      %add3A_238 = arith.addi %add3A_236, %add3A_237 : i32
      %lt3A = arith.constant 80 : i32
      %lt3A_239 = arith.cmpi slt, %add3A_238, %lt3A : i32
      %convert_element_type3A_240 = arith.extui %lt3A_239 : i1 to i32
      %cond3A_241 = arith.constant 0 : i32
      %cond3A_242 = arith.cmpi ne, %convert_element_type3A_240, %cond3A_241 : i32
      scf.if %cond3A_242 {
        %dma_wait3A_306 = arith.constant 0 : i32
        %dma_wait3A_307 = arith.constant 0 : i32
        %dma_wait3A_308 = tpu.memref_slice %arg2[%dma_wait3A_306, %dma_wait3A_307] : memref<10240x64xbf16, #tpu.memory_space<hbm>> -> memref<128x64xbf16, #tpu.memory_space<hbm>>
        %dma_wait3A_309 = arith.constant 0 : i32
        %dma_wait3A_310 = arith.constant 0 : i32
        %dma_wait3A_311 = tpu.memref_slice %arg2[%dma_wait3A_309, %dma_wait3A_310] : memref<10240x64xbf16, #tpu.memory_space<hbm>> -> memref<128x64xbf16, #tpu.memory_space<hbm>>
        tpu.wait_dma2 semaphore(%arg31 : memref<!tpu.dma_semaphore, #tpu.memory_space<semaphore_mem>>) src(%dma_wait3A_311 : memref<128x64xbf16, #tpu.memory_space<hbm>>) dst(%arg12 : memref<128x64xbf16, #tpu.memory_space<vmem>>)
        %add3A_312 = arith.constant 0 : i32
        %add3A_313 = arith.addi %mul3A_122, %add3A_312 : i32
        %add3A_314 = arith.constant 8 : i32
        %add3A_315 = arith.addi %add3A_313, %add3A_314 : i32
        %dma_start3A_316 = arith.constant 0 : i32
        %dma_start3A_317 = tpu.memref_slice %arg10[%add3A_315, %dma_start3A_316] : memref<80x128xi32, #tpu.memory_space<vmem>> -> memref<1x128xi32, #tpu.memory_space<vmem>>
        %dma_start3A_318 = tpu.memref_squeeze %dma_start3A_317 : memref<1x128xi32, #tpu.memory_space<vmem>> -> memref<128xi32, #tpu.memory_space<vmem>>
        %dma_start3A_319 = arith.constant 0 : i32
        %dma_start3A_320 = arith.constant 0 : i32
        %dma_start3A_321 = tpu.memref_slice %arg2[%dma_start3A_319, %dma_start3A_320] : memref<10240x64xbf16, #tpu.memory_space<hbm>> -> memref<10240x64xbf16, #tpu.memory_space<hbm>>
        tpu.enqueue_indirect_dma source(%dma_start3A_321 : memref<10240x64xbf16, #tpu.memory_space<hbm>>) target(%arg12 : memref<128x64xbf16, #tpu.memory_space<vmem>>) offsets(%dma_start3A_318 : memref<128xi32, #tpu.memory_space<vmem>>) semaphore(%arg23 : memref<!tpu.dma_semaphore, #tpu.memory_space<semaphore_mem>>)
      } else {
      }
      %add3A_243 = arith.constant 1 : i32
      %add3A_244 = arith.addi %mul3A_122, %add3A_243 : i32
      %add3A_245 = arith.constant 8 : i32
      %add3A_246 = arith.addi %add3A_244, %add3A_245 : i32
      %lt3A_247 = arith.constant 80 : i32
      %lt3A_248 = arith.cmpi slt, %add3A_246, %lt3A_247 : i32
      %convert_element_type3A_249 = arith.extui %lt3A_248 : i1 to i32
      %cond3A_250 = arith.constant 0 : i32
      %cond3A_251 = arith.cmpi ne, %convert_element_type3A_249, %cond3A_250 : i32
      scf.if %cond3A_251 {
        %dma_wait3A_306 = arith.constant 0 : i32
        %dma_wait3A_307 = arith.constant 0 : i32
        %dma_wait3A_308 = tpu.memref_slice %arg2[%dma_wait3A_306, %dma_wait3A_307] : memref<10240x64xbf16, #tpu.memory_space<hbm>> -> memref<128x64xbf16, #tpu.memory_space<hbm>>
        %dma_wait3A_309 = arith.constant 0 : i32
        %dma_wait3A_310 = arith.constant 0 : i32
        %dma_wait3A_311 = tpu.memref_slice %arg2[%dma_wait3A_309, %dma_wait3A_310] : memref<10240x64xbf16, #tpu.memory_space<hbm>> -> memref<128x64xbf16, #tpu.memory_space<hbm>>
        tpu.wait_dma2 semaphore(%arg32 : memref<!tpu.dma_semaphore, #tpu.memory_space<semaphore_mem>>) src(%dma_wait3A_311 : memref<128x64xbf16, #tpu.memory_space<hbm>>) dst(%arg13 : memref<128x64xbf16, #tpu.memory_space<vmem>>)
        %add3A_312 = arith.constant 1 : i32
        %add3A_313 = arith.addi %mul3A_122, %add3A_312 : i32
        %add3A_314 = arith.constant 8 : i32
        %add3A_315 = arith.addi %add3A_313, %add3A_314 : i32
        %dma_start3A_316 = arith.constant 0 : i32
        %dma_start3A_317 = tpu.memref_slice %arg10[%add3A_315, %dma_start3A_316] : memref<80x128xi32, #tpu.memory_space<vmem>> -> memref<1x128xi32, #tpu.memory_space<vmem>>
        %dma_start3A_318 = tpu.memref_squeeze %dma_start3A_317 : memref<1x128xi32, #tpu.memory_space<vmem>> -> memref<128xi32, #tpu.memory_space<vmem>>
        %dma_start3A_319 = arith.constant 0 : i32
        %dma_start3A_320 = arith.constant 0 : i32
        %dma_start3A_321 = tpu.memref_slice %arg2[%dma_start3A_319, %dma_start3A_320] : memref<10240x64xbf16, #tpu.memory_space<hbm>> -> memref<10240x64xbf16, #tpu.memory_space<hbm>>
        tpu.enqueue_indirect_dma source(%dma_start3A_321 : memref<10240x64xbf16, #tpu.memory_space<hbm>>) target(%arg13 : memref<128x64xbf16, #tpu.memory_space<vmem>>) offsets(%dma_start3A_318 : memref<128xi32, #tpu.memory_space<vmem>>) semaphore(%arg24 : memref<!tpu.dma_semaphore, #tpu.memory_space<semaphore_mem>>)
      } else {
      }
      %add3A_252 = arith.constant 2 : i32
      %add3A_253 = arith.addi %mul3A_122, %add3A_252 : i32
      %add3A_254 = arith.constant 8 : i32
      %add3A_255 = arith.addi %add3A_253, %add3A_254 : i32
      %lt3A_256 = arith.constant 80 : i32
      %lt3A_257 = arith.cmpi slt, %add3A_255, %lt3A_256 : i32
      %convert_element_type3A_258 = arith.extui %lt3A_257 : i1 to i32
      %cond3A_259 = arith.constant 0 : i32
      %cond3A_260 = arith.cmpi ne, %convert_element_type3A_258, %cond3A_259 : i32
      scf.if %cond3A_260 {
        %dma_wait3A_306 = arith.constant 0 : i32
        %dma_wait3A_307 = arith.constant 0 : i32
        %dma_wait3A_308 = tpu.memref_slice %arg2[%dma_wait3A_306, %dma_wait3A_307] : memref<10240x64xbf16, #tpu.memory_space<hbm>> -> memref<128x64xbf16, #tpu.memory_space<hbm>>
        %dma_wait3A_309 = arith.constant 0 : i32
        %dma_wait3A_310 = arith.constant 0 : i32
        %dma_wait3A_311 = tpu.memref_slice %arg2[%dma_wait3A_309, %dma_wait3A_310] : memref<10240x64xbf16, #tpu.memory_space<hbm>> -> memref<128x64xbf16, #tpu.memory_space<hbm>>
        tpu.wait_dma2 semaphore(%arg33 : memref<!tpu.dma_semaphore, #tpu.memory_space<semaphore_mem>>) src(%dma_wait3A_311 : memref<128x64xbf16, #tpu.memory_space<hbm>>) dst(%arg14 : memref<128x64xbf16, #tpu.memory_space<vmem>>)
        %add3A_312 = arith.constant 2 : i32
        %add3A_313 = arith.addi %mul3A_122, %add3A_312 : i32
        %add3A_314 = arith.constant 8 : i32
        %add3A_315 = arith.addi %add3A_313, %add3A_314 : i32
        %dma_start3A_316 = arith.constant 0 : i32
        %dma_start3A_317 = tpu.memref_slice %arg10[%add3A_315, %dma_start3A_316] : memref<80x128xi32, #tpu.memory_space<vmem>> -> memref<1x128xi32, #tpu.memory_space<vmem>>
        %dma_start3A_318 = tpu.memref_squeeze %dma_start3A_317 : memref<1x128xi32, #tpu.memory_space<vmem>> -> memref<128xi32, #tpu.memory_space<vmem>>
        %dma_start3A_319 = arith.constant 0 : i32
        %dma_start3A_320 = arith.constant 0 : i32
        %dma_start3A_321 = tpu.memref_slice %arg2[%dma_start3A_319, %dma_start3A_320] : memref<10240x64xbf16, #tpu.memory_space<hbm>> -> memref<10240x64xbf16, #tpu.memory_space<hbm>>
        tpu.enqueue_indirect_dma source(%dma_start3A_321 : memref<10240x64xbf16, #tpu.memory_space<hbm>>) target(%arg14 : memref<128x64xbf16, #tpu.memory_space<vmem>>) offsets(%dma_start3A_318 : memref<128xi32, #tpu.memory_space<vmem>>) semaphore(%arg25 : memref<!tpu.dma_semaphore, #tpu.memory_space<semaphore_mem>>)
      } else {
      }
      %add3A_261 = arith.constant 3 : i32
      %add3A_262 = arith.addi %mul3A_122, %add3A_261 : i32
      %add3A_263 = arith.constant 8 : i32
      %add3A_264 = arith.addi %add3A_262, %add3A_263 : i32
      %lt3A_265 = arith.constant 80 : i32
      %lt3A_266 = arith.cmpi slt, %add3A_264, %lt3A_265 : i32
      %convert_element_type3A_267 = arith.extui %lt3A_266 : i1 to i32
      %cond3A_268 = arith.constant 0 : i32
      %cond3A_269 = arith.cmpi ne, %convert_element_type3A_267, %cond3A_268 : i32
      scf.if %cond3A_269 {
        %dma_wait3A_306 = arith.constant 0 : i32
        %dma_wait3A_307 = arith.constant 0 : i32
        %dma_wait3A_308 = tpu.memref_slice %arg2[%dma_wait3A_306, %dma_wait3A_307] : memref<10240x64xbf16, #tpu.memory_space<hbm>> -> memref<128x64xbf16, #tpu.memory_space<hbm>>
        %dma_wait3A_309 = arith.constant 0 : i32
        %dma_wait3A_310 = arith.constant 0 : i32
        %dma_wait3A_311 = tpu.memref_slice %arg2[%dma_wait3A_309, %dma_wait3A_310] : memref<10240x64xbf16, #tpu.memory_space<hbm>> -> memref<128x64xbf16, #tpu.memory_space<hbm>>
        tpu.wait_dma2 semaphore(%arg34 : memref<!tpu.dma_semaphore, #tpu.memory_space<semaphore_mem>>) src(%dma_wait3A_311 : memref<128x64xbf16, #tpu.memory_space<hbm>>) dst(%arg15 : memref<128x64xbf16, #tpu.memory_space<vmem>>)
        %add3A_312 = arith.constant 3 : i32
        %add3A_313 = arith.addi %mul3A_122, %add3A_312 : i32
        %add3A_314 = arith.constant 8 : i32
        %add3A_315 = arith.addi %add3A_313, %add3A_314 : i32
        %dma_start3A_316 = arith.constant 0 : i32
        %dma_start3A_317 = tpu.memref_slice %arg10[%add3A_315, %dma_start3A_316] : memref<80x128xi32, #tpu.memory_space<vmem>> -> memref<1x128xi32, #tpu.memory_space<vmem>>
        %dma_start3A_318 = tpu.memref_squeeze %dma_start3A_317 : memref<1x128xi32, #tpu.memory_space<vmem>> -> memref<128xi32, #tpu.memory_space<vmem>>
        %dma_start3A_319 = arith.constant 0 : i32
        %dma_start3A_320 = arith.constant 0 : i32
        %dma_start3A_321 = tpu.memref_slice %arg2[%dma_start3A_319, %dma_start3A_320] : memref<10240x64xbf16, #tpu.memory_space<hbm>> -> memref<10240x64xbf16, #tpu.memory_space<hbm>>
        tpu.enqueue_indirect_dma source(%dma_start3A_321 : memref<10240x64xbf16, #tpu.memory_space<hbm>>) target(%arg15 : memref<128x64xbf16, #tpu.memory_space<vmem>>) offsets(%dma_start3A_318 : memref<128xi32, #tpu.memory_space<vmem>>) semaphore(%arg26 : memref<!tpu.dma_semaphore, #tpu.memory_space<semaphore_mem>>)
      } else {
      }
      %add3A_270 = arith.constant 4 : i32
      %add3A_271 = arith.addi %mul3A_122, %add3A_270 : i32
      %add3A_272 = arith.constant 8 : i32
      %add3A_273 = arith.addi %add3A_271, %add3A_272 : i32
      %lt3A_274 = arith.constant 80 : i32
      %lt3A_275 = arith.cmpi slt, %add3A_273, %lt3A_274 : i32
      %convert_element_type3A_276 = arith.extui %lt3A_275 : i1 to i32
      %cond3A_277 = arith.constant 0 : i32
      %cond3A_278 = arith.cmpi ne, %convert_element_type3A_276, %cond3A_277 : i32
      scf.if %cond3A_278 {
        %dma_wait3A_306 = arith.constant 0 : i32
        %dma_wait3A_307 = arith.constant 0 : i32
        %dma_wait3A_308 = tpu.memref_slice %arg2[%dma_wait3A_306, %dma_wait3A_307] : memref<10240x64xbf16, #tpu.memory_space<hbm>> -> memref<128x64xbf16, #tpu.memory_space<hbm>>
        %dma_wait3A_309 = arith.constant 0 : i32
        %dma_wait3A_310 = arith.constant 0 : i32
        %dma_wait3A_311 = tpu.memref_slice %arg2[%dma_wait3A_309, %dma_wait3A_310] : memref<10240x64xbf16, #tpu.memory_space<hbm>> -> memref<128x64xbf16, #tpu.memory_space<hbm>>
        tpu.wait_dma2 semaphore(%arg35 : memref<!tpu.dma_semaphore, #tpu.memory_space<semaphore_mem>>) src(%dma_wait3A_311 : memref<128x64xbf16, #tpu.memory_space<hbm>>) dst(%arg16 : memref<128x64xbf16, #tpu.memory_space<vmem>>)
        %add3A_312 = arith.constant 4 : i32
        %add3A_313 = arith.addi %mul3A_122, %add3A_312 : i32
        %add3A_314 = arith.constant 8 : i32
        %add3A_315 = arith.addi %add3A_313, %add3A_314 : i32
        %dma_start3A_316 = arith.constant 0 : i32
        %dma_start3A_317 = tpu.memref_slice %arg10[%add3A_315, %dma_start3A_316] : memref<80x128xi32, #tpu.memory_space<vmem>> -> memref<1x128xi32, #tpu.memory_space<vmem>>
        %dma_start3A_318 = tpu.memref_squeeze %dma_start3A_317 : memref<1x128xi32, #tpu.memory_space<vmem>> -> memref<128xi32, #tpu.memory_space<vmem>>
        %dma_start3A_319 = arith.constant 0 : i32
        %dma_start3A_320 = arith.constant 0 : i32
        %dma_start3A_321 = tpu.memref_slice %arg2[%dma_start3A_319, %dma_start3A_320] : memref<10240x64xbf16, #tpu.memory_space<hbm>> -> memref<10240x64xbf16, #tpu.memory_space<hbm>>
        tpu.enqueue_indirect_dma source(%dma_start3A_321 : memref<10240x64xbf16, #tpu.memory_space<hbm>>) target(%arg16 : memref<128x64xbf16, #tpu.memory_space<vmem>>) offsets(%dma_start3A_318 : memref<128xi32, #tpu.memory_space<vmem>>) semaphore(%arg27 : memref<!tpu.dma_semaphore, #tpu.memory_space<semaphore_mem>>)
      } else {
      }
      %add3A_279 = arith.constant 5 : i32
      %add3A_280 = arith.addi %mul3A_122, %add3A_279 : i32
      %add3A_281 = arith.constant 8 : i32
      %add3A_282 = arith.addi %add3A_280, %add3A_281 : i32
      %lt3A_283 = arith.constant 80 : i32
      %lt3A_284 = arith.cmpi slt, %add3A_282, %lt3A_283 : i32
      %convert_element_type3A_285 = arith.extui %lt3A_284 : i1 to i32
      %cond3A_286 = arith.constant 0 : i32
      %cond3A_287 = arith.cmpi ne, %convert_element_type3A_285, %cond3A_286 : i32
      scf.if %cond3A_287 {
        %dma_wait3A_306 = arith.constant 0 : i32
        %dma_wait3A_307 = arith.constant 0 : i32
        %dma_wait3A_308 = tpu.memref_slice %arg2[%dma_wait3A_306, %dma_wait3A_307] : memref<10240x64xbf16, #tpu.memory_space<hbm>> -> memref<128x64xbf16, #tpu.memory_space<hbm>>
        %dma_wait3A_309 = arith.constant 0 : i32
        %dma_wait3A_310 = arith.constant 0 : i32
        %dma_wait3A_311 = tpu.memref_slice %arg2[%dma_wait3A_309, %dma_wait3A_310] : memref<10240x64xbf16, #tpu.memory_space<hbm>> -> memref<128x64xbf16, #tpu.memory_space<hbm>>
        tpu.wait_dma2 semaphore(%arg36 : memref<!tpu.dma_semaphore, #tpu.memory_space<semaphore_mem>>) src(%dma_wait3A_311 : memref<128x64xbf16, #tpu.memory_space<hbm>>) dst(%arg17 : memref<128x64xbf16, #tpu.memory_space<vmem>>)
        %add3A_312 = arith.constant 5 : i32
        %add3A_313 = arith.addi %mul3A_122, %add3A_312 : i32
        %add3A_314 = arith.constant 8 : i32
        %add3A_315 = arith.addi %add3A_313, %add3A_314 : i32
        %dma_start3A_316 = arith.constant 0 : i32
        %dma_start3A_317 = tpu.memref_slice %arg10[%add3A_315, %dma_start3A_316] : memref<80x128xi32, #tpu.memory_space<vmem>> -> memref<1x128xi32, #tpu.memory_space<vmem>>
        %dma_start3A_318 = tpu.memref_squeeze %dma_start3A_317 : memref<1x128xi32, #tpu.memory_space<vmem>> -> memref<128xi32, #tpu.memory_space<vmem>>
        %dma_start3A_319 = arith.constant 0 : i32
        %dma_start3A_320 = arith.constant 0 : i32
        %dma_start3A_321 = tpu.memref_slice %arg2[%dma_start3A_319, %dma_start3A_320] : memref<10240x64xbf16, #tpu.memory_space<hbm>> -> memref<10240x64xbf16, #tpu.memory_space<hbm>>
        tpu.enqueue_indirect_dma source(%dma_start3A_321 : memref<10240x64xbf16, #tpu.memory_space<hbm>>) target(%arg17 : memref<128x64xbf16, #tpu.memory_space<vmem>>) offsets(%dma_start3A_318 : memref<128xi32, #tpu.memory_space<vmem>>) semaphore(%arg28 : memref<!tpu.dma_semaphore, #tpu.memory_space<semaphore_mem>>)
      } else {
      }
      %add3A_288 = arith.constant 6 : i32
      %add3A_289 = arith.addi %mul3A_122, %add3A_288 : i32
      %add3A_290 = arith.constant 8 : i32
      %add3A_291 = arith.addi %add3A_289, %add3A_290 : i32
      %lt3A_292 = arith.constant 80 : i32
      %lt3A_293 = arith.cmpi slt, %add3A_291, %lt3A_292 : i32
      %convert_element_type3A_294 = arith.extui %lt3A_293 : i1 to i32
      %cond3A_295 = arith.constant 0 : i32
      %cond3A_296 = arith.cmpi ne, %convert_element_type3A_294, %cond3A_295 : i32
      scf.if %cond3A_296 {
        %dma_wait3A_306 = arith.constant 0 : i32
        %dma_wait3A_307 = arith.constant 0 : i32
        %dma_wait3A_308 = tpu.memref_slice %arg2[%dma_wait3A_306, %dma_wait3A_307] : memref<10240x64xbf16, #tpu.memory_space<hbm>> -> memref<128x64xbf16, #tpu.memory_space<hbm>>
        %dma_wait3A_309 = arith.constant 0 : i32
        %dma_wait3A_310 = arith.constant 0 : i32
        %dma_wait3A_311 = tpu.memref_slice %arg2[%dma_wait3A_309, %dma_wait3A_310] : memref<10240x64xbf16, #tpu.memory_space<hbm>> -> memref<128x64xbf16, #tpu.memory_space<hbm>>
        tpu.wait_dma2 semaphore(%arg37 : memref<!tpu.dma_semaphore, #tpu.memory_space<semaphore_mem>>) src(%dma_wait3A_311 : memref<128x64xbf16, #tpu.memory_space<hbm>>) dst(%arg18 : memref<128x64xbf16, #tpu.memory_space<vmem>>)
        %add3A_312 = arith.constant 6 : i32
        %add3A_313 = arith.addi %mul3A_122, %add3A_312 : i32
        %add3A_314 = arith.constant 8 : i32
        %add3A_315 = arith.addi %add3A_313, %add3A_314 : i32
        %dma_start3A_316 = arith.constant 0 : i32
        %dma_start3A_317 = tpu.memref_slice %arg10[%add3A_315, %dma_start3A_316] : memref<80x128xi32, #tpu.memory_space<vmem>> -> memref<1x128xi32, #tpu.memory_space<vmem>>
        %dma_start3A_318 = tpu.memref_squeeze %dma_start3A_317 : memref<1x128xi32, #tpu.memory_space<vmem>> -> memref<128xi32, #tpu.memory_space<vmem>>
        %dma_start3A_319 = arith.constant 0 : i32
        %dma_start3A_320 = arith.constant 0 : i32
        %dma_start3A_321 = tpu.memref_slice %arg2[%dma_start3A_319, %dma_start3A_320] : memref<10240x64xbf16, #tpu.memory_space<hbm>> -> memref<10240x64xbf16, #tpu.memory_space<hbm>>
        tpu.enqueue_indirect_dma source(%dma_start3A_321 : memref<10240x64xbf16, #tpu.memory_space<hbm>>) target(%arg18 : memref<128x64xbf16, #tpu.memory_space<vmem>>) offsets(%dma_start3A_318 : memref<128xi32, #tpu.memory_space<vmem>>) semaphore(%arg29 : memref<!tpu.dma_semaphore, #tpu.memory_space<semaphore_mem>>)
      } else {
      }
      %add3A_297 = arith.constant 7 : i32
      %add3A_298 = arith.addi %mul3A_122, %add3A_297 : i32
      %add3A_299 = arith.constant 8 : i32
      %add3A_300 = arith.addi %add3A_298, %add3A_299 : i32
      %lt3A_301 = arith.constant 80 : i32
      %lt3A_302 = arith.cmpi slt, %add3A_300, %lt3A_301 : i32
      %convert_element_type3A_303 = arith.extui %lt3A_302 : i1 to i32
      %cond3A_304 = arith.constant 0 : i32
      %cond3A_305 = arith.cmpi ne, %convert_element_type3A_303, %cond3A_304 : i32
      scf.if %cond3A_305 {
        %dma_wait3A_306 = arith.constant 0 : i32
        %dma_wait3A_307 = arith.constant 0 : i32
        %dma_wait3A_308 = tpu.memref_slice %arg2[%dma_wait3A_306, %dma_wait3A_307] : memref<10240x64xbf16, #tpu.memory_space<hbm>> -> memref<128x64xbf16, #tpu.memory_space<hbm>>
        %dma_wait3A_309 = arith.constant 0 : i32
        %dma_wait3A_310 = arith.constant 0 : i32
        %dma_wait3A_311 = tpu.memref_slice %arg2[%dma_wait3A_309, %dma_wait3A_310] : memref<10240x64xbf16, #tpu.memory_space<hbm>> -> memref<128x64xbf16, #tpu.memory_space<hbm>>
        tpu.wait_dma2 semaphore(%arg38 : memref<!tpu.dma_semaphore, #tpu.memory_space<semaphore_mem>>) src(%dma_wait3A_311 : memref<128x64xbf16, #tpu.memory_space<hbm>>) dst(%arg19 : memref<128x64xbf16, #tpu.memory_space<vmem>>)
        %add3A_312 = arith.constant 7 : i32
        %add3A_313 = arith.addi %mul3A_122, %add3A_312 : i32
        %add3A_314 = arith.constant 8 : i32
        %add3A_315 = arith.addi %add3A_313, %add3A_314 : i32
        %dma_start3A_316 = arith.constant 0 : i32
        %dma_start3A_317 = tpu.memref_slice %arg10[%add3A_315, %dma_start3A_316] : memref<80x128xi32, #tpu.memory_space<vmem>> -> memref<1x128xi32, #tpu.memory_space<vmem>>
        %dma_start3A_318 = tpu.memref_squeeze %dma_start3A_317 : memref<1x128xi32, #tpu.memory_space<vmem>> -> memref<128xi32, #tpu.memory_space<vmem>>
        %dma_start3A_319 = arith.constant 0 : i32
        %dma_start3A_320 = arith.constant 0 : i32
        %dma_start3A_321 = tpu.memref_slice %arg2[%dma_start3A_319, %dma_start3A_320] : memref<10240x64xbf16, #tpu.memory_space<hbm>> -> memref<10240x64xbf16, #tpu.memory_space<hbm>>
        tpu.enqueue_indirect_dma source(%dma_start3A_321 : memref<10240x64xbf16, #tpu.memory_space<hbm>>) target(%arg19 : memref<128x64xbf16, #tpu.memory_space<vmem>>) offsets(%dma_start3A_318 : memref<128xi32, #tpu.memory_space<vmem>>) semaphore(%arg30 : memref<!tpu.dma_semaphore, #tpu.memory_space<semaphore_mem>>)
      } else {
      }
    }
    %scan3A_64 = arith.constant 10 : i32
    %dma_wait3A = arith.constant 0 : i32
    %dma_wait3A_65 = arith.constant 0 : i32
    %dma_wait3A_66 = tpu.memref_slice %arg2[%dma_wait3A, %dma_wait3A_65] : memref<10240x64xbf16, #tpu.memory_space<hbm>> -> memref<128x64xbf16, #tpu.memory_space<hbm>>
    %dma_wait3A_67 = arith.constant 0 : i32
    %dma_wait3A_68 = arith.constant 0 : i32
    %dma_wait3A_69 = tpu.memref_slice %arg2[%dma_wait3A_67, %dma_wait3A_68] : memref<10240x64xbf16, #tpu.memory_space<hbm>> -> memref<128x64xbf16, #tpu.memory_space<hbm>>
    tpu.wait_dma2 semaphore(%arg31 : memref<!tpu.dma_semaphore, #tpu.memory_space<semaphore_mem>>) src(%dma_wait3A_69 : memref<128x64xbf16, #tpu.memory_space<hbm>>) dst(%arg12 : memref<128x64xbf16, #tpu.memory_space<vmem>>)
    %dma_wait3A_70 = arith.constant 0 : i32
    %dma_wait3A_71 = arith.constant 0 : i32
    %dma_wait3A_72 = tpu.memref_slice %arg2[%dma_wait3A_70, %dma_wait3A_71] : memref<10240x64xbf16, #tpu.memory_space<hbm>> -> memref<128x64xbf16, #tpu.memory_space<hbm>>
    %dma_wait3A_73 = arith.constant 0 : i32
    %dma_wait3A_74 = arith.constant 0 : i32
    %dma_wait3A_75 = tpu.memref_slice %arg2[%dma_wait3A_73, %dma_wait3A_74] : memref<10240x64xbf16, #tpu.memory_space<hbm>> -> memref<128x64xbf16, #tpu.memory_space<hbm>>
    tpu.wait_dma2 semaphore(%arg32 : memref<!tpu.dma_semaphore, #tpu.memory_space<semaphore_mem>>) src(%dma_wait3A_75 : memref<128x64xbf16, #tpu.memory_space<hbm>>) dst(%arg13 : memref<128x64xbf16, #tpu.memory_space<vmem>>)
    %dma_wait3A_76 = arith.constant 0 : i32
    %dma_wait3A_77 = arith.constant 0 : i32
    %dma_wait3A_78 = tpu.memref_slice %arg2[%dma_wait3A_76, %dma_wait3A_77] : memref<10240x64xbf16, #tpu.memory_space<hbm>> -> memref<128x64xbf16, #tpu.memory_space<hbm>>
    %dma_wait3A_79 = arith.constant 0 : i32
    %dma_wait3A_80 = arith.constant 0 : i32
    %dma_wait3A_81 = tpu.memref_slice %arg2[%dma_wait3A_79, %dma_wait3A_80] : memref<10240x64xbf16, #tpu.memory_space<hbm>> -> memref<128x64xbf16, #tpu.memory_space<hbm>>
    tpu.wait_dma2 semaphore(%arg33 : memref<!tpu.dma_semaphore, #tpu.memory_space<semaphore_mem>>) src(%dma_wait3A_81 : memref<128x64xbf16, #tpu.memory_space<hbm>>) dst(%arg14 : memref<128x64xbf16, #tpu.memory_space<vmem>>)
    %dma_wait3A_82 = arith.constant 0 : i32
    %dma_wait3A_83 = arith.constant 0 : i32
    %dma_wait3A_84 = tpu.memref_slice %arg2[%dma_wait3A_82, %dma_wait3A_83] : memref<10240x64xbf16, #tpu.memory_space<hbm>> -> memref<128x64xbf16, #tpu.memory_space<hbm>>
    %dma_wait3A_85 = arith.constant 0 : i32
    %dma_wait3A_86 = arith.constant 0 : i32
    %dma_wait3A_87 = tpu.memref_slice %arg2[%dma_wait3A_85, %dma_wait3A_86] : memref<10240x64xbf16, #tpu.memory_space<hbm>> -> memref<128x64xbf16, #tpu.memory_space<hbm>>
    tpu.wait_dma2 semaphore(%arg34 : memref<!tpu.dma_semaphore, #tpu.memory_space<semaphore_mem>>) src(%dma_wait3A_87 : memref<128x64xbf16, #tpu.memory_space<hbm>>) dst(%arg15 : memref<128x64xbf16, #tpu.memory_space<vmem>>)
    %dma_wait3A_88 = arith.constant 0 : i32
    %dma_wait3A_89 = arith.constant 0 : i32
    %dma_wait3A_90 = tpu.memref_slice %arg2[%dma_wait3A_88, %dma_wait3A_89] : memref<10240x64xbf16, #tpu.memory_space<hbm>> -> memref<128x64xbf16, #tpu.memory_space<hbm>>
    %dma_wait3A_91 = arith.constant 0 : i32
    %dma_wait3A_92 = arith.constant 0 : i32
    %dma_wait3A_93 = tpu.memref_slice %arg2[%dma_wait3A_91, %dma_wait3A_92] : memref<10240x64xbf16, #tpu.memory_space<hbm>> -> memref<128x64xbf16, #tpu.memory_space<hbm>>
    tpu.wait_dma2 semaphore(%arg35 : memref<!tpu.dma_semaphore, #tpu.memory_space<semaphore_mem>>) src(%dma_wait3A_93 : memref<128x64xbf16, #tpu.memory_space<hbm>>) dst(%arg16 : memref<128x64xbf16, #tpu.memory_space<vmem>>)
    %dma_wait3A_94 = arith.constant 0 : i32
    %dma_wait3A_95 = arith.constant 0 : i32
    %dma_wait3A_96 = tpu.memref_slice %arg2[%dma_wait3A_94, %dma_wait3A_95] : memref<10240x64xbf16, #tpu.memory_space<hbm>> -> memref<128x64xbf16, #tpu.memory_space<hbm>>
    %dma_wait3A_97 = arith.constant 0 : i32
    %dma_wait3A_98 = arith.constant 0 : i32
    %dma_wait3A_99 = tpu.memref_slice %arg2[%dma_wait3A_97, %dma_wait3A_98] : memref<10240x64xbf16, #tpu.memory_space<hbm>> -> memref<128x64xbf16, #tpu.memory_space<hbm>>
    tpu.wait_dma2 semaphore(%arg36 : memref<!tpu.dma_semaphore, #tpu.memory_space<semaphore_mem>>) src(%dma_wait3A_99 : memref<128x64xbf16, #tpu.memory_space<hbm>>) dst(%arg17 : memref<128x64xbf16, #tpu.memory_space<vmem>>)
    %dma_wait3A_100 = arith.constant 0 : i32
    %dma_wait3A_101 = arith.constant 0 : i32
    %dma_wait3A_102 = tpu.memref_slice %arg2[%dma_wait3A_100, %dma_wait3A_101] : memref<10240x64xbf16, #tpu.memory_space<hbm>> -> memref<128x64xbf16, #tpu.memory_space<hbm>>
    %dma_wait3A_103 = arith.constant 0 : i32
    %dma_wait3A_104 = arith.constant 0 : i32
    %dma_wait3A_105 = tpu.memref_slice %arg2[%dma_wait3A_103, %dma_wait3A_104] : memref<10240x64xbf16, #tpu.memory_space<hbm>> -> memref<128x64xbf16, #tpu.memory_space<hbm>>
    tpu.wait_dma2 semaphore(%arg37 : memref<!tpu.dma_semaphore, #tpu.memory_space<semaphore_mem>>) src(%dma_wait3A_105 : memref<128x64xbf16, #tpu.memory_space<hbm>>) dst(%arg18 : memref<128x64xbf16, #tpu.memory_space<vmem>>)
    %dma_wait3A_106 = arith.constant 0 : i32
    %dma_wait3A_107 = arith.constant 0 : i32
    %dma_wait3A_108 = tpu.memref_slice %arg2[%dma_wait3A_106, %dma_wait3A_107] : memref<10240x64xbf16, #tpu.memory_space<hbm>> -> memref<128x64xbf16, #tpu.memory_space<hbm>>
    %dma_wait3A_109 = arith.constant 0 : i32
    %dma_wait3A_110 = arith.constant 0 : i32
    %dma_wait3A_111 = tpu.memref_slice %arg2[%dma_wait3A_109, %dma_wait3A_110] : memref<10240x64xbf16, #tpu.memory_space<hbm>> -> memref<128x64xbf16, #tpu.memory_space<hbm>>
    tpu.wait_dma2 semaphore(%arg38 : memref<!tpu.dma_semaphore, #tpu.memory_space<semaphore_mem>>) src(%dma_wait3A_111 : memref<128x64xbf16, #tpu.memory_space<hbm>>) dst(%arg19 : memref<128x64xbf16, #tpu.memory_space<vmem>>)
    %barrier3A_112 = arith.constant 0 : index
    tpu.barrier barrier_id(%barrier3A_112)
    %eq3A = arith.constant 0 : i32
    %eq3A_113 = arith.cmpi eq, %arg0, %eq3A : i32
    %convert_element_type3A = arith.extui %eq3A_113 : i1 to i32
    %cond3A = arith.constant 0 : i32
    %cond3A_114 = arith.cmpi ne, %convert_element_type3A, %cond3A : i32
    scf.if %cond3A_114 {
      %mul3A_120 = arith.constant 640 : i32
      %mul3A_121 = arith.muli %arg1, %mul3A_120 : i32
      %mul3A_122 = arith.constant 640 : i32
      %mul3A_123 = arith.muli %arg1, %mul3A_122 : i32
      "tpu.region"() ({
        %run_scoped3A = tpu.sem_alloc : memref<!tpu.dma_semaphore, #tpu.memory_space<semaphore_mem>>
        %dma_start3A_128 = arith.constant 0 : i32
        %dma_start3A_129 = tpu.memref_slice %arg6[%mul3A_123, %dma_start3A_128] : memref<10240x64xbf16, #tpu.memory_space<hbm>> -> memref<640x64xbf16, #tpu.memory_space<hbm>>
        %dma_start3A_130 = arith.constant 0 : i32
        %dma_start3A_131 = tpu.memref_slice %arg21[%mul3A_121, %dma_start3A_130] : memref<10240x64xbf16, #tpu.memory_space<vmem_shared>> -> memref<640x64xbf16, #tpu.memory_space<vmem_shared>>
        tpu.enqueue_dma source(%dma_start3A_131 : memref<640x64xbf16, #tpu.memory_space<vmem_shared>>) target(%dma_start3A_129 : memref<640x64xbf16, #tpu.memory_space<hbm>>) target_semaphore(%run_scoped3A : memref<!tpu.dma_semaphore, #tpu.memory_space<semaphore_mem>>)
        %dma_wait3A_132 = arith.constant 0 : i32
        %dma_wait3A_133 = tpu.memref_slice %arg6[%mul3A_123, %dma_wait3A_132] : memref<10240x64xbf16, #tpu.memory_space<hbm>> -> memref<640x64xbf16, #tpu.memory_space<hbm>>
        %dma_wait3A_134 = arith.constant 0 : i32
        %dma_wait3A_135 = tpu.memref_slice %arg21[%mul3A_121, %dma_wait3A_134] : memref<10240x64xbf16, #tpu.memory_space<vmem_shared>> -> memref<640x64xbf16, #tpu.memory_space<vmem_shared>>
        tpu.wait_dma2 semaphore(%run_scoped3A : memref<!tpu.dma_semaphore, #tpu.memory_space<semaphore_mem>>) src(%dma_wait3A_135 : memref<640x64xbf16, #tpu.memory_space<vmem_shared>>) dst(%dma_wait3A_133 : memref<640x64xbf16, #tpu.memory_space<hbm>>)
        tpu.yield
      }) : () -> ()
      %mul3A_124 = arith.constant 640 : i32
      %mul3A_125 = arith.muli %arg1, %mul3A_124 : i32
      %mul3A_126 = arith.constant 640 : i32
      %mul3A_127 = arith.muli %arg1, %mul3A_126 : i32
      "tpu.region"() ({
        %run_scoped3A = tpu.sem_alloc : memref<!tpu.dma_semaphore, #tpu.memory_space<semaphore_mem>>
        %dma_start3A_128 = arith.constant 0 : i32
        %dma_start3A_129 = tpu.memref_slice %arg7[%mul3A_127, %dma_start3A_128] : memref<10240x64xbf16, #tpu.memory_space<hbm>> -> memref<640x64xbf16, #tpu.memory_space<hbm>>
        %dma_start3A_130 = arith.constant 0 : i32
        %dma_start3A_131 = tpu.memref_slice %arg22[%mul3A_125, %dma_start3A_130] : memref<10240x64xbf16, #tpu.memory_space<vmem_shared>> -> memref<640x64xbf16, #tpu.memory_space<vmem_shared>>
        tpu.enqueue_dma source(%dma_start3A_131 : memref<640x64xbf16, #tpu.memory_space<vmem_shared>>) target(%dma_start3A_129 : memref<640x64xbf16, #tpu.memory_space<hbm>>) target_semaphore(%run_scoped3A : memref<!tpu.dma_semaphore, #tpu.memory_space<semaphore_mem>>)
        %dma_wait3A_132 = arith.constant 0 : i32
        %dma_wait3A_133 = tpu.memref_slice %arg7[%mul3A_127, %dma_wait3A_132] : memref<10240x64xbf16, #tpu.memory_space<hbm>> -> memref<640x64xbf16, #tpu.memory_space<hbm>>
        %dma_wait3A_134 = arith.constant 0 : i32
        %dma_wait3A_135 = tpu.memref_slice %arg22[%mul3A_125, %dma_wait3A_134] : memref<10240x64xbf16, #tpu.memory_space<vmem_shared>> -> memref<640x64xbf16, #tpu.memory_space<vmem_shared>>
        tpu.wait_dma2 semaphore(%run_scoped3A : memref<!tpu.dma_semaphore, #tpu.memory_space<semaphore_mem>>) src(%dma_wait3A_135 : memref<640x64xbf16, #tpu.memory_space<vmem_shared>>) dst(%dma_wait3A_133 : memref<640x64xbf16, #tpu.memory_space<hbm>>)
        tpu.yield
      }) : () -> ()
    } else {
    }
    %eq3A_115 = arith.constant 1 : i32
    %eq3A_116 = arith.cmpi eq, %arg0, %eq3A_115 : i32
    %convert_element_type3A_117 = arith.extui %eq3A_116 : i1 to i32
    %cond3A_118 = arith.constant 0 : i32
    %cond3A_119 = arith.cmpi ne, %convert_element_type3A_117, %cond3A_118 : i32
    scf.if %cond3A_119 {
      %mul3A_120 = arith.constant 640 : i32
      %mul3A_121 = arith.muli %arg1, %mul3A_120 : i32
      %mul3A_122 = arith.constant 640 : i32
      %mul3A_123 = arith.muli %arg1, %mul3A_122 : i32
      "tpu.region"() ({
        %run_scoped3A = tpu.sem_alloc : memref<!tpu.dma_semaphore, #tpu.memory_space<semaphore_mem>>
        %dma_start3A_128 = arith.constant 0 : i32
        %dma_start3A_129 = tpu.memref_slice %arg8[%mul3A_123, %dma_start3A_128] : memref<10240x64xbf16, #tpu.memory_space<hbm>> -> memref<640x64xbf16, #tpu.memory_space<hbm>>
        %dma_start3A_130 = arith.constant 0 : i32
        %dma_start3A_131 = tpu.memref_slice %arg21[%mul3A_121, %dma_start3A_130] : memref<10240x64xbf16, #tpu.memory_space<vmem_shared>> -> memref<640x64xbf16, #tpu.memory_space<vmem_shared>>
        tpu.enqueue_dma source(%dma_start3A_131 : memref<640x64xbf16, #tpu.memory_space<vmem_shared>>) target(%dma_start3A_129 : memref<640x64xbf16, #tpu.memory_space<hbm>>) target_semaphore(%run_scoped3A : memref<!tpu.dma_semaphore, #tpu.memory_space<semaphore_mem>>)
        %dma_wait3A_132 = arith.constant 0 : i32
        %dma_wait3A_133 = tpu.memref_slice %arg8[%mul3A_123, %dma_wait3A_132] : memref<10240x64xbf16, #tpu.memory_space<hbm>> -> memref<640x64xbf16, #tpu.memory_space<hbm>>
        %dma_wait3A_134 = arith.constant 0 : i32
        %dma_wait3A_135 = tpu.memref_slice %arg21[%mul3A_121, %dma_wait3A_134] : memref<10240x64xbf16, #tpu.memory_space<vmem_shared>> -> memref<640x64xbf16, #tpu.memory_space<vmem_shared>>
        tpu.wait_dma2 semaphore(%run_scoped3A : memref<!tpu.dma_semaphore, #tpu.memory_space<semaphore_mem>>) src(%dma_wait3A_135 : memref<640x64xbf16, #tpu.memory_space<vmem_shared>>) dst(%dma_wait3A_133 : memref<640x64xbf16, #tpu.memory_space<hbm>>)
        tpu.yield
      }) : () -> ()
      %mul3A_124 = arith.constant 640 : i32
      %mul3A_125 = arith.muli %arg1, %mul3A_124 : i32
      %mul3A_126 = arith.constant 640 : i32
      %mul3A_127 = arith.muli %arg1, %mul3A_126 : i32
      "tpu.region"() ({
        %run_scoped3A = tpu.sem_alloc : memref<!tpu.dma_semaphore, #tpu.memory_space<semaphore_mem>>
        %dma_start3A_128 = arith.constant 0 : i32
        %dma_start3A_129 = tpu.memref_slice %arg9[%mul3A_127, %dma_start3A_128] : memref<10240x64xbf16, #tpu.memory_space<hbm>> -> memref<640x64xbf16, #tpu.memory_space<hbm>>
        %dma_start3A_130 = arith.constant 0 : i32
        %dma_start3A_131 = tpu.memref_slice %arg22[%mul3A_125, %dma_start3A_130] : memref<10240x64xbf16, #tpu.memory_space<vmem_shared>> -> memref<640x64xbf16, #tpu.memory_space<vmem_shared>>
        tpu.enqueue_dma source(%dma_start3A_131 : memref<640x64xbf16, #tpu.memory_space<vmem_shared>>) target(%dma_start3A_129 : memref<640x64xbf16, #tpu.memory_space<hbm>>) target_semaphore(%run_scoped3A : memref<!tpu.dma_semaphore, #tpu.memory_space<semaphore_mem>>)
        %dma_wait3A_132 = arith.constant 0 : i32
        %dma_wait3A_133 = tpu.memref_slice %arg9[%mul3A_127, %dma_wait3A_132] : memref<10240x64xbf16, #tpu.memory_space<hbm>> -> memref<640x64xbf16, #tpu.memory_space<hbm>>
        %dma_wait3A_134 = arith.constant 0 : i32
        %dma_wait3A_135 = tpu.memref_slice %arg22[%mul3A_125, %dma_wait3A_134] : memref<10240x64xbf16, #tpu.memory_space<vmem_shared>> -> memref<640x64xbf16, #tpu.memory_space<vmem_shared>>
        tpu.wait_dma2 semaphore(%run_scoped3A : memref<!tpu.dma_semaphore, #tpu.memory_space<semaphore_mem>>) src(%dma_wait3A_135 : memref<640x64xbf16, #tpu.memory_space<vmem_shared>>) dst(%dma_wait3A_133 : memref<640x64xbf16, #tpu.memory_space<hbm>>)
        tpu.yield
      }) : () -> ()
    } else {
    }
    return
  }
}

#map = affine_map<(d0, d1) -> (0, 0)>
#map1 = affine_map<(d0, d1) -> (0, 0, 0)>
module attributes {stable_mosaic.version = 14 : i64} {
  func.func @_agg_body(%arg0: i32, %arg1: i32, %arg2: memref<10240x64xbf16, #tpu.memory_space<hbm>>, %arg3: memref<32x80x128xi32, #tpu.memory_space<hbm>>, %arg4: memref<32x80x128xi32, #tpu.memory_space<hbm>>, %arg5: memref<640x64xbf16, #tpu.memory_space<hbm>>, %arg6: memref<10240x64xbf16, #tpu.memory_space<hbm>>, %arg7: memref<10240x64xbf16, #tpu.memory_space<hbm>>, %arg8: memref<10240x64xbf16, #tpu.memory_space<hbm>>, %arg9: memref<10240x64xbf16, #tpu.memory_space<hbm>>, %arg10: memref<80x128xi32, #tpu.memory_space<vmem>>, %arg11: memref<80x128xi32, #tpu.memory_space<vmem>>, %arg12: memref<128x64xbf16, #tpu.memory_space<vmem>>, %arg13: memref<128x64xbf16, #tpu.memory_space<vmem>>, %arg14: memref<128x64xbf16, #tpu.memory_space<vmem>>, %arg15: memref<128x64xbf16, #tpu.memory_space<vmem>>, %arg16: memref<128x64xbf16, #tpu.memory_space<vmem>>, %arg17: memref<128x64xbf16, #tpu.memory_space<vmem>>, %arg18: memref<128x64xbf16, #tpu.memory_space<vmem>>, %arg19: memref<128x64xbf16, #tpu.memory_space<vmem>>, %arg20: memref<640x64xbf16, #tpu.memory_space<vmem>>, %arg21: memref<10240x64xbf16, #tpu.memory_space<vmem_shared>>, %arg22: memref<10240x64xbf16, #tpu.memory_space<vmem_shared>>, %arg23: memref<!tpu.dma_semaphore, #tpu.memory_space<semaphore_mem>>, %arg24: memref<!tpu.dma_semaphore, #tpu.memory_space<semaphore_mem>>, %arg25: memref<!tpu.dma_semaphore, #tpu.memory_space<semaphore_mem>>, %arg26: memref<!tpu.dma_semaphore, #tpu.memory_space<semaphore_mem>>, %arg27: memref<!tpu.dma_semaphore, #tpu.memory_space<semaphore_mem>>, %arg28: memref<!tpu.dma_semaphore, #tpu.memory_space<semaphore_mem>>, %arg29: memref<!tpu.dma_semaphore, #tpu.memory_space<semaphore_mem>>, %arg30: memref<!tpu.dma_semaphore, #tpu.memory_space<semaphore_mem>>, %arg31: memref<!tpu.dma_semaphore, #tpu.memory_space<semaphore_mem>>, %arg32: memref<!tpu.dma_semaphore, #tpu.memory_space<semaphore_mem>>, %arg33: memref<!tpu.dma_semaphore, #tpu.memory_space<semaphore_mem>>, %arg34: memref<!tpu.dma_semaphore, #tpu.memory_space<semaphore_mem>>, %arg35: memref<!tpu.dma_semaphore, #tpu.memory_space<semaphore_mem>>, %arg36: memref<!tpu.dma_semaphore, #tpu.memory_space<semaphore_mem>>, %arg37: memref<!tpu.dma_semaphore, #tpu.memory_space<semaphore_mem>>, %arg38: memref<!tpu.dma_semaphore, #tpu.memory_space<semaphore_mem>>) attributes {dimension_semantics = [#tpu.dimension_semantics<core_parallel>, #tpu.dimension_semantics<subcore_parallel>], iteration_bounds = array<i64: 2, 16>, scalar_prefetch = 0 : i64, scratch_operands = 29 : i64, tpu.core_type = #tpu.core_type<sc_vector_subcore>, window_params = [{transform_indices = #map}, {transform_indices = #map1}, {transform_indices = #map1}, {transform_indices = #map}, {transform_indices = #map}, {transform_indices = #map}, {transform_indices = #map}, {transform_indices = #map}]} {
    %mul3A = arith.constant 2 : i32
    %mul3A_0 = arith.muli %arg1, %mul3A : i32
    %add3A = arith.addi %mul3A_0, %arg0 : i32
    "tpu.region"() ({
      %run_scoped3A = tpu.sem_alloc : memref<!tpu.dma_semaphore, #tpu.memory_space<semaphore_mem>>
      tpu.enqueue_dma source(%arg5 : memref<640x64xbf16, #tpu.memory_space<hbm>>) target(%arg20 : memref<640x64xbf16, #tpu.memory_space<vmem>>) target_semaphore(%run_scoped3A : memref<!tpu.dma_semaphore, #tpu.memory_space<semaphore_mem>>)
      tpu.wait_dma2 semaphore(%run_scoped3A : memref<!tpu.dma_semaphore, #tpu.memory_space<semaphore_mem>>) src(%arg5 : memref<640x64xbf16, #tpu.memory_space<hbm>>) dst(%arg20 : memref<640x64xbf16, #tpu.memory_space<vmem>>)
      tpu.yield
    }) : () -> ()
    %mul3A_1 = arith.constant 640 : i32
    %mul3A_2 = arith.muli %arg1, %mul3A_1 : i32
    "tpu.region"() ({
      %run_scoped3A = tpu.sem_alloc : memref<!tpu.dma_semaphore, #tpu.memory_space<semaphore_mem>>
      %dma_start3A_120 = arith.constant 0 : i32
      %dma_start3A_121 = tpu.memref_slice %arg21[%mul3A_2, %dma_start3A_120] : memref<10240x64xbf16, #tpu.memory_space<vmem_shared>> -> memref<640x64xbf16, #tpu.memory_space<vmem_shared>>
      %dma_start3A_122 = arith.constant 0 : i32
      %dma_start3A_123 = tpu.memref_slice %arg21[%mul3A_2, %dma_start3A_122] : memref<10240x64xbf16, #tpu.memory_space<vmem_shared>> -> memref<640x64xbf16, #tpu.memory_space<vmem_shared>>
      tpu.enqueue_dma source(%arg20 : memref<640x64xbf16, #tpu.memory_space<vmem>>) target(%dma_start3A_123 : memref<640x64xbf16, #tpu.memory_space<vmem_shared>>) target_semaphore(%run_scoped3A : memref<!tpu.dma_semaphore, #tpu.memory_space<semaphore_mem>>)
      %dma_wait3A_124 = arith.constant 0 : i32
      %dma_wait3A_125 = tpu.memref_slice %arg21[%mul3A_2, %dma_wait3A_124] : memref<10240x64xbf16, #tpu.memory_space<vmem_shared>> -> memref<640x64xbf16, #tpu.memory_space<vmem_shared>>
      %dma_wait3A_126 = arith.constant 0 : i32
      %dma_wait3A_127 = tpu.memref_slice %arg21[%mul3A_2, %dma_wait3A_126] : memref<10240x64xbf16, #tpu.memory_space<vmem_shared>> -> memref<640x64xbf16, #tpu.memory_space<vmem_shared>>
      tpu.wait_dma2 semaphore(%run_scoped3A : memref<!tpu.dma_semaphore, #tpu.memory_space<semaphore_mem>>) src(%arg20 : memref<640x64xbf16, #tpu.memory_space<vmem>>) dst(%dma_wait3A_127 : memref<640x64xbf16, #tpu.memory_space<vmem_shared>>)
      tpu.yield
    }) : () -> ()
    %mul3A_3 = arith.constant 640 : i32
    %mul3A_4 = arith.muli %arg1, %mul3A_3 : i32
    "tpu.region"() ({
      %run_scoped3A = tpu.sem_alloc : memref<!tpu.dma_semaphore, #tpu.memory_space<semaphore_mem>>
      %dma_start3A_120 = arith.constant 0 : i32
      %dma_start3A_121 = tpu.memref_slice %arg22[%mul3A_4, %dma_start3A_120] : memref<10240x64xbf16, #tpu.memory_space<vmem_shared>> -> memref<640x64xbf16, #tpu.memory_space<vmem_shared>>
      %dma_start3A_122 = arith.constant 0 : i32
      %dma_start3A_123 = tpu.memref_slice %arg22[%mul3A_4, %dma_start3A_122] : memref<10240x64xbf16, #tpu.memory_space<vmem_shared>> -> memref<640x64xbf16, #tpu.memory_space<vmem_shared>>
      tpu.enqueue_dma source(%arg20 : memref<640x64xbf16, #tpu.memory_space<vmem>>) target(%dma_start3A_123 : memref<640x64xbf16, #tpu.memory_space<vmem_shared>>) target_semaphore(%run_scoped3A : memref<!tpu.dma_semaphore, #tpu.memory_space<semaphore_mem>>)
      %dma_wait3A_124 = arith.constant 0 : i32
      %dma_wait3A_125 = tpu.memref_slice %arg22[%mul3A_4, %dma_wait3A_124] : memref<10240x64xbf16, #tpu.memory_space<vmem_shared>> -> memref<640x64xbf16, #tpu.memory_space<vmem_shared>>
      %dma_wait3A_126 = arith.constant 0 : i32
      %dma_wait3A_127 = tpu.memref_slice %arg22[%mul3A_4, %dma_wait3A_126] : memref<10240x64xbf16, #tpu.memory_space<vmem_shared>> -> memref<640x64xbf16, #tpu.memory_space<vmem_shared>>
      tpu.wait_dma2 semaphore(%run_scoped3A : memref<!tpu.dma_semaphore, #tpu.memory_space<semaphore_mem>>) src(%arg20 : memref<640x64xbf16, #tpu.memory_space<vmem>>) dst(%dma_wait3A_127 : memref<640x64xbf16, #tpu.memory_space<vmem_shared>>)
      tpu.yield
    }) : () -> ()
    "tpu.region"() ({
      %run_scoped3A = tpu.sem_alloc : memref<!tpu.dma_semaphore, #tpu.memory_space<semaphore_mem>>
      %dma_start3A_120 = arith.constant 0 : i32
      %dma_start3A_121 = arith.constant 0 : i32
      %dma_start3A_122 = tpu.memref_slice %arg3[%add3A, %dma_start3A_120, %dma_start3A_121] : memref<32x80x128xi32, #tpu.memory_space<hbm>> -> memref<1x80x128xi32, #tpu.memory_space<hbm>>
      %dma_start3A_123 = tpu.memref_squeeze %dma_start3A_122 : memref<1x80x128xi32, #tpu.memory_space<hbm>> -> memref<80x128xi32, #tpu.memory_space<hbm>>
      %dma_start3A_124 = arith.constant 0 : i32
      %dma_start3A_125 = arith.constant 0 : i32
      %dma_start3A_126 = tpu.memref_slice %arg3[%add3A, %dma_start3A_124, %dma_start3A_125] : memref<32x80x128xi32, #tpu.memory_space<hbm>> -> memref<1x80x128xi32, #tpu.memory_space<hbm>>
      %dma_start3A_127 = tpu.memref_squeeze %dma_start3A_126 : memref<1x80x128xi32, #tpu.memory_space<hbm>> -> memref<80x128xi32, #tpu.memory_space<hbm>>
      tpu.enqueue_dma source(%dma_start3A_127 : memref<80x128xi32, #tpu.memory_space<hbm>>) target(%arg10 : memref<80x128xi32, #tpu.memory_space<vmem>>) target_semaphore(%run_scoped3A : memref<!tpu.dma_semaphore, #tpu.memory_space<semaphore_mem>>)
      %dma_wait3A_128 = arith.constant 0 : i32
      %dma_wait3A_129 = arith.constant 0 : i32
      %dma_wait3A_130 = tpu.memref_slice %arg3[%add3A, %dma_wait3A_128, %dma_wait3A_129] : memref<32x80x128xi32, #tpu.memory_space<hbm>> -> memref<1x80x128xi32, #tpu.memory_space<hbm>>
      %dma_wait3A_131 = tpu.memref_squeeze %dma_wait3A_130 : memref<1x80x128xi32, #tpu.memory_space<hbm>> -> memref<80x128xi32, #tpu.memory_space<hbm>>
      %dma_wait3A_132 = arith.constant 0 : i32
      %dma_wait3A_133 = arith.constant 0 : i32
      %dma_wait3A_134 = tpu.memref_slice %arg3[%add3A, %dma_wait3A_132, %dma_wait3A_133] : memref<32x80x128xi32, #tpu.memory_space<hbm>> -> memref<1x80x128xi32, #tpu.memory_space<hbm>>
      %dma_wait3A_135 = tpu.memref_squeeze %dma_wait3A_134 : memref<1x80x128xi32, #tpu.memory_space<hbm>> -> memref<80x128xi32, #tpu.memory_space<hbm>>
      tpu.wait_dma2 semaphore(%run_scoped3A : memref<!tpu.dma_semaphore, #tpu.memory_space<semaphore_mem>>) src(%dma_wait3A_135 : memref<80x128xi32, #tpu.memory_space<hbm>>) dst(%arg10 : memref<80x128xi32, #tpu.memory_space<vmem>>)
      tpu.yield
    }) : () -> ()
    "tpu.region"() ({
      %run_scoped3A = tpu.sem_alloc : memref<!tpu.dma_semaphore, #tpu.memory_space<semaphore_mem>>
      %dma_start3A_120 = arith.constant 0 : i32
      %dma_start3A_121 = arith.constant 0 : i32
      %dma_start3A_122 = tpu.memref_slice %arg4[%add3A, %dma_start3A_120, %dma_start3A_121] : memref<32x80x128xi32, #tpu.memory_space<hbm>> -> memref<1x80x128xi32, #tpu.memory_space<hbm>>
      %dma_start3A_123 = tpu.memref_squeeze %dma_start3A_122 : memref<1x80x128xi32, #tpu.memory_space<hbm>> -> memref<80x128xi32, #tpu.memory_space<hbm>>
      %dma_start3A_124 = arith.constant 0 : i32
      %dma_start3A_125 = arith.constant 0 : i32
      %dma_start3A_126 = tpu.memref_slice %arg4[%add3A, %dma_start3A_124, %dma_start3A_125] : memref<32x80x128xi32, #tpu.memory_space<hbm>> -> memref<1x80x128xi32, #tpu.memory_space<hbm>>
      %dma_start3A_127 = tpu.memref_squeeze %dma_start3A_126 : memref<1x80x128xi32, #tpu.memory_space<hbm>> -> memref<80x128xi32, #tpu.memory_space<hbm>>
      tpu.enqueue_dma source(%dma_start3A_127 : memref<80x128xi32, #tpu.memory_space<hbm>>) target(%arg11 : memref<80x128xi32, #tpu.memory_space<vmem>>) target_semaphore(%run_scoped3A : memref<!tpu.dma_semaphore, #tpu.memory_space<semaphore_mem>>)
      %dma_wait3A_128 = arith.constant 0 : i32
      %dma_wait3A_129 = arith.constant 0 : i32
      %dma_wait3A_130 = tpu.memref_slice %arg4[%add3A, %dma_wait3A_128, %dma_wait3A_129] : memref<32x80x128xi32, #tpu.memory_space<hbm>> -> memref<1x80x128xi32, #tpu.memory_space<hbm>>
      %dma_wait3A_131 = tpu.memref_squeeze %dma_wait3A_130 : memref<1x80x128xi32, #tpu.memory_space<hbm>> -> memref<80x128xi32, #tpu.memory_space<hbm>>
      %dma_wait3A_132 = arith.constant 0 : i32
      %dma_wait3A_133 = arith.constant 0 : i32
      %dma_wait3A_134 = tpu.memref_slice %arg4[%add3A, %dma_wait3A_132, %dma_wait3A_133] : memref<32x80x128xi32, #tpu.memory_space<hbm>> -> memref<1x80x128xi32, #tpu.memory_space<hbm>>
      %dma_wait3A_135 = tpu.memref_squeeze %dma_wait3A_134 : memref<1x80x128xi32, #tpu.memory_space<hbm>> -> memref<80x128xi32, #tpu.memory_space<hbm>>
      tpu.wait_dma2 semaphore(%run_scoped3A : memref<!tpu.dma_semaphore, #tpu.memory_space<semaphore_mem>>) src(%dma_wait3A_135 : memref<80x128xi32, #tpu.memory_space<hbm>>) dst(%arg11 : memref<80x128xi32, #tpu.memory_space<vmem>>)
      tpu.yield
    }) : () -> ()
    %barrier3A = arith.constant 0 : index
    tpu.barrier barrier_id(%barrier3A)
    %dma_start3A = arith.constant 0 : i32
    %dma_start3A_5 = arith.constant 0 : i32
    %dma_start3A_6 = tpu.memref_slice %arg10[%dma_start3A, %dma_start3A_5] : memref<80x128xi32, #tpu.memory_space<vmem>> -> memref<1x128xi32, #tpu.memory_space<vmem>>
    %dma_start3A_7 = tpu.memref_squeeze %dma_start3A_6 : memref<1x128xi32, #tpu.memory_space<vmem>> -> memref<128xi32, #tpu.memory_space<vmem>>
    %dma_start3A_8 = arith.constant 0 : i32
    %dma_start3A_9 = arith.constant 0 : i32
    %dma_start3A_10 = tpu.memref_slice %arg2[%dma_start3A_8, %dma_start3A_9] : memref<10240x64xbf16, #tpu.memory_space<hbm>> -> memref<10240x64xbf16, #tpu.memory_space<hbm>>
    tpu.enqueue_indirect_dma source(%dma_start3A_10 : memref<10240x64xbf16, #tpu.memory_space<hbm>>) target(%arg12 : memref<128x64xbf16, #tpu.memory_space<vmem>>) offsets(%dma_start3A_7 : memref<128xi32, #tpu.memory_space<vmem>>) semaphore(%arg23 : memref<!tpu.dma_semaphore, #tpu.memory_space<semaphore_mem>>)
    %dma_start3A_11 = arith.constant 1 : i32
    %dma_start3A_12 = arith.constant 0 : i32
    %dma_start3A_13 = tpu.memref_slice %arg10[%dma_start3A_11, %dma_start3A_12] : memref<80x128xi32, #tpu.memory_space<vmem>> -> memref<1x128xi32, #tpu.memory_space<vmem>>
    %dma_start3A_14 = tpu.memref_squeeze %dma_start3A_13 : memref<1x128xi32, #tpu.memory_space<vmem>> -> memref<128xi32, #tpu.memory_space<vmem>>
    %dma_start3A_15 = arith.constant 0 : i32
    %dma_start3A_16 = arith.constant 0 : i32
    %dma_start3A_17 = tpu.memref_slice %arg2[%dma_start3A_15, %dma_start3A_16] : memref<10240x64xbf16, #tpu.memory_space<hbm>> -> memref<10240x64xbf16, #tpu.memory_space<hbm>>
    tpu.enqueue_indirect_dma source(%dma_start3A_17 : memref<10240x64xbf16, #tpu.memory_space<hbm>>) target(%arg13 : memref<128x64xbf16, #tpu.memory_space<vmem>>) offsets(%dma_start3A_14 : memref<128xi32, #tpu.memory_space<vmem>>) semaphore(%arg24 : memref<!tpu.dma_semaphore, #tpu.memory_space<semaphore_mem>>)
    %dma_start3A_18 = arith.constant 2 : i32
    %dma_start3A_19 = arith.constant 0 : i32
    %dma_start3A_20 = tpu.memref_slice %arg10[%dma_start3A_18, %dma_start3A_19] : memref<80x128xi32, #tpu.memory_space<vmem>> -> memref<1x128xi32, #tpu.memory_space<vmem>>
    %dma_start3A_21 = tpu.memref_squeeze %dma_start3A_20 : memref<1x128xi32, #tpu.memory_space<vmem>> -> memref<128xi32, #tpu.memory_space<vmem>>
    %dma_start3A_22 = arith.constant 0 : i32
    %dma_start3A_23 = arith.constant 0 : i32
    %dma_start3A_24 = tpu.memref_slice %arg2[%dma_start3A_22, %dma_start3A_23] : memref<10240x64xbf16, #tpu.memory_space<hbm>> -> memref<10240x64xbf16, #tpu.memory_space<hbm>>
    tpu.enqueue_indirect_dma source(%dma_start3A_24 : memref<10240x64xbf16, #tpu.memory_space<hbm>>) target(%arg14 : memref<128x64xbf16, #tpu.memory_space<vmem>>) offsets(%dma_start3A_21 : memref<128xi32, #tpu.memory_space<vmem>>) semaphore(%arg25 : memref<!tpu.dma_semaphore, #tpu.memory_space<semaphore_mem>>)
    %dma_start3A_25 = arith.constant 3 : i32
    %dma_start3A_26 = arith.constant 0 : i32
    %dma_start3A_27 = tpu.memref_slice %arg10[%dma_start3A_25, %dma_start3A_26] : memref<80x128xi32, #tpu.memory_space<vmem>> -> memref<1x128xi32, #tpu.memory_space<vmem>>
    %dma_start3A_28 = tpu.memref_squeeze %dma_start3A_27 : memref<1x128xi32, #tpu.memory_space<vmem>> -> memref<128xi32, #tpu.memory_space<vmem>>
    %dma_start3A_29 = arith.constant 0 : i32
    %dma_start3A_30 = arith.constant 0 : i32
    %dma_start3A_31 = tpu.memref_slice %arg2[%dma_start3A_29, %dma_start3A_30] : memref<10240x64xbf16, #tpu.memory_space<hbm>> -> memref<10240x64xbf16, #tpu.memory_space<hbm>>
    tpu.enqueue_indirect_dma source(%dma_start3A_31 : memref<10240x64xbf16, #tpu.memory_space<hbm>>) target(%arg15 : memref<128x64xbf16, #tpu.memory_space<vmem>>) offsets(%dma_start3A_28 : memref<128xi32, #tpu.memory_space<vmem>>) semaphore(%arg26 : memref<!tpu.dma_semaphore, #tpu.memory_space<semaphore_mem>>)
    %dma_start3A_32 = arith.constant 4 : i32
    %dma_start3A_33 = arith.constant 0 : i32
    %dma_start3A_34 = tpu.memref_slice %arg10[%dma_start3A_32, %dma_start3A_33] : memref<80x128xi32, #tpu.memory_space<vmem>> -> memref<1x128xi32, #tpu.memory_space<vmem>>
    %dma_start3A_35 = tpu.memref_squeeze %dma_start3A_34 : memref<1x128xi32, #tpu.memory_space<vmem>> -> memref<128xi32, #tpu.memory_space<vmem>>
    %dma_start3A_36 = arith.constant 0 : i32
    %dma_start3A_37 = arith.constant 0 : i32
    %dma_start3A_38 = tpu.memref_slice %arg2[%dma_start3A_36, %dma_start3A_37] : memref<10240x64xbf16, #tpu.memory_space<hbm>> -> memref<10240x64xbf16, #tpu.memory_space<hbm>>
    tpu.enqueue_indirect_dma source(%dma_start3A_38 : memref<10240x64xbf16, #tpu.memory_space<hbm>>) target(%arg16 : memref<128x64xbf16, #tpu.memory_space<vmem>>) offsets(%dma_start3A_35 : memref<128xi32, #tpu.memory_space<vmem>>) semaphore(%arg27 : memref<!tpu.dma_semaphore, #tpu.memory_space<semaphore_mem>>)
    %dma_start3A_39 = arith.constant 5 : i32
    %dma_start3A_40 = arith.constant 0 : i32
    %dma_start3A_41 = tpu.memref_slice %arg10[%dma_start3A_39, %dma_start3A_40] : memref<80x128xi32, #tpu.memory_space<vmem>> -> memref<1x128xi32, #tpu.memory_space<vmem>>
    %dma_start3A_42 = tpu.memref_squeeze %dma_start3A_41 : memref<1x128xi32, #tpu.memory_space<vmem>> -> memref<128xi32, #tpu.memory_space<vmem>>
    %dma_start3A_43 = arith.constant 0 : i32
    %dma_start3A_44 = arith.constant 0 : i32
    %dma_start3A_45 = tpu.memref_slice %arg2[%dma_start3A_43, %dma_start3A_44] : memref<10240x64xbf16, #tpu.memory_space<hbm>> -> memref<10240x64xbf16, #tpu.memory_space<hbm>>
    tpu.enqueue_indirect_dma source(%dma_start3A_45 : memref<10240x64xbf16, #tpu.memory_space<hbm>>) target(%arg17 : memref<128x64xbf16, #tpu.memory_space<vmem>>) offsets(%dma_start3A_42 : memref<128xi32, #tpu.memory_space<vmem>>) semaphore(%arg28 : memref<!tpu.dma_semaphore, #tpu.memory_space<semaphore_mem>>)
    %dma_start3A_46 = arith.constant 6 : i32
    %dma_start3A_47 = arith.constant 0 : i32
    %dma_start3A_48 = tpu.memref_slice %arg10[%dma_start3A_46, %dma_start3A_47] : memref<80x128xi32, #tpu.memory_space<vmem>> -> memref<1x128xi32, #tpu.memory_space<vmem>>
    %dma_start3A_49 = tpu.memref_squeeze %dma_start3A_48 : memref<1x128xi32, #tpu.memory_space<vmem>> -> memref<128xi32, #tpu.memory_space<vmem>>
    %dma_start3A_50 = arith.constant 0 : i32
    %dma_start3A_51 = arith.constant 0 : i32
    %dma_start3A_52 = tpu.memref_slice %arg2[%dma_start3A_50, %dma_start3A_51] : memref<10240x64xbf16, #tpu.memory_space<hbm>> -> memref<10240x64xbf16, #tpu.memory_space<hbm>>
    tpu.enqueue_indirect_dma source(%dma_start3A_52 : memref<10240x64xbf16, #tpu.memory_space<hbm>>) target(%arg18 : memref<128x64xbf16, #tpu.memory_space<vmem>>) offsets(%dma_start3A_49 : memref<128xi32, #tpu.memory_space<vmem>>) semaphore(%arg29 : memref<!tpu.dma_semaphore, #tpu.memory_space<semaphore_mem>>)
    %dma_start3A_53 = arith.constant 7 : i32
    %dma_start3A_54 = arith.constant 0 : i32
    %dma_start3A_55 = tpu.memref_slice %arg10[%dma_start3A_53, %dma_start3A_54] : memref<80x128xi32, #tpu.memory_space<vmem>> -> memref<1x128xi32, #tpu.memory_space<vmem>>
    %dma_start3A_56 = tpu.memref_squeeze %dma_start3A_55 : memref<1x128xi32, #tpu.memory_space<vmem>> -> memref<128xi32, #tpu.memory_space<vmem>>
    %dma_start3A_57 = arith.constant 0 : i32
    %dma_start3A_58 = arith.constant 0 : i32
    %dma_start3A_59 = tpu.memref_slice %arg2[%dma_start3A_57, %dma_start3A_58] : memref<10240x64xbf16, #tpu.memory_space<hbm>> -> memref<10240x64xbf16, #tpu.memory_space<hbm>>
    tpu.enqueue_indirect_dma source(%dma_start3A_59 : memref<10240x64xbf16, #tpu.memory_space<hbm>>) target(%arg19 : memref<128x64xbf16, #tpu.memory_space<vmem>>) offsets(%dma_start3A_56 : memref<128xi32, #tpu.memory_space<vmem>>) semaphore(%arg30 : memref<!tpu.dma_semaphore, #tpu.memory_space<semaphore_mem>>)
    %scan3A = arith.constant 0 : i32
    %scan3A_60 = arith.constant 0 : i32
    %scan3A_61 = arith.constant 10 : i32
    %scan3A_62 = arith.addi %scan3A_60, %scan3A_61 : i32
    %scan3A_63 = arith.constant 1 : i32
    scf.for %scan3A_120 = %scan3A_60 to %scan3A_62 step %scan3A_63  : i32 {
      %mul3A_121 = arith.constant 8 : i32
      %mul3A_122 = arith.muli %mul3A_121, %scan3A_120 : i32
      %dma_wait3A_123 = arith.constant 0 : i32
      %dma_wait3A_124 = arith.constant 0 : i32
      %dma_wait3A_125 = tpu.memref_slice %arg2[%dma_wait3A_123, %dma_wait3A_124] : memref<10240x64xbf16, #tpu.memory_space<hbm>> -> memref<128x64xbf16, #tpu.memory_space<hbm>>
      %dma_wait3A_126 = arith.constant 0 : i32
      %dma_wait3A_127 = arith.constant 0 : i32
      %dma_wait3A_128 = tpu.memref_slice %arg2[%dma_wait3A_126, %dma_wait3A_127] : memref<10240x64xbf16, #tpu.memory_space<hbm>> -> memref<128x64xbf16, #tpu.memory_space<hbm>>
      tpu.wait_dma2 semaphore(%arg23 : memref<!tpu.dma_semaphore, #tpu.memory_space<semaphore_mem>>) src(%dma_wait3A_128 : memref<128x64xbf16, #tpu.memory_space<hbm>>) dst(%arg12 : memref<128x64xbf16, #tpu.memory_space<vmem>>)
      %add3A_129 = arith.constant 0 : i32
      %add3A_130 = arith.addi %mul3A_122, %add3A_129 : i32
      %dma_start3A_131 = arith.constant 0 : i32
      %dma_start3A_132 = tpu.memref_slice %arg11[%add3A_130, %dma_start3A_131] : memref<80x128xi32, #tpu.memory_space<vmem>> -> memref<1x128xi32, #tpu.memory_space<vmem>>
      %dma_start3A_133 = tpu.memref_squeeze %dma_start3A_132 : memref<1x128xi32, #tpu.memory_space<vmem>> -> memref<128xi32, #tpu.memory_space<vmem>>
      %dma_start3A_134 = arith.constant 0 : i32
      %dma_start3A_135 = arith.constant 0 : i32
      %dma_start3A_136 = tpu.memref_slice %arg21[%dma_start3A_134, %dma_start3A_135] : memref<10240x64xbf16, #tpu.memory_space<vmem_shared>> -> memref<10240x64xbf16, #tpu.memory_space<vmem_shared>>
      tpu.enqueue_indirect_dma source(%arg12 : memref<128x64xbf16, #tpu.memory_space<vmem>>) target(%dma_start3A_136 : memref<10240x64xbf16, #tpu.memory_space<vmem_shared>>) offsets(%dma_start3A_133 : memref<128xi32, #tpu.memory_space<vmem>>) semaphore(%arg31 : memref<!tpu.dma_semaphore, #tpu.memory_space<semaphore_mem>>) {add = true}
      %dma_wait3A_137 = arith.constant 0 : i32
      %dma_wait3A_138 = arith.constant 0 : i32
      %dma_wait3A_139 = tpu.memref_slice %arg2[%dma_wait3A_137, %dma_wait3A_138] : memref<10240x64xbf16, #tpu.memory_space<hbm>> -> memref<128x64xbf16, #tpu.memory_space<hbm>>
      %dma_wait3A_140 = arith.constant 0 : i32
      %dma_wait3A_141 = arith.constant 0 : i32
      %dma_wait3A_142 = tpu.memref_slice %arg2[%dma_wait3A_140, %dma_wait3A_141] : memref<10240x64xbf16, #tpu.memory_space<hbm>> -> memref<128x64xbf16, #tpu.memory_space<hbm>>
      tpu.wait_dma2 semaphore(%arg24 : memref<!tpu.dma_semaphore, #tpu.memory_space<semaphore_mem>>) src(%dma_wait3A_142 : memref<128x64xbf16, #tpu.memory_space<hbm>>) dst(%arg13 : memref<128x64xbf16, #tpu.memory_space<vmem>>)
      %add3A_143 = arith.constant 1 : i32
      %add3A_144 = arith.addi %mul3A_122, %add3A_143 : i32
      %dma_start3A_145 = arith.constant 0 : i32
      %dma_start3A_146 = tpu.memref_slice %arg11[%add3A_144, %dma_start3A_145] : memref<80x128xi32, #tpu.memory_space<vmem>> -> memref<1x128xi32, #tpu.memory_space<vmem>>
      %dma_start3A_147 = tpu.memref_squeeze %dma_start3A_146 : memref<1x128xi32, #tpu.memory_space<vmem>> -> memref<128xi32, #tpu.memory_space<vmem>>
      %dma_start3A_148 = arith.constant 0 : i32
      %dma_start3A_149 = arith.constant 0 : i32
      %dma_start3A_150 = tpu.memref_slice %arg22[%dma_start3A_148, %dma_start3A_149] : memref<10240x64xbf16, #tpu.memory_space<vmem_shared>> -> memref<10240x64xbf16, #tpu.memory_space<vmem_shared>>
      tpu.enqueue_indirect_dma source(%arg13 : memref<128x64xbf16, #tpu.memory_space<vmem>>) target(%dma_start3A_150 : memref<10240x64xbf16, #tpu.memory_space<vmem_shared>>) offsets(%dma_start3A_147 : memref<128xi32, #tpu.memory_space<vmem>>) semaphore(%arg32 : memref<!tpu.dma_semaphore, #tpu.memory_space<semaphore_mem>>) {add = true}
      %dma_wait3A_151 = arith.constant 0 : i32
      %dma_wait3A_152 = arith.constant 0 : i32
      %dma_wait3A_153 = tpu.memref_slice %arg2[%dma_wait3A_151, %dma_wait3A_152] : memref<10240x64xbf16, #tpu.memory_space<hbm>> -> memref<128x64xbf16, #tpu.memory_space<hbm>>
      %dma_wait3A_154 = arith.constant 0 : i32
      %dma_wait3A_155 = arith.constant 0 : i32
      %dma_wait3A_156 = tpu.memref_slice %arg2[%dma_wait3A_154, %dma_wait3A_155] : memref<10240x64xbf16, #tpu.memory_space<hbm>> -> memref<128x64xbf16, #tpu.memory_space<hbm>>
      tpu.wait_dma2 semaphore(%arg25 : memref<!tpu.dma_semaphore, #tpu.memory_space<semaphore_mem>>) src(%dma_wait3A_156 : memref<128x64xbf16, #tpu.memory_space<hbm>>) dst(%arg14 : memref<128x64xbf16, #tpu.memory_space<vmem>>)
      %add3A_157 = arith.constant 2 : i32
      %add3A_158 = arith.addi %mul3A_122, %add3A_157 : i32
      %dma_start3A_159 = arith.constant 0 : i32
      %dma_start3A_160 = tpu.memref_slice %arg11[%add3A_158, %dma_start3A_159] : memref<80x128xi32, #tpu.memory_space<vmem>> -> memref<1x128xi32, #tpu.memory_space<vmem>>
      %dma_start3A_161 = tpu.memref_squeeze %dma_start3A_160 : memref<1x128xi32, #tpu.memory_space<vmem>> -> memref<128xi32, #tpu.memory_space<vmem>>
      %dma_start3A_162 = arith.constant 0 : i32
      %dma_start3A_163 = arith.constant 0 : i32
      %dma_start3A_164 = tpu.memref_slice %arg21[%dma_start3A_162, %dma_start3A_163] : memref<10240x64xbf16, #tpu.memory_space<vmem_shared>> -> memref<10240x64xbf16, #tpu.memory_space<vmem_shared>>
      tpu.enqueue_indirect_dma source(%arg14 : memref<128x64xbf16, #tpu.memory_space<vmem>>) target(%dma_start3A_164 : memref<10240x64xbf16, #tpu.memory_space<vmem_shared>>) offsets(%dma_start3A_161 : memref<128xi32, #tpu.memory_space<vmem>>) semaphore(%arg33 : memref<!tpu.dma_semaphore, #tpu.memory_space<semaphore_mem>>) {add = true}
      %dma_wait3A_165 = arith.constant 0 : i32
      %dma_wait3A_166 = arith.constant 0 : i32
      %dma_wait3A_167 = tpu.memref_slice %arg2[%dma_wait3A_165, %dma_wait3A_166] : memref<10240x64xbf16, #tpu.memory_space<hbm>> -> memref<128x64xbf16, #tpu.memory_space<hbm>>
      %dma_wait3A_168 = arith.constant 0 : i32
      %dma_wait3A_169 = arith.constant 0 : i32
      %dma_wait3A_170 = tpu.memref_slice %arg2[%dma_wait3A_168, %dma_wait3A_169] : memref<10240x64xbf16, #tpu.memory_space<hbm>> -> memref<128x64xbf16, #tpu.memory_space<hbm>>
      tpu.wait_dma2 semaphore(%arg26 : memref<!tpu.dma_semaphore, #tpu.memory_space<semaphore_mem>>) src(%dma_wait3A_170 : memref<128x64xbf16, #tpu.memory_space<hbm>>) dst(%arg15 : memref<128x64xbf16, #tpu.memory_space<vmem>>)
      %add3A_171 = arith.constant 3 : i32
      %add3A_172 = arith.addi %mul3A_122, %add3A_171 : i32
      %dma_start3A_173 = arith.constant 0 : i32
      %dma_start3A_174 = tpu.memref_slice %arg11[%add3A_172, %dma_start3A_173] : memref<80x128xi32, #tpu.memory_space<vmem>> -> memref<1x128xi32, #tpu.memory_space<vmem>>
      %dma_start3A_175 = tpu.memref_squeeze %dma_start3A_174 : memref<1x128xi32, #tpu.memory_space<vmem>> -> memref<128xi32, #tpu.memory_space<vmem>>
      %dma_start3A_176 = arith.constant 0 : i32
      %dma_start3A_177 = arith.constant 0 : i32
      %dma_start3A_178 = tpu.memref_slice %arg22[%dma_start3A_176, %dma_start3A_177] : memref<10240x64xbf16, #tpu.memory_space<vmem_shared>> -> memref<10240x64xbf16, #tpu.memory_space<vmem_shared>>
      tpu.enqueue_indirect_dma source(%arg15 : memref<128x64xbf16, #tpu.memory_space<vmem>>) target(%dma_start3A_178 : memref<10240x64xbf16, #tpu.memory_space<vmem_shared>>) offsets(%dma_start3A_175 : memref<128xi32, #tpu.memory_space<vmem>>) semaphore(%arg34 : memref<!tpu.dma_semaphore, #tpu.memory_space<semaphore_mem>>) {add = true}
      %dma_wait3A_179 = arith.constant 0 : i32
      %dma_wait3A_180 = arith.constant 0 : i32
      %dma_wait3A_181 = tpu.memref_slice %arg2[%dma_wait3A_179, %dma_wait3A_180] : memref<10240x64xbf16, #tpu.memory_space<hbm>> -> memref<128x64xbf16, #tpu.memory_space<hbm>>
      %dma_wait3A_182 = arith.constant 0 : i32
      %dma_wait3A_183 = arith.constant 0 : i32
      %dma_wait3A_184 = tpu.memref_slice %arg2[%dma_wait3A_182, %dma_wait3A_183] : memref<10240x64xbf16, #tpu.memory_space<hbm>> -> memref<128x64xbf16, #tpu.memory_space<hbm>>
      tpu.wait_dma2 semaphore(%arg27 : memref<!tpu.dma_semaphore, #tpu.memory_space<semaphore_mem>>) src(%dma_wait3A_184 : memref<128x64xbf16, #tpu.memory_space<hbm>>) dst(%arg16 : memref<128x64xbf16, #tpu.memory_space<vmem>>)
      %add3A_185 = arith.constant 4 : i32
      %add3A_186 = arith.addi %mul3A_122, %add3A_185 : i32
      %dma_start3A_187 = arith.constant 0 : i32
      %dma_start3A_188 = tpu.memref_slice %arg11[%add3A_186, %dma_start3A_187] : memref<80x128xi32, #tpu.memory_space<vmem>> -> memref<1x128xi32, #tpu.memory_space<vmem>>
      %dma_start3A_189 = tpu.memref_squeeze %dma_start3A_188 : memref<1x128xi32, #tpu.memory_space<vmem>> -> memref<128xi32, #tpu.memory_space<vmem>>
      %dma_start3A_190 = arith.constant 0 : i32
      %dma_start3A_191 = arith.constant 0 : i32
      %dma_start3A_192 = tpu.memref_slice %arg21[%dma_start3A_190, %dma_start3A_191] : memref<10240x64xbf16, #tpu.memory_space<vmem_shared>> -> memref<10240x64xbf16, #tpu.memory_space<vmem_shared>>
      tpu.enqueue_indirect_dma source(%arg16 : memref<128x64xbf16, #tpu.memory_space<vmem>>) target(%dma_start3A_192 : memref<10240x64xbf16, #tpu.memory_space<vmem_shared>>) offsets(%dma_start3A_189 : memref<128xi32, #tpu.memory_space<vmem>>) semaphore(%arg35 : memref<!tpu.dma_semaphore, #tpu.memory_space<semaphore_mem>>) {add = true}
      %dma_wait3A_193 = arith.constant 0 : i32
      %dma_wait3A_194 = arith.constant 0 : i32
      %dma_wait3A_195 = tpu.memref_slice %arg2[%dma_wait3A_193, %dma_wait3A_194] : memref<10240x64xbf16, #tpu.memory_space<hbm>> -> memref<128x64xbf16, #tpu.memory_space<hbm>>
      %dma_wait3A_196 = arith.constant 0 : i32
      %dma_wait3A_197 = arith.constant 0 : i32
      %dma_wait3A_198 = tpu.memref_slice %arg2[%dma_wait3A_196, %dma_wait3A_197] : memref<10240x64xbf16, #tpu.memory_space<hbm>> -> memref<128x64xbf16, #tpu.memory_space<hbm>>
      tpu.wait_dma2 semaphore(%arg28 : memref<!tpu.dma_semaphore, #tpu.memory_space<semaphore_mem>>) src(%dma_wait3A_198 : memref<128x64xbf16, #tpu.memory_space<hbm>>) dst(%arg17 : memref<128x64xbf16, #tpu.memory_space<vmem>>)
      %add3A_199 = arith.constant 5 : i32
      %add3A_200 = arith.addi %mul3A_122, %add3A_199 : i32
      %dma_start3A_201 = arith.constant 0 : i32
      %dma_start3A_202 = tpu.memref_slice %arg11[%add3A_200, %dma_start3A_201] : memref<80x128xi32, #tpu.memory_space<vmem>> -> memref<1x128xi32, #tpu.memory_space<vmem>>
      %dma_start3A_203 = tpu.memref_squeeze %dma_start3A_202 : memref<1x128xi32, #tpu.memory_space<vmem>> -> memref<128xi32, #tpu.memory_space<vmem>>
      %dma_start3A_204 = arith.constant 0 : i32
      %dma_start3A_205 = arith.constant 0 : i32
      %dma_start3A_206 = tpu.memref_slice %arg22[%dma_start3A_204, %dma_start3A_205] : memref<10240x64xbf16, #tpu.memory_space<vmem_shared>> -> memref<10240x64xbf16, #tpu.memory_space<vmem_shared>>
      tpu.enqueue_indirect_dma source(%arg17 : memref<128x64xbf16, #tpu.memory_space<vmem>>) target(%dma_start3A_206 : memref<10240x64xbf16, #tpu.memory_space<vmem_shared>>) offsets(%dma_start3A_203 : memref<128xi32, #tpu.memory_space<vmem>>) semaphore(%arg36 : memref<!tpu.dma_semaphore, #tpu.memory_space<semaphore_mem>>) {add = true}
      %dma_wait3A_207 = arith.constant 0 : i32
      %dma_wait3A_208 = arith.constant 0 : i32
      %dma_wait3A_209 = tpu.memref_slice %arg2[%dma_wait3A_207, %dma_wait3A_208] : memref<10240x64xbf16, #tpu.memory_space<hbm>> -> memref<128x64xbf16, #tpu.memory_space<hbm>>
      %dma_wait3A_210 = arith.constant 0 : i32
      %dma_wait3A_211 = arith.constant 0 : i32
      %dma_wait3A_212 = tpu.memref_slice %arg2[%dma_wait3A_210, %dma_wait3A_211] : memref<10240x64xbf16, #tpu.memory_space<hbm>> -> memref<128x64xbf16, #tpu.memory_space<hbm>>
      tpu.wait_dma2 semaphore(%arg29 : memref<!tpu.dma_semaphore, #tpu.memory_space<semaphore_mem>>) src(%dma_wait3A_212 : memref<128x64xbf16, #tpu.memory_space<hbm>>) dst(%arg18 : memref<128x64xbf16, #tpu.memory_space<vmem>>)
      %add3A_213 = arith.constant 6 : i32
      %add3A_214 = arith.addi %mul3A_122, %add3A_213 : i32
      %dma_start3A_215 = arith.constant 0 : i32
      %dma_start3A_216 = tpu.memref_slice %arg11[%add3A_214, %dma_start3A_215] : memref<80x128xi32, #tpu.memory_space<vmem>> -> memref<1x128xi32, #tpu.memory_space<vmem>>
      %dma_start3A_217 = tpu.memref_squeeze %dma_start3A_216 : memref<1x128xi32, #tpu.memory_space<vmem>> -> memref<128xi32, #tpu.memory_space<vmem>>
      %dma_start3A_218 = arith.constant 0 : i32
      %dma_start3A_219 = arith.constant 0 : i32
      %dma_start3A_220 = tpu.memref_slice %arg21[%dma_start3A_218, %dma_start3A_219] : memref<10240x64xbf16, #tpu.memory_space<vmem_shared>> -> memref<10240x64xbf16, #tpu.memory_space<vmem_shared>>
      tpu.enqueue_indirect_dma source(%arg18 : memref<128x64xbf16, #tpu.memory_space<vmem>>) target(%dma_start3A_220 : memref<10240x64xbf16, #tpu.memory_space<vmem_shared>>) offsets(%dma_start3A_217 : memref<128xi32, #tpu.memory_space<vmem>>) semaphore(%arg37 : memref<!tpu.dma_semaphore, #tpu.memory_space<semaphore_mem>>) {add = true}
      %dma_wait3A_221 = arith.constant 0 : i32
      %dma_wait3A_222 = arith.constant 0 : i32
      %dma_wait3A_223 = tpu.memref_slice %arg2[%dma_wait3A_221, %dma_wait3A_222] : memref<10240x64xbf16, #tpu.memory_space<hbm>> -> memref<128x64xbf16, #tpu.memory_space<hbm>>
      %dma_wait3A_224 = arith.constant 0 : i32
      %dma_wait3A_225 = arith.constant 0 : i32
      %dma_wait3A_226 = tpu.memref_slice %arg2[%dma_wait3A_224, %dma_wait3A_225] : memref<10240x64xbf16, #tpu.memory_space<hbm>> -> memref<128x64xbf16, #tpu.memory_space<hbm>>
      tpu.wait_dma2 semaphore(%arg30 : memref<!tpu.dma_semaphore, #tpu.memory_space<semaphore_mem>>) src(%dma_wait3A_226 : memref<128x64xbf16, #tpu.memory_space<hbm>>) dst(%arg19 : memref<128x64xbf16, #tpu.memory_space<vmem>>)
      %add3A_227 = arith.constant 7 : i32
      %add3A_228 = arith.addi %mul3A_122, %add3A_227 : i32
      %dma_start3A_229 = arith.constant 0 : i32
      %dma_start3A_230 = tpu.memref_slice %arg11[%add3A_228, %dma_start3A_229] : memref<80x128xi32, #tpu.memory_space<vmem>> -> memref<1x128xi32, #tpu.memory_space<vmem>>
      %dma_start3A_231 = tpu.memref_squeeze %dma_start3A_230 : memref<1x128xi32, #tpu.memory_space<vmem>> -> memref<128xi32, #tpu.memory_space<vmem>>
      %dma_start3A_232 = arith.constant 0 : i32
      %dma_start3A_233 = arith.constant 0 : i32
      %dma_start3A_234 = tpu.memref_slice %arg22[%dma_start3A_232, %dma_start3A_233] : memref<10240x64xbf16, #tpu.memory_space<vmem_shared>> -> memref<10240x64xbf16, #tpu.memory_space<vmem_shared>>
      tpu.enqueue_indirect_dma source(%arg19 : memref<128x64xbf16, #tpu.memory_space<vmem>>) target(%dma_start3A_234 : memref<10240x64xbf16, #tpu.memory_space<vmem_shared>>) offsets(%dma_start3A_231 : memref<128xi32, #tpu.memory_space<vmem>>) semaphore(%arg38 : memref<!tpu.dma_semaphore, #tpu.memory_space<semaphore_mem>>) {add = true}
      %add3A_235 = arith.constant 0 : i32
      %add3A_236 = arith.addi %mul3A_122, %add3A_235 : i32
      %add3A_237 = arith.constant 8 : i32
      %add3A_238 = arith.addi %add3A_236, %add3A_237 : i32
      %lt3A = arith.constant 80 : i32
      %lt3A_239 = arith.cmpi slt, %add3A_238, %lt3A : i32
      %convert_element_type3A_240 = arith.extui %lt3A_239 : i1 to i32
      %cond3A_241 = arith.constant 0 : i32
      %cond3A_242 = arith.cmpi ne, %convert_element_type3A_240, %cond3A_241 : i32
      scf.if %cond3A_242 {
        %dma_wait3A_306 = arith.constant 0 : i32
        %dma_wait3A_307 = arith.constant 0 : i32
        %dma_wait3A_308 = tpu.memref_slice %arg2[%dma_wait3A_306, %dma_wait3A_307] : memref<10240x64xbf16, #tpu.memory_space<hbm>> -> memref<128x64xbf16, #tpu.memory_space<hbm>>
        %dma_wait3A_309 = arith.constant 0 : i32
        %dma_wait3A_310 = arith.constant 0 : i32
        %dma_wait3A_311 = tpu.memref_slice %arg2[%dma_wait3A_309, %dma_wait3A_310] : memref<10240x64xbf16, #tpu.memory_space<hbm>> -> memref<128x64xbf16, #tpu.memory_space<hbm>>
        tpu.wait_dma2 semaphore(%arg31 : memref<!tpu.dma_semaphore, #tpu.memory_space<semaphore_mem>>) src(%dma_wait3A_311 : memref<128x64xbf16, #tpu.memory_space<hbm>>) dst(%arg12 : memref<128x64xbf16, #tpu.memory_space<vmem>>)
        %add3A_312 = arith.constant 0 : i32
        %add3A_313 = arith.addi %mul3A_122, %add3A_312 : i32
        %add3A_314 = arith.constant 8 : i32
        %add3A_315 = arith.addi %add3A_313, %add3A_314 : i32
        %dma_start3A_316 = arith.constant 0 : i32
        %dma_start3A_317 = tpu.memref_slice %arg10[%add3A_315, %dma_start3A_316] : memref<80x128xi32, #tpu.memory_space<vmem>> -> memref<1x128xi32, #tpu.memory_space<vmem>>
        %dma_start3A_318 = tpu.memref_squeeze %dma_start3A_317 : memref<1x128xi32, #tpu.memory_space<vmem>> -> memref<128xi32, #tpu.memory_space<vmem>>
        %dma_start3A_319 = arith.constant 0 : i32
        %dma_start3A_320 = arith.constant 0 : i32
        %dma_start3A_321 = tpu.memref_slice %arg2[%dma_start3A_319, %dma_start3A_320] : memref<10240x64xbf16, #tpu.memory_space<hbm>> -> memref<10240x64xbf16, #tpu.memory_space<hbm>>
        tpu.enqueue_indirect_dma source(%dma_start3A_321 : memref<10240x64xbf16, #tpu.memory_space<hbm>>) target(%arg12 : memref<128x64xbf16, #tpu.memory_space<vmem>>) offsets(%dma_start3A_318 : memref<128xi32, #tpu.memory_space<vmem>>) semaphore(%arg23 : memref<!tpu.dma_semaphore, #tpu.memory_space<semaphore_mem>>)
      } else {
      }
      %add3A_243 = arith.constant 1 : i32
      %add3A_244 = arith.addi %mul3A_122, %add3A_243 : i32
      %add3A_245 = arith.constant 8 : i32
      %add3A_246 = arith.addi %add3A_244, %add3A_245 : i32
      %lt3A_247 = arith.constant 80 : i32
      %lt3A_248 = arith.cmpi slt, %add3A_246, %lt3A_247 : i32
      %convert_element_type3A_249 = arith.extui %lt3A_248 : i1 to i32
      %cond3A_250 = arith.constant 0 : i32
      %cond3A_251 = arith.cmpi ne, %convert_element_type3A_249, %cond3A_250 : i32
      scf.if %cond3A_251 {
        %dma_wait3A_306 = arith.constant 0 : i32
        %dma_wait3A_307 = arith.constant 0 : i32
        %dma_wait3A_308 = tpu.memref_slice %arg2[%dma_wait3A_306, %dma_wait3A_307] : memref<10240x64xbf16, #tpu.memory_space<hbm>> -> memref<128x64xbf16, #tpu.memory_space<hbm>>
        %dma_wait3A_309 = arith.constant 0 : i32
        %dma_wait3A_310 = arith.constant 0 : i32
        %dma_wait3A_311 = tpu.memref_slice %arg2[%dma_wait3A_309, %dma_wait3A_310] : memref<10240x64xbf16, #tpu.memory_space<hbm>> -> memref<128x64xbf16, #tpu.memory_space<hbm>>
        tpu.wait_dma2 semaphore(%arg32 : memref<!tpu.dma_semaphore, #tpu.memory_space<semaphore_mem>>) src(%dma_wait3A_311 : memref<128x64xbf16, #tpu.memory_space<hbm>>) dst(%arg13 : memref<128x64xbf16, #tpu.memory_space<vmem>>)
        %add3A_312 = arith.constant 1 : i32
        %add3A_313 = arith.addi %mul3A_122, %add3A_312 : i32
        %add3A_314 = arith.constant 8 : i32
        %add3A_315 = arith.addi %add3A_313, %add3A_314 : i32
        %dma_start3A_316 = arith.constant 0 : i32
        %dma_start3A_317 = tpu.memref_slice %arg10[%add3A_315, %dma_start3A_316] : memref<80x128xi32, #tpu.memory_space<vmem>> -> memref<1x128xi32, #tpu.memory_space<vmem>>
        %dma_start3A_318 = tpu.memref_squeeze %dma_start3A_317 : memref<1x128xi32, #tpu.memory_space<vmem>> -> memref<128xi32, #tpu.memory_space<vmem>>
        %dma_start3A_319 = arith.constant 0 : i32
        %dma_start3A_320 = arith.constant 0 : i32
        %dma_start3A_321 = tpu.memref_slice %arg2[%dma_start3A_319, %dma_start3A_320] : memref<10240x64xbf16, #tpu.memory_space<hbm>> -> memref<10240x64xbf16, #tpu.memory_space<hbm>>
        tpu.enqueue_indirect_dma source(%dma_start3A_321 : memref<10240x64xbf16, #tpu.memory_space<hbm>>) target(%arg13 : memref<128x64xbf16, #tpu.memory_space<vmem>>) offsets(%dma_start3A_318 : memref<128xi32, #tpu.memory_space<vmem>>) semaphore(%arg24 : memref<!tpu.dma_semaphore, #tpu.memory_space<semaphore_mem>>)
      } else {
      }
      %add3A_252 = arith.constant 2 : i32
      %add3A_253 = arith.addi %mul3A_122, %add3A_252 : i32
      %add3A_254 = arith.constant 8 : i32
      %add3A_255 = arith.addi %add3A_253, %add3A_254 : i32
      %lt3A_256 = arith.constant 80 : i32
      %lt3A_257 = arith.cmpi slt, %add3A_255, %lt3A_256 : i32
      %convert_element_type3A_258 = arith.extui %lt3A_257 : i1 to i32
      %cond3A_259 = arith.constant 0 : i32
      %cond3A_260 = arith.cmpi ne, %convert_element_type3A_258, %cond3A_259 : i32
      scf.if %cond3A_260 {
        %dma_wait3A_306 = arith.constant 0 : i32
        %dma_wait3A_307 = arith.constant 0 : i32
        %dma_wait3A_308 = tpu.memref_slice %arg2[%dma_wait3A_306, %dma_wait3A_307] : memref<10240x64xbf16, #tpu.memory_space<hbm>> -> memref<128x64xbf16, #tpu.memory_space<hbm>>
        %dma_wait3A_309 = arith.constant 0 : i32
        %dma_wait3A_310 = arith.constant 0 : i32
        %dma_wait3A_311 = tpu.memref_slice %arg2[%dma_wait3A_309, %dma_wait3A_310] : memref<10240x64xbf16, #tpu.memory_space<hbm>> -> memref<128x64xbf16, #tpu.memory_space<hbm>>
        tpu.wait_dma2 semaphore(%arg33 : memref<!tpu.dma_semaphore, #tpu.memory_space<semaphore_mem>>) src(%dma_wait3A_311 : memref<128x64xbf16, #tpu.memory_space<hbm>>) dst(%arg14 : memref<128x64xbf16, #tpu.memory_space<vmem>>)
        %add3A_312 = arith.constant 2 : i32
        %add3A_313 = arith.addi %mul3A_122, %add3A_312 : i32
        %add3A_314 = arith.constant 8 : i32
        %add3A_315 = arith.addi %add3A_313, %add3A_314 : i32
        %dma_start3A_316 = arith.constant 0 : i32
        %dma_start3A_317 = tpu.memref_slice %arg10[%add3A_315, %dma_start3A_316] : memref<80x128xi32, #tpu.memory_space<vmem>> -> memref<1x128xi32, #tpu.memory_space<vmem>>
        %dma_start3A_318 = tpu.memref_squeeze %dma_start3A_317 : memref<1x128xi32, #tpu.memory_space<vmem>> -> memref<128xi32, #tpu.memory_space<vmem>>
        %dma_start3A_319 = arith.constant 0 : i32
        %dma_start3A_320 = arith.constant 0 : i32
        %dma_start3A_321 = tpu.memref_slice %arg2[%dma_start3A_319, %dma_start3A_320] : memref<10240x64xbf16, #tpu.memory_space<hbm>> -> memref<10240x64xbf16, #tpu.memory_space<hbm>>
        tpu.enqueue_indirect_dma source(%dma_start3A_321 : memref<10240x64xbf16, #tpu.memory_space<hbm>>) target(%arg14 : memref<128x64xbf16, #tpu.memory_space<vmem>>) offsets(%dma_start3A_318 : memref<128xi32, #tpu.memory_space<vmem>>) semaphore(%arg25 : memref<!tpu.dma_semaphore, #tpu.memory_space<semaphore_mem>>)
      } else {
      }
      %add3A_261 = arith.constant 3 : i32
      %add3A_262 = arith.addi %mul3A_122, %add3A_261 : i32
      %add3A_263 = arith.constant 8 : i32
      %add3A_264 = arith.addi %add3A_262, %add3A_263 : i32
      %lt3A_265 = arith.constant 80 : i32
      %lt3A_266 = arith.cmpi slt, %add3A_264, %lt3A_265 : i32
      %convert_element_type3A_267 = arith.extui %lt3A_266 : i1 to i32
      %cond3A_268 = arith.constant 0 : i32
      %cond3A_269 = arith.cmpi ne, %convert_element_type3A_267, %cond3A_268 : i32
      scf.if %cond3A_269 {
        %dma_wait3A_306 = arith.constant 0 : i32
        %dma_wait3A_307 = arith.constant 0 : i32
        %dma_wait3A_308 = tpu.memref_slice %arg2[%dma_wait3A_306, %dma_wait3A_307] : memref<10240x64xbf16, #tpu.memory_space<hbm>> -> memref<128x64xbf16, #tpu.memory_space<hbm>>
        %dma_wait3A_309 = arith.constant 0 : i32
        %dma_wait3A_310 = arith.constant 0 : i32
        %dma_wait3A_311 = tpu.memref_slice %arg2[%dma_wait3A_309, %dma_wait3A_310] : memref<10240x64xbf16, #tpu.memory_space<hbm>> -> memref<128x64xbf16, #tpu.memory_space<hbm>>
        tpu.wait_dma2 semaphore(%arg34 : memref<!tpu.dma_semaphore, #tpu.memory_space<semaphore_mem>>) src(%dma_wait3A_311 : memref<128x64xbf16, #tpu.memory_space<hbm>>) dst(%arg15 : memref<128x64xbf16, #tpu.memory_space<vmem>>)
        %add3A_312 = arith.constant 3 : i32
        %add3A_313 = arith.addi %mul3A_122, %add3A_312 : i32
        %add3A_314 = arith.constant 8 : i32
        %add3A_315 = arith.addi %add3A_313, %add3A_314 : i32
        %dma_start3A_316 = arith.constant 0 : i32
        %dma_start3A_317 = tpu.memref_slice %arg10[%add3A_315, %dma_start3A_316] : memref<80x128xi32, #tpu.memory_space<vmem>> -> memref<1x128xi32, #tpu.memory_space<vmem>>
        %dma_start3A_318 = tpu.memref_squeeze %dma_start3A_317 : memref<1x128xi32, #tpu.memory_space<vmem>> -> memref<128xi32, #tpu.memory_space<vmem>>
        %dma_start3A_319 = arith.constant 0 : i32
        %dma_start3A_320 = arith.constant 0 : i32
        %dma_start3A_321 = tpu.memref_slice %arg2[%dma_start3A_319, %dma_start3A_320] : memref<10240x64xbf16, #tpu.memory_space<hbm>> -> memref<10240x64xbf16, #tpu.memory_space<hbm>>
        tpu.enqueue_indirect_dma source(%dma_start3A_321 : memref<10240x64xbf16, #tpu.memory_space<hbm>>) target(%arg15 : memref<128x64xbf16, #tpu.memory_space<vmem>>) offsets(%dma_start3A_318 : memref<128xi32, #tpu.memory_space<vmem>>) semaphore(%arg26 : memref<!tpu.dma_semaphore, #tpu.memory_space<semaphore_mem>>)
      } else {
      }
      %add3A_270 = arith.constant 4 : i32
      %add3A_271 = arith.addi %mul3A_122, %add3A_270 : i32
      %add3A_272 = arith.constant 8 : i32
      %add3A_273 = arith.addi %add3A_271, %add3A_272 : i32
      %lt3A_274 = arith.constant 80 : i32
      %lt3A_275 = arith.cmpi slt, %add3A_273, %lt3A_274 : i32
      %convert_element_type3A_276 = arith.extui %lt3A_275 : i1 to i32
      %cond3A_277 = arith.constant 0 : i32
      %cond3A_278 = arith.cmpi ne, %convert_element_type3A_276, %cond3A_277 : i32
      scf.if %cond3A_278 {
        %dma_wait3A_306 = arith.constant 0 : i32
        %dma_wait3A_307 = arith.constant 0 : i32
        %dma_wait3A_308 = tpu.memref_slice %arg2[%dma_wait3A_306, %dma_wait3A_307] : memref<10240x64xbf16, #tpu.memory_space<hbm>> -> memref<128x64xbf16, #tpu.memory_space<hbm>>
        %dma_wait3A_309 = arith.constant 0 : i32
        %dma_wait3A_310 = arith.constant 0 : i32
        %dma_wait3A_311 = tpu.memref_slice %arg2[%dma_wait3A_309, %dma_wait3A_310] : memref<10240x64xbf16, #tpu.memory_space<hbm>> -> memref<128x64xbf16, #tpu.memory_space<hbm>>
        tpu.wait_dma2 semaphore(%arg35 : memref<!tpu.dma_semaphore, #tpu.memory_space<semaphore_mem>>) src(%dma_wait3A_311 : memref<128x64xbf16, #tpu.memory_space<hbm>>) dst(%arg16 : memref<128x64xbf16, #tpu.memory_space<vmem>>)
        %add3A_312 = arith.constant 4 : i32
        %add3A_313 = arith.addi %mul3A_122, %add3A_312 : i32
        %add3A_314 = arith.constant 8 : i32
        %add3A_315 = arith.addi %add3A_313, %add3A_314 : i32
        %dma_start3A_316 = arith.constant 0 : i32
        %dma_start3A_317 = tpu.memref_slice %arg10[%add3A_315, %dma_start3A_316] : memref<80x128xi32, #tpu.memory_space<vmem>> -> memref<1x128xi32, #tpu.memory_space<vmem>>
        %dma_start3A_318 = tpu.memref_squeeze %dma_start3A_317 : memref<1x128xi32, #tpu.memory_space<vmem>> -> memref<128xi32, #tpu.memory_space<vmem>>
        %dma_start3A_319 = arith.constant 0 : i32
        %dma_start3A_320 = arith.constant 0 : i32
        %dma_start3A_321 = tpu.memref_slice %arg2[%dma_start3A_319, %dma_start3A_320] : memref<10240x64xbf16, #tpu.memory_space<hbm>> -> memref<10240x64xbf16, #tpu.memory_space<hbm>>
        tpu.enqueue_indirect_dma source(%dma_start3A_321 : memref<10240x64xbf16, #tpu.memory_space<hbm>>) target(%arg16 : memref<128x64xbf16, #tpu.memory_space<vmem>>) offsets(%dma_start3A_318 : memref<128xi32, #tpu.memory_space<vmem>>) semaphore(%arg27 : memref<!tpu.dma_semaphore, #tpu.memory_space<semaphore_mem>>)
      } else {
      }
      %add3A_279 = arith.constant 5 : i32
      %add3A_280 = arith.addi %mul3A_122, %add3A_279 : i32
      %add3A_281 = arith.constant 8 : i32
      %add3A_282 = arith.addi %add3A_280, %add3A_281 : i32
      %lt3A_283 = arith.constant 80 : i32
      %lt3A_284 = arith.cmpi slt, %add3A_282, %lt3A_283 : i32
      %convert_element_type3A_285 = arith.extui %lt3A_284 : i1 to i32
      %cond3A_286 = arith.constant 0 : i32
      %cond3A_287 = arith.cmpi ne, %convert_element_type3A_285, %cond3A_286 : i32
      scf.if %cond3A_287 {
        %dma_wait3A_306 = arith.constant 0 : i32
        %dma_wait3A_307 = arith.constant 0 : i32
        %dma_wait3A_308 = tpu.memref_slice %arg2[%dma_wait3A_306, %dma_wait3A_307] : memref<10240x64xbf16, #tpu.memory_space<hbm>> -> memref<128x64xbf16, #tpu.memory_space<hbm>>
        %dma_wait3A_309 = arith.constant 0 : i32
        %dma_wait3A_310 = arith.constant 0 : i32
        %dma_wait3A_311 = tpu.memref_slice %arg2[%dma_wait3A_309, %dma_wait3A_310] : memref<10240x64xbf16, #tpu.memory_space<hbm>> -> memref<128x64xbf16, #tpu.memory_space<hbm>>
        tpu.wait_dma2 semaphore(%arg36 : memref<!tpu.dma_semaphore, #tpu.memory_space<semaphore_mem>>) src(%dma_wait3A_311 : memref<128x64xbf16, #tpu.memory_space<hbm>>) dst(%arg17 : memref<128x64xbf16, #tpu.memory_space<vmem>>)
        %add3A_312 = arith.constant 5 : i32
        %add3A_313 = arith.addi %mul3A_122, %add3A_312 : i32
        %add3A_314 = arith.constant 8 : i32
        %add3A_315 = arith.addi %add3A_313, %add3A_314 : i32
        %dma_start3A_316 = arith.constant 0 : i32
        %dma_start3A_317 = tpu.memref_slice %arg10[%add3A_315, %dma_start3A_316] : memref<80x128xi32, #tpu.memory_space<vmem>> -> memref<1x128xi32, #tpu.memory_space<vmem>>
        %dma_start3A_318 = tpu.memref_squeeze %dma_start3A_317 : memref<1x128xi32, #tpu.memory_space<vmem>> -> memref<128xi32, #tpu.memory_space<vmem>>
        %dma_start3A_319 = arith.constant 0 : i32
        %dma_start3A_320 = arith.constant 0 : i32
        %dma_start3A_321 = tpu.memref_slice %arg2[%dma_start3A_319, %dma_start3A_320] : memref<10240x64xbf16, #tpu.memory_space<hbm>> -> memref<10240x64xbf16, #tpu.memory_space<hbm>>
        tpu.enqueue_indirect_dma source(%dma_start3A_321 : memref<10240x64xbf16, #tpu.memory_space<hbm>>) target(%arg17 : memref<128x64xbf16, #tpu.memory_space<vmem>>) offsets(%dma_start3A_318 : memref<128xi32, #tpu.memory_space<vmem>>) semaphore(%arg28 : memref<!tpu.dma_semaphore, #tpu.memory_space<semaphore_mem>>)
      } else {
      }
      %add3A_288 = arith.constant 6 : i32
      %add3A_289 = arith.addi %mul3A_122, %add3A_288 : i32
      %add3A_290 = arith.constant 8 : i32
      %add3A_291 = arith.addi %add3A_289, %add3A_290 : i32
      %lt3A_292 = arith.constant 80 : i32
      %lt3A_293 = arith.cmpi slt, %add3A_291, %lt3A_292 : i32
      %convert_element_type3A_294 = arith.extui %lt3A_293 : i1 to i32
      %cond3A_295 = arith.constant 0 : i32
      %cond3A_296 = arith.cmpi ne, %convert_element_type3A_294, %cond3A_295 : i32
      scf.if %cond3A_296 {
        %dma_wait3A_306 = arith.constant 0 : i32
        %dma_wait3A_307 = arith.constant 0 : i32
        %dma_wait3A_308 = tpu.memref_slice %arg2[%dma_wait3A_306, %dma_wait3A_307] : memref<10240x64xbf16, #tpu.memory_space<hbm>> -> memref<128x64xbf16, #tpu.memory_space<hbm>>
        %dma_wait3A_309 = arith.constant 0 : i32
        %dma_wait3A_310 = arith.constant 0 : i32
        %dma_wait3A_311 = tpu.memref_slice %arg2[%dma_wait3A_309, %dma_wait3A_310] : memref<10240x64xbf16, #tpu.memory_space<hbm>> -> memref<128x64xbf16, #tpu.memory_space<hbm>>
        tpu.wait_dma2 semaphore(%arg37 : memref<!tpu.dma_semaphore, #tpu.memory_space<semaphore_mem>>) src(%dma_wait3A_311 : memref<128x64xbf16, #tpu.memory_space<hbm>>) dst(%arg18 : memref<128x64xbf16, #tpu.memory_space<vmem>>)
        %add3A_312 = arith.constant 6 : i32
        %add3A_313 = arith.addi %mul3A_122, %add3A_312 : i32
        %add3A_314 = arith.constant 8 : i32
        %add3A_315 = arith.addi %add3A_313, %add3A_314 : i32
        %dma_start3A_316 = arith.constant 0 : i32
        %dma_start3A_317 = tpu.memref_slice %arg10[%add3A_315, %dma_start3A_316] : memref<80x128xi32, #tpu.memory_space<vmem>> -> memref<1x128xi32, #tpu.memory_space<vmem>>
        %dma_start3A_318 = tpu.memref_squeeze %dma_start3A_317 : memref<1x128xi32, #tpu.memory_space<vmem>> -> memref<128xi32, #tpu.memory_space<vmem>>
        %dma_start3A_319 = arith.constant 0 : i32
        %dma_start3A_320 = arith.constant 0 : i32
        %dma_start3A_321 = tpu.memref_slice %arg2[%dma_start3A_319, %dma_start3A_320] : memref<10240x64xbf16, #tpu.memory_space<hbm>> -> memref<10240x64xbf16, #tpu.memory_space<hbm>>
        tpu.enqueue_indirect_dma source(%dma_start3A_321 : memref<10240x64xbf16, #tpu.memory_space<hbm>>) target(%arg18 : memref<128x64xbf16, #tpu.memory_space<vmem>>) offsets(%dma_start3A_318 : memref<128xi32, #tpu.memory_space<vmem>>) semaphore(%arg29 : memref<!tpu.dma_semaphore, #tpu.memory_space<semaphore_mem>>)
      } else {
      }
      %add3A_297 = arith.constant 7 : i32
      %add3A_298 = arith.addi %mul3A_122, %add3A_297 : i32
      %add3A_299 = arith.constant 8 : i32
      %add3A_300 = arith.addi %add3A_298, %add3A_299 : i32
      %lt3A_301 = arith.constant 80 : i32
      %lt3A_302 = arith.cmpi slt, %add3A_300, %lt3A_301 : i32
      %convert_element_type3A_303 = arith.extui %lt3A_302 : i1 to i32
      %cond3A_304 = arith.constant 0 : i32
      %cond3A_305 = arith.cmpi ne, %convert_element_type3A_303, %cond3A_304 : i32
      scf.if %cond3A_305 {
        %dma_wait3A_306 = arith.constant 0 : i32
        %dma_wait3A_307 = arith.constant 0 : i32
        %dma_wait3A_308 = tpu.memref_slice %arg2[%dma_wait3A_306, %dma_wait3A_307] : memref<10240x64xbf16, #tpu.memory_space<hbm>> -> memref<128x64xbf16, #tpu.memory_space<hbm>>
        %dma_wait3A_309 = arith.constant 0 : i32
        %dma_wait3A_310 = arith.constant 0 : i32
        %dma_wait3A_311 = tpu.memref_slice %arg2[%dma_wait3A_309, %dma_wait3A_310] : memref<10240x64xbf16, #tpu.memory_space<hbm>> -> memref<128x64xbf16, #tpu.memory_space<hbm>>
        tpu.wait_dma2 semaphore(%arg38 : memref<!tpu.dma_semaphore, #tpu.memory_space<semaphore_mem>>) src(%dma_wait3A_311 : memref<128x64xbf16, #tpu.memory_space<hbm>>) dst(%arg19 : memref<128x64xbf16, #tpu.memory_space<vmem>>)
        %add3A_312 = arith.constant 7 : i32
        %add3A_313 = arith.addi %mul3A_122, %add3A_312 : i32
        %add3A_314 = arith.constant 8 : i32
        %add3A_315 = arith.addi %add3A_313, %add3A_314 : i32
        %dma_start3A_316 = arith.constant 0 : i32
        %dma_start3A_317 = tpu.memref_slice %arg10[%add3A_315, %dma_start3A_316] : memref<80x128xi32, #tpu.memory_space<vmem>> -> memref<1x128xi32, #tpu.memory_space<vmem>>
        %dma_start3A_318 = tpu.memref_squeeze %dma_start3A_317 : memref<1x128xi32, #tpu.memory_space<vmem>> -> memref<128xi32, #tpu.memory_space<vmem>>
        %dma_start3A_319 = arith.constant 0 : i32
        %dma_start3A_320 = arith.constant 0 : i32
        %dma_start3A_321 = tpu.memref_slice %arg2[%dma_start3A_319, %dma_start3A_320] : memref<10240x64xbf16, #tpu.memory_space<hbm>> -> memref<10240x64xbf16, #tpu.memory_space<hbm>>
        tpu.enqueue_indirect_dma source(%dma_start3A_321 : memref<10240x64xbf16, #tpu.memory_space<hbm>>) target(%arg19 : memref<128x64xbf16, #tpu.memory_space<vmem>>) offsets(%dma_start3A_318 : memref<128xi32, #tpu.memory_space<vmem>>) semaphore(%arg30 : memref<!tpu.dma_semaphore, #tpu.memory_space<semaphore_mem>>)
      } else {
      }
    }
    %scan3A_64 = arith.constant 10 : i32
    %dma_wait3A = arith.constant 0 : i32
    %dma_wait3A_65 = arith.constant 0 : i32
    %dma_wait3A_66 = tpu.memref_slice %arg2[%dma_wait3A, %dma_wait3A_65] : memref<10240x64xbf16, #tpu.memory_space<hbm>> -> memref<128x64xbf16, #tpu.memory_space<hbm>>
    %dma_wait3A_67 = arith.constant 0 : i32
    %dma_wait3A_68 = arith.constant 0 : i32
    %dma_wait3A_69 = tpu.memref_slice %arg2[%dma_wait3A_67, %dma_wait3A_68] : memref<10240x64xbf16, #tpu.memory_space<hbm>> -> memref<128x64xbf16, #tpu.memory_space<hbm>>
    tpu.wait_dma2 semaphore(%arg31 : memref<!tpu.dma_semaphore, #tpu.memory_space<semaphore_mem>>) src(%dma_wait3A_69 : memref<128x64xbf16, #tpu.memory_space<hbm>>) dst(%arg12 : memref<128x64xbf16, #tpu.memory_space<vmem>>)
    %dma_wait3A_70 = arith.constant 0 : i32
    %dma_wait3A_71 = arith.constant 0 : i32
    %dma_wait3A_72 = tpu.memref_slice %arg2[%dma_wait3A_70, %dma_wait3A_71] : memref<10240x64xbf16, #tpu.memory_space<hbm>> -> memref<128x64xbf16, #tpu.memory_space<hbm>>
    %dma_wait3A_73 = arith.constant 0 : i32
    %dma_wait3A_74 = arith.constant 0 : i32
    %dma_wait3A_75 = tpu.memref_slice %arg2[%dma_wait3A_73, %dma_wait3A_74] : memref<10240x64xbf16, #tpu.memory_space<hbm>> -> memref<128x64xbf16, #tpu.memory_space<hbm>>
    tpu.wait_dma2 semaphore(%arg32 : memref<!tpu.dma_semaphore, #tpu.memory_space<semaphore_mem>>) src(%dma_wait3A_75 : memref<128x64xbf16, #tpu.memory_space<hbm>>) dst(%arg13 : memref<128x64xbf16, #tpu.memory_space<vmem>>)
    %dma_wait3A_76 = arith.constant 0 : i32
    %dma_wait3A_77 = arith.constant 0 : i32
    %dma_wait3A_78 = tpu.memref_slice %arg2[%dma_wait3A_76, %dma_wait3A_77] : memref<10240x64xbf16, #tpu.memory_space<hbm>> -> memref<128x64xbf16, #tpu.memory_space<hbm>>
    %dma_wait3A_79 = arith.constant 0 : i32
    %dma_wait3A_80 = arith.constant 0 : i32
    %dma_wait3A_81 = tpu.memref_slice %arg2[%dma_wait3A_79, %dma_wait3A_80] : memref<10240x64xbf16, #tpu.memory_space<hbm>> -> memref<128x64xbf16, #tpu.memory_space<hbm>>
    tpu.wait_dma2 semaphore(%arg33 : memref<!tpu.dma_semaphore, #tpu.memory_space<semaphore_mem>>) src(%dma_wait3A_81 : memref<128x64xbf16, #tpu.memory_space<hbm>>) dst(%arg14 : memref<128x64xbf16, #tpu.memory_space<vmem>>)
    %dma_wait3A_82 = arith.constant 0 : i32
    %dma_wait3A_83 = arith.constant 0 : i32
    %dma_wait3A_84 = tpu.memref_slice %arg2[%dma_wait3A_82, %dma_wait3A_83] : memref<10240x64xbf16, #tpu.memory_space<hbm>> -> memref<128x64xbf16, #tpu.memory_space<hbm>>
    %dma_wait3A_85 = arith.constant 0 : i32
    %dma_wait3A_86 = arith.constant 0 : i32
    %dma_wait3A_87 = tpu.memref_slice %arg2[%dma_wait3A_85, %dma_wait3A_86] : memref<10240x64xbf16, #tpu.memory_space<hbm>> -> memref<128x64xbf16, #tpu.memory_space<hbm>>
    tpu.wait_dma2 semaphore(%arg34 : memref<!tpu.dma_semaphore, #tpu.memory_space<semaphore_mem>>) src(%dma_wait3A_87 : memref<128x64xbf16, #tpu.memory_space<hbm>>) dst(%arg15 : memref<128x64xbf16, #tpu.memory_space<vmem>>)
    %dma_wait3A_88 = arith.constant 0 : i32
    %dma_wait3A_89 = arith.constant 0 : i32
    %dma_wait3A_90 = tpu.memref_slice %arg2[%dma_wait3A_88, %dma_wait3A_89] : memref<10240x64xbf16, #tpu.memory_space<hbm>> -> memref<128x64xbf16, #tpu.memory_space<hbm>>
    %dma_wait3A_91 = arith.constant 0 : i32
    %dma_wait3A_92 = arith.constant 0 : i32
    %dma_wait3A_93 = tpu.memref_slice %arg2[%dma_wait3A_91, %dma_wait3A_92] : memref<10240x64xbf16, #tpu.memory_space<hbm>> -> memref<128x64xbf16, #tpu.memory_space<hbm>>
    tpu.wait_dma2 semaphore(%arg35 : memref<!tpu.dma_semaphore, #tpu.memory_space<semaphore_mem>>) src(%dma_wait3A_93 : memref<128x64xbf16, #tpu.memory_space<hbm>>) dst(%arg16 : memref<128x64xbf16, #tpu.memory_space<vmem>>)
    %dma_wait3A_94 = arith.constant 0 : i32
    %dma_wait3A_95 = arith.constant 0 : i32
    %dma_wait3A_96 = tpu.memref_slice %arg2[%dma_wait3A_94, %dma_wait3A_95] : memref<10240x64xbf16, #tpu.memory_space<hbm>> -> memref<128x64xbf16, #tpu.memory_space<hbm>>
    %dma_wait3A_97 = arith.constant 0 : i32
    %dma_wait3A_98 = arith.constant 0 : i32
    %dma_wait3A_99 = tpu.memref_slice %arg2[%dma_wait3A_97, %dma_wait3A_98] : memref<10240x64xbf16, #tpu.memory_space<hbm>> -> memref<128x64xbf16, #tpu.memory_space<hbm>>
    tpu.wait_dma2 semaphore(%arg36 : memref<!tpu.dma_semaphore, #tpu.memory_space<semaphore_mem>>) src(%dma_wait3A_99 : memref<128x64xbf16, #tpu.memory_space<hbm>>) dst(%arg17 : memref<128x64xbf16, #tpu.memory_space<vmem>>)
    %dma_wait3A_100 = arith.constant 0 : i32
    %dma_wait3A_101 = arith.constant 0 : i32
    %dma_wait3A_102 = tpu.memref_slice %arg2[%dma_wait3A_100, %dma_wait3A_101] : memref<10240x64xbf16, #tpu.memory_space<hbm>> -> memref<128x64xbf16, #tpu.memory_space<hbm>>
    %dma_wait3A_103 = arith.constant 0 : i32
    %dma_wait3A_104 = arith.constant 0 : i32
    %dma_wait3A_105 = tpu.memref_slice %arg2[%dma_wait3A_103, %dma_wait3A_104] : memref<10240x64xbf16, #tpu.memory_space<hbm>> -> memref<128x64xbf16, #tpu.memory_space<hbm>>
    tpu.wait_dma2 semaphore(%arg37 : memref<!tpu.dma_semaphore, #tpu.memory_space<semaphore_mem>>) src(%dma_wait3A_105 : memref<128x64xbf16, #tpu.memory_space<hbm>>) dst(%arg18 : memref<128x64xbf16, #tpu.memory_space<vmem>>)
    %dma_wait3A_106 = arith.constant 0 : i32
    %dma_wait3A_107 = arith.constant 0 : i32
    %dma_wait3A_108 = tpu.memref_slice %arg2[%dma_wait3A_106, %dma_wait3A_107] : memref<10240x64xbf16, #tpu.memory_space<hbm>> -> memref<128x64xbf16, #tpu.memory_space<hbm>>
    %dma_wait3A_109 = arith.constant 0 : i32
    %dma_wait3A_110 = arith.constant 0 : i32
    %dma_wait3A_111 = tpu.memref_slice %arg2[%dma_wait3A_109, %dma_wait3A_110] : memref<10240x64xbf16, #tpu.memory_space<hbm>> -> memref<128x64xbf16, #tpu.memory_space<hbm>>
    tpu.wait_dma2 semaphore(%arg38 : memref<!tpu.dma_semaphore, #tpu.memory_space<semaphore_mem>>) src(%dma_wait3A_111 : memref<128x64xbf16, #tpu.memory_space<hbm>>) dst(%arg19 : memref<128x64xbf16, #tpu.memory_space<vmem>>)
    %barrier3A_112 = arith.constant 0 : index
    tpu.barrier barrier_id(%barrier3A_112)
    %eq3A = arith.constant 0 : i32
    %eq3A_113 = arith.cmpi eq, %arg0, %eq3A : i32
    %convert_element_type3A = arith.extui %eq3A_113 : i1 to i32
    %cond3A = arith.constant 0 : i32
    %cond3A_114 = arith.cmpi ne, %convert_element_type3A, %cond3A : i32
    scf.if %cond3A_114 {
      %mul3A_120 = arith.constant 640 : i32
      %mul3A_121 = arith.muli %arg1, %mul3A_120 : i32
      %mul3A_122 = arith.constant 640 : i32
      %mul3A_123 = arith.muli %arg1, %mul3A_122 : i32
      "tpu.region"() ({
        %run_scoped3A = tpu.sem_alloc : memref<!tpu.dma_semaphore, #tpu.memory_space<semaphore_mem>>
        %dma_start3A_128 = arith.constant 0 : i32
        %dma_start3A_129 = tpu.memref_slice %arg6[%mul3A_123, %dma_start3A_128] : memref<10240x64xbf16, #tpu.memory_space<hbm>> -> memref<640x64xbf16, #tpu.memory_space<hbm>>
        %dma_start3A_130 = arith.constant 0 : i32
        %dma_start3A_131 = tpu.memref_slice %arg21[%mul3A_121, %dma_start3A_130] : memref<10240x64xbf16, #tpu.memory_space<vmem_shared>> -> memref<640x64xbf16, #tpu.memory_space<vmem_shared>>
        tpu.enqueue_dma source(%dma_start3A_131 : memref<640x64xbf16, #tpu.memory_space<vmem_shared>>) target(%dma_start3A_129 : memref<640x64xbf16, #tpu.memory_space<hbm>>) target_semaphore(%run_scoped3A : memref<!tpu.dma_semaphore, #tpu.memory_space<semaphore_mem>>)
        %dma_wait3A_132 = arith.constant 0 : i32
        %dma_wait3A_133 = tpu.memref_slice %arg6[%mul3A_123, %dma_wait3A_132] : memref<10240x64xbf16, #tpu.memory_space<hbm>> -> memref<640x64xbf16, #tpu.memory_space<hbm>>
        %dma_wait3A_134 = arith.constant 0 : i32
        %dma_wait3A_135 = tpu.memref_slice %arg21[%mul3A_121, %dma_wait3A_134] : memref<10240x64xbf16, #tpu.memory_space<vmem_shared>> -> memref<640x64xbf16, #tpu.memory_space<vmem_shared>>
        tpu.wait_dma2 semaphore(%run_scoped3A : memref<!tpu.dma_semaphore, #tpu.memory_space<semaphore_mem>>) src(%dma_wait3A_135 : memref<640x64xbf16, #tpu.memory_space<vmem_shared>>) dst(%dma_wait3A_133 : memref<640x64xbf16, #tpu.memory_space<hbm>>)
        tpu.yield
      }) : () -> ()
      %mul3A_124 = arith.constant 640 : i32
      %mul3A_125 = arith.muli %arg1, %mul3A_124 : i32
      %mul3A_126 = arith.constant 640 : i32
      %mul3A_127 = arith.muli %arg1, %mul3A_126 : i32
      "tpu.region"() ({
        %run_scoped3A = tpu.sem_alloc : memref<!tpu.dma_semaphore, #tpu.memory_space<semaphore_mem>>
        %dma_start3A_128 = arith.constant 0 : i32
        %dma_start3A_129 = tpu.memref_slice %arg7[%mul3A_127, %dma_start3A_128] : memref<10240x64xbf16, #tpu.memory_space<hbm>> -> memref<640x64xbf16, #tpu.memory_space<hbm>>
        %dma_start3A_130 = arith.constant 0 : i32
        %dma_start3A_131 = tpu.memref_slice %arg22[%mul3A_125, %dma_start3A_130] : memref<10240x64xbf16, #tpu.memory_space<vmem_shared>> -> memref<640x64xbf16, #tpu.memory_space<vmem_shared>>
        tpu.enqueue_dma source(%dma_start3A_131 : memref<640x64xbf16, #tpu.memory_space<vmem_shared>>) target(%dma_start3A_129 : memref<640x64xbf16, #tpu.memory_space<hbm>>) target_semaphore(%run_scoped3A : memref<!tpu.dma_semaphore, #tpu.memory_space<semaphore_mem>>)
        %dma_wait3A_132 = arith.constant 0 : i32
        %dma_wait3A_133 = tpu.memref_slice %arg7[%mul3A_127, %dma_wait3A_132] : memref<10240x64xbf16, #tpu.memory_space<hbm>> -> memref<640x64xbf16, #tpu.memory_space<hbm>>
        %dma_wait3A_134 = arith.constant 0 : i32
        %dma_wait3A_135 = tpu.memref_slice %arg22[%mul3A_125, %dma_wait3A_134] : memref<10240x64xbf16, #tpu.memory_space<vmem_shared>> -> memref<640x64xbf16, #tpu.memory_space<vmem_shared>>
        tpu.wait_dma2 semaphore(%run_scoped3A : memref<!tpu.dma_semaphore, #tpu.memory_space<semaphore_mem>>) src(%dma_wait3A_135 : memref<640x64xbf16, #tpu.memory_space<vmem_shared>>) dst(%dma_wait3A_133 : memref<640x64xbf16, #tpu.memory_space<hbm>>)
        tpu.yield
      }) : () -> ()
    } else {
    }
    %eq3A_115 = arith.constant 1 : i32
    %eq3A_116 = arith.cmpi eq, %arg0, %eq3A_115 : i32
    %convert_element_type3A_117 = arith.extui %eq3A_116 : i1 to i32
    %cond3A_118 = arith.constant 0 : i32
    %cond3A_119 = arith.cmpi ne, %convert_element_type3A_117, %cond3A_118 : i32
    scf.if %cond3A_119 {
      %mul3A_120 = arith.constant 640 : i32
      %mul3A_121 = arith.muli %arg1, %mul3A_120 : i32
      %mul3A_122 = arith.constant 640 : i32
      %mul3A_123 = arith.muli %arg1, %mul3A_122 : i32
      "tpu.region"() ({
        %run_scoped3A = tpu.sem_alloc : memref<!tpu.dma_semaphore, #tpu.memory_space<semaphore_mem>>
        %dma_start3A_128 = arith.constant 0 : i32
        %dma_start3A_129 = tpu.memref_slice %arg8[%mul3A_123, %dma_start3A_128] : memref<10240x64xbf16, #tpu.memory_space<hbm>> -> memref<640x64xbf16, #tpu.memory_space<hbm>>
        %dma_start3A_130 = arith.constant 0 : i32
        %dma_start3A_131 = tpu.memref_slice %arg21[%mul3A_121, %dma_start3A_130] : memref<10240x64xbf16, #tpu.memory_space<vmem_shared>> -> memref<640x64xbf16, #tpu.memory_space<vmem_shared>>
        tpu.enqueue_dma source(%dma_start3A_131 : memref<640x64xbf16, #tpu.memory_space<vmem_shared>>) target(%dma_start3A_129 : memref<640x64xbf16, #tpu.memory_space<hbm>>) target_semaphore(%run_scoped3A : memref<!tpu.dma_semaphore, #tpu.memory_space<semaphore_mem>>)
        %dma_wait3A_132 = arith.constant 0 : i32
        %dma_wait3A_133 = tpu.memref_slice %arg8[%mul3A_123, %dma_wait3A_132] : memref<10240x64xbf16, #tpu.memory_space<hbm>> -> memref<640x64xbf16, #tpu.memory_space<hbm>>
        %dma_wait3A_134 = arith.constant 0 : i32
        %dma_wait3A_135 = tpu.memref_slice %arg21[%mul3A_121, %dma_wait3A_134] : memref<10240x64xbf16, #tpu.memory_space<vmem_shared>> -> memref<640x64xbf16, #tpu.memory_space<vmem_shared>>
        tpu.wait_dma2 semaphore(%run_scoped3A : memref<!tpu.dma_semaphore, #tpu.memory_space<semaphore_mem>>) src(%dma_wait3A_135 : memref<640x64xbf16, #tpu.memory_space<vmem_shared>>) dst(%dma_wait3A_133 : memref<640x64xbf16, #tpu.memory_space<hbm>>)
        tpu.yield
      }) : () -> ()
      %mul3A_124 = arith.constant 640 : i32
      %mul3A_125 = arith.muli %arg1, %mul3A_124 : i32
      %mul3A_126 = arith.constant 640 : i32
      %mul3A_127 = arith.muli %arg1, %mul3A_126 : i32
      "tpu.region"() ({
        %run_scoped3A = tpu.sem_alloc : memref<!tpu.dma_semaphore, #tpu.memory_space<semaphore_mem>>
        %dma_start3A_128 = arith.constant 0 : i32
        %dma_start3A_129 = tpu.memref_slice %arg9[%mul3A_127, %dma_start3A_128] : memref<10240x64xbf16, #tpu.memory_space<hbm>> -> memref<640x64xbf16, #tpu.memory_space<hbm>>
        %dma_start3A_130 = arith.constant 0 : i32
        %dma_start3A_131 = tpu.memref_slice %arg22[%mul3A_125, %dma_start3A_130] : memref<10240x64xbf16, #tpu.memory_space<vmem_shared>> -> memref<640x64xbf16, #tpu.memory_space<vmem_shared>>
        tpu.enqueue_dma source(%dma_start3A_131 : memref<640x64xbf16, #tpu.memory_space<vmem_shared>>) target(%dma_start3A_129 : memref<640x64xbf16, #tpu.memory_space<hbm>>) target_semaphore(%run_scoped3A : memref<!tpu.dma_semaphore, #tpu.memory_space<semaphore_mem>>)
        %dma_wait3A_132 = arith.constant 0 : i32
        %dma_wait3A_133 = tpu.memref_slice %arg9[%mul3A_127, %dma_wait3A_132] : memref<10240x64xbf16, #tpu.memory_space<hbm>> -> memref<640x64xbf16, #tpu.memory_space<hbm>>
        %dma_wait3A_134 = arith.constant 0 : i32
        %dma_wait3A_135 = tpu.memref_slice %arg22[%mul3A_125, %dma_wait3A_134] : memref<10240x64xbf16, #tpu.memory_space<vmem_shared>> -> memref<640x64xbf16, #tpu.memory_space<vmem_shared>>
        tpu.wait_dma2 semaphore(%run_scoped3A : memref<!tpu.dma_semaphore, #tpu.memory_space<semaphore_mem>>) src(%dma_wait3A_135 : memref<640x64xbf16, #tpu.memory_space<vmem_shared>>) dst(%dma_wait3A_133 : memref<640x64xbf16, #tpu.memory_space<hbm>>)
        tpu.yield
      }) : () -> ()
    } else {
    }
    return
  }
}

module attributes {stable_mosaic.version = 14 : i64} {
  func.func @_mm1_body(%arg0: i32, %arg1: memref<1024x128xf32, #tpu.memory_space<vmem>>, %arg2: memref<128x64xf32, #tpu.memory_space<vmem>>, %arg3: memref<1024x64xf32, #tpu.memory_space<vmem>>) attributes {dimension_semantics = [#tpu.dimension_semantics<arbitrary>], iteration_bounds = array<i64: 10>, scalar_prefetch = 0 : i64, scratch_operands = 0 : i64, tpu.core_type = #tpu.core_type<tc>, window_params = [{transform_indices = @transform_0, window_bounds = array<i64: 1024, 128>}, {pipeline_mode = #tpu.pipeline_mode<synchronous>, transform_indices = @transform_1, window_bounds = array<i64: 128, 64>}, {transform_indices = @transform_2, window_bounds = array<i64: 1024, 64>}]} {
    %get3A = arith.constant 0 : index
    %get3A_0 = arith.constant 0 : index
    %get3A_1 = vector.load %arg1[%get3A, %get3A_0] : memref<1024x128xf32, #tpu.memory_space<vmem>>, vector<1024x128xf32>
    %get3A_2 = arith.constant 0 : index
    %get3A_3 = arith.constant 0 : index
    %get3A_4 = vector.load %arg2[%get3A_2, %get3A_3] : memref<128x64xf32, #tpu.memory_space<vmem>>, vector<128x64xf32>
    %dot_general3A = arith.constant dense<0.000000e+00> : vector<1024x64xf32>
    %dot_general3A_5 = tpu.matmul %get3A_1, %get3A_4, %dot_general3A {dimension_numbers = #tpu.dot_dimension_numbers<[1], [0], [0], [1], [0, 0, 1, 1], [], []>, transpose_lhs_hint = false} : vector<1024x128xf32>, vector<128x64xf32>, vector<1024x64xf32> -> vector<1024x64xf32>
    %swap3A = arith.constant 0 : index
    %swap3A_6 = arith.constant 0 : index
    %swap3A_7 = vector.load %arg3[%swap3A, %swap3A_6] : memref<1024x64xf32, #tpu.memory_space<vmem>>, vector<1024x64xf32>
    tpu.vector_store %arg3[%swap3A, %swap3A_6], %dot_general3A_5 {strides = array<i32>} : memref<1024x64xf32, #tpu.memory_space<vmem>>, vector<1024x64xf32>,
    return
  }
  func.func @transform_0(%arg0: i32) -> (i32, i32) {
    %c0_i32 = arith.constant 0 : i32
    %c0_i32_0 = arith.constant 0 : i32
    return %arg0, %c0_i32 : i32, i32
  }
  func.func @transform_1(%arg0: i32) -> (i32, i32) {
    %c0_i32 = arith.constant 0 : i32
    %c0_i32_0 = arith.constant 0 : i32
    %c0_i32_1 = arith.constant 0 : i32
    return %c0_i32, %c0_i32_0 : i32, i32
  }
  func.func @transform_2(%arg0: i32) -> (i32, i32) {
    %c0_i32 = arith.constant 0 : i32
    %c0_i32_0 = arith.constant 0 : i32
    return %arg0, %c0_i32 : i32, i32
  }
}

module attributes {stable_mosaic.version = 14 : i64} {
  func.func @_prep1_body(%arg0: i32, %arg1: memref<1024x64xf32, #tpu.memory_space<vmem>>, %arg2: memref<1024x16xf32, #tpu.memory_space<vmem>>, %arg3: memref<1024x16xf32, #tpu.memory_space<vmem>>, %arg4: memref<1x64xf32, #tpu.memory_space<vmem>>, %arg5: memref<1024x64xbf16, #tpu.memory_space<vmem>>, %arg6: memref<1024x64xf32, #tpu.memory_space<vmem>>) attributes {dimension_semantics = [#tpu.dimension_semantics<arbitrary>], iteration_bounds = array<i64: 10>, scalar_prefetch = 0 : i64, scratch_operands = 0 : i64, tpu.core_type = #tpu.core_type<tc>, window_params = [{transform_indices = @transform_0, window_bounds = array<i64: 1024, 64>}, {transform_indices = @transform_1, window_bounds = array<i64: 1024, 16>}, {transform_indices = @transform_2, window_bounds = array<i64: 1024, 16>}, {pipeline_mode = #tpu.pipeline_mode<synchronous>, transform_indices = @transform_3, window_bounds = array<i64: 1, 64>}, {transform_indices = @transform_4, window_bounds = array<i64: 1024, 64>}, {transform_indices = @transform_5, window_bounds = array<i64: 1024, 64>}]} {
    %get3A = arith.constant 0 : index
    %get3A_0 = arith.constant 0 : index
    %get3A_1 = vector.load %arg1[%get3A, %get3A_0] : memref<1024x64xf32, #tpu.memory_space<vmem>>, vector<1024x64xf32>
    %get3A_2 = arith.constant 0 : index
    %get3A_3 = arith.constant 0 : index
    %get3A_4 = vector.load %arg2[%get3A_2, %get3A_3] : memref<1024x16xf32, #tpu.memory_space<vmem>>, vector<1024x1xf32>
    %get3A_5 = arith.constant 0 : index
    %get3A_6 = arith.constant 0 : index
    %get3A_7 = vector.load %arg3[%get3A_5, %get3A_6] : memref<1024x16xf32, #tpu.memory_space<vmem>>, vector<1024x1xf32>
    %add3A = arith.addf %get3A_4, %get3A_7 : vector<1024x1xf32>
    %add3A_8 = arith.constant 1.000000e+00 : f32
    %add3A_9 = vector.broadcast %add3A_8 : f32 to vector<1024x1xf32>
    %add3A_10 = arith.addf %add3A, %add3A_9 : vector<1024x1xf32>
    %rsqrt3A = math.rsqrt %add3A_10 : vector<1024x1xf32>
    %mul3A = vector.broadcast %rsqrt3A : vector<1024x1xf32> to vector<1024x64xf32>
    %mul3A_11 = arith.mulf %get3A_1, %mul3A : vector<1024x64xf32>
    %convert_element_type3A = arith.truncf %mul3A_11 : vector<1024x64xf32> to vector<1024x64xbf16>
    %swap3A = arith.constant 0 : index
    %swap3A_12 = arith.constant 0 : index
    %swap3A_13 = vector.load %arg5[%swap3A, %swap3A_12] : memref<1024x64xbf16, #tpu.memory_space<vmem>>, vector<1024x64xbf16>
    tpu.vector_store %arg5[%swap3A, %swap3A_12], %convert_element_type3A {strides = array<i32>} : memref<1024x64xbf16, #tpu.memory_space<vmem>>, vector<1024x64xbf16>,
    %mul3A_14 = arith.mulf %rsqrt3A, %rsqrt3A : vector<1024x1xf32>
    %mul3A_15 = vector.broadcast %mul3A_14 : vector<1024x1xf32> to vector<1024x64xf32>
    %mul3A_16 = arith.mulf %get3A_1, %mul3A_15 : vector<1024x64xf32>
    %get3A_17 = arith.constant 0 : index
    %get3A_18 = arith.constant 0 : index
    %get3A_19 = vector.load %arg4[%get3A_17, %get3A_18] : memref<1x64xf32, #tpu.memory_space<vmem>>, vector<1x64xf32>
    %add3A_20 = vector.broadcast %get3A_19 : vector<1x64xf32> to vector<1024x64xf32>
    %add3A_21 = arith.addf %mul3A_16, %add3A_20 : vector<1024x64xf32>
    %swap3A_22 = arith.constant 0 : index
    %swap3A_23 = arith.constant 0 : index
    %swap3A_24 = vector.load %arg6[%swap3A_22, %swap3A_23] : memref<1024x64xf32, #tpu.memory_space<vmem>>, vector<1024x64xf32>
    tpu.vector_store %arg6[%swap3A_22, %swap3A_23], %add3A_21 {strides = array<i32>} : memref<1024x64xf32, #tpu.memory_space<vmem>>, vector<1024x64xf32>,
    return
  }
  func.func @transform_0(%arg0: i32) -> (i32, i32) {
    %c0_i32 = arith.constant 0 : i32
    %c0_i32_0 = arith.constant 0 : i32
    return %arg0, %c0_i32 : i32, i32
  }
  func.func @transform_1(%arg0: i32) -> (i32, i32) {
    %c0_i32 = arith.constant 0 : i32
    %c0_i32_0 = arith.constant 0 : i32
    return %arg0, %c0_i32 : i32, i32
  }
  func.func @transform_2(%arg0: i32) -> (i32, i32) {
    %c0_i32 = arith.constant 0 : i32
    %c0_i32_0 = arith.constant 0 : i32
    return %arg0, %c0_i32 : i32, i32
  }
  func.func @transform_3(%arg0: i32) -> (i32, i32) {
    %c0_i32 = arith.constant 0 : i32
    %c0_i32_0 = arith.constant 0 : i32
    %c0_i32_1 = arith.constant 0 : i32
    return %c0_i32, %c0_i32_0 : i32, i32
  }
  func.func @transform_4(%arg0: i32) -> (i32, i32) {
    %c0_i32 = arith.constant 0 : i32
    %c0_i32_0 = arith.constant 0 : i32
    return %arg0, %c0_i32 : i32, i32
  }
  func.func @transform_5(%arg0: i32) -> (i32, i32) {
    %c0_i32 = arith.constant 0 : i32
    %c0_i32_0 = arith.constant 0 : i32
    return %arg0, %c0_i32 : i32, i32
  }
}

module attributes {stable_mosaic.version = 14 : i64} {
  func.func @_mid_body(%arg0: i32, %arg1: memref<1024x64xbf16, #tpu.memory_space<vmem>>, %arg2: memref<1024x64xbf16, #tpu.memory_space<vmem>>, %arg3: memref<1024x64xbf16, #tpu.memory_space<vmem>>, %arg4: memref<1024x64xbf16, #tpu.memory_space<vmem>>, %arg5: memref<1024x64xf32, #tpu.memory_space<vmem>>, %arg6: memref<1024x16xf32, #tpu.memory_space<vmem>>, %arg7: memref<1024x16xf32, #tpu.memory_space<vmem>>, %arg8: memref<1x64xf32, #tpu.memory_space<vmem>>, %arg9: memref<1x64xf32, #tpu.memory_space<vmem>>, %arg10: memref<64x64xf32, #tpu.memory_space<vmem>>, %arg11: memref<1x64xf32, #tpu.memory_space<vmem>>, %arg12: memref<1024x64xf32, #tpu.memory_space<vmem>>, %arg13: memref<1024x64xbf16, #tpu.memory_space<vmem>>) attributes {dimension_semantics = [#tpu.dimension_semantics<arbitrary>], iteration_bounds = array<i64: 10>, scalar_prefetch = 0 : i64, scratch_operands = 0 : i64, tpu.core_type = #tpu.core_type<tc>, window_params = [{transform_indices = @transform_0, window_bounds = array<i64: 1024, 64>}, {transform_indices = @transform_1, window_bounds = array<i64: 1024, 64>}, {transform_indices = @transform_2, window_bounds = array<i64: 1024, 64>}, {transform_indices = @transform_3, window_bounds = array<i64: 1024, 64>}, {transform_indices = @transform_4, window_bounds = array<i64: 1024, 64>}, {transform_indices = @transform_5, window_bounds = array<i64: 1024, 16>}, {transform_indices = @transform_6, window_bounds = array<i64: 1024, 16>}, {pipeline_mode = #tpu.pipeline_mode<synchronous>, transform_indices = @transform_7, window_bounds = array<i64: 1, 64>}, {pipeline_mode = #tpu.pipeline_mode<synchronous>, transform_indices = @transform_8, window_bounds = array<i64: 1, 64>}, {pipeline_mode = #tpu.pipeline_mode<synchronous>, transform_indices = @transform_9, window_bounds = array<i64: 64, 64>}, {pipeline_mode = #tpu.pipeline_mode<synchronous>, transform_indices = @transform_10, window_bounds = array<i64: 1, 64>}, {transform_indices = @transform_11, window_bounds = array<i64: 1024, 64>}, {transform_indices = @transform_12, window_bounds = array<i64: 1024, 64>}]} {
    %get3A = arith.constant 0 : index
    %get3A_0 = arith.constant 0 : index
    %get3A_1 = vector.load %arg6[%get3A, %get3A_0] : memref<1024x16xf32, #tpu.memory_space<vmem>>, vector<1024x1xf32>
    %get3A_2 = arith.constant 0 : index
    %get3A_3 = arith.constant 0 : index
    %get3A_4 = vector.load %arg7[%get3A_2, %get3A_3] : memref<1024x16xf32, #tpu.memory_space<vmem>>, vector<1024x1xf32>
    %add3A = arith.addf %get3A_1, %get3A_4 : vector<1024x1xf32>
    %add3A_5 = arith.constant 1.000000e+00 : f32
    %add3A_6 = vector.broadcast %add3A_5 : f32 to vector<1024x1xf32>
    %add3A_7 = arith.addf %add3A, %add3A_6 : vector<1024x1xf32>
    %rsqrt3A = math.rsqrt %add3A_7 : vector<1024x1xf32>
    %get3A_8 = arith.constant 0 : index
    %get3A_9 = arith.constant 0 : index
    %get3A_10 = vector.load %arg1[%get3A_8, %get3A_9] : memref<1024x64xbf16, #tpu.memory_space<vmem>>, vector<1024x64xbf16>
    %convert_element_type3A = arith.extf %get3A_10 : vector<1024x64xbf16> to vector<1024x64xf32>
    %get3A_11 = arith.constant 0 : index
    %get3A_12 = arith.constant 0 : index
    %get3A_13 = vector.load %arg2[%get3A_11, %get3A_12] : memref<1024x64xbf16, #tpu.memory_space<vmem>>, vector<1024x64xbf16>
    %convert_element_type3A_14 = arith.extf %get3A_13 : vector<1024x64xbf16> to vector<1024x64xf32>
    %add3A_15 = arith.addf %convert_element_type3A, %convert_element_type3A_14 : vector<1024x64xf32>
    %get3A_16 = arith.constant 0 : index
    %get3A_17 = arith.constant 0 : index
    %get3A_18 = vector.load %arg3[%get3A_16, %get3A_17] : memref<1024x64xbf16, #tpu.memory_space<vmem>>, vector<1024x64xbf16>
    %convert_element_type3A_19 = arith.extf %get3A_18 : vector<1024x64xbf16> to vector<1024x64xf32>
    %add3A_20 = arith.addf %add3A_15, %convert_element_type3A_19 : vector<1024x64xf32>
    %get3A_21 = arith.constant 0 : index
    %get3A_22 = arith.constant 0 : index
    %get3A_23 = vector.load %arg4[%get3A_21, %get3A_22] : memref<1024x64xbf16, #tpu.memory_space<vmem>>, vector<1024x64xbf16>
    %convert_element_type3A_24 = arith.extf %get3A_23 : vector<1024x64xbf16> to vector<1024x64xf32>
    %add3A_25 = arith.addf %add3A_20, %convert_element_type3A_24 : vector<1024x64xf32>
    %get3A_26 = arith.constant 0 : index
    %get3A_27 = arith.constant 0 : index
    %get3A_28 = vector.load %arg5[%get3A_26, %get3A_27] : memref<1024x64xf32, #tpu.memory_space<vmem>>, vector<1024x64xf32>
    %mul3A = vector.broadcast %rsqrt3A : vector<1024x1xf32> to vector<1024x64xf32>
    %mul3A_29 = arith.mulf %mul3A, %add3A_25 : vector<1024x64xf32>
    %add3A_30 = arith.addf %get3A_28, %mul3A_29 : vector<1024x64xf32>
    %get3A_31 = arith.constant 0 : index
    %get3A_32 = arith.constant 0 : index
    %get3A_33 = vector.load %arg8[%get3A_31, %get3A_32] : memref<1x64xf32, #tpu.memory_space<vmem>>, vector<1x64xf32>
    %mul3A_34 = arith.constant 0.999994993 : f32
    %mul3A_35 = vector.broadcast %mul3A_34 : f32 to vector<1x64xf32>
    %mul3A_36 = arith.mulf %get3A_33, %mul3A_35 : vector<1x64xf32>
    %mul3A_37 = vector.broadcast %mul3A_36 : vector<1x64xf32> to vector<1024x64xf32>
    %mul3A_38 = arith.mulf %add3A_30, %mul3A_37 : vector<1024x64xf32>
    %get3A_39 = arith.constant 0 : index
    %get3A_40 = arith.constant 0 : index
    %get3A_41 = vector.load %arg9[%get3A_39, %get3A_40] : memref<1x64xf32, #tpu.memory_space<vmem>>, vector<1x64xf32>
    %add3A_42 = vector.broadcast %get3A_41 : vector<1x64xf32> to vector<1024x64xf32>
    %add3A_43 = arith.addf %mul3A_38, %add3A_42 : vector<1024x64xf32>
    %max3A = arith.constant 0.000000e+00 : f32
    %max3A_44 = vector.broadcast %max3A : f32 to vector<1024x64xf32>
    %max3A_45 = arith.maximumf %add3A_43, %max3A_44 : vector<1024x64xf32>
    %get3A_46 = arith.constant 0 : index
    %get3A_47 = arith.constant 0 : index
    %get3A_48 = vector.load %arg10[%get3A_46, %get3A_47] : memref<64x64xf32, #tpu.memory_space<vmem>>, vector<64x64xf32>
    %dot_general3A = arith.constant dense<0.000000e+00> : vector<1024x64xf32>
    %dot_general3A_49 = tpu.matmul %max3A_45, %get3A_48, %dot_general3A {dimension_numbers = #tpu.dot_dimension_numbers<[1], [0], [0], [1], [0, 0, 1, 1], [], []>, transpose_lhs_hint = false} : vector<1024x64xf32>, vector<64x64xf32>, vector<1024x64xf32> -> vector<1024x64xf32>
    %mul3A_50 = arith.mulf %rsqrt3A, %rsqrt3A : vector<1024x1xf32>
    %mul3A_51 = vector.broadcast %mul3A_50 : vector<1024x1xf32> to vector<1024x64xf32>
    %mul3A_52 = arith.mulf %dot_general3A_49, %mul3A_51 : vector<1024x64xf32>
    %get3A_53 = arith.constant 0 : index
    %get3A_54 = arith.constant 0 : index
    %get3A_55 = vector.load %arg11[%get3A_53, %get3A_54] : memref<1x64xf32, #tpu.memory_space<vmem>>, vector<1x64xf32>
    %add3A_56 = vector.broadcast %get3A_55 : vector<1x64xf32> to vector<1024x64xf32>
    %add3A_57 = arith.addf %mul3A_52, %add3A_56 : vector<1024x64xf32>
    %swap3A = arith.constant 0 : index
    %swap3A_58 = arith.constant 0 : index
    %swap3A_59 = vector.load %arg12[%swap3A, %swap3A_58] : memref<1024x64xf32, #tpu.memory_space<vmem>>, vector<1024x64xf32>
    tpu.vector_store %arg12[%swap3A, %swap3A_58], %add3A_57 {strides = array<i32>} : memref<1024x64xf32, #tpu.memory_space<vmem>>, vector<1024x64xf32>,
    %mul3A_60 = vector.broadcast %rsqrt3A : vector<1024x1xf32> to vector<1024x64xf32>
    %mul3A_61 = arith.mulf %dot_general3A_49, %mul3A_60 : vector<1024x64xf32>
    %convert_element_type3A_62 = arith.truncf %mul3A_61 : vector<1024x64xf32> to vector<1024x64xbf16>
    %swap3A_63 = arith.constant 0 : index
    %swap3A_64 = arith.constant 0 : index
    %swap3A_65 = vector.load %arg13[%swap3A_63, %swap3A_64] : memref<1024x64xbf16, #tpu.memory_space<vmem>>, vector<1024x64xbf16>
    tpu.vector_store %arg13[%swap3A_63, %swap3A_64], %convert_element_type3A_62 {strides = array<i32>} : memref<1024x64xbf16, #tpu.memory_space<vmem>>, vector<1024x64xbf16>,
    return
  }
  func.func @transform_0(%arg0: i32) -> (i32, i32) {
    %c0_i32 = arith.constant 0 : i32
    %c0_i32_0 = arith.constant 0 : i32
    return %arg0, %c0_i32 : i32, i32
  }
  func.func @transform_1(%arg0: i32) -> (i32, i32) {
    %c0_i32 = arith.constant 0 : i32
    %c0_i32_0 = arith.constant 0 : i32
    return %arg0, %c0_i32 : i32, i32
  }
  func.func @transform_2(%arg0: i32) -> (i32, i32) {
    %c0_i32 = arith.constant 0 : i32
    %c0_i32_0 = arith.constant 0 : i32
    return %arg0, %c0_i32 : i32, i32
  }
  func.func @transform_3(%arg0: i32) -> (i32, i32) {
    %c0_i32 = arith.constant 0 : i32
    %c0_i32_0 = arith.constant 0 : i32
    return %arg0, %c0_i32 : i32, i32
  }
  func.func @transform_4(%arg0: i32) -> (i32, i32) {
    %c0_i32 = arith.constant 0 : i32
    %c0_i32_0 = arith.constant 0 : i32
    return %arg0, %c0_i32 : i32, i32
  }
  func.func @transform_5(%arg0: i32) -> (i32, i32) {
    %c0_i32 = arith.constant 0 : i32
    %c0_i32_0 = arith.constant 0 : i32
    return %arg0, %c0_i32 : i32, i32
  }
  func.func @transform_6(%arg0: i32) -> (i32, i32) {
    %c0_i32 = arith.constant 0 : i32
    %c0_i32_0 = arith.constant 0 : i32
    return %arg0, %c0_i32 : i32, i32
  }
  func.func @transform_7(%arg0: i32) -> (i32, i32) {
    %c0_i32 = arith.constant 0 : i32
    %c0_i32_0 = arith.constant 0 : i32
    %c0_i32_1 = arith.constant 0 : i32
    return %c0_i32, %c0_i32_0 : i32, i32
  }
  func.func @transform_8(%arg0: i32) -> (i32, i32) {
    %c0_i32 = arith.constant 0 : i32
    %c0_i32_0 = arith.constant 0 : i32
    %c0_i32_1 = arith.constant 0 : i32
    return %c0_i32, %c0_i32_0 : i32, i32
  }
  func.func @transform_9(%arg0: i32) -> (i32, i32) {
    %c0_i32 = arith.constant 0 : i32
    %c0_i32_0 = arith.constant 0 : i32
    %c0_i32_1 = arith.constant 0 : i32
    return %c0_i32, %c0_i32_0 : i32, i32
  }
  func.func @transform_10(%arg0: i32) -> (i32, i32) {
    %c0_i32 = arith.constant 0 : i32
    %c0_i32_0 = arith.constant 0 : i32
    %c0_i32_1 = arith.constant 0 : i32
    return %c0_i32, %c0_i32_0 : i32, i32
  }
  func.func @transform_11(%arg0: i32) -> (i32, i32) {
    %c0_i32 = arith.constant 0 : i32
    %c0_i32_0 = arith.constant 0 : i32
    return %arg0, %c0_i32 : i32, i32
  }
  func.func @transform_12(%arg0: i32) -> (i32, i32) {
    %c0_i32 = arith.constant 0 : i32
    %c0_i32_0 = arith.constant 0 : i32
    return %arg0, %c0_i32 : i32, i32
  }
}

module attributes {stable_mosaic.version = 14 : i64} {
  func.func @_final_body(%arg0: i32, %arg1: memref<1024x64xbf16, #tpu.memory_space<vmem>>, %arg2: memref<1024x64xbf16, #tpu.memory_space<vmem>>, %arg3: memref<1024x64xbf16, #tpu.memory_space<vmem>>, %arg4: memref<1024x64xbf16, #tpu.memory_space<vmem>>, %arg5: memref<1024x64xf32, #tpu.memory_space<vmem>>, %arg6: memref<1024x16xf32, #tpu.memory_space<vmem>>, %arg7: memref<1024x16xf32, #tpu.memory_space<vmem>>, %arg8: memref<1x64xf32, #tpu.memory_space<vmem>>, %arg9: memref<1x64xf32, #tpu.memory_space<vmem>>, %arg10: memref<64x128xf32, #tpu.memory_space<vmem>>, %arg11: memref<1x128xf32, #tpu.memory_space<vmem>>, %arg12: memref<128x128xf32, #tpu.memory_space<vmem>>, %arg13: memref<1x128xf32, #tpu.memory_space<vmem>>, %arg14: memref<8x128xf32, #tpu.memory_space<vmem>>, %arg15: memref<8x64xf32, #tpu.memory_space<vmem>>) attributes {dimension_semantics = [#tpu.dimension_semantics<arbitrary>], iteration_bounds = array<i64: 10>, scalar_prefetch = 0 : i64, scratch_operands = 1 : i64, tpu.core_type = #tpu.core_type<tc>, window_params = [{transform_indices = @transform_0, window_bounds = array<i64: 1024, 64>}, {transform_indices = @transform_1, window_bounds = array<i64: 1024, 64>}, {transform_indices = @transform_2, window_bounds = array<i64: 1024, 64>}, {transform_indices = @transform_3, window_bounds = array<i64: 1024, 64>}, {transform_indices = @transform_4, window_bounds = array<i64: 1024, 64>}, {transform_indices = @transform_5, window_bounds = array<i64: 1024, 16>}, {transform_indices = @transform_6, window_bounds = array<i64: 1024, 16>}, {pipeline_mode = #tpu.pipeline_mode<synchronous>, transform_indices = @transform_7, window_bounds = array<i64: 1, 64>}, {pipeline_mode = #tpu.pipeline_mode<synchronous>, transform_indices = @transform_8, window_bounds = array<i64: 1, 64>}, {pipeline_mode = #tpu.pipeline_mode<synchronous>, transform_indices = @transform_9, window_bounds = array<i64: 64, 128>}, {pipeline_mode = #tpu.pipeline_mode<synchronous>, transform_indices = @transform_10, window_bounds = array<i64: 1, 128>}, {pipeline_mode = #tpu.pipeline_mode<synchronous>, transform_indices = @transform_11, window_bounds = array<i64: 128, 128>}, {pipeline_mode = #tpu.pipeline_mode<synchronous>, transform_indices = @transform_12, window_bounds = array<i64: 1, 128>}, {pipeline_mode = #tpu.pipeline_mode<synchronous>, transform_indices = @transform_13, window_bounds = array<i64: 8, 128>}]} {
    %get3A = arith.constant 0 : index
    %get3A_0 = arith.constant 0 : index
    %get3A_1 = vector.load %arg6[%get3A, %get3A_0] : memref<1024x16xf32, #tpu.memory_space<vmem>>, vector<1024x1xf32>
    %get3A_2 = arith.constant 0 : index
    %get3A_3 = arith.constant 0 : index
    %get3A_4 = vector.load %arg7[%get3A_2, %get3A_3] : memref<1024x16xf32, #tpu.memory_space<vmem>>, vector<1024x1xf32>
    %add3A = arith.addf %get3A_1, %get3A_4 : vector<1024x1xf32>
    %add3A_5 = arith.constant 1.000000e+00 : f32
    %add3A_6 = vector.broadcast %add3A_5 : f32 to vector<1024x1xf32>
    %add3A_7 = arith.addf %add3A, %add3A_6 : vector<1024x1xf32>
    %rsqrt3A = math.rsqrt %add3A_7 : vector<1024x1xf32>
    %get3A_8 = arith.constant 0 : index
    %get3A_9 = arith.constant 0 : index
    %get3A_10 = vector.load %arg1[%get3A_8, %get3A_9] : memref<1024x64xbf16, #tpu.memory_space<vmem>>, vector<1024x64xbf16>
    %convert_element_type3A = arith.extf %get3A_10 : vector<1024x64xbf16> to vector<1024x64xf32>
    %get3A_11 = arith.constant 0 : index
    %get3A_12 = arith.constant 0 : index
    %get3A_13 = vector.load %arg2[%get3A_11, %get3A_12] : memref<1024x64xbf16, #tpu.memory_space<vmem>>, vector<1024x64xbf16>
    %convert_element_type3A_14 = arith.extf %get3A_13 : vector<1024x64xbf16> to vector<1024x64xf32>
    %add3A_15 = arith.addf %convert_element_type3A, %convert_element_type3A_14 : vector<1024x64xf32>
    %get3A_16 = arith.constant 0 : index
    %get3A_17 = arith.constant 0 : index
    %get3A_18 = vector.load %arg3[%get3A_16, %get3A_17] : memref<1024x64xbf16, #tpu.memory_space<vmem>>, vector<1024x64xbf16>
    %convert_element_type3A_19 = arith.extf %get3A_18 : vector<1024x64xbf16> to vector<1024x64xf32>
    %add3A_20 = arith.addf %add3A_15, %convert_element_type3A_19 : vector<1024x64xf32>
    %get3A_21 = arith.constant 0 : index
    %get3A_22 = arith.constant 0 : index
    %get3A_23 = vector.load %arg4[%get3A_21, %get3A_22] : memref<1024x64xbf16, #tpu.memory_space<vmem>>, vector<1024x64xbf16>
    %convert_element_type3A_24 = arith.extf %get3A_23 : vector<1024x64xbf16> to vector<1024x64xf32>
    %add3A_25 = arith.addf %add3A_20, %convert_element_type3A_24 : vector<1024x64xf32>
    %get3A_26 = arith.constant 0 : index
    %get3A_27 = arith.constant 0 : index
    %get3A_28 = vector.load %arg5[%get3A_26, %get3A_27] : memref<1024x64xf32, #tpu.memory_space<vmem>>, vector<1024x64xf32>
    %mul3A = vector.broadcast %rsqrt3A : vector<1024x1xf32> to vector<1024x64xf32>
    %mul3A_29 = arith.mulf %mul3A, %add3A_25 : vector<1024x64xf32>
    %add3A_30 = arith.addf %get3A_28, %mul3A_29 : vector<1024x64xf32>
    %get3A_31 = arith.constant 0 : index
    %get3A_32 = arith.constant 0 : index
    %get3A_33 = vector.load %arg8[%get3A_31, %get3A_32] : memref<1x64xf32, #tpu.memory_space<vmem>>, vector<1x64xf32>
    %mul3A_34 = arith.constant 0.999994993 : f32
    %mul3A_35 = vector.broadcast %mul3A_34 : f32 to vector<1x64xf32>
    %mul3A_36 = arith.mulf %get3A_33, %mul3A_35 : vector<1x64xf32>
    %mul3A_37 = vector.broadcast %mul3A_36 : vector<1x64xf32> to vector<1024x64xf32>
    %mul3A_38 = arith.mulf %add3A_30, %mul3A_37 : vector<1024x64xf32>
    %get3A_39 = arith.constant 0 : index
    %get3A_40 = arith.constant 0 : index
    %get3A_41 = vector.load %arg9[%get3A_39, %get3A_40] : memref<1x64xf32, #tpu.memory_space<vmem>>, vector<1x64xf32>
    %add3A_42 = vector.broadcast %get3A_41 : vector<1x64xf32> to vector<1024x64xf32>
    %add3A_43 = arith.addf %mul3A_38, %add3A_42 : vector<1024x64xf32>
    %max3A = arith.constant 0.000000e+00 : f32
    %max3A_44 = vector.broadcast %max3A : f32 to vector<1024x64xf32>
    %max3A_45 = arith.maximumf %add3A_43, %max3A_44 : vector<1024x64xf32>
    %mul3A_46 = arith.constant 1024 : i32
    %mul3A_47 = arith.muli %arg0, %mul3A_46 : i32
    %iota3A = tpu.iota {dimensions = array<i32: 0>} : vector<1024x1xi32>
    %add3A_48 = vector.broadcast %mul3A_47 : i32 to vector<1024x1xi32>
    %add3A_49 = arith.addi %add3A_48, %iota3A : vector<1024x1xi32>
    %lt3A = arith.constant 10000 : i32
    %lt3A_50 = vector.broadcast %lt3A : i32 to vector<1024x1xi32>
    %lt3A_51 = arith.cmpi slt, %add3A_49, %lt3A_50 : vector<1024x1xi32>
    %jit3A = arith.constant 0.000000e+00 : f32
    %broadcast_in_dim3A = vector.shape_cast %lt3A_51 : vector<1024x1xi1> to vector<1024x1xi1>
    %broadcast_in_dim3A_52 = vector.broadcast %broadcast_in_dim3A : vector<1024x1xi1> to vector<1024x64xi1>
    %broadcast_in_dim3A_53 = vector.broadcast %jit3A : f32 to vector<1024x64xf32>
    %select_n3A = arith.select %broadcast_in_dim3A_52, %max3A_45, %broadcast_in_dim3A_53 : vector<1024x64xi1>, vector<1024x64xf32>
    %reduce_sum3A = arith.constant dense<0.000000e+00> : vector<64xf32>
    %reduce_sum3A_54 = vector.multi_reduction <add>, %select_n3A, %reduce_sum3A [0] : vector<1024x64xf32> to vector<64xf32>
    %broadcast_in_dim3A_55 = vector.shape_cast %reduce_sum3A_54 : vector<64xf32> to vector<1x64xf32>
    %eq3A = arith.constant 0 : i32
    %eq3A_56 = arith.cmpi eq, %arg0, %eq3A : i32
    %convert_element_type3A_57 = arith.extui %eq3A_56 : i1 to i32
    %cond3A = arith.constant 0 : i32
    %cond3A_58 = arith.cmpi ne, %convert_element_type3A_57, %cond3A : i32
    scf.if %cond3A_58 {
      %broadcast_in_dim3A_72 = arith.constant 0.000000e+00 : f32
      %broadcast_in_dim3A_73 = vector.broadcast %broadcast_in_dim3A_72 : f32 to vector<8x64xf32>
      %swap3A_74 = arith.constant 0 : index
      %swap3A_75 = arith.constant 0 : index
      %swap3A_76 = vector.load %arg15[%swap3A_74, %swap3A_75] : memref<8x64xf32, #tpu.memory_space<vmem>>, vector<8x64xf32>
      tpu.vector_store %arg15[%swap3A_74, %swap3A_75], %broadcast_in_dim3A_73 {strides = array<i32>} : memref<8x64xf32, #tpu.memory_space<vmem>>, vector<8x64xf32>,
    } else {
    }
    %get3A_59 = arith.constant 0 : index
    %get3A_60 = arith.constant 0 : index
    %get3A_61 = vector.load %arg15[%get3A_59, %get3A_60] : memref<8x64xf32, #tpu.memory_space<vmem>>, vector<8x64xf32>
    %broadcast_in_dim3A_62 = vector.shape_cast %broadcast_in_dim3A_55 : vector<1x64xf32> to vector<1x64xf32>
    %broadcast_in_dim3A_63 = vector.broadcast %broadcast_in_dim3A_62 : vector<1x64xf32> to vector<8x64xf32>
    %add3A_64 = arith.addf %get3A_61, %broadcast_in_dim3A_63 : vector<8x64xf32>
    %swap3A = arith.constant 0 : index
    %swap3A_65 = arith.constant 0 : index
    %swap3A_66 = vector.load %arg15[%swap3A, %swap3A_65] : memref<8x64xf32, #tpu.memory_space<vmem>>, vector<8x64xf32>
    tpu.vector_store %arg15[%swap3A, %swap3A_65], %add3A_64 {strides = array<i32>} : memref<8x64xf32, #tpu.memory_space<vmem>>, vector<8x64xf32>,
    %eq3A_67 = arith.constant 9 : i32
    %eq3A_68 = arith.cmpi eq, %arg0, %eq3A_67 : i32
    %convert_element_type3A_69 = arith.extui %eq3A_68 : i1 to i32
    %cond3A_70 = arith.constant 0 : i32
    %cond3A_71 = arith.cmpi ne, %convert_element_type3A_69, %cond3A_70 : i32
    scf.if %cond3A_71 {
      %get3A_72 = arith.constant 0 : index
      %get3A_73 = arith.constant 0 : index
      %get3A_74 = vector.load %arg15[%get3A_72, %get3A_73] : memref<8x64xf32, #tpu.memory_space<vmem>>, vector<1x64xf32>
      %mul3A_75 = arith.constant 9.99999974E-5 : f32
      %mul3A_76 = vector.broadcast %mul3A_75 : f32 to vector<1x64xf32>
      %mul3A_77 = arith.mulf %get3A_74, %mul3A_76 : vector<1x64xf32>
      %get3A_78 = arith.constant 0 : index
      %get3A_79 = arith.constant 0 : index
      %get3A_80 = vector.load %arg10[%get3A_78, %get3A_79] : memref<64x128xf32, #tpu.memory_space<vmem>>, vector<64x128xf32>
      %dot_general3A = arith.constant dense<0.000000e+00> : vector<1x128xf32>
      %dot_general3A_81 = tpu.matmul %mul3A_77, %get3A_80, %dot_general3A {dimension_numbers = #tpu.dot_dimension_numbers<[1], [0], [0], [1], [0, 0, 1, 1], [], []>, transpose_lhs_hint = false} : vector<1x64xf32>, vector<64x128xf32>, vector<1x128xf32> -> vector<1x128xf32>
      %get3A_82 = arith.constant 0 : index
      %get3A_83 = arith.constant 0 : index
      %get3A_84 = vector.load %arg11[%get3A_82, %get3A_83] : memref<1x128xf32, #tpu.memory_space<vmem>>, vector<1x128xf32>
      %add3A_85 = arith.addf %dot_general3A_81, %get3A_84 : vector<1x128xf32>
      %max3A_86 = arith.constant 0.000000e+00 : f32
      %max3A_87 = vector.broadcast %max3A_86 : f32 to vector<1x128xf32>
      %max3A_88 = arith.maximumf %add3A_85, %max3A_87 : vector<1x128xf32>
      %get3A_89 = arith.constant 0 : index
      %get3A_90 = arith.constant 0 : index
      %get3A_91 = vector.load %arg12[%get3A_89, %get3A_90] : memref<128x128xf32, #tpu.memory_space<vmem>>, vector<128x128xf32>
      %dot_general3A_92 = arith.constant dense<0.000000e+00> : vector<1x128xf32>
      %dot_general3A_93 = tpu.matmul %max3A_88, %get3A_91, %dot_general3A_92 {dimension_numbers = #tpu.dot_dimension_numbers<[1], [0], [0], [1], [0, 0, 1, 1], [], []>, transpose_lhs_hint = false} : vector<1x128xf32>, vector<128x128xf32>, vector<1x128xf32> -> vector<1x128xf32>
      %get3A_94 = arith.constant 0 : index
      %get3A_95 = arith.constant 0 : index
      %get3A_96 = vector.load %arg13[%get3A_94, %get3A_95] : memref<1x128xf32, #tpu.memory_space<vmem>>, vector<1x128xf32>
      %add3A_97 = arith.addf %dot_general3A_93, %get3A_96 : vector<1x128xf32>
      %broadcast_in_dim3A_98 = vector.shape_cast %add3A_97 : vector<1x128xf32> to vector<1x128xf32>
      %broadcast_in_dim3A_99 = vector.broadcast %broadcast_in_dim3A_98 : vector<1x128xf32> to vector<8x128xf32>
      %swap3A_100 = arith.constant 0 : index
      %swap3A_101 = arith.constant 0 : index
      %swap3A_102 = vector.load %arg14[%swap3A_100, %swap3A_101] : memref<8x128xf32, #tpu.memory_space<vmem>>, vector<8x128xf32>
      tpu.vector_store %arg14[%swap3A_100, %swap3A_101], %broadcast_in_dim3A_99 {strides = array<i32>} : memref<8x128xf32, #tpu.memory_space<vmem>>, vector<8x128xf32>,
    } else {
    }
    return
  }
  func.func @transform_0(%arg0: i32) -> (i32, i32) {
    %c0_i32 = arith.constant 0 : i32
    %c0_i32_0 = arith.constant 0 : i32
    return %arg0, %c0_i32 : i32, i32
  }
  func.func @transform_1(%arg0: i32) -> (i32, i32) {
    %c0_i32 = arith.constant 0 : i32
    %c0_i32_0 = arith.constant 0 : i32
    return %arg0, %c0_i32 : i32, i32
  }
  func.func @transform_2(%arg0: i32) -> (i32, i32) {
    %c0_i32 = arith.constant 0 : i32
    %c0_i32_0 = arith.constant 0 : i32
    return %arg0, %c0_i32 : i32, i32
  }
  func.func @transform_3(%arg0: i32) -> (i32, i32) {
    %c0_i32 = arith.constant 0 : i32
    %c0_i32_0 = arith.constant 0 : i32
    return %arg0, %c0_i32 : i32, i32
  }
  func.func @transform_4(%arg0: i32) -> (i32, i32) {
    %c0_i32 = arith.constant 0 : i32
    %c0_i32_0 = arith.constant 0 : i32
    return %arg0, %c0_i32 : i32, i32
  }
  func.func @transform_5(%arg0: i32) -> (i32, i32) {
    %c0_i32 = arith.constant 0 : i32
    %c0_i32_0 = arith.constant 0 : i32
    return %arg0, %c0_i32 : i32, i32
  }
  func.func @transform_6(%arg0: i32) -> (i32, i32) {
    %c0_i32 = arith.constant 0 : i32
    %c0_i32_0 = arith.constant 0 : i32
    return %arg0, %c0_i32 : i32, i32
  }
  func.func @transform_7(%arg0: i32) -> (i32, i32) {
    %c0_i32 = arith.constant 0 : i32
    %c0_i32_0 = arith.constant 0 : i32
    %c0_i32_1 = arith.constant 0 : i32
    return %c0_i32, %c0_i32_0 : i32, i32
  }
  func.func @transform_8(%arg0: i32) -> (i32, i32) {
    %c0_i32 = arith.constant 0 : i32
    %c0_i32_0 = arith.constant 0 : i32
    %c0_i32_1 = arith.constant 0 : i32
    return %c0_i32, %c0_i32_0 : i32, i32
  }
  func.func @transform_9(%arg0: i32) -> (i32, i32) {
    %c0_i32 = arith.constant 0 : i32
    %c0_i32_0 = arith.constant 0 : i32
    %c0_i32_1 = arith.constant 0 : i32
    return %c0_i32, %c0_i32_0 : i32, i32
  }
  func.func @transform_10(%arg0: i32) -> (i32, i32) {
    %c0_i32 = arith.constant 0 : i32
    %c0_i32_0 = arith.constant 0 : i32
    %c0_i32_1 = arith.constant 0 : i32
    return %c0_i32, %c0_i32_0 : i32, i32
  }
  func.func @transform_11(%arg0: i32) -> (i32, i32) {
    %c0_i32 = arith.constant 0 : i32
    %c0_i32_0 = arith.constant 0 : i32
    %c0_i32_1 = arith.constant 0 : i32
    return %c0_i32, %c0_i32_0 : i32, i32
  }
  func.func @transform_12(%arg0: i32) -> (i32, i32) {
    %c0_i32 = arith.constant 0 : i32
    %c0_i32_0 = arith.constant 0 : i32
    %c0_i32_1 = arith.constant 0 : i32
    return %c0_i32, %c0_i32_0 : i32, i32
  }
  func.func @transform_13(%arg0: i32) -> (i32, i32) {
    %c0_i32 = arith.constant 0 : i32
    %c0_i32_0 = arith.constant 0 : i32
    %c0_i32_1 = arith.constant 0 : i32
    return %c0_i32, %c0_i32_0 : i32, i32
  }
}

</mosaic_0001>

<sc_bundles>
// kernel: kernel.11.cloned.1.call-start
scs
__scs_entry_jumppad:
0x0: {  	(pc) =	sbr.rel $0x88, $3  }
0x1: {  	(tag) =	ssettag $0x0;
	lr =	simm.s32 $0x1  }
0x2: {  	[smem:$0x3F8F] =	sst lr;
	_ =	strace $0xD0000000  }
0x3: {  	_ = 	snop  }
0x4: {  	_ = 	snop  }
0x5: {  	_ = 	snop  }
0x6: {  	_ = 	snop  }
0x7: {  	_ = 	snop  }
__scs_overlays_trampoline_lowered:
0x8: {  	[smem:$0x3F9E] =	sst s0  }
0x9: {  	[smem:$0x3F9F] =	sst s1  }
0xa: {  	[smem:$0x3FA0] =	sst s2  }
0xb: {  	[smem:$0x3FA1] =	sst s3  }
0xc: {  	[smem:$0x3FA2] =	sst s4  }
0xd: {  	[smem:$0x3FA3] =	sst s5  }
0xe: {  	[smem:$0x3FA4] =	sst s6  }
0xf: {  	[smem:$0x3FA5] =	sst s7  }
0x10: {  	[smem:$0x3FA6] =	sst s8  }
0x11: {  	[smem:$0x3FA7] =	sst s9;
	s0 =	simm.s32 @!p0 $0x0  }
0x12: {  	s1 =	sld [smem:$0x3F8D];
	s0 =	simm.s32 @p0 $0x1  }
0x13: {  	[smem:$0x3FA8] =	sst s0;
	s0 =	simm.s32 @!p1 $0x0  }
0x14: {  	s2 =	sld [smem:$0x3F8C];
	s0 =	simm.s32 @p1 $0x1  }
0x15: {  	[smem:$0x3FA9] =	sst s0;
	s0 =	simm.s32 @!p2 $0x0  }
0x16: {  	s3 =	sld [smem:$0x3FDB];
	s0 =	simm.s32 @p2 $0x1  }
0x17: {  	s4 =	simm.s32 $0x1BF5;
	[smem:$0x3FAB] =	sst s0  }
0x18: {  	s0 =	sld [smem:$0x3F8E];
	_ =	swait.ge [sflag:s4], $0x0  }
0x19: {  	s7 =	sld [smem:$0x3F8F]  }
0x1a: {  	s8 =	sadd.s32 $0xFFFFE003, lr  }
0x1b: {  	s9 =	sadd.s32 $0xFFFFFEF7, lr;
	s5 =	simm.s32 $0xFFFFFFFF;
	p2 =	slt.u32 s8, $0xFFFFF086  }
0x1c: {  	p1 =	slt.u32 s9, $0xF7A;
	s5 =	simm.s32 @!p2 $0x0  }
0x1d: {  	s5 =	simm.s32 @p1 $0x1;
	p0 =	seq.s32 s7, s2  }
0x1e: {  	s7 =	smul.u32 @!p0 $0xF7A, s2;
	p2 =	seq.s32 @!p0 s5, $0x0  }
0x1f: {  	s9 =	smul.u32 $0xF7A, s1;
	s8 =	simm.s32 @!p0 $0x1BF5;
	p2 =	por !p2, p0  }
0x20: {  	[sflag:s8] =	ssyncset.s32 @!p0 $0xFFFFF086;
	s6 =	sadd.s32 @!p0 s3, s7;
	s7 =	simm.s32 @!p0 $0x108  }
0x21: {  	s3 =	sadd.s32 s3, s9;
	s6 =	sadd.s32 @!p0 $0x88, s6;
	s7 =	simm.s32 @p2 $0x1082  }
0x22: {  	[simem:s7], [sflag:s8] =	dma.local @!p0 [hbm:s6], $0xF7A  }
0x23: {  	s9 =	sor.u32 $0xD0000000, s2;
	s6 =	simm.s32 $0x108;
	_ =	swait.ge @!p0 [sflag:s8], $0x0  }
0x24: {  	s3 =	sadd.s32 $0x88, s3;
	s6 =	simm.s32 @!p1 $0x1082;
	[sflag:s4] =	ssyncset.s32 $0xFFFFF086  }
0x25: {  	[simem:s6], [sflag:s4] =	dma.local [hbm:s3], $0xF7A  }
0x26: {  	[smem:$0x3F8F] =	sst s1;
	(tag) =	ssettag s2;
	_ =	strace s9  }
0x27: {  	s1 =	sld [smem:$0x3F9F]  }
0x28: {  	s2 =	sld [smem:$0x3FA0]  }
0x29: {  	s4 =	sld [smem:$0x3FA2]  }
0x2a: {  	p0 =	seq.s32 s5, $0x0;
	s5 =	sld [smem:$0x3FA3]  }
0x2b: {  	s6 =	sld [smem:$0x3FA4]  }
0x2c: {  	s7 =	sld [smem:$0x3FA5]  }
0x2d: {  	s3 =	simm.s32 $0x108;
	s8 =	sld [smem:$0x3FA6]  }
0x2e: {  	s3 =	simm.s32 @!p0 $0x1082;
	s9 =	sld [smem:$0x3FA7]  }
0x2f: {  	lr =	sadd.s32 s0, s3;
	s0 =	sld [smem:$0x3F9E]  }
0x30: {  	s3 =	sld [smem:$0x3FA1]  }
0x31: {  	[smem:$0x3FAA] =	sst s10  }
0x32: {  	s10 =	sld [smem:$0x3FA8];
	_ =	sdelay $0x3  }
0x33: {  	p0 =	seq.s32 s10, $0x1;
	s10 =	sld [smem:$0x3FAA];
	_ =	sdelay $0x3  }
0x34: {  	[smem:$0x3FAA] =	sst s10  }
0x35: {  	s10 =	sld [smem:$0x3FA9];
	_ =	sdelay $0x3  }
0x36: {  	p1 =	seq.s32 s10, $0x1;
	s10 =	sld [smem:$0x3FAA];
	_ =	sdelay $0x3  }
0x37: {  	[smem:$0x3FAA] =	sst s10  }
0x38: {  	s10 =	sld [smem:$0x3FAB]  }
0x39: {  	_ = 	snop;
	(pc) =	sbr.ind lr, $3  }
0x3a: {  	_ = 	snop  }
0x3b: {  	_ = 	snop  }
0x3c: {  	p2 =	seq.s32 s10, $0x1;
	s10 =	sld [smem:$0x3FAA]  }
0x3d: {  	_ =	shalt  }
0x3e: {  	_ =	shalt  }
0x3f: {  	_ =	shalt  }
0x40: {  	_ =	shalt  }
0x41: {  	_ =	shalt  }
0x42: {  	_ =	shalt  }
0x43: {  	_ =	shalt  }
0x44: {  	_ =	shalt  }
0x45: {  	_ =	shalt  }
0x46: {  	_ =	shalt  }
0x47: {  	_ =	shalt  }
0x48: {  	_ =	shalt  }
0x49: {  	_ =	shalt  }
0x4a: {  	_ =	shalt  }
0x4b: {  	_ =	shalt  }
0x4c: {  	_ =	shalt  }
0x4d: {  	_ =	shalt  }
0x4e: {  	_ =	shalt  }
0x4f: {  	_ =	shalt  }
0x50: {  	_ =	shalt  }
0x51: {  	_ =	shalt  }
0x52: {  	_ =	shalt  }
0x53: {  	_ =	shalt  }
0x54: {  	_ =	shalt  }
0x55: {  	_ =	shalt  }
0x56: {  	_ =	shalt  }
0x57: {  	_ =	shalt  }
0x58: {  	_ =	shalt  }
0x59: {  	_ =	shalt  }
0x5a: {  	_ =	shalt  }
0x5b: {  	_ =	shalt  }
0x5c: {  	_ =	shalt  }
0x5d: {  	_ =	shalt  }
0x5e: {  	_ =	shalt  }
0x5f: {  	_ =	shalt  }
0x60: {  	_ =	shalt  }
0x61: {  	_ =	shalt  }
0x62: {  	_ =	shalt  }
0x63: {  	_ =	shalt  }
0x64: {  	_ =	shalt  }
0x65: {  	_ =	shalt  }
0x66: {  	_ =	shalt  }
0x67: {  	_ =	shalt  }
0x68: {  	_ =	shalt  }
0x69: {  	_ =	shalt  }
0x6a: {  	_ =	shalt  }
0x6b: {  	_ =	shalt  }
0x6c: {  	_ =	shalt  }
0x6d: {  	_ =	shalt  }
0x6e: {  	_ =	shalt  }
0x6f: {  	_ =	shalt  }
0x70: {  	_ =	shalt  }
0x71: {  	_ =	shalt  }
0x72: {  	_ =	shalt  }
0x73: {  	_ =	shalt  }
0x74: {  	_ =	shalt  }
0x75: {  	_ =	shalt  }
0x76: {  	_ =	shalt  }
0x77: {  	_ =	shalt  }
0x78: {  	_ =	shalt  }
0x79: {  	_ =	shalt  }
0x7a: {  	_ =	shalt  }
0x7b: {  	_ =	shalt  }
0x7c: {  	_ =	shalt  }
0x7d: {  	_ =	shalt  }
0x7e: {  	_ =	shalt  }
0x7f: {  	_ =	shalt  }
0x80: {  	_ =	shalt  }
0x81: {  	_ =	shalt  }
0x82: {  	_ =	shalt  }
0x83: {  	_ =	shalt  }
0x84: {  	_ =	shalt  }
0x85: {  	_ =	shalt  }
0x86: {  	_ =	shalt  }
0x87: {  	_ =	shalt  }
.Lfunc_end0:
.L_simem_size_0:
called_computation_lowered:
.L_overlay_start_0:
0x88: {  	s2 =	sld [smem:$0x3FD9]  }
0x89: {  	s3 =	sld [smem:$0x3FFE];
	_ =	sdelay $0x1  }
0x8a: {  	s1 =	srdreg.scid  }
0x8b: {  	s0 =	sand.u32 $0x1, s1  }
0x8c: {  	s16 =	sshll.u32 s0, $0xA;
	s2 =	sadd.s32 s3, s2  }
0x8d: {  	s2 =	sadd.s32 s2, s16  }
0x8e: {  	[smem:$0x3FB6] =	sst s2  }
0x8f: {  	_ = 	snop  }
0x90: {  	(tm) =	ssettm $0x1  }
0x91: {  	s17 =	sld [smem:$0x3FFB];
	_ =	sdelay $0x3  }
0x92: {  	_ =	strace s17  }
0x93: {  	s2 =	sld [smem:$0x3FFC];
	_ =	sdelay $0x3  }
0x94: {  	_ =	strace s2  }
0x95: {  	s2 =	sld [smem:$0x3FFD];
	_ =	sdelay $0x3  }
0x96: {  	_ =	strace s2  }
0x97: {  	_ =	strace $0x8FFFFFFF  }
0x98: {  	s18 =	sld [smem:$0x3FDB];
	_ =	sdelay $0x1  }
0x99: {  	s19 =	simm.s32 $_scs_section_size  }
0x9a: {  	s4 =	simm.s32 $_size__tile_overlayer_lowered;
	s5 =	simm.s32 $_tile_overlayer_lowered  }
0x9b: {  	s22 =	simm.s32 $0x1BFF;
	s21 =	sshll.u32 s5, $0x1;
	s2 =	sadd.s32 s19, s18  }
0x9c: {  	s6 =	simm.s32 $0x0;
	s20 =	sshll.u32 s4, $0x1;
	s4 =	sadd.s32 s21, s2  }
0x9d: {  	[timem:s6], [sflag:s22] =	dma.local [hbm:s4], s20  }
0x9e: {  	_ =	swait.ge [sflag:s22], s20  }
0x9f: {  	s3 =	ssub.s32 $0x0, s20;
	[sflag:s22] =	ssyncset.done $0x0  }
0xa0: {  	[sflag:s22] =	ssyncadd.s32 s3;
	_ =	sdelay $0x1  }
0xa1: {  	s23 =	simm.s32 $0x1B8B  }
0xa2: {  	_ =	swait.ge [sflag:s23], $0x1  }
0xa3: {  	[sflag:s23] =	ssyncset.done $0x0  }
0xa4: {  	s25 =	simm.s32 $0x1B8E;
	s24 =	sld [smem:$0x3FFE];
	[sflag:s23] =	ssyncadd.s32 $0xFFFFFFFF  }
0xa5: {  	s26 =	simm.s32 $execute0_lowered;
	[smem:$0x3FD2] =	sst s25  }
0xa6: {  	s4 =	sshll.u32 s26, $0x1;
	_ =	strace $0x80000046;
	[dreg:$0x1] =	wrdreg $0xFFFFFFFF  }
0xa7: {  	s28 =	simm.s32 $_size_execute0_lowered;
	s2 =	sadd.s32 s2, s4;
	[dreg:$0x0] =	wrdreg $0x0  }
0xa8: {  	s4 =	sshll.u32 s28, $0x1;
	[dreg:$0x2] =	wrdreg s2  }
0xa9: {  	[dreg:$0x3] =	wrdreg s4  }
0xaa: {  	[dreg:$0x4] =	wrdreg $0xC0  }
0xab: {  	_ =	task [dreg:s6], $0x5FFFF  }
0xac: {  	[dreg:$0x1] =	wrdreg $0xFFFFFFFF  }
0xad: {  	[dreg:$0x0] =	wrdreg $0x60  }
0xae: {  	[dreg:$0x2] =	wrdreg s24  }
0xaf: {  	[dreg:$0x3] =	wrdreg $0x58000  }
0xb0: {  	[dreg:$0x4] =	wrdreg $0x9  }
0xb1: {  	_ =	task.clear_ibuf [dreg:s6], $0x5FFFF;
	_ =	strace $0x90000046  }
0xb2: {  	s29 =	simm.s32 $0x9;
	_ =	strace $0x80000048  }
0xb3: {  	_ =	swait.ge [sflag:s29], $0x1  }
0xb4: {  	[sflag:s29] =	ssyncadd.s32 $0xFFFFFFFF  }
0xb5: {  	_ =	strace $0x90000048  }
0xb6: {  	_ =	sfence  }
0xb7: {  	s30 =	sld [smem:$0x0];
	_ =	sdelay $0x2  }
0xb8: {  	s31 =	sshll.u32 s1, $0xD;
	s1 =	sshrl.u32 s1, $0x2  }
0xb9: {  	s3 =	sand.u32 $0x4000, s31;
	s1 =	sadd.s32 s1, s30  }
0xba: {  	s0 =	sor.u32 s3, s0;
	s1 =	sshll.u32 s1, $0x11  }
0xbb: {  	s0 =	sor.u32 s1, s0  }
0xbc: {  	s0 =	sadd.s32 $0x8F2B, s0  }
0xbd: {  	[sflag:s0] =	ssyncadd.remote.s32 $0x1  }
0xbe: {  	_ =	sfence.sel $0xFFFF  }
0xbf: {  	[dreg:$0x0] =	wrdreg $0xFFFFFFFF;
	(pc) =	sbr.abs _section_cstart, $3  }
0xc0: {  	[dreg:$0x1] =	wrdreg $0xFFFFFFFF  }
0xc1: {  	_ =	task.clear_ibuf [dreg:s6], $0x2FFFF;
	_ =	strace $0x9FFFFFFF  }
0xc2: {  	(tm) =	ssettm $0x7FFFFFFF  }
0xc3: {  	_ =	shalt  }
tec
execute0_lowered:
.L_overlay_start_1:
0x0: {  	(tag) =	ssettag $0x1  }
0x1: {  	s9 =	rddreg [dreg:$0x0]  }
0x2: {  	s1 =	srdreg.scid;
	s0 =	stileid.u32  }
0x3: {  	s2 =	rddreg [dreg:$0x1];
	s3 =	simm.s32 $0x0;
	s12 =	simm.s32 $0x2800  }
0x4: {  	s13 =	simm.s32 $0x80;
	s6 =	sand.u32 $0x1, s1;
	s1 =	rddreg [dreg:$0x2]  }
0x5: {  	s16 =	simm.s32 $0x0;
	s4 =	sshll.u32 s0, $0x1;
	[smem:$0x7FF] =	sst s3  }
0x6: {  	s5 =	sadd.s32 $0x1AC00, s9;
	s11 =	smul.u32 $0x2800, s0;
	s14 =	sshll.u32 s0, $0x6  }
0x7: {  	s4 =	sor.u32 s6, s4;
	_ =	strace $0x80000047;
	s8 =	ssub.s32 $0x2, s6  }
0x8: {  	p0 =	seq.s32 s6, $0x1;
	s14 =	sor.u32 $0x1C01, s14;
	s4 =	smul.u32 $0x500, s4  }
0x9: {  	s10 =	sshrl.u32 s8, $0x1;
	s6 =	sadd.s32 s11, s2;
	s11 =	sshrl.u32 s11, $0x3  }
0xa: {  	s8 =	ssub.s32 s8, s10;
	s10 =	simm.s32 $0x1B400;
	s15 =	sshrl.u32 s6, $0x3  }
0xb: {  	s7 =	sadd.s32 s4, s9;
	s4 =	sadd.s32 $0x1B200, s9;
	s10 =	simm.s32 @!p0 $0x20400  }
0xc: {  	s8 =	smax.u32 s8, $0x1;
	s7 =	sadd.s32 $0x10C00, s7;
	s9 =	sadd.s32 s10, s9  }
0xd: {  	s10 =	simm.s32 $0x3000;
	s9 =	sadd.s32 s9, s11;
	s11 =	simm.s32 $0x1  }
.LBB2_1:
0xe: {  	[tilespmem:s10], [sflag:$0x1] =	stream.linear.gather [hbm4b:s5+s3], $0x2800, $0x38;
	[tilespmem:$0x8000] =	vst v63  }
0xf: {  	_ =	swait.ge [sflag:s11], $0x2800  }
0x10: {  	[sflag:s11] =	ssyncset.done $0x0  }
0x11: {  	[sflag:s11] =	ssyncadd.s32 $0xFFFFD800  }
0x12: {  	[spmem:s6] =	stream.linear.scatter [tilespmem:s10], [sflag:$0x1], $0x2800, $0x38;
	[tilespmem:$0x8000] =	vst v63  }
0x13: {  	_ =	swait.ge [sflag:s11], $0x2800  }
0x14: {  	[sflag:s11] =	ssyncset.done $0x0  }
0x15: {  	[sflag:s11] =	ssyncadd.s32 $0xFFFFD800  }
0x16: {  	[tilespmem:s12], [sflag:$0x1] =	stream.linear.gather [hbm4b:s4+s3], $0x800, $0x38;
	[tilespmem:$0x8000] =	vst v63  }
0x17: {  	_ =	swait.ge [sflag:s11], $0x800  }
0x18: {  	[sflag:s11] =	ssyncset.done $0x0  }
0x19: {  	[sflag:s11] =	ssyncadd.s32 $0xFFFFF800  }
0x1a: {  	[tilespmem:s3], [sflag:$0x1] =	stream.linear.gather [hbm4b:s7+s3], $0x2800, $0x38;
	[tilespmem:$0x8000] =	vst v63  }
0x1b: {  	_ =	swait.ge [sflag:s11], $0x2800  }
0x1c: {  	[sflag:s11] =	ssyncset.done $0x0  }
0x1d: {  	[sflag:s11] =	ssyncadd.s32 $0xFFFFD800  }
0x1e: {  	s17 =	simm.s32 $0x0;
	[bflag:$0x0] =	sbarrier.arrive $0xFFFF  }
0x1f: {  	[spmem:s2] =	stream.indirect.scatter.add.f32 [tilespmem:s12], [sflag:$0x1], $0x10, s17, s13, $0xb8;
	[tilespmem:$0x8000] =	vst v63  }
0x20: {  	_ =	swait.ge [sflag:s11], $0x800  }
0x21: {  	s17 =	simm.s32 $0x200;
	[sflag:s11] =	ssyncset.done $0x0  }
.LBB2_2:
0x22: {  	s18 =	sshra.s32 s17, $0x2;
	[sflag:s11] =	ssyncadd.s32 $0xFFFFF800;
	p0 =	sne.s32 s17, $0x9E00  }
0x23: {  	[spmem:s2] =	stream.indirect.scatter.add.f32 [tilespmem:s12], [sflag:$0x1], $0x10, s18, s13, $0xb8;
	[tilespmem:$0x8000] =	vst v63  }
.Ltmp0:
0x24: {  	_ = 	snop;
	(pc) =	sbr.rel @p0 .LBB2_2-.Ltmp0, $4  }
0x25: {  	_ = 	snop  }
0x26: {  	s17 =	sadd.s32 $0x200, s17  }
0x27: {  	_ =	swait.ge [sflag:s11], $0x800  }
0x28: {  	[sflag:s11] =	ssyncset.done $0x0  }
0x29: {  	s16 =	sadd.s32 $0x1, s16  }
0x2a: {  	[sflag:s11] =	ssyncadd.s32 $0xFFFFF800;
	p0 =	sne.s32 s16, s8  }
.Ltmp1:
0x2b: {  	[bflag:$0x0] =	sbarrier.arrive $0xFFFF;
	(pc) =	sbr.rel @p0 .LBB2_1-.Ltmp1, $4  }
0x2c: {  	[hbm:s9], [sflag:s14] =	dma.local [spmem:s15], $0x500  }
0x2d: {  	_ =	swait.ge [sflag:s11], $0x500  }
0x2e: {  	[sflag:s11] =	ssyncset.done $0x0  }
0x2f: {  	[sflag:s11] =	ssyncadd.s32 $0xFFFFFB00  }
0x30: {  	_ =	sfence.sel $0x180000  }
0x31: {  	[bflag:$0x0] =	sbarrier.arrive $0xFFFF  }
0x32: {  	p0 =	sne.s32 s0, $0x0;
	_ =	strace $0x90000047  }
0x33: {  	s0 =	sadd.s32 @!p0 $0x100000, s1;
	[bflag:$0x2] =	sbarrier.arrive $0xFFFF  }
0x34: {  	[sflag:s0] =	ssyncadd.tile.s32 @!p0 $0x1;
	_ =	shalt  }
.Lfunc_end2:
_tile_overlayer_lowered:
.L_overlay_start_2:
0x35: {  	(tag) =	ssettag $0x2  }
0x36: {  	s0 =	rddreg [dreg:$0x0];
	s2 =	stileid.u32  }
0x37: {  	s1 =	rddreg [dreg:$0x1];
	p0 =	sne.s32 s2, $0x0  }
0x38: {  	s3 =	rddreg [dreg:$0x2];
	[bflag:$0x3] =	sbarrier.arrive $0xFFFF;
	s2 =	simm.s32 @!p0 $0x1C01  }
0x39: {  	[timem:s3], [sflag:s2] =	dma.local @!p0 [hbm:s0], s1  }
0x3a: {  	s0 =	simm.s32 @!p0 $0x1  }
0x3b: {  	_ =	swait.ge @!p0 [sflag:s0], s1  }
0x3c: {  	s1 =	ssub.s32 @!p0 $0x0, s1;
	[sflag:s0] =	ssyncset.done @!p0 $0x0  }
0x3d: {  	[sflag:s0] =	ssyncadd.s32 @!p0 s1  }
0x3e: {  	[bflag:$0x3] =	sbarrier.arrive $0xFFFF  }
0x3f: {  	_ =	shalt  }

// kernel: kernel.14.cloned.1.call-start
scs
__scs_entry_jumppad:
0x0: {  	(pc) =	sbr.rel $0x88, $3  }
0x1: {  	(tag) =	ssettag $0x0;
	lr =	simm.s32 $0x1  }
0x2: {  	[smem:$0x3F8F] =	sst lr;
	_ =	strace $0xD0000000  }
0x3: {  	_ = 	snop  }
0x4: {  	_ = 	snop  }
0x5: {  	_ = 	snop  }
0x6: {  	_ = 	snop  }
0x7: {  	_ = 	snop  }
__scs_overlays_trampoline_lowered:
0x8: {  	[smem:$0x3F9E] =	sst s0  }
0x9: {  	[smem:$0x3F9F] =	sst s1  }
0xa: {  	[smem:$0x3FA0] =	sst s2  }
0xb: {  	[smem:$0x3FA1] =	sst s3  }
0xc: {  	[smem:$0x3FA2] =	sst s4  }
0xd: {  	[smem:$0x3FA3] =	sst s5  }
0xe: {  	[smem:$0x3FA4] =	sst s6  }
0xf: {  	[smem:$0x3FA5] =	sst s7  }
0x10: {  	[smem:$0x3FA6] =	sst s8  }
0x11: {  	[smem:$0x3FA7] =	sst s9;
	s0 =	simm.s32 @!p0 $0x0  }
0x12: {  	s1 =	sld [smem:$0x3F8D];
	s0 =	simm.s32 @p0 $0x1  }
0x13: {  	[smem:$0x3FA8] =	sst s0;
	s0 =	simm.s32 @!p1 $0x0  }
0x14: {  	s2 =	sld [smem:$0x3F8C];
	s0 =	simm.s32 @p1 $0x1  }
0x15: {  	[smem:$0x3FA9] =	sst s0;
	s0 =	simm.s32 @!p2 $0x0  }
0x16: {  	s3 =	sld [smem:$0x3FDB];
	s0 =	simm.s32 @p2 $0x1  }
0x17: {  	s4 =	simm.s32 $0x1BF5;
	[smem:$0x3FAB] =	sst s0  }
0x18: {  	s0 =	sld [smem:$0x3F8E];
	_ =	swait.ge [sflag:s4], $0x0  }
0x19: {  	s7 =	sld [smem:$0x3F8F]  }
0x1a: {  	s8 =	sadd.s32 $0xFFFFE003, lr  }
0x1b: {  	s9 =	sadd.s32 $0xFFFFFEF7, lr;
	s5 =	simm.s32 $0xFFFFFFFF;
	p2 =	slt.u32 s8, $0xFFFFF086  }
0x1c: {  	p1 =	slt.u32 s9, $0xF7A;
	s5 =	simm.s32 @!p2 $0x0  }
0x1d: {  	s5 =	simm.s32 @p1 $0x1;
	p0 =	seq.s32 s7, s2  }
0x1e: {  	s7 =	smul.u32 @!p0 $0xF7A, s2;
	p2 =	seq.s32 @!p0 s5, $0x0  }
0x1f: {  	s9 =	smul.u32 $0xF7A, s1;
	s8 =	simm.s32 @!p0 $0x1BF5;
	p2 =	por !p2, p0  }
0x20: {  	[sflag:s8] =	ssyncset.s32 @!p0 $0xFFFFF086;
	s6 =	sadd.s32 @!p0 s3, s7;
	s7 =	simm.s32 @!p0 $0x108  }
0x21: {  	s3 =	sadd.s32 s3, s9;
	s6 =	sadd.s32 @!p0 $0x88, s6;
	s7 =	simm.s32 @p2 $0x1082  }
0x22: {  	[simem:s7], [sflag:s8] =	dma.local @!p0 [hbm:s6], $0xF7A  }
0x23: {  	s9 =	sor.u32 $0xD0000000, s2;
	s6 =	simm.s32 $0x108;
	_ =	swait.ge @!p0 [sflag:s8], $0x0  }
0x24: {  	s3 =	sadd.s32 $0x88, s3;
	s6 =	simm.s32 @!p1 $0x1082;
	[sflag:s4] =	ssyncset.s32 $0xFFFFF086  }
0x25: {  	[simem:s6], [sflag:s4] =	dma.local [hbm:s3], $0xF7A  }
0x26: {  	[smem:$0x3F8F] =	sst s1;
	(tag) =	ssettag s2;
	_ =	strace s9  }
0x27: {  	s1 =	sld [smem:$0x3F9F]  }
0x28: {  	s2 =	sld [smem:$0x3FA0]  }
0x29: {  	s4 =	sld [smem:$0x3FA2]  }
0x2a: {  	p0 =	seq.s32 s5, $0x0;
	s5 =	sld [smem:$0x3FA3]  }
0x2b: {  	s6 =	sld [smem:$0x3FA4]  }
0x2c: {  	s7 =	sld [smem:$0x3FA5]  }
0x2d: {  	s3 =	simm.s32 $0x108;
	s8 =	sld [smem:$0x3FA6]  }
0x2e: {  	s3 =	simm.s32 @!p0 $0x1082;
	s9 =	sld [smem:$0x3FA7]  }
0x2f: {  	lr =	sadd.s32 s0, s3;
	s0 =	sld [smem:$0x3F9E]  }
0x30: {  	s3 =	sld [smem:$0x3FA1]  }
0x31: {  	[smem:$0x3FAA] =	sst s10  }
0x32: {  	s10 =	sld [smem:$0x3FA8];
	_ =	sdelay $0x3  }
0x33: {  	p0 =	seq.s32 s10, $0x1;
	s10 =	sld [smem:$0x3FAA];
	_ =	sdelay $0x3  }
0x34: {  	[smem:$0x3FAA] =	sst s10  }
0x35: {  	s10 =	sld [smem:$0x3FA9];
	_ =	sdelay $0x3  }
0x36: {  	p1 =	seq.s32 s10, $0x1;
	s10 =	sld [smem:$0x3FAA];
	_ =	sdelay $0x3  }
0x37: {  	[smem:$0x3FAA] =	sst s10  }
0x38: {  	s10 =	sld [smem:$0x3FAB]  }
0x39: {  	_ = 	snop;
	(pc) =	sbr.ind lr, $3  }
0x3a: {  	_ = 	snop  }
0x3b: {  	_ = 	snop  }
0x3c: {  	p2 =	seq.s32 s10, $0x1;
	s10 =	sld [smem:$0x3FAA]  }
0x3d: {  	_ =	shalt  }
0x3e: {  	_ =	shalt  }
0x3f: {  	_ =	shalt  }
0x40: {  	_ =	shalt  }
0x41: {  	_ =	shalt  }
0x42: {  	_ =	shalt  }
0x43: {  	_ =	shalt  }
0x44: {  	_ =	shalt  }
0x45: {  	_ =	shalt  }
0x46: {  	_ =	shalt  }
0x47: {  	_ =	shalt  }
0x48: {  	_ =	shalt  }
0x49: {  	_ =	shalt  }
0x4a: {  	_ =	shalt  }
0x4b: {  	_ =	shalt  }
0x4c: {  	_ =	shalt  }
0x4d: {  	_ =	shalt  }
0x4e: {  	_ =	shalt  }
0x4f: {  	_ =	shalt  }
0x50: {  	_ =	shalt  }
0x51: {  	_ =	shalt  }
0x52: {  	_ =	shalt  }
0x53: {  	_ =	shalt  }
0x54: {  	_ =	shalt  }
0x55: {  	_ =	shalt  }
0x56: {  	_ =	shalt  }
0x57: {  	_ =	shalt  }
0x58: {  	_ =	shalt  }
0x59: {  	_ =	shalt  }
0x5a: {  	_ =	shalt  }
0x5b: {  	_ =	shalt  }
0x5c: {  	_ =	shalt  }
0x5d: {  	_ =	shalt  }
0x5e: {  	_ =	shalt  }
0x5f: {  	_ =	shalt  }
0x60: {  	_ =	shalt  }
0x61: {  	_ =	shalt  }
0x62: {  	_ =	shalt  }
0x63: {  	_ =	shalt  }
0x64: {  	_ =	shalt  }
0x65: {  	_ =	shalt  }
0x66: {  	_ =	shalt  }
0x67: {  	_ =	shalt  }
0x68: {  	_ =	shalt  }
0x69: {  	_ =	shalt  }
0x6a: {  	_ =	shalt  }
0x6b: {  	_ =	shalt  }
0x6c: {  	_ =	shalt  }
0x6d: {  	_ =	shalt  }
0x6e: {  	_ =	shalt  }
0x6f: {  	_ =	shalt  }
0x70: {  	_ =	shalt  }
0x71: {  	_ =	shalt  }
0x72: {  	_ =	shalt  }
0x73: {  	_ =	shalt  }
0x74: {  	_ =	shalt  }
0x75: {  	_ =	shalt  }
0x76: {  	_ =	shalt  }
0x77: {  	_ =	shalt  }
0x78: {  	_ =	shalt  }
0x79: {  	_ =	shalt  }
0x7a: {  	_ =	shalt  }
0x7b: {  	_ =	shalt  }
0x7c: {  	_ =	shalt  }
0x7d: {  	_ =	shalt  }
0x7e: {  	_ =	shalt  }
0x7f: {  	_ =	shalt  }
0x80: {  	_ =	shalt  }
0x81: {  	_ =	shalt  }
0x82: {  	_ =	shalt  }
0x83: {  	_ =	shalt  }
0x84: {  	_ =	shalt  }
0x85: {  	_ =	shalt  }
0x86: {  	_ =	shalt  }
0x87: {  	_ =	shalt  }
.Lfunc_end0:
.L_simem_size_0:
called_computation.1_lowered:
.L_overlay_start_0:
0x88: {  	s2 =	sld [smem:$0x3FD9]  }
0x89: {  	s3 =	sld [smem:$0x3FFE];
	_ =	sdelay $0x1  }
0x8a: {  	s1 =	srdreg.scid  }
0x8b: {  	s0 =	sand.u32 $0x1, s1  }
0x8c: {  	s16 =	sshll.u32 s0, $0xA;
	s2 =	sadd.s32 s3, s2  }
0x8d: {  	s2 =	sadd.s32 s2, s16  }
0x8e: {  	[smem:$0x3FB6] =	sst s2  }
0x8f: {  	_ = 	snop  }
0x90: {  	(tm) =	ssettm $0x1  }
0x91: {  	s17 =	sld [smem:$0x3FFB];
	_ =	sdelay $0x3  }
0x92: {  	_ =	strace s17  }
0x93: {  	s2 =	sld [smem:$0x3FFC];
	_ =	sdelay $0x3  }
0x94: {  	_ =	strace s2  }
0x95: {  	s2 =	sld [smem:$0x3FFD];
	_ =	sdelay $0x3  }
0x96: {  	_ =	strace s2  }
0x97: {  	_ =	strace $0x8FFFFFFF  }
0x98: {  	s18 =	sld [smem:$0x3FDB];
	_ =	sdelay $0x1  }
0x99: {  	s19 =	simm.s32 $_scs_section_size  }
0x9a: {  	s4 =	simm.s32 $_size__tile_overlayer_lowered;
	s5 =	simm.s32 $_tile_overlayer_lowered  }
0x9b: {  	s22 =	simm.s32 $0x1BFF;
	s21 =	sshll.u32 s5, $0x1;
	s2 =	sadd.s32 s19, s18  }
0x9c: {  	s6 =	simm.s32 $0x0;
	s20 =	sshll.u32 s4, $0x1;
	s4 =	sadd.s32 s21, s2  }
0x9d: {  	[timem:s6], [sflag:s22] =	dma.local [hbm:s4], s20  }
0x9e: {  	_ =	swait.ge [sflag:s22], s20  }
0x9f: {  	s3 =	ssub.s32 $0x0, s20;
	[sflag:s22] =	ssyncset.done $0x0  }
0xa0: {  	[sflag:s22] =	ssyncadd.s32 s3;
	_ =	sdelay $0x1  }
0xa1: {  	s23 =	simm.s32 $0x1B8B  }
0xa2: {  	_ =	swait.ge [sflag:s23], $0x1  }
0xa3: {  	[sflag:s23] =	ssyncset.done $0x0  }
0xa4: {  	s25 =	simm.s32 $0x1B8E;
	s24 =	sld [smem:$0x3FFE];
	[sflag:s23] =	ssyncadd.s32 $0xFFFFFFFF  }
0xa5: {  	s26 =	simm.s32 $execute0_lowered;
	[smem:$0x3FD2] =	sst s25  }
0xa6: {  	s4 =	sshll.u32 s26, $0x1;
	_ =	strace $0x80000049;
	[dreg:$0x1] =	wrdreg $0xFFFFFFFF  }
0xa7: {  	s28 =	simm.s32 $_size_execute0_lowered;
	s2 =	sadd.s32 s2, s4;
	[dreg:$0x0] =	wrdreg $0x0  }
0xa8: {  	s4 =	sshll.u32 s28, $0x1;
	[dreg:$0x2] =	wrdreg s2  }
0xa9: {  	[dreg:$0x3] =	wrdreg s4  }
0xaa: {  	[dreg:$0x4] =	wrdreg $0xC0  }
0xab: {  	_ =	task [dreg:s6], $0x5FFFF  }
0xac: {  	[dreg:$0x1] =	wrdreg $0xFFFFFFFF  }
0xad: {  	[dreg:$0x0] =	wrdreg $0x60  }
0xae: {  	[dreg:$0x2] =	wrdreg s24  }
0xaf: {  	[dreg:$0x3] =	wrdreg $0x120000  }
0xb0: {  	[dreg:$0x4] =	wrdreg $0x170000  }
0xb1: {  	[dreg:$0x5] =	wrdreg $0x9  }
0xb2: {  	_ =	task.clear_ibuf [dreg:s6], $0x6FFFF;
	_ =	strace $0x90000049  }
0xb3: {  	s29 =	simm.s32 $0x9;
	_ =	strace $0x8000004B  }
0xb4: {  	_ =	swait.ge [sflag:s29], $0x1  }
0xb5: {  	[sflag:s29] =	ssyncadd.s32 $0xFFFFFFFF  }
0xb6: {  	_ =	strace $0x9000004B  }
0xb7: {  	_ =	sfence  }
0xb8: {  	s30 =	sld [smem:$0x0];
	_ =	sdelay $0x2  }
0xb9: {  	s31 =	sshll.u32 s1, $0xD;
	s1 =	sshrl.u32 s1, $0x2  }
0xba: {  	s3 =	sand.u32 $0x4000, s31;
	s1 =	sadd.s32 s1, s30  }
0xbb: {  	s0 =	sor.u32 s3, s0;
	s1 =	sshll.u32 s1, $0x11  }
0xbc: {  	s0 =	sor.u32 s1, s0  }
0xbd: {  	s0 =	sadd.s32 $0x8F2B, s0  }
0xbe: {  	[sflag:s0] =	ssyncadd.remote.s32 $0x1  }
0xbf: {  	_ =	sfence.sel $0xFFFF  }
0xc0: {  	[dreg:$0x0] =	wrdreg $0xFFFFFFFF;
	(pc) =	sbr.abs _section_cstart, $3  }
0xc1: {  	[dreg:$0x1] =	wrdreg $0xFFFFFFFF  }
0xc2: {  	_ =	task.clear_ibuf [dreg:s6], $0x2FFFF;
	_ =	strace $0x9FFFFFFF  }
0xc3: {  	(tm) =	ssettm $0x7FFFFFFF  }
tec
execute0_lowered:
.L_overlay_start_1:
0x0: {  	(tag) =	ssettag $0x1  }
0x1: {  	s0 =	rddreg [dreg:$0x0]  }
0x2: {  	s2 =	rddreg [dreg:$0x1];
	s1 =	srdreg.scid  }
0x3: {  	s8 =	stileid.u32;
	s3 =	rddreg [dreg:$0x2];
	s5 =	simm.s32 $0x0  }
0x4: {  	s17 =	simm.s32 $0x80;
	s18 =	simm.s32 $0x5000;
	s19 =	simm.s32 $0x6000  }
0x5: {  	s28 =	simm.s32 $0xA000;
	s30 =	simm.s32 $0xB000;
	s16 =	simm.s32 $0x2  }
0x6: {  	s20 =	simm.s32 $0x3;
	s29 =	simm.s32 $0x7;
	s31 =	simm.s32 $0x8  }
0x7: {  	s13 =	simm.s32 $0xE;
	s14 =	simm.s32 $0xF;
	s1 =	sand.u32 $0x1, s1  }
0x8: {  	s4 =	sshll.u32 s8, $0x1;
	[smem:$0x7FF] =	sst s5;
	s5 =	sadd.s32 $0x1AC00, s0  }
0x9: {  	s6 =	sadd.s32 $0x25400, s0;
	s8 =	smul.u32 $0xA000, s8;
	s9 =	sadd.s32 $0xB1E00, s0  }
0xa: {  	s10 =	sadd.s32 $0xA7E00, s0;
	s4 =	sor.u32 s1, s4;
	_ =	strace $0x8000004A  }
0xb: {  	[dreg:$0x4] =	wrdreg s6;
	s6 =	sadd.s32 $0xBBE00, s0;
	s7 =	ssub.s32 $0x2, s1  }
0xc: {  	p0 =	seq.s32 s1, $0x1;
	s1 =	simm.s32 $0xC000;
	s4 =	smul.u32 $0x500, s4  }
0xd: {  	s11 =	sshrl.u32 s7, $0x1;
	s21 =	sshrl.u32 s8, $0x1;
	s23 =	sshrl.u32 s8, $0x4  }
0xe: {  	s6 =	smov.u32 @p0 s10;
	s10 =	simm.s32 $0xB;
	s8 =	simm.s32 $0x0  }
0xf: {  	s7 =	ssub.s32 s7, s11;
	s12 =	sadd.s32 s21, s2;
	s11 =	sadd.s32 s21, s3  }
0x10: {  	s25 =	sadd.s32 s6, s23;
	s21 =	simm.s32 $0x7000;
	[dreg:$0x5] =	wrdreg s12  }
0x11: {  	s6 =	simm.s32 $0x9;
	s4 =	sadd.s32 s4, s0;
	[dreg:$0x6] =	wrdreg s11  }
0x12: {  	s0 =	sadd.s32 $0x9DE00, s0;
	s24 =	smax.u32 s7, $0x1;
	[dreg:$0xa] =	wrdreg s25  }
0x13: {  	s25 =	simm.s32 $0x9000;
	s11 =	simm.s32 $0xC;
	s12 =	simm.s32 $0xD  }
0x14: {  	s22 =	sadd.s32 $0x6C00, s4;
	s4 =	sadd.s32 $0x10C00, s4;
	[dreg:$0x9] =	wrdreg s24  }
0x15: {  	s9 =	smov.u32 @p0 s0;
	s0 =	simm.s32 $0x1;
	[dreg:$0x7] =	wrdreg s22  }
0x16: {  	s24 =	simm.s32 $0x5;
	[dreg:$0x8] =	wrdreg s4;
	s26 =	sadd.s32 s9, s23  }
0x17: {  	s23 =	simm.s32 $0x8000;
	s22 =	simm.s32 $0x4;
	s9 =	simm.s32 $0xA  }
0x18: {  	s4 =	simm.s32 $0x10;
	[dreg:$0xb] =	wrdreg s26;
	s26 =	simm.s32 $0x6  }
.LBB2_1:
0x19: {  	[dreg:$0xc] =	wrdreg s8  }
0x1a: {  	s8 =	rddreg [dreg:$0x4];
	s15 =	simm.s32 $0x0;
	s7 =	simm.s32 $0xD000  }
0x1b: {  	[tilespmem:s7], [sflag:$0x11] =	stream.linear.gather [hbm4b:s8+s15], $0x5000, $0x38;
	[tilespmem:$0x1C000] =	vst v63  }
0x1c: {  	s7 =	simm.s32 $0x11  }
0x1d: {  	_ =	swait.ge [sflag:s7], $0x5000  }
0x1e: {  	[sflag:s7] =	ssyncset.done $0x0  }
0x1f: {  	s15 =	simm.s32 $0xD000;
	s8 =	rddreg [dreg:$0x5];
	[sflag:s7] =	ssyncadd.s32 $0xFFFFB000  }
0x20: {  	[spmem:s8] =	stream.linear.scatter [tilespmem:s15], [sflag:$0x11], $0x5000, $0x38;
	[tilespmem:$0x1C000] =	vst v63  }
0x21: {  	_ =	swait.ge [sflag:s7], $0x5000  }
0x22: {  	[sflag:s7] =	ssyncset.done $0x0  }
0x23: {  	s8 =	rddreg [dreg:$0x6];
	[sflag:s7] =	ssyncadd.s32 $0xFFFFB000  }
0x24: {  	[spmem:s8] =	stream.linear.scatter [tilespmem:s15], [sflag:$0x11], $0x5000, $0x38;
	[tilespmem:$0x1C000] =	vst v63  }
0x25: {  	_ =	swait.ge [sflag:s7], $0x5000  }
0x26: {  	[sflag:s7] =	ssyncset.done $0x0  }
0x27: {  	s15 =	simm.s32 $0x0;
	s8 =	rddreg [dreg:$0x7];
	[sflag:s7] =	ssyncadd.s32 $0xFFFFB000  }
0x28: {  	[tilespmem:s15], [sflag:$0x11] =	stream.linear.gather [hbm4b:s8+s15], $0x2800, $0x38;
	[tilespmem:$0x1C000] =	vst v63  }
0x29: {  	_ =	swait.ge [sflag:s7], $0x2800  }
0x2a: {  	s15 =	simm.s32 $0x2800;
	[sflag:s7] =	ssyncset.done $0x0  }
0x2b: {  	s8 =	rddreg [dreg:$0x8];
	[sflag:s7] =	ssyncadd.s32 $0xFFFFD800;
	s7 =	simm.s32 $0x0  }
0x2c: {  	[tilespmem:s15], [sflag:$0x11] =	stream.linear.gather [hbm4b:s8+s7], $0x2800, $0x38;
	[tilespmem:$0x1C000] =	vst v63  }
0x2d: {  	s15 =	simm.s32 $0x11  }
0x2e: {  	_ =	swait.ge [sflag:s15], $0x2800  }
0x2f: {  	[sflag:s15] =	ssyncset.done $0x0  }
0x30: {  	[sflag:s15] =	ssyncadd.s32 $0xFFFFD800  }
0x31: {  	s8 =	simm.s32 $0x0;
	[bflag:$0x0] =	sbarrier.arrive $0xFFFF  }
0x32: {  	[tilespmem:s18], [sflag:$0x1] =	stream.indirect.gather [hbm4b:s5+s17], $0x20, s8, s17, $0xb8;
	[tilespmem:$0x1C000] =	vst v63  }
0x33: {  	_ = 	snop  }
0x34: {  	[tilespmem:s19], [sflag:$0x2] =	stream.indirect.gather [hbm4b:s5+s17], $0x20, s17, s17, $0xb8;
	[tilespmem:$0x1C000] =	vst v63  }
0x35: {  	s15 =	simm.s32 $0x100  }
0x36: {  	[tilespmem:s21], [sflag:$0x3] =	stream.indirect.gather [hbm4b:s5+s17], $0x20, s15, s17, $0xb8;
	[tilespmem:$0x1C000] =	vst v63  }
0x37: {  	s8 =	simm.s32 $0x180  }
0x38: {  	[tilespmem:s23], [sflag:$0x4] =	stream.indirect.gather [hbm4b:s5+s17], $0x20, s8, s17, $0xb8;
	[tilespmem:$0x1C000] =	vst v63  }
0x39: {  	s15 =	simm.s32 $0x200  }
0x3a: {  	[tilespmem:s25], [sflag:$0x5] =	stream.indirect.gather [hbm4b:s5+s17], $0x20, s15, s17, $0xb8;
	[tilespmem:$0x1C000] =	vst v63  }
0x3b: {  	s8 =	simm.s32 $0x280  }
0x3c: {  	[tilespmem:s28], [sflag:$0x6] =	stream.indirect.gather [hbm4b:s5+s17], $0x20, s8, s17, $0xb8;
	[tilespmem:$0x1C000] =	vst v63  }
0x3d: {  	s15 =	simm.s32 $0x300  }
0x3e: {  	[tilespmem:s30], [sflag:$0x7] =	stream.indirect.gather [hbm4b:s5+s17], $0x20, s15, s17, $0xb8;
	[tilespmem:$0x1C000] =	vst v63  }
0x3f: {  	s8 =	simm.s32 $0x380  }
0x40: {  	[tilespmem:s1], [sflag:$0x8] =	stream.indirect.gather [hbm4b:s5+s17], $0x20, s8, s17, $0xb8;
	[tilespmem:$0x1C000] =	vst v63  }
0x41: {  	_ =	swait.ge [sflag:s0], $0x1000  }
0x42: {  	[sflag:s0] =	ssyncset.done $0x0  }
0x43: {  	s15 =	simm.s32 $0x2800;
	[sflag:s0] =	ssyncadd.s32 $0xFFFFF000  }
0x44: {  	[spmem:s2] =	stream.indirect.scatter.add.bf16 [tilespmem:s18], [sflag:$0x9], $0x20, s15, s17, $0xb8;
	[tilespmem:$0x1C000] =	vst v63  }
0x45: {  	_ =	swait.ge [sflag:s16], $0x1000  }
0x46: {  	[sflag:s16] =	ssyncset.done $0x0  }
0x47: {  	s8 =	simm.s32 $0x2880;
	[sflag:s16] =	ssyncadd.s32 $0xFFFFF000  }
0x48: {  	[spmem:s3] =	stream.indirect.scatter.add.bf16 [tilespmem:s19], [sflag:$0xA], $0x20, s8, s17, $0xb8;
	[tilespmem:$0x1C000] =	vst v63  }
0x49: {  	_ =	swait.ge [sflag:s20], $0x1000  }
0x4a: {  	[sflag:s20] =	ssyncset.done $0x0  }
0x4b: {  	s15 =	simm.s32 $0x2900;
	[sflag:s20] =	ssyncadd.s32 $0xFFFFF000  }
0x4c: {  	[spmem:s2] =	stream.indirect.scatter.add.bf16 [tilespmem:s21], [sflag:$0xB], $0x20, s15, s17, $0xb8;
	[tilespmem:$0x1C000] =	vst v63  }
0x4d: {  	_ =	swait.ge [sflag:s22], $0x1000  }
0x4e: {  	[sflag:s22] =	ssyncset.done $0x0  }
0x4f: {  	s8 =	simm.s32 $0x2980;
	[sflag:s22] =	ssyncadd.s32 $0xFFFFF000  }
0x50: {  	[spmem:s3] =	stream.indirect.scatter.add.bf16 [tilespmem:s23], [sflag:$0xC], $0x20, s8, s17, $0xb8;
	[tilespmem:$0x1C000] =	vst v63  }
0x51: {  	_ =	swait.ge [sflag:s24], $0x1000  }
0x52: {  	[sflag:s24] =	ssyncset.done $0x0  }
0x53: {  	s15 =	simm.s32 $0x2A00;
	[sflag:s24] =	ssyncadd.s32 $0xFFFFF000  }
0x54: {  	[spmem:s2] =	stream.indirect.scatter.add.bf16 [tilespmem:s25], [sflag:$0xD], $0x20, s15, s17, $0xb8;
	[tilespmem:$0x1C000] =	vst v63  }
0x55: {  	_ =	swait.ge [sflag:s26], $0x1000  }
0x56: {  	[sflag:s26] =	ssyncset.done $0x0  }
0x57: {  	s8 =	simm.s32 $0x2A80;
	[sflag:s26] =	ssyncadd.s32 $0xFFFFF000  }
0x58: {  	[spmem:s3] =	stream.indirect.scatter.add.bf16 [tilespmem:s28], [sflag:$0xE], $0x20, s8, s17, $0xb8;
	[tilespmem:$0x1C000] =	vst v63  }
0x59: {  	_ =	swait.ge [sflag:s29], $0x1000  }
0x5a: {  	[sflag:s29] =	ssyncset.done $0x0  }
0x5b: {  	s15 =	simm.s32 $0x2B00;
	[sflag:s29] =	ssyncadd.s32 $0xFFFFF000  }
0x5c: {  	[spmem:s2] =	stream.indirect.scatter.add.bf16 [tilespmem:s30], [sflag:$0xF], $0x20, s15, s17, $0xb8;
	[tilespmem:$0x1C000] =	vst v63  }
0x5d: {  	_ =	swait.ge [sflag:s31], $0x1000  }
0x5e: {  	[sflag:s31] =	ssyncset.done $0x0  }
0x5f: {  	s8 =	simm.s32 $0x2B80;
	[sflag:s31] =	ssyncadd.s32 $0xFFFFF000  }
0x60: {  	[spmem:s3] =	stream.indirect.scatter.add.bf16 [tilespmem:s1], [sflag:$0x10], $0x20, s8, s17, $0xb8;
	[tilespmem:$0x1C000] =	vst v63  }
0x61: {  	_ =	swait.ge [sflag:s6], $0x1000  }
0x62: {  	[sflag:s6] =	ssyncset.done $0x0  }
0x63: {  	s15 =	simm.s32 $0x400;
	[sflag:s6] =	ssyncadd.s32 $0xFFFFF000  }
0x64: {  	[tilespmem:s18], [sflag:$0x1] =	stream.indirect.gather [hbm4b:s5+s17], $0x20, s15, s17, $0xb8;
	[tilespmem:$0x1C000] =	vst v63  }
0x65: {  	_ =	swait.ge [sflag:s9], $0x1000  }
0x66: {  	[sflag:s9] =	ssyncset.done $0x0  }
0x67: {  	s8 =	simm.s32 $0x480;
	[sflag:s9] =	ssyncadd.s32 $0xFFFFF000  }
0x68: {  	[tilespmem:s19], [sflag:$0x2] =	stream.indirect.gather [hbm4b:s5+s17], $0x20, s8, s17, $0xb8;
	[tilespmem:$0x1C000] =	vst v63  }
0x69: {  	_ =	swait.ge [sflag:s10], $0x1000  }
0x6a: {  	[sflag:s10] =	ssyncset.done $0x0  }
0x6b: {  	s15 =	simm.s32 $0x500;
	[sflag:s10] =	ssyncadd.s32 $0xFFFFF000  }
0x6c: {  	[tilespmem:s21], [sflag:$0x3] =	stream.indirect.gather [hbm4b:s5+s17], $0x20, s15, s17, $0xb8;
	[tilespmem:$0x1C000] =	vst v63  }
0x6d: {  	_ =	swait.ge [sflag:s11], $0x1000  }
0x6e: {  	[sflag:s11] =	ssyncset.done $0x0  }
0x6f: {  	s8 =	simm.s32 $0x580;
	[sflag:s11] =	ssyncadd.s32 $0xFFFFF000  }
0x70: {  	[tilespmem:s23], [sflag:$0x4] =	stream.indirect.gather [hbm4b:s5+s17], $0x20, s8, s17, $0xb8;
	[tilespmem:$0x1C000] =	vst v63  }
0x71: {  	_ =	swait.ge [sflag:s12], $0x1000  }
0x72: {  	[sflag:s12] =	ssyncset.done $0x0  }
0x73: {  	s15 =	simm.s32 $0x600;
	[sflag:s12] =	ssyncadd.s32 $0xFFFFF000  }
0x74: {  	[tilespmem:s25], [sflag:$0x5] =	stream.indirect.gather [hbm4b:s5+s17], $0x20, s15, s17, $0xb8;
	[tilespmem:$0x1C000] =	vst v63  }
0x75: {  	_ =	swait.ge [sflag:s13], $0x1000  }
0x76: {  	[sflag:s13] =	ssyncset.done $0x0  }
0x77: {  	s8 =	simm.s32 $0x680;
	[sflag:s13] =	ssyncadd.s32 $0xFFFFF000  }
0x78: {  	[tilespmem:s28], [sflag:$0x6] =	stream.indirect.gather [hbm4b:s5+s17], $0x20, s8, s17, $0xb8;
	[tilespmem:$0x1C000] =	vst v63  }
0x79: {  	_ =	swait.ge [sflag:s14], $0x1000  }
0x7a: {  	[sflag:s14] =	ssyncset.done $0x0  }
0x7b: {  	s15 =	simm.s32 $0x700;
	[sflag:s14] =	ssyncadd.s32 $0xFFFFF000  }
0x7c: {  	[tilespmem:s30], [sflag:$0x7] =	stream.indirect.gather [hbm4b:s5+s17], $0x20, s15, s17, $0xb8;
	[tilespmem:$0x1C000] =	vst v63  }
0x7d: {  	_ =	swait.ge [sflag:s4], $0x1000  }
0x7e: {  	[sflag:s4] =	ssyncset.done $0x0  }
0x7f: {  	s7 =	simm.s32 $0x780;
	s8 =	simm.s32 $0x1000;
	[sflag:s4] =	ssyncadd.s32 $0xFFFFF000  }
.LBB2_2:
0x80: {  	[tilespmem:s1], [sflag:$0x8] =	stream.indirect.gather [hbm4b:s5+s17], $0x20, s7, s17, $0xb8;
	[tilespmem:$0x1C000] =	vst v63  }
0x81: {  	s7 =	smov.u32 s8  }
0x82: {  	p0 =	sne.s32 s8, $0x8000;
	s8 =	sadd.s32 $0x1000, s8;
	_ =	swait.ge [sflag:s0], $0x1000  }
0x83: {  	s7 =	sshra.s32 s7, $0x2;
	[sflag:s0] =	ssyncset.done $0x0  }
0x84: {  	s15 =	sadd.s32 $0x2800, s7;
	[sflag:s0] =	ssyncadd.s32 $0xFFFFF000  }
0x85: {  	[spmem:s2] =	stream.indirect.scatter.add.bf16 [tilespmem:s18], [sflag:$0x9], $0x20, s15, s17, $0xb8;
	[tilespmem:$0x1C000] =	vst v63  }
0x86: {  	_ =	swait.ge [sflag:s16], $0x1000  }
0x87: {  	[sflag:s16] =	ssyncset.done $0x0  }
0x88: {  	s15 =	sadd.s32 $0x2880, s7;
	[sflag:s16] =	ssyncadd.s32 $0xFFFFF000  }
0x89: {  	[spmem:s3] =	stream.indirect.scatter.add.bf16 [tilespmem:s19], [sflag:$0xA], $0x20, s15, s17, $0xb8;
	[tilespmem:$0x1C000] =	vst v63  }
0x8a: {  	_ =	swait.ge [sflag:s20], $0x1000  }
0x8b: {  	[sflag:s20] =	ssyncset.done $0x0  }
0x8c: {  	s15 =	sadd.s32 $0x2900, s7;
	[sflag:s20] =	ssyncadd.s32 $0xFFFFF000  }
0x8d: {  	[spmem:s2] =	stream.indirect.scatter.add.bf16 [tilespmem:s21], [sflag:$0xB], $0x20, s15, s17, $0xb8;
	[tilespmem:$0x1C000] =	vst v63  }
0x8e: {  	_ =	swait.ge [sflag:s22], $0x1000  }
0x8f: {  	[sflag:s22] =	ssyncset.done $0x0  }
0x90: {  	s15 =	sadd.s32 $0x2980, s7;
	[sflag:s22] =	ssyncadd.s32 $0xFFFFF000  }
0x91: {  	[spmem:s3] =	stream.indirect.scatter.add.bf16 [tilespmem:s23], [sflag:$0xC], $0x20, s15, s17, $0xb8;
	[tilespmem:$0x1C000] =	vst v63  }
0x92: {  	_ =	swait.ge [sflag:s24], $0x1000  }
0x93: {  	[sflag:s24] =	ssyncset.done $0x0  }
0x94: {  	s15 =	sadd.s32 $0x2A00, s7;
	[sflag:s24] =	ssyncadd.s32 $0xFFFFF000  }
0x95: {  	[spmem:s2] =	stream.indirect.scatter.add.bf16 [tilespmem:s25], [sflag:$0xD], $0x20, s15, s17, $0xb8;
	[tilespmem:$0x1C000] =	vst v63  }
0x96: {  	_ =	swait.ge [sflag:s26], $0x1000  }
0x97: {  	[sflag:s26] =	ssyncset.done $0x0  }
0x98: {  	s15 =	sadd.s32 $0x2A80, s7;
	[sflag:s26] =	ssyncadd.s32 $0xFFFFF000  }
0x99: {  	[spmem:s3] =	stream.indirect.scatter.add.bf16 [tilespmem:s28], [sflag:$0xE], $0x20, s15, s17, $0xb8;
	[tilespmem:$0x1C000] =	vst v63  }
0x9a: {  	_ =	swait.ge [sflag:s29], $0x1000  }
0x9b: {  	[sflag:s29] =	ssyncset.done $0x0  }
0x9c: {  	s15 =	sadd.s32 $0x2B00, s7;
	[sflag:s29] =	ssyncadd.s32 $0xFFFFF000  }
0x9d: {  	[spmem:s2] =	stream.indirect.scatter.add.bf16 [tilespmem:s30], [sflag:$0xF], $0x20, s15, s17, $0xb8;
	[tilespmem:$0x1C000] =	vst v63  }
0x9e: {  	_ =	swait.ge [sflag:s31], $0x1000  }
0x9f: {  	[sflag:s31] =	ssyncset.done $0x0  }
0xa0: {  	s15 =	sadd.s32 $0x2B80, s7;
	[sflag:s31] =	ssyncadd.s32 $0xFFFFF000  }
0xa1: {  	[spmem:s3] =	stream.indirect.scatter.add.bf16 [tilespmem:s1], [sflag:$0x10], $0x20, s15, s17, $0xb8;
	[tilespmem:$0x1C000] =	vst v63  }
0xa2: {  	_ =	swait.ge [sflag:s6], $0x1000  }
0xa3: {  	[sflag:s6] =	ssyncset.done $0x0  }
0xa4: {  	s15 =	sadd.s32 $0x400, s7;
	[sflag:s6] =	ssyncadd.s32 $0xFFFFF000  }
0xa5: {  	[tilespmem:s18], [sflag:$0x1] =	stream.indirect.gather [hbm4b:s5+s17], $0x20, s15, s17, $0xb8;
	[tilespmem:$0x1C000] =	vst v63  }
0xa6: {  	_ =	swait.ge [sflag:s9], $0x1000  }
0xa7: {  	[sflag:s9] =	ssyncset.done $0x0  }
0xa8: {  	s15 =	sadd.s32 $0x480, s7;
	[sflag:s9] =	ssyncadd.s32 $0xFFFFF000  }
0xa9: {  	[tilespmem:s19], [sflag:$0x2] =	stream.indirect.gather [hbm4b:s5+s17], $0x20, s15, s17, $0xb8;
	[tilespmem:$0x1C000] =	vst v63  }
0xaa: {  	_ =	swait.ge [sflag:s10], $0x1000  }
0xab: {  	[sflag:s10] =	ssyncset.done $0x0  }
0xac: {  	s15 =	sadd.s32 $0x500, s7;
	[sflag:s10] =	ssyncadd.s32 $0xFFFFF000  }
0xad: {  	[tilespmem:s21], [sflag:$0x3] =	stream.indirect.gather [hbm4b:s5+s17], $0x20, s15, s17, $0xb8;
	[tilespmem:$0x1C000] =	vst v63  }
0xae: {  	_ =	swait.ge [sflag:s11], $0x1000  }
0xaf: {  	[sflag:s11] =	ssyncset.done $0x0  }
0xb0: {  	s15 =	sadd.s32 $0x580, s7;
	[sflag:s11] =	ssyncadd.s32 $0xFFFFF000  }
0xb1: {  	[tilespmem:s23], [sflag:$0x4] =	stream.indirect.gather [hbm4b:s5+s17], $0x20, s15, s17, $0xb8;
	[tilespmem:$0x1C000] =	vst v63  }
0xb2: {  	_ =	swait.ge [sflag:s12], $0x1000  }
0xb3: {  	[sflag:s12] =	ssyncset.done $0x0  }
0xb4: {  	s15 =	sadd.s32 $0x600, s7;
	[sflag:s12] =	ssyncadd.s32 $0xFFFFF000  }
0xb5: {  	[tilespmem:s25], [sflag:$0x5] =	stream.indirect.gather [hbm4b:s5+s17], $0x20, s15, s17, $0xb8;
	[tilespmem:$0x1C000] =	vst v63  }
0xb6: {  	_ =	swait.ge [sflag:s13], $0x1000  }
0xb7: {  	[sflag:s13] =	ssyncset.done $0x0  }
0xb8: {  	s15 =	sadd.s32 $0x680, s7;
	[sflag:s13] =	ssyncadd.s32 $0xFFFFF000  }
0xb9: {  	[tilespmem:s28], [sflag:$0x6] =	stream.indirect.gather [hbm4b:s5+s17], $0x20, s15, s17, $0xb8;
	[tilespmem:$0x1C000] =	vst v63  }
0xba: {  	_ =	swait.ge [sflag:s14], $0x1000  }
0xbb: {  	[sflag:s14] =	ssyncset.done $0x0  }
.Ltmp0:
0xbc: {  	s15 =	sadd.s32 $0x700, s7;
	[sflag:s14] =	ssyncadd.s32 $0xFFFFF000;
	(pc) =	sbr.rel @p0 .LBB2_2-.Ltmp0, $4  }
0xbd: {  	[tilespmem:s30], [sflag:$0x7] =	stream.indirect.gather [hbm4b:s5+s17], $0x20, s15, s17, $0xb8;
	[tilespmem:$0x1C000] =	vst v63  }
0xbe: {  	_ =	swait.ge [sflag:s4], $0x1000  }
0xbf: {  	[sflag:s4] =	ssyncset.done $0x0  }
0xc0: {  	s7 =	sadd.s32 $0x780, s7;
	[sflag:s4] =	ssyncadd.s32 $0xFFFFF000  }
0xc1: {  	[tilespmem:s1], [sflag:$0x8] =	stream.indirect.gather [hbm4b:s5+s17], $0x20, s7, s17, $0xb8;
	[tilespmem:$0x1C000] =	vst v63  }
0xc2: {  	_ =	swait.ge [sflag:s0], $0x1000  }
0xc3: {  	[sflag:s0] =	ssyncset.done $0x0  }
0xc4: {  	s8 =	simm.s32 $0x4C00;
	[sflag:s0] =	ssyncadd.s32 $0xFFFFF000  }
0xc5: {  	[spmem:s2] =	stream.indirect.scatter.add.bf16 [tilespmem:s18], [sflag:$0x9], $0x20, s8, s17, $0xb8;
	[tilespmem:$0x1C000] =	vst v63  }
0xc6: {  	_ =	swait.ge [sflag:s16], $0x1000  }
0xc7: {  	[sflag:s16] =	ssyncset.done $0x0  }
0xc8: {  	s15 =	simm.s32 $0x4C80;
	[sflag:s16] =	ssyncadd.s32 $0xFFFFF000  }
0xc9: {  	[spmem:s3] =	stream.indirect.scatter.add.bf16 [tilespmem:s19], [sflag:$0xA], $0x20, s15, s17, $0xb8;
	[tilespmem:$0x1C000] =	vst v63  }
0xca: {  	_ =	swait.ge [sflag:s20], $0x1000  }
0xcb: {  	[sflag:s20] =	ssyncset.done $0x0  }
0xcc: {  	s8 =	simm.s32 $0x4D00;
	[sflag:s20] =	ssyncadd.s32 $0xFFFFF000  }
0xcd: {  	[spmem:s2] =	stream.indirect.scatter.add.bf16 [tilespmem:s21], [sflag:$0xB], $0x20, s8, s17, $0xb8;
	[tilespmem:$0x1C000] =	vst v63  }
0xce: {  	_ =	swait.ge [sflag:s22], $0x1000  }
0xcf: {  	[sflag:s22] =	ssyncset.done $0x0  }
0xd0: {  	s15 =	simm.s32 $0x4D80;
	[sflag:s22] =	ssyncadd.s32 $0xFFFFF000  }
0xd1: {  	[spmem:s3] =	stream.indirect.scatter.add.bf16 [tilespmem:s23], [sflag:$0xC], $0x20, s15, s17, $0xb8;
	[tilespmem:$0x1C000] =	vst v63  }
0xd2: {  	_ =	swait.ge [sflag:s24], $0x1000  }
0xd3: {  	[sflag:s24] =	ssyncset.done $0x0  }
0xd4: {  	s8 =	simm.s32 $0x4E00;
	[sflag:s24] =	ssyncadd.s32 $0xFFFFF000  }
0xd5: {  	[spmem:s2] =	stream.indirect.scatter.add.bf16 [tilespmem:s25], [sflag:$0xD], $0x20, s8, s17, $0xb8;
	[tilespmem:$0x1C000] =	vst v63  }
0xd6: {  	_ =	swait.ge [sflag:s26], $0x1000  }
0xd7: {  	[sflag:s26] =	ssyncset.done $0x0  }
0xd8: {  	s15 =	simm.s32 $0x4E80;
	[sflag:s26] =	ssyncadd.s32 $0xFFFFF000  }
0xd9: {  	[spmem:s3] =	stream.indirect.scatter.add.bf16 [tilespmem:s28], [sflag:$0xE], $0x20, s15, s17, $0xb8;
	[tilespmem:$0x1C000] =	vst v63  }
0xda: {  	_ =	swait.ge [sflag:s29], $0x1000  }
0xdb: {  	[sflag:s29] =	ssyncset.done $0x0  }
0xdc: {  	s8 =	simm.s32 $0x4F00;
	[sflag:s29] =	ssyncadd.s32 $0xFFFFF000  }
0xdd: {  	[spmem:s2] =	stream.indirect.scatter.add.bf16 [tilespmem:s30], [sflag:$0xF], $0x20, s8, s17, $0xb8;
	[tilespmem:$0x1C000] =	vst v63  }
0xde: {  	_ =	swait.ge [sflag:s31], $0x1000  }
0xdf: {  	[sflag:s31] =	ssyncset.done $0x0  }
0xe0: {  	s15 =	simm.s32 $0x4F80;
	[sflag:s31] =	ssyncadd.s32 $0xFFFFF000  }
0xe1: {  	[spmem:s3] =	stream.indirect.scatter.add.bf16 [tilespmem:s1], [sflag:$0x10], $0x20, s15, s17, $0xb8;
	[tilespmem:$0x1C000] =	vst v63  }
0xe2: {  	_ =	swait.ge [sflag:s6], $0x1000  }
0xe3: {  	[sflag:s6] =	ssyncset.done $0x0  }
0xe4: {  	[sflag:s6] =	ssyncadd.s32 $0xFFFFF000  }
0xe5: {  	_ =	swait.ge [sflag:s9], $0x1000  }
0xe6: {  	[sflag:s9] =	ssyncset.done $0x0  }
0xe7: {  	[sflag:s9] =	ssyncadd.s32 $0xFFFFF000  }
0xe8: {  	_ =	swait.ge [sflag:s10], $0x1000  }
0xe9: {  	[sflag:s10] =	ssyncset.done $0x0  }
0xea: {  	[sflag:s10] =	ssyncadd.s32 $0xFFFFF000  }
0xeb: {  	_ =	swait.ge [sflag:s11], $0x1000  }
0xec: {  	[sflag:s11] =	ssyncset.done $0x0  }
0xed: {  	[sflag:s11] =	ssyncadd.s32 $0xFFFFF000  }
0xee: {  	_ =	swait.ge [sflag:s12], $0x1000  }
0xef: {  	[sflag:s12] =	ssyncset.done $0x0  }
0xf0: {  	[sflag:s12] =	ssyncadd.s32 $0xFFFFF000  }
0xf1: {  	_ =	swait.ge [sflag:s13], $0x1000  }
0xf2: {  	[sflag:s13] =	ssyncset.done $0x0  }
0xf3: {  	[sflag:s13] =	ssyncadd.s32 $0xFFFFF000  }
0xf4: {  	_ =	swait.ge [sflag:s14], $0x1000  }
0xf5: {  	[sflag:s14] =	ssyncset.done $0x0  }
0xf6: {  	[sflag:s14] =	ssyncadd.s32 $0xFFFFF000  }
0xf7: {  	_ =	swait.ge [sflag:s4], $0x1000  }
0xf8: {  	[sflag:s4] =	ssyncset.done $0x0  }
0xf9: {  	[sflag:s4] =	ssyncadd.s32 $0xFFFFF000  }
0xfa: {  	s8 =	stileid.u32;
	[bflag:$0x0] =	sbarrier.arrive $0xFFFF  }
0xfb: {  	s7 =	sshll.u32 s8, $0x6;
	s8 =	rddreg [dreg:$0x5]  }
0xfc: {  	s7 =	sor.u32 $0x1C11, s7;
	s15 =	rddreg [dreg:$0xa];
	s8 =	sshrl.u32 s8, $0x3  }
0xfd: {  	[hbm:s15], [sflag:s7] =	dma.local [spmem:s8], $0xA00  }
0xfe: {  	s15 =	simm.s32 $0x11  }
0xff: {  	_ =	swait.ge [sflag:s15], $0xA00  }
0x100: {  	[sflag:s15] =	ssyncset.done $0x0  }
0x101: {  	[sflag:s15] =	ssyncadd.s32 $0xFFFFF600;
	s15 =	rddreg [dreg:$0x6]  }
0x102: {  	s8 =	sshrl.u32 s15, $0x3;
	s15 =	rddreg [dreg:$0xb]  }
0x103: {  	[hbm:s15], [sflag:s7] =	dma.local [spmem:s8], $0xA00  }
0x104: {  	s7 =	simm.s32 $0x11  }
0x105: {  	_ =	swait.ge [sflag:s7], $0xA00  }
0x106: {  	s15 =	rddreg [dreg:$0xc]  }
0x107: {  	s8 =	sadd.s32 $0x1, s15;
	s15 =	rddreg [dreg:$0x9]  }
0x108: {  	p0 =	sne.s32 s8, s15  }
.Ltmp1:
0x109: {  	_ = 	snop;
	(pc) =	sbr.rel @p0 .LBB2_1-.Ltmp1, $3  }
0x10a: {  	_ =	sdelay $0x1  }
0x10b: {  	[sflag:s7] =	ssyncset.done $0x0;
	s15 =	simm.s32 $0x11  }
0x10c: {  	[sflag:s15] =	ssyncadd.s32 $0xFFFFF600  }
0x10d: {  	_ =	sfence.sel $0x180000  }
0x10e: {  	[bflag:$0x0] =	sbarrier.arrive $0xFFFF  }
0x10f: {  	_ =	strace $0x9000004A  }
0x110: {  	s0 =	stileid.u32;
	[bflag:$0x2] =	sbarrier.arrive $0xFFFF  }
0x111: {  	p0 =	sne.s32 s0, $0x0;
	s0 =	rddreg [dreg:$0x3]  }
0x112: {  	s0 =	sadd.s32 @!p0 $0x100000, s0  }
0x113: {  	[sflag:s0] =	ssyncadd.tile.s32 @!p0 $0x1;
	_ =	shalt  }
.Lfunc_end2:
_tile_overlayer_lowered:
.L_overlay_start_2:
0x114: {  	(tag) =	ssettag $0x2  }
0x115: {  	s0 =	rddreg [dreg:$0x0];
	s2 =	stileid.u32  }
0x116: {  	s1 =	rddreg [dreg:$0x1];
	p0 =	sne.s32 s2, $0x0  }
0x117: {  	s3 =	rddreg [dreg:$0x2];
	[bflag:$0x3] =	sbarrier.arrive $0xFFFF;
	s2 =	simm.s32 @!p0 $0x1C11  }
0x118: {  	[timem:s3], [sflag:s2] =	dma.local @!p0 [hbm:s0], s1  }
0x119: {  	s0 =	simm.s32 @!p0 $0x11  }
0x11a: {  	_ =	swait.ge @!p0 [sflag:s0], s1  }
0x11b: {  	s1 =	ssub.s32 @!p0 $0x0, s1;
	[sflag:s0] =	ssyncset.done @!p0 $0x0  }
0x11c: {  	[sflag:s0] =	ssyncadd.s32 @!p0 s1  }
0x11d: {  	[bflag:$0x3] =	sbarrier.arrive $0xFFFF  }
0x11e: {  	_ =	shalt  }

// kernel: kernel.17.cloned.1.call-start
scs
__scs_entry_jumppad:
0x0: {  	(pc) =	sbr.rel $0x88, $3  }
0x1: {  	(tag) =	ssettag $0x0;
	lr =	simm.s32 $0x1  }
0x2: {  	[smem:$0x3F8F] =	sst lr;
	_ =	strace $0xD0000000  }
0x3: {  	_ = 	snop  }
0x4: {  	_ = 	snop  }
0x5: {  	_ = 	snop  }
0x6: {  	_ = 	snop  }
0x7: {  	_ = 	snop  }
__scs_overlays_trampoline_lowered:
0x8: {  	[smem:$0x3F9E] =	sst s0  }
0x9: {  	[smem:$0x3F9F] =	sst s1  }
0xa: {  	[smem:$0x3FA0] =	sst s2  }
0xb: {  	[smem:$0x3FA1] =	sst s3  }
0xc: {  	[smem:$0x3FA2] =	sst s4  }
0xd: {  	[smem:$0x3FA3] =	sst s5  }
0xe: {  	[smem:$0x3FA4] =	sst s6  }
0xf: {  	[smem:$0x3FA5] =	sst s7  }
0x10: {  	[smem:$0x3FA6] =	sst s8  }
0x11: {  	[smem:$0x3FA7] =	sst s9;
	s0 =	simm.s32 @!p0 $0x0  }
0x12: {  	s1 =	sld [smem:$0x3F8D];
	s0 =	simm.s32 @p0 $0x1  }
0x13: {  	[smem:$0x3FA8] =	sst s0;
	s0 =	simm.s32 @!p1 $0x0  }
0x14: {  	s2 =	sld [smem:$0x3F8C];
	s0 =	simm.s32 @p1 $0x1  }
0x15: {  	[smem:$0x3FA9] =	sst s0;
	s0 =	simm.s32 @!p2 $0x0  }
0x16: {  	s3 =	sld [smem:$0x3FDB];
	s0 =	simm.s32 @p2 $0x1  }
0x17: {  	s4 =	simm.s32 $0x1BF5;
	[smem:$0x3FAB] =	sst s0  }
0x18: {  	s0 =	sld [smem:$0x3F8E];
	_ =	swait.ge [sflag:s4], $0x0  }
0x19: {  	s7 =	sld [smem:$0x3F8F]  }
0x1a: {  	s8 =	sadd.s32 $0xFFFFE003, lr  }
0x1b: {  	s9 =	sadd.s32 $0xFFFFFEF7, lr;
	s5 =	simm.s32 $0xFFFFFFFF;
	p2 =	slt.u32 s8, $0xFFFFF086  }
0x1c: {  	p1 =	slt.u32 s9, $0xF7A;
	s5 =	simm.s32 @!p2 $0x0  }
0x1d: {  	s5 =	simm.s32 @p1 $0x1;
	p0 =	seq.s32 s7, s2  }
0x1e: {  	s7 =	smul.u32 @!p0 $0xF7A, s2;
	p2 =	seq.s32 @!p0 s5, $0x0  }
0x1f: {  	s9 =	smul.u32 $0xF7A, s1;
	s8 =	simm.s32 @!p0 $0x1BF5;
	p2 =	por !p2, p0  }
0x20: {  	[sflag:s8] =	ssyncset.s32 @!p0 $0xFFFFF086;
	s6 =	sadd.s32 @!p0 s3, s7;
	s7 =	simm.s32 @!p0 $0x108  }
0x21: {  	s3 =	sadd.s32 s3, s9;
	s6 =	sadd.s32 @!p0 $0x88, s6;
	s7 =	simm.s32 @p2 $0x1082  }
0x22: {  	[simem:s7], [sflag:s8] =	dma.local @!p0 [hbm:s6], $0xF7A  }
0x23: {  	s9 =	sor.u32 $0xD0000000, s2;
	s6 =	simm.s32 $0x108;
	_ =	swait.ge @!p0 [sflag:s8], $0x0  }
0x24: {  	s3 =	sadd.s32 $0x88, s3;
	s6 =	simm.s32 @!p1 $0x1082;
	[sflag:s4] =	ssyncset.s32 $0xFFFFF086  }
0x25: {  	[simem:s6], [sflag:s4] =	dma.local [hbm:s3], $0xF7A  }
0x26: {  	[smem:$0x3F8F] =	sst s1;
	(tag) =	ssettag s2;
	_ =	strace s9  }
0x27: {  	s1 =	sld [smem:$0x3F9F]  }
0x28: {  	s2 =	sld [smem:$0x3FA0]  }
0x29: {  	s4 =	sld [smem:$0x3FA2]  }
0x2a: {  	p0 =	seq.s32 s5, $0x0;
	s5 =	sld [smem:$0x3FA3]  }
0x2b: {  	s6 =	sld [smem:$0x3FA4]  }
0x2c: {  	s7 =	sld [smem:$0x3FA5]  }
0x2d: {  	s3 =	simm.s32 $0x108;
	s8 =	sld [smem:$0x3FA6]  }
0x2e: {  	s3 =	simm.s32 @!p0 $0x1082;
	s9 =	sld [smem:$0x3FA7]  }
0x2f: {  	lr =	sadd.s32 s0, s3;
	s0 =	sld [smem:$0x3F9E]  }
0x30: {  	s3 =	sld [smem:$0x3FA1]  }
0x31: {  	[smem:$0x3FAA] =	sst s10  }
0x32: {  	s10 =	sld [smem:$0x3FA8];
	_ =	sdelay $0x3  }
0x33: {  	p0 =	seq.s32 s10, $0x1;
	s10 =	sld [smem:$0x3FAA];
	_ =	sdelay $0x3  }
0x34: {  	[smem:$0x3FAA] =	sst s10  }
0x35: {  	s10 =	sld [smem:$0x3FA9];
	_ =	sdelay $0x3  }
0x36: {  	p1 =	seq.s32 s10, $0x1;
	s10 =	sld [smem:$0x3FAA];
	_ =	sdelay $0x3  }
0x37: {  	[smem:$0x3FAA] =	sst s10  }
0x38: {  	s10 =	sld [smem:$0x3FAB]  }
0x39: {  	_ = 	snop;
	(pc) =	sbr.ind lr, $3  }
0x3a: {  	_ = 	snop  }
0x3b: {  	_ = 	snop  }
0x3c: {  	p2 =	seq.s32 s10, $0x1;
	s10 =	sld [smem:$0x3FAA]  }
0x3d: {  	_ =	shalt  }
0x3e: {  	_ =	shalt  }
0x3f: {  	_ =	shalt  }
0x40: {  	_ =	shalt  }
0x41: {  	_ =	shalt  }
0x42: {  	_ =	shalt  }
0x43: {  	_ =	shalt  }
0x44: {  	_ =	shalt  }
0x45: {  	_ =	shalt  }
0x46: {  	_ =	shalt  }
0x47: {  	_ =	shalt  }
0x48: {  	_ =	shalt  }
0x49: {  	_ =	shalt  }
0x4a: {  	_ =	shalt  }
0x4b: {  	_ =	shalt  }
0x4c: {  	_ =	shalt  }
0x4d: {  	_ =	shalt  }
0x4e: {  	_ =	shalt  }
0x4f: {  	_ =	shalt  }
0x50: {  	_ =	shalt  }
0x51: {  	_ =	shalt  }
0x52: {  	_ =	shalt  }
0x53: {  	_ =	shalt  }
0x54: {  	_ =	shalt  }
0x55: {  	_ =	shalt  }
0x56: {  	_ =	shalt  }
0x57: {  	_ =	shalt  }
0x58: {  	_ =	shalt  }
0x59: {  	_ =	shalt  }
0x5a: {  	_ =	shalt  }
0x5b: {  	_ =	shalt  }
0x5c: {  	_ =	shalt  }
0x5d: {  	_ =	shalt  }
0x5e: {  	_ =	shalt  }
0x5f: {  	_ =	shalt  }
0x60: {  	_ =	shalt  }
0x61: {  	_ =	shalt  }
0x62: {  	_ =	shalt  }
0x63: {  	_ =	shalt  }
0x64: {  	_ =	shalt  }
0x65: {  	_ =	shalt  }
0x66: {  	_ =	shalt  }
0x67: {  	_ =	shalt  }
0x68: {  	_ =	shalt  }
0x69: {  	_ =	shalt  }
0x6a: {  	_ =	shalt  }
0x6b: {  	_ =	shalt  }
0x6c: {  	_ =	shalt  }
0x6d: {  	_ =	shalt  }
0x6e: {  	_ =	shalt  }
0x6f: {  	_ =	shalt  }
0x70: {  	_ =	shalt  }
0x71: {  	_ =	shalt  }
0x72: {  	_ =	shalt  }
0x73: {  	_ =	shalt  }
0x74: {  	_ =	shalt  }
0x75: {  	_ =	shalt  }
0x76: {  	_ =	shalt  }
0x77: {  	_ =	shalt  }
0x78: {  	_ =	shalt  }
0x79: {  	_ =	shalt  }
0x7a: {  	_ =	shalt  }
0x7b: {  	_ =	shalt  }
0x7c: {  	_ =	shalt  }
0x7d: {  	_ =	shalt  }
0x7e: {  	_ =	shalt  }
0x7f: {  	_ =	shalt  }
0x80: {  	_ =	shalt  }
0x81: {  	_ =	shalt  }
0x82: {  	_ =	shalt  }
0x83: {  	_ =	shalt  }
0x84: {  	_ =	shalt  }
0x85: {  	_ =	shalt  }
0x86: {  	_ =	shalt  }
0x87: {  	_ =	shalt  }
.Lfunc_end0:
.L_simem_size_0:
called_computation.2_lowered:
.L_overlay_start_0:
0x88: {  	s2 =	sld [smem:$0x3FD9]  }
0x89: {  	s3 =	sld [smem:$0x3FFE];
	_ =	sdelay $0x1  }
0x8a: {  	s1 =	srdreg.scid  }
0x8b: {  	s0 =	sand.u32 $0x1, s1  }
0x8c: {  	s16 =	sshll.u32 s0, $0xA;
	s2 =	sadd.s32 s3, s2  }
0x8d: {  	s2 =	sadd.s32 s2, s16  }
0x8e: {  	[smem:$0x3FB6] =	sst s2  }
0x8f: {  	_ = 	snop  }
0x90: {  	(tm) =	ssettm $0x1  }
0x91: {  	s17 =	sld [smem:$0x3FFB];
	_ =	sdelay $0x3  }
0x92: {  	_ =	strace s17  }
0x93: {  	s2 =	sld [smem:$0x3FFC];
	_ =	sdelay $0x3  }
0x94: {  	_ =	strace s2  }
0x95: {  	s2 =	sld [smem:$0x3FFD];
	_ =	sdelay $0x3  }
0x96: {  	_ =	strace s2  }
0x97: {  	_ =	strace $0x8FFFFFFF  }
0x98: {  	s18 =	sld [smem:$0x3FDB];
	_ =	sdelay $0x1  }
0x99: {  	s19 =	simm.s32 $_scs_section_size  }
0x9a: {  	s4 =	simm.s32 $_size__tile_overlayer_lowered;
	s5 =	simm.s32 $_tile_overlayer_lowered  }
0x9b: {  	s22 =	simm.s32 $0x1BFF;
	s21 =	sshll.u32 s5, $0x1;
	s2 =	sadd.s32 s19, s18  }
0x9c: {  	s6 =	simm.s32 $0x0;
	s20 =	sshll.u32 s4, $0x1;
	s4 =	sadd.s32 s21, s2  }
0x9d: {  	[timem:s6], [sflag:s22] =	dma.local [hbm:s4], s20  }
0x9e: {  	_ =	swait.ge [sflag:s22], s20  }
0x9f: {  	s3 =	ssub.s32 $0x0, s20;
	[sflag:s22] =	ssyncset.done $0x0  }
0xa0: {  	[sflag:s22] =	ssyncadd.s32 s3;
	_ =	sdelay $0x1  }
0xa1: {  	s23 =	simm.s32 $0x1B8B  }
0xa2: {  	_ =	swait.ge [sflag:s23], $0x1  }
0xa3: {  	[sflag:s23] =	ssyncset.done $0x0  }
0xa4: {  	s25 =	simm.s32 $0x1B8E;
	s24 =	sld [smem:$0x3FFE];
	[sflag:s23] =	ssyncadd.s32 $0xFFFFFFFF  }
0xa5: {  	s26 =	simm.s32 $execute0_lowered;
	[smem:$0x3FD2] =	sst s25  }
0xa6: {  	s4 =	sshll.u32 s26, $0x1;
	_ =	strace $0x8000004C;
	[dreg:$0x1] =	wrdreg $0xFFFFFFFF  }
0xa7: {  	s28 =	simm.s32 $_size_execute0_lowered;
	s2 =	sadd.s32 s2, s4;
	[dreg:$0x0] =	wrdreg $0x0  }
0xa8: {  	s4 =	sshll.u32 s28, $0x1;
	[dreg:$0x2] =	wrdreg s2  }
0xa9: {  	[dreg:$0x3] =	wrdreg s4  }
0xaa: {  	[dreg:$0x4] =	wrdreg $0xC0  }
0xab: {  	_ =	task [dreg:s6], $0x5FFFF  }
0xac: {  	[dreg:$0x1] =	wrdreg $0xFFFFFFFF  }
0xad: {  	[dreg:$0x0] =	wrdreg $0x60  }
0xae: {  	[dreg:$0x2] =	wrdreg s24  }
0xaf: {  	[dreg:$0x3] =	wrdreg $0x120000  }
0xb0: {  	[dreg:$0x4] =	wrdreg $0x170000  }
0xb1: {  	[dreg:$0x5] =	wrdreg $0x9  }
0xb2: {  	_ =	task.clear_ibuf [dreg:s6], $0x6FFFF;
	_ =	strace $0x9000004C  }
0xb3: {  	s29 =	simm.s32 $0x9;
	_ =	strace $0x8000004E  }
0xb4: {  	_ =	swait.ge [sflag:s29], $0x1  }
0xb5: {  	[sflag:s29] =	ssyncadd.s32 $0xFFFFFFFF  }
0xb6: {  	_ =	strace $0x9000004E  }
0xb7: {  	_ =	sfence  }
0xb8: {  	s30 =	sld [smem:$0x0];
	_ =	sdelay $0x2  }
0xb9: {  	s31 =	sshll.u32 s1, $0xD;
	s1 =	sshrl.u32 s1, $0x2  }
0xba: {  	s3 =	sand.u32 $0x4000, s31;
	s1 =	sadd.s32 s1, s30  }
0xbb: {  	s0 =	sor.u32 s3, s0;
	s1 =	sshll.u32 s1, $0x11  }
0xbc: {  	s0 =	sor.u32 s1, s0  }
0xbd: {  	s0 =	sadd.s32 $0x8F2B, s0  }
0xbe: {  	[sflag:s0] =	ssyncadd.remote.s32 $0x1  }
0xbf: {  	_ =	sfence.sel $0xFFFF  }
0xc0: {  	[dreg:$0x0] =	wrdreg $0xFFFFFFFF;
	(pc) =	sbr.abs _section_cstart, $3  }
0xc1: {  	[dreg:$0x1] =	wrdreg $0xFFFFFFFF  }
0xc2: {  	_ =	task.clear_ibuf [dreg:s6], $0x2FFFF;
	_ =	strace $0x9FFFFFFF  }
0xc3: {  	(tm) =	ssettm $0x7FFFFFFF  }
tec
execute0_lowered:
.L_overlay_start_1:
0x0: {  	(tag) =	ssettag $0x1  }
0x1: {  	s0 =	rddreg [dreg:$0x0]  }
0x2: {  	s2 =	rddreg [dreg:$0x1];
	s1 =	srdreg.scid  }
0x3: {  	s8 =	stileid.u32;
	s3 =	rddreg [dreg:$0x2];
	s5 =	simm.s32 $0x0  }
0x4: {  	s17 =	simm.s32 $0x80;
	s18 =	simm.s32 $0x5000;
	s19 =	simm.s32 $0x6000  }
0x5: {  	s28 =	simm.s32 $0xA000;
	s30 =	simm.s32 $0xB000;
	s16 =	simm.s32 $0x2  }
0x6: {  	s20 =	simm.s32 $0x3;
	s29 =	simm.s32 $0x7;
	s31 =	simm.s32 $0x8  }
0x7: {  	s13 =	simm.s32 $0xE;
	s14 =	simm.s32 $0xF;
	s1 =	sand.u32 $0x1, s1  }
0x8: {  	s4 =	sshll.u32 s8, $0x1;
	[smem:$0x7FF] =	sst s5;
	s5 =	sadd.s32 $0x1AC00, s0  }
0x9: {  	s6 =	sadd.s32 $0x25400, s0;
	s8 =	smul.u32 $0xA000, s8;
	s9 =	sadd.s32 $0xB1E00, s0  }
0xa: {  	s10 =	sadd.s32 $0xA7E00, s0;
	s4 =	sor.u32 s1, s4;
	_ =	strace $0x8000004D  }
0xb: {  	[dreg:$0x4] =	wrdreg s6;
	s6 =	sadd.s32 $0xBBE00, s0;
	s7 =	ssub.s32 $0x2, s1  }
0xc: {  	p0 =	seq.s32 s1, $0x1;
	s1 =	simm.s32 $0xC000;
	s4 =	smul.u32 $0x500, s4  }
0xd: {  	s11 =	sshrl.u32 s7, $0x1;
	s21 =	sshrl.u32 s8, $0x1;
	s23 =	sshrl.u32 s8, $0x4  }
0xe: {  	s6 =	smov.u32 @p0 s10;
	s10 =	simm.s32 $0xB;
	s8 =	simm.s32 $0x0  }
0xf: {  	s7 =	ssub.s32 s7, s11;
	s12 =	sadd.s32 s21, s2;
	s11 =	sadd.s32 s21, s3  }
0x10: {  	s25 =	sadd.s32 s6, s23;
	s21 =	simm.s32 $0x7000;
	[dreg:$0x5] =	wrdreg s12  }
0x11: {  	s6 =	simm.s32 $0x9;
	s4 =	sadd.s32 s4, s0;
	[dreg:$0x6] =	wrdreg s11  }
0x12: {  	s0 =	sadd.s32 $0x9DE00, s0;
	s24 =	smax.u32 s7, $0x1;
	[dreg:$0xa] =	wrdreg s25  }
0x13: {  	s25 =	simm.s32 $0x9000;
	s11 =	simm.s32 $0xC;
	s12 =	simm.s32 $0xD  }
0x14: {  	s22 =	sadd.s32 $0x6C00, s4;
	s4 =	sadd.s32 $0x10C00, s4;
	[dreg:$0x9] =	wrdreg s24  }
0x15: {  	s9 =	smov.u32 @p0 s0;
	s0 =	simm.s32 $0x1;
	[dreg:$0x7] =	wrdreg s22  }
0x16: {  	s24 =	simm.s32 $0x5;
	[dreg:$0x8] =	wrdreg s4;
	s26 =	sadd.s32 s9, s23  }
0x17: {  	s23 =	simm.s32 $0x8000;
	s22 =	simm.s32 $0x4;
	s9 =	simm.s32 $0xA  }
0x18: {  	s4 =	simm.s32 $0x10;
	[dreg:$0xb] =	wrdreg s26;
	s26 =	simm.s32 $0x6  }
.LBB2_1:
0x19: {  	[dreg:$0xc] =	wrdreg s8  }
0x1a: {  	s8 =	rddreg [dreg:$0x4];
	s15 =	simm.s32 $0x0;
	s7 =	simm.s32 $0xD000  }
0x1b: {  	[tilespmem:s7], [sflag:$0x11] =	stream.linear.gather [hbm4b:s8+s15], $0x5000, $0x38;
	[tilespmem:$0x1C000] =	vst v63  }
0x1c: {  	s7 =	simm.s32 $0x11  }
0x1d: {  	_ =	swait.ge [sflag:s7], $0x5000  }
0x1e: {  	[sflag:s7] =	ssyncset.done $0x0  }
0x1f: {  	s15 =	simm.s32 $0xD000;
	s8 =	rddreg [dreg:$0x5];
	[sflag:s7] =	ssyncadd.s32 $0xFFFFB000  }
0x20: {  	[spmem:s8] =	stream.linear.scatter [tilespmem:s15], [sflag:$0x11], $0x5000, $0x38;
	[tilespmem:$0x1C000] =	vst v63  }
0x21: {  	_ =	swait.ge [sflag:s7], $0x5000  }
0x22: {  	[sflag:s7] =	ssyncset.done $0x0  }
0x23: {  	s8 =	rddreg [dreg:$0x6];
	[sflag:s7] =	ssyncadd.s32 $0xFFFFB000  }
0x24: {  	[spmem:s8] =	stream.linear.scatter [tilespmem:s15], [sflag:$0x11], $0x5000, $0x38;
	[tilespmem:$0x1C000] =	vst v63  }
0x25: {  	_ =	swait.ge [sflag:s7], $0x5000  }
0x26: {  	[sflag:s7] =	ssyncset.done $0x0  }
0x27: {  	s15 =	simm.s32 $0x0;
	s8 =	rddreg [dreg:$0x7];
	[sflag:s7] =	ssyncadd.s32 $0xFFFFB000  }
0x28: {  	[tilespmem:s15], [sflag:$0x11] =	stream.linear.gather [hbm4b:s8+s15], $0x2800, $0x38;
	[tilespmem:$0x1C000] =	vst v63  }
0x29: {  	_ =	swait.ge [sflag:s7], $0x2800  }
0x2a: {  	s15 =	simm.s32 $0x2800;
	[sflag:s7] =	ssyncset.done $0x0  }
0x2b: {  	s8 =	rddreg [dreg:$0x8];
	[sflag:s7] =	ssyncadd.s32 $0xFFFFD800;
	s7 =	simm.s32 $0x0  }
0x2c: {  	[tilespmem:s15], [sflag:$0x11] =	stream.linear.gather [hbm4b:s8+s7], $0x2800, $0x38;
	[tilespmem:$0x1C000] =	vst v63  }
0x2d: {  	s15 =	simm.s32 $0x11  }
0x2e: {  	_ =	swait.ge [sflag:s15], $0x2800  }
0x2f: {  	[sflag:s15] =	ssyncset.done $0x0  }
0x30: {  	[sflag:s15] =	ssyncadd.s32 $0xFFFFD800  }
0x31: {  	s8 =	simm.s32 $0x0;
	[bflag:$0x0] =	sbarrier.arrive $0xFFFF  }
0x32: {  	[tilespmem:s18], [sflag:$0x1] =	stream.indirect.gather [hbm4b:s5+s17], $0x20, s8, s17, $0xb8;
	[tilespmem:$0x1C000] =	vst v63  }
0x33: {  	_ = 	snop  }
0x34: {  	[tilespmem:s19], [sflag:$0x2] =	stream.indirect.gather [hbm4b:s5+s17], $0x20, s17, s17, $0xb8;
	[tilespmem:$0x1C000] =	vst v63  }
0x35: {  	s15 =	simm.s32 $0x100  }
0x36: {  	[tilespmem:s21], [sflag:$0x3] =	stream.indirect.gather [hbm4b:s5+s17], $0x20, s15, s17, $0xb8;
	[tilespmem:$0x1C000] =	vst v63  }
0x37: {  	s8 =	simm.s32 $0x180  }
0x38: {  	[tilespmem:s23], [sflag:$0x4] =	stream.indirect.gather [hbm4b:s5+s17], $0x20, s8, s17, $0xb8;
	[tilespmem:$0x1C000] =	vst v63  }
0x39: {  	s15 =	simm.s32 $0x200  }
0x3a: {  	[tilespmem:s25], [sflag:$0x5] =	stream.indirect.gather [hbm4b:s5+s17], $0x20, s15, s17, $0xb8;
	[tilespmem:$0x1C000] =	vst v63  }
0x3b: {  	s8 =	simm.s32 $0x280  }
0x3c: {  	[tilespmem:s28], [sflag:$0x6] =	stream.indirect.gather [hbm4b:s5+s17], $0x20, s8, s17, $0xb8;
	[tilespmem:$0x1C000] =	vst v63  }
0x3d: {  	s15 =	simm.s32 $0x300  }
0x3e: {  	[tilespmem:s30], [sflag:$0x7] =	stream.indirect.gather [hbm4b:s5+s17], $0x20, s15, s17, $0xb8;
	[tilespmem:$0x1C000] =	vst v63  }
0x3f: {  	s8 =	simm.s32 $0x380  }
0x40: {  	[tilespmem:s1], [sflag:$0x8] =	stream.indirect.gather [hbm4b:s5+s17], $0x20, s8, s17, $0xb8;
	[tilespmem:$0x1C000] =	vst v63  }
0x41: {  	_ =	swait.ge [sflag:s0], $0x1000  }
0x42: {  	[sflag:s0] =	ssyncset.done $0x0  }
0x43: {  	s15 =	simm.s32 $0x2800;
	[sflag:s0] =	ssyncadd.s32 $0xFFFFF000  }
0x44: {  	[spmem:s2] =	stream.indirect.scatter.add.bf16 [tilespmem:s18], [sflag:$0x9], $0x20, s15, s17, $0xb8;
	[tilespmem:$0x1C000] =	vst v63  }
0x45: {  	_ =	swait.ge [sflag:s16], $0x1000  }
0x46: {  	[sflag:s16] =	ssyncset.done $0x0  }
0x47: {  	s8 =	simm.s32 $0x2880;
	[sflag:s16] =	ssyncadd.s32 $0xFFFFF000  }
0x48: {  	[spmem:s3] =	stream.indirect.scatter.add.bf16 [tilespmem:s19], [sflag:$0xA], $0x20, s8, s17, $0xb8;
	[tilespmem:$0x1C000] =	vst v63  }
0x49: {  	_ =	swait.ge [sflag:s20], $0x1000  }
0x4a: {  	[sflag:s20] =	ssyncset.done $0x0  }
0x4b: {  	s15 =	simm.s32 $0x2900;
	[sflag:s20] =	ssyncadd.s32 $0xFFFFF000  }
0x4c: {  	[spmem:s2] =	stream.indirect.scatter.add.bf16 [tilespmem:s21], [sflag:$0xB], $0x20, s15, s17, $0xb8;
	[tilespmem:$0x1C000] =	vst v63  }
0x4d: {  	_ =	swait.ge [sflag:s22], $0x1000  }
0x4e: {  	[sflag:s22] =	ssyncset.done $0x0  }
0x4f: {  	s8 =	simm.s32 $0x2980;
	[sflag:s22] =	ssyncadd.s32 $0xFFFFF000  }
0x50: {  	[spmem:s3] =	stream.indirect.scatter.add.bf16 [tilespmem:s23], [sflag:$0xC], $0x20, s8, s17, $0xb8;
	[tilespmem:$0x1C000] =	vst v63  }
0x51: {  	_ =	swait.ge [sflag:s24], $0x1000  }
0x52: {  	[sflag:s24] =	ssyncset.done $0x0  }
0x53: {  	s15 =	simm.s32 $0x2A00;
	[sflag:s24] =	ssyncadd.s32 $0xFFFFF000  }
0x54: {  	[spmem:s2] =	stream.indirect.scatter.add.bf16 [tilespmem:s25], [sflag:$0xD], $0x20, s15, s17, $0xb8;
	[tilespmem:$0x1C000] =	vst v63  }
0x55: {  	_ =	swait.ge [sflag:s26], $0x1000  }
0x56: {  	[sflag:s26] =	ssyncset.done $0x0  }
0x57: {  	s8 =	simm.s32 $0x2A80;
	[sflag:s26] =	ssyncadd.s32 $0xFFFFF000  }
0x58: {  	[spmem:s3] =	stream.indirect.scatter.add.bf16 [tilespmem:s28], [sflag:$0xE], $0x20, s8, s17, $0xb8;
	[tilespmem:$0x1C000] =	vst v63  }
0x59: {  	_ =	swait.ge [sflag:s29], $0x1000  }
0x5a: {  	[sflag:s29] =	ssyncset.done $0x0  }
0x5b: {  	s15 =	simm.s32 $0x2B00;
	[sflag:s29] =	ssyncadd.s32 $0xFFFFF000  }
0x5c: {  	[spmem:s2] =	stream.indirect.scatter.add.bf16 [tilespmem:s30], [sflag:$0xF], $0x20, s15, s17, $0xb8;
	[tilespmem:$0x1C000] =	vst v63  }
0x5d: {  	_ =	swait.ge [sflag:s31], $0x1000  }
0x5e: {  	[sflag:s31] =	ssyncset.done $0x0  }
0x5f: {  	s8 =	simm.s32 $0x2B80;
	[sflag:s31] =	ssyncadd.s32 $0xFFFFF000  }
0x60: {  	[spmem:s3] =	stream.indirect.scatter.add.bf16 [tilespmem:s1], [sflag:$0x10], $0x20, s8, s17, $0xb8;
	[tilespmem:$0x1C000] =	vst v63  }
0x61: {  	_ =	swait.ge [sflag:s6], $0x1000  }
0x62: {  	[sflag:s6] =	ssyncset.done $0x0  }
0x63: {  	s15 =	simm.s32 $0x400;
	[sflag:s6] =	ssyncadd.s32 $0xFFFFF000  }
0x64: {  	[tilespmem:s18], [sflag:$0x1] =	stream.indirect.gather [hbm4b:s5+s17], $0x20, s15, s17, $0xb8;
	[tilespmem:$0x1C000] =	vst v63  }
0x65: {  	_ =	swait.ge [sflag:s9], $0x1000  }
0x66: {  	[sflag:s9] =	ssyncset.done $0x0  }
0x67: {  	s8 =	simm.s32 $0x480;
	[sflag:s9] =	ssyncadd.s32 $0xFFFFF000  }
0x68: {  	[tilespmem:s19], [sflag:$0x2] =	stream.indirect.gather [hbm4b:s5+s17], $0x20, s8, s17, $0xb8;
	[tilespmem:$0x1C000] =	vst v63  }
0x69: {  	_ =	swait.ge [sflag:s10], $0x1000  }
0x6a: {  	[sflag:s10] =	ssyncset.done $0x0  }
0x6b: {  	s15 =	simm.s32 $0x500;
	[sflag:s10] =	ssyncadd.s32 $0xFFFFF000  }
0x6c: {  	[tilespmem:s21], [sflag:$0x3] =	stream.indirect.gather [hbm4b:s5+s17], $0x20, s15, s17, $0xb8;
	[tilespmem:$0x1C000] =	vst v63  }
0x6d: {  	_ =	swait.ge [sflag:s11], $0x1000  }
0x6e: {  	[sflag:s11] =	ssyncset.done $0x0  }
0x6f: {  	s8 =	simm.s32 $0x580;
	[sflag:s11] =	ssyncadd.s32 $0xFFFFF000  }
0x70: {  	[tilespmem:s23], [sflag:$0x4] =	stream.indirect.gather [hbm4b:s5+s17], $0x20, s8, s17, $0xb8;
	[tilespmem:$0x1C000] =	vst v63  }
0x71: {  	_ =	swait.ge [sflag:s12], $0x1000  }
0x72: {  	[sflag:s12] =	ssyncset.done $0x0  }
0x73: {  	s15 =	simm.s32 $0x600;
	[sflag:s12] =	ssyncadd.s32 $0xFFFFF000  }
0x74: {  	[tilespmem:s25], [sflag:$0x5] =	stream.indirect.gather [hbm4b:s5+s17], $0x20, s15, s17, $0xb8;
	[tilespmem:$0x1C000] =	vst v63  }
0x75: {  	_ =	swait.ge [sflag:s13], $0x1000  }
0x76: {  	[sflag:s13] =	ssyncset.done $0x0  }
0x77: {  	s8 =	simm.s32 $0x680;
	[sflag:s13] =	ssyncadd.s32 $0xFFFFF000  }
0x78: {  	[tilespmem:s28], [sflag:$0x6] =	stream.indirect.gather [hbm4b:s5+s17], $0x20, s8, s17, $0xb8;
	[tilespmem:$0x1C000] =	vst v63  }
0x79: {  	_ =	swait.ge [sflag:s14], $0x1000  }
0x7a: {  	[sflag:s14] =	ssyncset.done $0x0  }
0x7b: {  	s15 =	simm.s32 $0x700;
	[sflag:s14] =	ssyncadd.s32 $0xFFFFF000  }
0x7c: {  	[tilespmem:s30], [sflag:$0x7] =	stream.indirect.gather [hbm4b:s5+s17], $0x20, s15, s17, $0xb8;
	[tilespmem:$0x1C000] =	vst v63  }
0x7d: {  	_ =	swait.ge [sflag:s4], $0x1000  }
0x7e: {  	[sflag:s4] =	ssyncset.done $0x0  }
0x7f: {  	s7 =	simm.s32 $0x780;
	s8 =	simm.s32 $0x1000;
	[sflag:s4] =	ssyncadd.s32 $0xFFFFF000  }
.LBB2_2:
0x80: {  	[tilespmem:s1], [sflag:$0x8] =	stream.indirect.gather [hbm4b:s5+s17], $0x20, s7, s17, $0xb8;
	[tilespmem:$0x1C000] =	vst v63  }
0x81: {  	s7 =	smov.u32 s8  }
0x82: {  	p0 =	sne.s32 s8, $0x8000;
	s8 =	sadd.s32 $0x1000, s8;
	_ =	swait.ge [sflag:s0], $0x1000  }
0x83: {  	s7 =	sshra.s32 s7, $0x2;
	[sflag:s0] =	ssyncset.done $0x0  }
0x84: {  	s15 =	sadd.s32 $0x2800, s7;
	[sflag:s0] =	ssyncadd.s32 $0xFFFFF000  }
0x85: {  	[spmem:s2] =	stream.indirect.scatter.add.bf16 [tilespmem:s18], [sflag:$0x9], $0x20, s15, s17, $0xb8;
	[tilespmem:$0x1C000] =	vst v63  }
0x86: {  	_ =	swait.ge [sflag:s16], $0x1000  }
0x87: {  	[sflag:s16] =	ssyncset.done $0x0  }
0x88: {  	s15 =	sadd.s32 $0x2880, s7;
	[sflag:s16] =	ssyncadd.s32 $0xFFFFF000  }
0x89: {  	[spmem:s3] =	stream.indirect.scatter.add.bf16 [tilespmem:s19], [sflag:$0xA], $0x20, s15, s17, $0xb8;
	[tilespmem:$0x1C000] =	vst v63  }
0x8a: {  	_ =	swait.ge [sflag:s20], $0x1000  }
0x8b: {  	[sflag:s20] =	ssyncset.done $0x0  }
0x8c: {  	s15 =	sadd.s32 $0x2900, s7;
	[sflag:s20] =	ssyncadd.s32 $0xFFFFF000  }
0x8d: {  	[spmem:s2] =	stream.indirect.scatter.add.bf16 [tilespmem:s21], [sflag:$0xB], $0x20, s15, s17, $0xb8;
	[tilespmem:$0x1C000] =	vst v63  }
0x8e: {  	_ =	swait.ge [sflag:s22], $0x1000  }
0x8f: {  	[sflag:s22] =	ssyncset.done $0x0  }
0x90: {  	s15 =	sadd.s32 $0x2980, s7;
	[sflag:s22] =	ssyncadd.s32 $0xFFFFF000  }
0x91: {  	[spmem:s3] =	stream.indirect.scatter.add.bf16 [tilespmem:s23], [sflag:$0xC], $0x20, s15, s17, $0xb8;
	[tilespmem:$0x1C000] =	vst v63  }
0x92: {  	_ =	swait.ge [sflag:s24], $0x1000  }
0x93: {  	[sflag:s24] =	ssyncset.done $0x0  }
0x94: {  	s15 =	sadd.s32 $0x2A00, s7;
	[sflag:s24] =	ssyncadd.s32 $0xFFFFF000  }
0x95: {  	[spmem:s2] =	stream.indirect.scatter.add.bf16 [tilespmem:s25], [sflag:$0xD], $0x20, s15, s17, $0xb8;
	[tilespmem:$0x1C000] =	vst v63  }
0x96: {  	_ =	swait.ge [sflag:s26], $0x1000  }
0x97: {  	[sflag:s26] =	ssyncset.done $0x0  }
0x98: {  	s15 =	sadd.s32 $0x2A80, s7;
	[sflag:s26] =	ssyncadd.s32 $0xFFFFF000  }
0x99: {  	[spmem:s3] =	stream.indirect.scatter.add.bf16 [tilespmem:s28], [sflag:$0xE], $0x20, s15, s17, $0xb8;
	[tilespmem:$0x1C000] =	vst v63  }
0x9a: {  	_ =	swait.ge [sflag:s29], $0x1000  }
0x9b: {  	[sflag:s29] =	ssyncset.done $0x0  }
0x9c: {  	s15 =	sadd.s32 $0x2B00, s7;
	[sflag:s29] =	ssyncadd.s32 $0xFFFFF000  }
0x9d: {  	[spmem:s2] =	stream.indirect.scatter.add.bf16 [tilespmem:s30], [sflag:$0xF], $0x20, s15, s17, $0xb8;
	[tilespmem:$0x1C000] =	vst v63  }
0x9e: {  	_ =	swait.ge [sflag:s31], $0x1000  }
0x9f: {  	[sflag:s31] =	ssyncset.done $0x0  }
0xa0: {  	s15 =	sadd.s32 $0x2B80, s7;
	[sflag:s31] =	ssyncadd.s32 $0xFFFFF000  }
0xa1: {  	[spmem:s3] =	stream.indirect.scatter.add.bf16 [tilespmem:s1], [sflag:$0x10], $0x20, s15, s17, $0xb8;
	[tilespmem:$0x1C000] =	vst v63  }
0xa2: {  	_ =	swait.ge [sflag:s6], $0x1000  }
0xa3: {  	[sflag:s6] =	ssyncset.done $0x0  }
0xa4: {  	s15 =	sadd.s32 $0x400, s7;
	[sflag:s6] =	ssyncadd.s32 $0xFFFFF000  }
0xa5: {  	[tilespmem:s18], [sflag:$0x1] =	stream.indirect.gather [hbm4b:s5+s17], $0x20, s15, s17, $0xb8;
	[tilespmem:$0x1C000] =	vst v63  }
0xa6: {  	_ =	swait.ge [sflag:s9], $0x1000  }
0xa7: {  	[sflag:s9] =	ssyncset.done $0x0  }
0xa8: {  	s15 =	sadd.s32 $0x480, s7;
	[sflag:s9] =	ssyncadd.s32 $0xFFFFF000  }
0xa9: {  	[tilespmem:s19], [sflag:$0x2] =	stream.indirect.gather [hbm4b:s5+s17], $0x20, s15, s17, $0xb8;
	[tilespmem:$0x1C000] =	vst v63  }
0xaa: {  	_ =	swait.ge [sflag:s10], $0x1000  }
0xab: {  	[sflag:s10] =	ssyncset.done $0x0  }
0xac: {  	s15 =	sadd.s32 $0x500, s7;
	[sflag:s10] =	ssyncadd.s32 $0xFFFFF000  }
0xad: {  	[tilespmem:s21], [sflag:$0x3] =	stream.indirect.gather [hbm4b:s5+s17], $0x20, s15, s17, $0xb8;
	[tilespmem:$0x1C000] =	vst v63  }
0xae: {  	_ =	swait.ge [sflag:s11], $0x1000  }
0xaf: {  	[sflag:s11] =	ssyncset.done $0x0  }
0xb0: {  	s15 =	sadd.s32 $0x580, s7;
	[sflag:s11] =	ssyncadd.s32 $0xFFFFF000  }
0xb1: {  	[tilespmem:s23], [sflag:$0x4] =	stream.indirect.gather [hbm4b:s5+s17], $0x20, s15, s17, $0xb8;
	[tilespmem:$0x1C000] =	vst v63  }
0xb2: {  	_ =	swait.ge [sflag:s12], $0x1000  }
0xb3: {  	[sflag:s12] =	ssyncset.done $0x0  }
0xb4: {  	s15 =	sadd.s32 $0x600, s7;
	[sflag:s12] =	ssyncadd.s32 $0xFFFFF000  }
0xb5: {  	[tilespmem:s25], [sflag:$0x5] =	stream.indirect.gather [hbm4b:s5+s17], $0x20, s15, s17, $0xb8;
	[tilespmem:$0x1C000] =	vst v63  }
0xb6: {  	_ =	swait.ge [sflag:s13], $0x1000  }
0xb7: {  	[sflag:s13] =	ssyncset.done $0x0  }
0xb8: {  	s15 =	sadd.s32 $0x680, s7;
	[sflag:s13] =	ssyncadd.s32 $0xFFFFF000  }
0xb9: {  	[tilespmem:s28], [sflag:$0x6] =	stream.indirect.gather [hbm4b:s5+s17], $0x20, s15, s17, $0xb8;
	[tilespmem:$0x1C000] =	vst v63  }
0xba: {  	_ =	swait.ge [sflag:s14], $0x1000  }
0xbb: {  	[sflag:s14] =	ssyncset.done $0x0  }
.Ltmp0:
0xbc: {  	s15 =	sadd.s32 $0x700, s7;
	[sflag:s14] =	ssyncadd.s32 $0xFFFFF000;
	(pc) =	sbr.rel @p0 .LBB2_2-.Ltmp0, $4  }
0xbd: {  	[tilespmem:s30], [sflag:$0x7] =	stream.indirect.gather [hbm4b:s5+s17], $0x20, s15, s17, $0xb8;
	[tilespmem:$0x1C000] =	vst v63  }
0xbe: {  	_ =	swait.ge [sflag:s4], $0x1000  }
0xbf: {  	[sflag:s4] =	ssyncset.done $0x0  }
0xc0: {  	s7 =	sadd.s32 $0x780, s7;
	[sflag:s4] =	ssyncadd.s32 $0xFFFFF000  }
0xc1: {  	[tilespmem:s1], [sflag:$0x8] =	stream.indirect.gather [hbm4b:s5+s17], $0x20, s7, s17, $0xb8;
	[tilespmem:$0x1C000] =	vst v63  }
0xc2: {  	_ =	swait.ge [sflag:s0], $0x1000  }
0xc3: {  	[sflag:s0] =	ssyncset.done $0x0  }
0xc4: {  	s8 =	simm.s32 $0x4C00;
	[sflag:s0] =	ssyncadd.s32 $0xFFFFF000  }
0xc5: {  	[spmem:s2] =	stream.indirect.scatter.add.bf16 [tilespmem:s18], [sflag:$0x9], $0x20, s8, s17, $0xb8;
	[tilespmem:$0x1C000] =	vst v63  }
0xc6: {  	_ =	swait.ge [sflag:s16], $0x1000  }
0xc7: {  	[sflag:s16] =	ssyncset.done $0x0  }
0xc8: {  	s15 =	simm.s32 $0x4C80;
	[sflag:s16] =	ssyncadd.s32 $0xFFFFF000  }
0xc9: {  	[spmem:s3] =	stream.indirect.scatter.add.bf16 [tilespmem:s19], [sflag:$0xA], $0x20, s15, s17, $0xb8;
	[tilespmem:$0x1C000] =	vst v63  }
0xca: {  	_ =	swait.ge [sflag:s20], $0x1000  }
0xcb: {  	[sflag:s20] =	ssyncset.done $0x0  }
0xcc: {  	s8 =	simm.s32 $0x4D00;
	[sflag:s20] =	ssyncadd.s32 $0xFFFFF000  }
0xcd: {  	[spmem:s2] =	stream.indirect.scatter.add.bf16 [tilespmem:s21], [sflag:$0xB], $0x20, s8, s17, $0xb8;
	[tilespmem:$0x1C000] =	vst v63  }
0xce: {  	_ =	swait.ge [sflag:s22], $0x1000  }
0xcf: {  	[sflag:s22] =	ssyncset.done $0x0  }
0xd0: {  	s15 =	simm.s32 $0x4D80;
	[sflag:s22] =	ssyncadd.s32 $0xFFFFF000  }
0xd1: {  	[spmem:s3] =	stream.indirect.scatter.add.bf16 [tilespmem:s23], [sflag:$0xC], $0x20, s15, s17, $0xb8;
	[tilespmem:$0x1C000] =	vst v63  }
0xd2: {  	_ =	swait.ge [sflag:s24], $0x1000  }
0xd3: {  	[sflag:s24] =	ssyncset.done $0x0  }
0xd4: {  	s8 =	simm.s32 $0x4E00;
	[sflag:s24] =	ssyncadd.s32 $0xFFFFF000  }
0xd5: {  	[spmem:s2] =	stream.indirect.scatter.add.bf16 [tilespmem:s25], [sflag:$0xD], $0x20, s8, s17, $0xb8;
	[tilespmem:$0x1C000] =	vst v63  }
0xd6: {  	_ =	swait.ge [sflag:s26], $0x1000  }
0xd7: {  	[sflag:s26] =	ssyncset.done $0x0  }
0xd8: {  	s15 =	simm.s32 $0x4E80;
	[sflag:s26] =	ssyncadd.s32 $0xFFFFF000  }
0xd9: {  	[spmem:s3] =	stream.indirect.scatter.add.bf16 [tilespmem:s28], [sflag:$0xE], $0x20, s15, s17, $0xb8;
	[tilespmem:$0x1C000] =	vst v63  }
0xda: {  	_ =	swait.ge [sflag:s29], $0x1000  }
0xdb: {  	[sflag:s29] =	ssyncset.done $0x0  }
0xdc: {  	s8 =	simm.s32 $0x4F00;
	[sflag:s29] =	ssyncadd.s32 $0xFFFFF000  }
0xdd: {  	[spmem:s2] =	stream.indirect.scatter.add.bf16 [tilespmem:s30], [sflag:$0xF], $0x20, s8, s17, $0xb8;
	[tilespmem:$0x1C000] =	vst v63  }
0xde: {  	_ =	swait.ge [sflag:s31], $0x1000  }
0xdf: {  	[sflag:s31] =	ssyncset.done $0x0  }
0xe0: {  	s15 =	simm.s32 $0x4F80;
	[sflag:s31] =	ssyncadd.s32 $0xFFFFF000  }
0xe1: {  	[spmem:s3] =	stream.indirect.scatter.add.bf16 [tilespmem:s1], [sflag:$0x10], $0x20, s15, s17, $0xb8;
	[tilespmem:$0x1C000] =	vst v63  }
0xe2: {  	_ =	swait.ge [sflag:s6], $0x1000  }
0xe3: {  	[sflag:s6] =	ssyncset.done $0x0  }
0xe4: {  	[sflag:s6] =	ssyncadd.s32 $0xFFFFF000  }
0xe5: {  	_ =	swait.ge [sflag:s9], $0x1000  }
0xe6: {  	[sflag:s9] =	ssyncset.done $0x0  }
0xe7: {  	[sflag:s9] =	ssyncadd.s32 $0xFFFFF000  }
0xe8: {  	_ =	swait.ge [sflag:s10], $0x1000  }
0xe9: {  	[sflag:s10] =	ssyncset.done $0x0  }
0xea: {  	[sflag:s10] =	ssyncadd.s32 $0xFFFFF000  }
0xeb: {  	_ =	swait.ge [sflag:s11], $0x1000  }
0xec: {  	[sflag:s11] =	ssyncset.done $0x0  }
0xed: {  	[sflag:s11] =	ssyncadd.s32 $0xFFFFF000  }
0xee: {  	_ =	swait.ge [sflag:s12], $0x1000  }
0xef: {  	[sflag:s12] =	ssyncset.done $0x0  }
0xf0: {  	[sflag:s12] =	ssyncadd.s32 $0xFFFFF000  }
0xf1: {  	_ =	swait.ge [sflag:s13], $0x1000  }
0xf2: {  	[sflag:s13] =	ssyncset.done $0x0  }
0xf3: {  	[sflag:s13] =	ssyncadd.s32 $0xFFFFF000  }
0xf4: {  	_ =	swait.ge [sflag:s14], $0x1000  }
0xf5: {  	[sflag:s14] =	ssyncset.done $0x0  }
0xf6: {  	[sflag:s14] =	ssyncadd.s32 $0xFFFFF000  }
0xf7: {  	_ =	swait.ge [sflag:s4], $0x1000  }
0xf8: {  	[sflag:s4] =	ssyncset.done $0x0  }
0xf9: {  	[sflag:s4] =	ssyncadd.s32 $0xFFFFF000  }
0xfa: {  	s8 =	stileid.u32;
	[bflag:$0x0] =	sbarrier.arrive $0xFFFF  }
0xfb: {  	s7 =	sshll.u32 s8, $0x6;
	s8 =	rddreg [dreg:$0x5]  }
0xfc: {  	s7 =	sor.u32 $0x1C11, s7;
	s15 =	rddreg [dreg:$0xa];
	s8 =	sshrl.u32 s8, $0x3  }
0xfd: {  	[hbm:s15], [sflag:s7] =	dma.local [spmem:s8], $0xA00  }
0xfe: {  	s15 =	simm.s32 $0x11  }
0xff: {  	_ =	swait.ge [sflag:s15], $0xA00  }
0x100: {  	[sflag:s15] =	ssyncset.done $0x0  }
0x101: {  	[sflag:s15] =	ssyncadd.s32 $0xFFFFF600;
	s15 =	rddreg [dreg:$0x6]  }
0x102: {  	s8 =	sshrl.u32 s15, $0x3;
	s15 =	rddreg [dreg:$0xb]  }
0x103: {  	[hbm:s15], [sflag:s7] =	dma.local [spmem:s8], $0xA00  }
0x104: {  	s7 =	simm.s32 $0x11  }
0x105: {  	_ =	swait.ge [sflag:s7], $0xA00  }
0x106: {  	s15 =	rddreg [dreg:$0xc]  }
0x107: {  	s8 =	sadd.s32 $0x1, s15;
	s15 =	rddreg [dreg:$0x9]  }
0x108: {  	p0 =	sne.s32 s8, s15  }
.Ltmp1:
0x109: {  	_ = 	snop;
	(pc) =	sbr.rel @p0 .LBB2_1-.Ltmp1, $3  }
0x10a: {  	_ =	sdelay $0x1  }
0x10b: {  	[sflag:s7] =	ssyncset.done $0x0;
	s15 =	simm.s32 $0x11  }
0x10c: {  	[sflag:s15] =	ssyncadd.s32 $0xFFFFF600  }
0x10d: {  	_ =	sfence.sel $0x180000  }
0x10e: {  	[bflag:$0x0] =	sbarrier.arrive $0xFFFF  }
0x10f: {  	_ =	strace $0x9000004D  }
0x110: {  	s0 =	stileid.u32;
	[bflag:$0x2] =	sbarrier.arrive $0xFFFF  }
0x111: {  	p0 =	sne.s32 s0, $0x0;
	s0 =	rddreg [dreg:$0x3]  }
0x112: {  	s0 =	sadd.s32 @!p0 $0x100000, s0  }
0x113: {  	[sflag:s0] =	ssyncadd.tile.s32 @!p0 $0x1;
	_ =	shalt  }
.Lfunc_end2:
_tile_overlayer_lowered:
.L_overlay_start_2:
0x114: {  	(tag) =	ssettag $0x2  }
0x115: {  	s0 =	rddreg [dreg:$0x0];
	s2 =	stileid.u32  }
0x116: {  	s1 =	rddreg [dreg:$0x1];
	p0 =	sne.s32 s2, $0x0  }
0x117: {  	s3 =	rddreg [dreg:$0x2];
	[bflag:$0x3] =	sbarrier.arrive $0xFFFF;
	s2 =	simm.s32 @!p0 $0x1C11  }
0x118: {  	[timem:s3], [sflag:s2] =	dma.local @!p0 [hbm:s0], s1  }
0x119: {  	s0 =	simm.s32 @!p0 $0x11  }
0x11a: {  	_ =	swait.ge @!p0 [sflag:s0], s1  }
0x11b: {  	s1 =	ssub.s32 @!p0 $0x0, s1;
	[sflag:s0] =	ssyncset.done @!p0 $0x0  }
0x11c: {  	[sflag:s0] =	ssyncadd.s32 @!p0 s1  }
0x11d: {  	[bflag:$0x3] =	sbarrier.arrive $0xFFFF  }
0x11e: {  	_ =	shalt  }

// kernel: kernel.20.cloned.1.call-start
scs
__scs_entry_jumppad:
0x0: {  	(pc) =	sbr.rel $0x88, $3  }
0x1: {  	(tag) =	ssettag $0x0;
	lr =	simm.s32 $0x1  }
0x2: {  	[smem:$0x3F8F] =	sst lr;
	_ =	strace $0xD0000000  }
0x3: {  	_ = 	snop  }
0x4: {  	_ = 	snop  }
0x5: {  	_ = 	snop  }
0x6: {  	_ = 	snop  }
0x7: {  	_ = 	snop  }
__scs_overlays_trampoline_lowered:
0x8: {  	[smem:$0x3F9E] =	sst s0  }
0x9: {  	[smem:$0x3F9F] =	sst s1  }
0xa: {  	[smem:$0x3FA0] =	sst s2  }
0xb: {  	[smem:$0x3FA1] =	sst s3  }
0xc: {  	[smem:$0x3FA2] =	sst s4  }
0xd: {  	[smem:$0x3FA3] =	sst s5  }
0xe: {  	[smem:$0x3FA4] =	sst s6  }
0xf: {  	[smem:$0x3FA5] =	sst s7  }
0x10: {  	[smem:$0x3FA6] =	sst s8  }
0x11: {  	[smem:$0x3FA7] =	sst s9;
	s0 =	simm.s32 @!p0 $0x0  }
0x12: {  	s1 =	sld [smem:$0x3F8D];
	s0 =	simm.s32 @p0 $0x1  }
0x13: {  	[smem:$0x3FA8] =	sst s0;
	s0 =	simm.s32 @!p1 $0x0  }
0x14: {  	s2 =	sld [smem:$0x3F8C];
	s0 =	simm.s32 @p1 $0x1  }
0x15: {  	[smem:$0x3FA9] =	sst s0;
	s0 =	simm.s32 @!p2 $0x0  }
0x16: {  	s3 =	sld [smem:$0x3FDB];
	s0 =	simm.s32 @p2 $0x1  }
0x17: {  	s4 =	simm.s32 $0x1BF5;
	[smem:$0x3FAB] =	sst s0  }
0x18: {  	s0 =	sld [smem:$0x3F8E];
	_ =	swait.ge [sflag:s4], $0x0  }
0x19: {  	s7 =	sld [smem:$0x3F8F]  }
0x1a: {  	s8 =	sadd.s32 $0xFFFFE003, lr  }
0x1b: {  	s9 =	sadd.s32 $0xFFFFFEF7, lr;
	s5 =	simm.s32 $0xFFFFFFFF;
	p2 =	slt.u32 s8, $0xFFFFF086  }
0x1c: {  	p1 =	slt.u32 s9, $0xF7A;
	s5 =	simm.s32 @!p2 $0x0  }
0x1d: {  	s5 =	simm.s32 @p1 $0x1;
	p0 =	seq.s32 s7, s2  }
0x1e: {  	s7 =	smul.u32 @!p0 $0xF7A, s2;
	p2 =	seq.s32 @!p0 s5, $0x0  }
0x1f: {  	s9 =	smul.u32 $0xF7A, s1;
	s8 =	simm.s32 @!p0 $0x1BF5;
	p2 =	por !p2, p0  }
0x20: {  	[sflag:s8] =	ssyncset.s32 @!p0 $0xFFFFF086;
	s6 =	sadd.s32 @!p0 s3, s7;
	s7 =	simm.s32 @!p0 $0x108  }
0x21: {  	s3 =	sadd.s32 s3, s9;
	s6 =	sadd.s32 @!p0 $0x88, s6;
	s7 =	simm.s32 @p2 $0x1082  }
0x22: {  	[simem:s7], [sflag:s8] =	dma.local @!p0 [hbm:s6], $0xF7A  }
0x23: {  	s9 =	sor.u32 $0xD0000000, s2;
	s6 =	simm.s32 $0x108;
	_ =	swait.ge @!p0 [sflag:s8], $0x0  }
0x24: {  	s3 =	sadd.s32 $0x88, s3;
	s6 =	simm.s32 @!p1 $0x1082;
	[sflag:s4] =	ssyncset.s32 $0xFFFFF086  }
0x25: {  	[simem:s6], [sflag:s4] =	dma.local [hbm:s3], $0xF7A  }
0x26: {  	[smem:$0x3F8F] =	sst s1;
	(tag) =	ssettag s2;
	_ =	strace s9  }
0x27: {  	s1 =	sld [smem:$0x3F9F]  }
0x28: {  	s2 =	sld [smem:$0x3FA0]  }
0x29: {  	s4 =	sld [smem:$0x3FA2]  }
0x2a: {  	p0 =	seq.s32 s5, $0x0;
	s5 =	sld [smem:$0x3FA3]  }
0x2b: {  	s6 =	sld [smem:$0x3FA4]  }
0x2c: {  	s7 =	sld [smem:$0x3FA5]  }
0x2d: {  	s3 =	simm.s32 $0x108;
	s8 =	sld [smem:$0x3FA6]  }
0x2e: {  	s3 =	simm.s32 @!p0 $0x1082;
	s9 =	sld [smem:$0x3FA7]  }
0x2f: {  	lr =	sadd.s32 s0, s3;
	s0 =	sld [smem:$0x3F9E]  }
0x30: {  	s3 =	sld [smem:$0x3FA1]  }
0x31: {  	[smem:$0x3FAA] =	sst s10  }
0x32: {  	s10 =	sld [smem:$0x3FA8];
	_ =	sdelay $0x3  }
0x33: {  	p0 =	seq.s32 s10, $0x1;
	s10 =	sld [smem:$0x3FAA];
	_ =	sdelay $0x3  }
0x34: {  	[smem:$0x3FAA] =	sst s10  }
0x35: {  	s10 =	sld [smem:$0x3FA9];
	_ =	sdelay $0x3  }
0x36: {  	p1 =	seq.s32 s10, $0x1;
	s10 =	sld [smem:$0x3FAA];
	_ =	sdelay $0x3  }
0x37: {  	[smem:$0x3FAA] =	sst s10  }
0x38: {  	s10 =	sld [smem:$0x3FAB]  }
0x39: {  	_ = 	snop;
	(pc) =	sbr.ind lr, $3  }
0x3a: {  	_ = 	snop  }
0x3b: {  	_ = 	snop  }
0x3c: {  	p2 =	seq.s32 s10, $0x1;
	s10 =	sld [smem:$0x3FAA]  }
0x3d: {  	_ =	shalt  }
0x3e: {  	_ =	shalt  }
0x3f: {  	_ =	shalt  }
0x40: {  	_ =	shalt  }
0x41: {  	_ =	shalt  }
0x42: {  	_ =	shalt  }
0x43: {  	_ =	shalt  }
0x44: {  	_ =	shalt  }
0x45: {  	_ =	shalt  }
0x46: {  	_ =	shalt  }
0x47: {  	_ =	shalt  }
0x48: {  	_ =	shalt  }
0x49: {  	_ =	shalt  }
0x4a: {  	_ =	shalt  }
0x4b: {  	_ =	shalt  }
0x4c: {  	_ =	shalt  }
0x4d: {  	_ =	shalt  }
0x4e: {  	_ =	shalt  }
0x4f: {  	_ =	shalt  }
0x50: {  	_ =	shalt  }
0x51: {  	_ =	shalt  }
0x52: {  	_ =	shalt  }
0x53: {  	_ =	shalt  }
0x54: {  	_ =	shalt  }
0x55: {  	_ =	shalt  }
0x56: {  	_ =	shalt  }
0x57: {  	_ =	shalt  }
0x58: {  	_ =	shalt  }
0x59: {  	_ =	shalt  }
0x5a: {  	_ =	shalt  }
0x5b: {  	_ =	shalt  }
0x5c: {  	_ =	shalt  }
0x5d: {  	_ =	shalt  }
0x5e: {  	_ =	shalt  }
0x5f: {  	_ =	shalt  }
0x60: {  	_ =	shalt  }
0x61: {  	_ =	shalt  }
0x62: {  	_ =	shalt  }
0x63: {  	_ =	shalt  }
0x64: {  	_ =	shalt  }
0x65: {  	_ =	shalt  }
0x66: {  	_ =	shalt  }
0x67: {  	_ =	shalt  }
0x68: {  	_ =	shalt  }
0x69: {  	_ =	shalt  }
0x6a: {  	_ =	shalt  }
0x6b: {  	_ =	shalt  }
0x6c: {  	_ =	shalt  }
0x6d: {  	_ =	shalt  }
0x6e: {  	_ =	shalt  }
0x6f: {  	_ =	shalt  }
0x70: {  	_ =	shalt  }
0x71: {  	_ =	shalt  }
0x72: {  	_ =	shalt  }
0x73: {  	_ =	shalt  }
0x74: {  	_ =	shalt  }
0x75: {  	_ =	shalt  }
0x76: {  	_ =	shalt  }
0x77: {  	_ =	shalt  }
0x78: {  	_ =	shalt  }
0x79: {  	_ =	shalt  }
0x7a: {  	_ =	shalt  }
0x7b: {  	_ =	shalt  }
0x7c: {  	_ =	shalt  }
0x7d: {  	_ =	shalt  }
0x7e: {  	_ =	shalt  }
0x7f: {  	_ =	shalt  }
0x80: {  	_ =	shalt  }
0x81: {  	_ =	shalt  }
0x82: {  	_ =	shalt  }
0x83: {  	_ =	shalt  }
0x84: {  	_ =	shalt  }
0x85: {  	_ =	shalt  }
0x86: {  	_ =	shalt  }
0x87: {  	_ =	shalt  }
.Lfunc_end0:
.L_simem_size_0:
called_computation.3_lowered:
.L_overlay_start_0:
0x88: {  	s2 =	sld [smem:$0x3FD9]  }
0x89: {  	s3 =	sld [smem:$0x3FFE];
	_ =	sdelay $0x1  }
0x8a: {  	s1 =	srdreg.scid  }
0x8b: {  	s0 =	sand.u32 $0x1, s1  }
0x8c: {  	s16 =	sshll.u32 s0, $0xA;
	s2 =	sadd.s32 s3, s2  }
0x8d: {  	s2 =	sadd.s32 s2, s16  }
0x8e: {  	[smem:$0x3FB6] =	sst s2  }
0x8f: {  	_ = 	snop  }
0x90: {  	(tm) =	ssettm $0x1  }
0x91: {  	s17 =	sld [smem:$0x3FFB];
	_ =	sdelay $0x3  }
0x92: {  	_ =	strace s17  }
0x93: {  	s2 =	sld [smem:$0x3FFC];
	_ =	sdelay $0x3  }
0x94: {  	_ =	strace s2  }
0x95: {  	s2 =	sld [smem:$0x3FFD];
	_ =	sdelay $0x3  }
0x96: {  	_ =	strace s2  }
0x97: {  	_ =	strace $0x8FFFFFFF  }
0x98: {  	s18 =	sld [smem:$0x3FDB];
	_ =	sdelay $0x1  }
0x99: {  	s19 =	simm.s32 $_scs_section_size  }
0x9a: {  	s4 =	simm.s32 $_size__tile_overlayer_lowered;
	s5 =	simm.s32 $_tile_overlayer_lowered  }
0x9b: {  	s22 =	simm.s32 $0x1BFF;
	s21 =	sshll.u32 s5, $0x1;
	s2 =	sadd.s32 s19, s18  }
0x9c: {  	s6 =	simm.s32 $0x0;
	s20 =	sshll.u32 s4, $0x1;
	s4 =	sadd.s32 s21, s2  }
0x9d: {  	[timem:s6], [sflag:s22] =	dma.local [hbm:s4], s20  }
0x9e: {  	_ =	swait.ge [sflag:s22], s20  }
0x9f: {  	s3 =	ssub.s32 $0x0, s20;
	[sflag:s22] =	ssyncset.done $0x0  }
0xa0: {  	[sflag:s22] =	ssyncadd.s32 s3;
	_ =	sdelay $0x1  }
0xa1: {  	s23 =	simm.s32 $0x1B8B  }
0xa2: {  	_ =	swait.ge [sflag:s23], $0x1  }
0xa3: {  	[sflag:s23] =	ssyncset.done $0x0  }
0xa4: {  	s25 =	simm.s32 $0x1B8E;
	s24 =	sld [smem:$0x3FFE];
	[sflag:s23] =	ssyncadd.s32 $0xFFFFFFFF  }
0xa5: {  	s26 =	simm.s32 $execute0_lowered;
	[smem:$0x3FD2] =	sst s25  }
0xa6: {  	s4 =	sshll.u32 s26, $0x1;
	_ =	strace $0x8000004F;
	[dreg:$0x1] =	wrdreg $0xFFFFFFFF  }
0xa7: {  	s28 =	simm.s32 $_size_execute0_lowered;
	s2 =	sadd.s32 s2, s4;
	[dreg:$0x0] =	wrdreg $0x0  }
0xa8: {  	s4 =	sshll.u32 s28, $0x1;
	[dreg:$0x2] =	wrdreg s2  }
0xa9: {  	[dreg:$0x3] =	wrdreg s4  }
0xaa: {  	[dreg:$0x4] =	wrdreg $0xC0  }
0xab: {  	_ =	task [dreg:s6], $0x5FFFF  }
0xac: {  	[dreg:$0x1] =	wrdreg $0xFFFFFFFF  }
0xad: {  	[dreg:$0x0] =	wrdreg $0x60  }
0xae: {  	[dreg:$0x2] =	wrdreg s24  }
0xaf: {  	[dreg:$0x3] =	wrdreg $0x120000  }
0xb0: {  	[dreg:$0x4] =	wrdreg $0x170000  }
0xb1: {  	[dreg:$0x5] =	wrdreg $0x9  }
0xb2: {  	_ =	task.clear_ibuf [dreg:s6], $0x6FFFF;
	_ =	strace $0x9000004F  }
0xb3: {  	s29 =	simm.s32 $0x9;
	_ =	strace $0x80000051  }
0xb4: {  	_ =	swait.ge [sflag:s29], $0x1  }
0xb5: {  	[sflag:s29] =	ssyncadd.s32 $0xFFFFFFFF  }
0xb6: {  	_ =	strace $0x90000051  }
0xb7: {  	_ =	sfence  }
0xb8: {  	s30 =	sld [smem:$0x0];
	_ =	sdelay $0x2  }
0xb9: {  	s31 =	sshll.u32 s1, $0xD;
	s1 =	sshrl.u32 s1, $0x2  }
0xba: {  	s3 =	sand.u32 $0x4000, s31;
	s1 =	sadd.s32 s1, s30  }
0xbb: {  	s0 =	sor.u32 s3, s0;
	s1 =	sshll.u32 s1, $0x11  }
0xbc: {  	s0 =	sor.u32 s1, s0  }
0xbd: {  	s0 =	sadd.s32 $0x8F2B, s0  }
0xbe: {  	[sflag:s0] =	ssyncadd.remote.s32 $0x1  }
0xbf: {  	_ =	sfence.sel $0xFFFF  }
0xc0: {  	[dreg:$0x0] =	wrdreg $0xFFFFFFFF;
	(pc) =	sbr.abs _section_cstart, $3  }
0xc1: {  	[dreg:$0x1] =	wrdreg $0xFFFFFFFF  }
0xc2: {  	_ =	task.clear_ibuf [dreg:s6], $0x2FFFF;
	_ =	strace $0x9FFFFFFF  }
0xc3: {  	(tm) =	ssettm $0x7FFFFFFF  }
tec
execute0_lowered:
.L_overlay_start_1:
0x0: {  	(tag) =	ssettag $0x1  }
0x1: {  	s0 =	rddreg [dreg:$0x0]  }
0x2: {  	s2 =	rddreg [dreg:$0x1];
	s1 =	srdreg.scid  }
0x3: {  	s8 =	stileid.u32;
	s3 =	rddreg [dreg:$0x2];
	s5 =	simm.s32 $0x0  }
0x4: {  	s17 =	simm.s32 $0x80;
	s18 =	simm.s32 $0x5000;
	s19 =	simm.s32 $0x6000  }
0x5: {  	s28 =	simm.s32 $0xA000;
	s30 =	simm.s32 $0xB000;
	s16 =	simm.s32 $0x2  }
0x6: {  	s20 =	simm.s32 $0x3;
	s29 =	simm.s32 $0x7;
	s31 =	simm.s32 $0x8  }
0x7: {  	s13 =	simm.s32 $0xE;
	s14 =	simm.s32 $0xF;
	s1 =	sand.u32 $0x1, s1  }
0x8: {  	s4 =	sshll.u32 s8, $0x1;
	[smem:$0x7FF] =	sst s5;
	s5 =	sadd.s32 $0x1AC00, s0  }
0x9: {  	s6 =	sadd.s32 $0x25400, s0;
	s8 =	smul.u32 $0xA000, s8;
	s9 =	sadd.s32 $0x75E00, s0  }
0xa: {  	s10 =	sadd.s32 $0x93E00, s0;
	s4 =	sor.u32 s1, s4;
	_ =	strace $0x80000050  }
0xb: {  	[dreg:$0x4] =	wrdreg s6;
	s6 =	sadd.s32 $0x7FE00, s0;
	s7 =	ssub.s32 $0x2, s1  }
0xc: {  	p0 =	seq.s32 s1, $0x1;
	s1 =	simm.s32 $0xC000;
	s4 =	smul.u32 $0x500, s4  }
0xd: {  	s11 =	sshrl.u32 s7, $0x1;
	s21 =	sshrl.u32 s8, $0x1;
	s23 =	sshrl.u32 s8, $0x4  }
0xe: {  	s6 =	smov.u32 @p0 s10;
	s10 =	simm.s32 $0xB;
	s8 =	simm.s32 $0x0  }
0xf: {  	s7 =	ssub.s32 s7, s11;
	s12 =	sadd.s32 s21, s2;
	s11 =	sadd.s32 s21, s3  }
0x10: {  	s25 =	sadd.s32 s6, s23;
	s21 =	simm.s32 $0x7000;
	[dreg:$0x5] =	wrdreg s12  }
0x11: {  	s6 =	simm.s32 $0x9;
	s4 =	sadd.s32 s4, s0;
	[dreg:$0x6] =	wrdreg s11  }
0x12: {  	s0 =	sadd.s32 $0x89E00, s0;
	s24 =	smax.u32 s7, $0x1;
	[dreg:$0xa] =	wrdreg s25  }
0x13: {  	s25 =	simm.s32 $0x9000;
	s11 =	simm.s32 $0xC;
	s12 =	simm.s32 $0xD  }
0x14: {  	s22 =	sadd.s32 $0x6C00, s4;
	s4 =	sadd.s32 $0x10C00, s4;
	[dreg:$0x9] =	wrdreg s24  }
0x15: {  	s9 =	smov.u32 @p0 s0;
	s0 =	simm.s32 $0x1;
	[dreg:$0x7] =	wrdreg s22  }
0x16: {  	s24 =	simm.s32 $0x5;
	[dreg:$0x8] =	wrdreg s4;
	s26 =	sadd.s32 s9, s23  }
0x17: {  	s23 =	simm.s32 $0x8000;
	s22 =	simm.s32 $0x4;
	s9 =	simm.s32 $0xA  }
0x18: {  	s4 =	simm.s32 $0x10;
	[dreg:$0xb] =	wrdreg s26;
	s26 =	simm.s32 $0x6  }
.LBB2_1:
0x19: {  	[dreg:$0xc] =	wrdreg s8  }
0x1a: {  	s8 =	rddreg [dreg:$0x4];
	s15 =	simm.s32 $0x0;
	s7 =	simm.s32 $0xD000  }
0x1b: {  	[tilespmem:s7], [sflag:$0x11] =	stream.linear.gather [hbm4b:s8+s15], $0x5000, $0x38;
	[tilespmem:$0x1C000] =	vst v63  }
0x1c: {  	s7 =	simm.s32 $0x11  }
0x1d: {  	_ =	swait.ge [sflag:s7], $0x5000  }
0x1e: {  	[sflag:s7] =	ssyncset.done $0x0  }
0x1f: {  	s15 =	simm.s32 $0xD000;
	s8 =	rddreg [dreg:$0x5];
	[sflag:s7] =	ssyncadd.s32 $0xFFFFB000  }
0x20: {  	[spmem:s8] =	stream.linear.scatter [tilespmem:s15], [sflag:$0x11], $0x5000, $0x38;
	[tilespmem:$0x1C000] =	vst v63  }
0x21: {  	_ =	swait.ge [sflag:s7], $0x5000  }
0x22: {  	[sflag:s7] =	ssyncset.done $0x0  }
0x23: {  	s8 =	rddreg [dreg:$0x6];
	[sflag:s7] =	ssyncadd.s32 $0xFFFFB000  }
0x24: {  	[spmem:s8] =	stream.linear.scatter [tilespmem:s15], [sflag:$0x11], $0x5000, $0x38;
	[tilespmem:$0x1C000] =	vst v63  }
0x25: {  	_ =	swait.ge [sflag:s7], $0x5000  }
0x26: {  	[sflag:s7] =	ssyncset.done $0x0  }
0x27: {  	s15 =	simm.s32 $0x0;
	s8 =	rddreg [dreg:$0x7];
	[sflag:s7] =	ssyncadd.s32 $0xFFFFB000  }
0x28: {  	[tilespmem:s15], [sflag:$0x11] =	stream.linear.gather [hbm4b:s8+s15], $0x2800, $0x38;
	[tilespmem:$0x1C000] =	vst v63  }
0x29: {  	_ =	swait.ge [sflag:s7], $0x2800  }
0x2a: {  	s15 =	simm.s32 $0x2800;
	[sflag:s7] =	ssyncset.done $0x0  }
0x2b: {  	s8 =	rddreg [dreg:$0x8];
	[sflag:s7] =	ssyncadd.s32 $0xFFFFD800;
	s7 =	simm.s32 $0x0  }
0x2c: {  	[tilespmem:s15], [sflag:$0x11] =	stream.linear.gather [hbm4b:s8+s7], $0x2800, $0x38;
	[tilespmem:$0x1C000] =	vst v63  }
0x2d: {  	s15 =	simm.s32 $0x11  }
0x2e: {  	_ =	swait.ge [sflag:s15], $0x2800  }
0x2f: {  	[sflag:s15] =	ssyncset.done $0x0  }
0x30: {  	[sflag:s15] =	ssyncadd.s32 $0xFFFFD800  }
0x31: {  	s8 =	simm.s32 $0x0;
	[bflag:$0x0] =	sbarrier.arrive $0xFFFF  }
0x32: {  	[tilespmem:s18], [sflag:$0x1] =	stream.indirect.gather [hbm4b:s5+s17], $0x20, s8, s17, $0xb8;
	[tilespmem:$0x1C000] =	vst v63  }
0x33: {  	_ = 	snop  }
0x34: {  	[tilespmem:s19], [sflag:$0x2] =	stream.indirect.gather [hbm4b:s5+s17], $0x20, s17, s17, $0xb8;
	[tilespmem:$0x1C000] =	vst v63  }
0x35: {  	s15 =	simm.s32 $0x100  }
0x36: {  	[tilespmem:s21], [sflag:$0x3] =	stream.indirect.gather [hbm4b:s5+s17], $0x20, s15, s17, $0xb8;
	[tilespmem:$0x1C000] =	vst v63  }
0x37: {  	s8 =	simm.s32 $0x180  }
0x38: {  	[tilespmem:s23], [sflag:$0x4] =	stream.indirect.gather [hbm4b:s5+s17], $0x20, s8, s17, $0xb8;
	[tilespmem:$0x1C000] =	vst v63  }
0x39: {  	s15 =	simm.s32 $0x200  }
0x3a: {  	[tilespmem:s25], [sflag:$0x5] =	stream.indirect.gather [hbm4b:s5+s17], $0x20, s15, s17, $0xb8;
	[tilespmem:$0x1C000] =	vst v63  }
0x3b: {  	s8 =	simm.s32 $0x280  }
0x3c: {  	[tilespmem:s28], [sflag:$0x6] =	stream.indirect.gather [hbm4b:s5+s17], $0x20, s8, s17, $0xb8;
	[tilespmem:$0x1C000] =	vst v63  }
0x3d: {  	s15 =	simm.s32 $0x300  }
0x3e: {  	[tilespmem:s30], [sflag:$0x7] =	stream.indirect.gather [hbm4b:s5+s17], $0x20, s15, s17, $0xb8;
	[tilespmem:$0x1C000] =	vst v63  }
0x3f: {  	s8 =	simm.s32 $0x380  }
0x40: {  	[tilespmem:s1], [sflag:$0x8] =	stream.indirect.gather [hbm4b:s5+s17], $0x20, s8, s17, $0xb8;
	[tilespmem:$0x1C000] =	vst v63  }
0x41: {  	_ =	swait.ge [sflag:s0], $0x1000  }
0x42: {  	[sflag:s0] =	ssyncset.done $0x0  }
0x43: {  	s15 =	simm.s32 $0x2800;
	[sflag:s0] =	ssyncadd.s32 $0xFFFFF000  }
0x44: {  	[spmem:s2] =	stream.indirect.scatter.add.bf16 [tilespmem:s18], [sflag:$0x9], $0x20, s15, s17, $0xb8;
	[tilespmem:$0x1C000] =	vst v63  }
0x45: {  	_ =	swait.ge [sflag:s16], $0x1000  }
0x46: {  	[sflag:s16] =	ssyncset.done $0x0  }
0x47: {  	s8 =	simm.s32 $0x2880;
	[sflag:s16] =	ssyncadd.s32 $0xFFFFF000  }
0x48: {  	[spmem:s3] =	stream.indirect.scatter.add.bf16 [tilespmem:s19], [sflag:$0xA], $0x20, s8, s17, $0xb8;
	[tilespmem:$0x1C000] =	vst v63  }
0x49: {  	_ =	swait.ge [sflag:s20], $0x1000  }
0x4a: {  	[sflag:s20] =	ssyncset.done $0x0  }
0x4b: {  	s15 =	simm.s32 $0x2900;
	[sflag:s20] =	ssyncadd.s32 $0xFFFFF000  }
0x4c: {  	[spmem:s2] =	stream.indirect.scatter.add.bf16 [tilespmem:s21], [sflag:$0xB], $0x20, s15, s17, $0xb8;
	[tilespmem:$0x1C000] =	vst v63  }
0x4d: {  	_ =	swait.ge [sflag:s22], $0x1000  }
0x4e: {  	[sflag:s22] =	ssyncset.done $0x0  }
0x4f: {  	s8 =	simm.s32 $0x2980;
	[sflag:s22] =	ssyncadd.s32 $0xFFFFF000  }
0x50: {  	[spmem:s3] =	stream.indirect.scatter.add.bf16 [tilespmem:s23], [sflag:$0xC], $0x20, s8, s17, $0xb8;
	[tilespmem:$0x1C000] =	vst v63  }
0x51: {  	_ =	swait.ge [sflag:s24], $0x1000  }
0x52: {  	[sflag:s24] =	ssyncset.done $0x0  }
0x53: {  	s15 =	simm.s32 $0x2A00;
	[sflag:s24] =	ssyncadd.s32 $0xFFFFF000  }
0x54: {  	[spmem:s2] =	stream.indirect.scatter.add.bf16 [tilespmem:s25], [sflag:$0xD], $0x20, s15, s17, $0xb8;
	[tilespmem:$0x1C000] =	vst v63  }
0x55: {  	_ =	swait.ge [sflag:s26], $0x1000  }
0x56: {  	[sflag:s26] =	ssyncset.done $0x0  }
0x57: {  	s8 =	simm.s32 $0x2A80;
	[sflag:s26] =	ssyncadd.s32 $0xFFFFF000  }
0x58: {  	[spmem:s3] =	stream.indirect.scatter.add.bf16 [tilespmem:s28], [sflag:$0xE], $0x20, s8, s17, $0xb8;
	[tilespmem:$0x1C000] =	vst v63  }
0x59: {  	_ =	swait.ge [sflag:s29], $0x1000  }
0x5a: {  	[sflag:s29] =	ssyncset.done $0x0  }
0x5b: {  	s15 =	simm.s32 $0x2B00;
	[sflag:s29] =	ssyncadd.s32 $0xFFFFF000  }
0x5c: {  	[spmem:s2] =	stream.indirect.scatter.add.bf16 [tilespmem:s30], [sflag:$0xF], $0x20, s15, s17, $0xb8;
	[tilespmem:$0x1C000] =	vst v63  }
0x5d: {  	_ =	swait.ge [sflag:s31], $0x1000  }
0x5e: {  	[sflag:s31] =	ssyncset.done $0x0  }
0x5f: {  	s8 =	simm.s32 $0x2B80;
	[sflag:s31] =	ssyncadd.s32 $0xFFFFF000  }
0x60: {  	[spmem:s3] =	stream.indirect.scatter.add.bf16 [tilespmem:s1], [sflag:$0x10], $0x20, s8, s17, $0xb8;
	[tilespmem:$0x1C000] =	vst v63  }
0x61: {  	_ =	swait.ge [sflag:s6], $0x1000  }
0x62: {  	[sflag:s6] =	ssyncset.done $0x0  }
0x63: {  	s15 =	simm.s32 $0x400;
	[sflag:s6] =	ssyncadd.s32 $0xFFFFF000  }
0x64: {  	[tilespmem:s18], [sflag:$0x1] =	stream.indirect.gather [hbm4b:s5+s17], $0x20, s15, s17, $0xb8;
	[tilespmem:$0x1C000] =	vst v63  }
0x65: {  	_ =	swait.ge [sflag:s9], $0x1000  }
0x66: {  	[sflag:s9] =	ssyncset.done $0x0  }
0x67: {  	s8 =	simm.s32 $0x480;
	[sflag:s9] =	ssyncadd.s32 $0xFFFFF000  }
0x68: {  	[tilespmem:s19], [sflag:$0x2] =	stream.indirect.gather [hbm4b:s5+s17], $0x20, s8, s17, $0xb8;
	[tilespmem:$0x1C000] =	vst v63  }
0x69: {  	_ =	swait.ge [sflag:s10], $0x1000  }
0x6a: {  	[sflag:s10] =	ssyncset.done $0x0  }
0x6b: {  	s15 =	simm.s32 $0x500;
	[sflag:s10] =	ssyncadd.s32 $0xFFFFF000  }
0x6c: {  	[tilespmem:s21], [sflag:$0x3] =	stream.indirect.gather [hbm4b:s5+s17], $0x20, s15, s17, $0xb8;
	[tilespmem:$0x1C000] =	vst v63  }
0x6d: {  	_ =	swait.ge [sflag:s11], $0x1000  }
0x6e: {  	[sflag:s11] =	ssyncset.done $0x0  }
0x6f: {  	s8 =	simm.s32 $0x580;
	[sflag:s11] =	ssyncadd.s32 $0xFFFFF000  }
0x70: {  	[tilespmem:s23], [sflag:$0x4] =	stream.indirect.gather [hbm4b:s5+s17], $0x20, s8, s17, $0xb8;
	[tilespmem:$0x1C000] =	vst v63  }
0x71: {  	_ =	swait.ge [sflag:s12], $0x1000  }
0x72: {  	[sflag:s12] =	ssyncset.done $0x0  }
0x73: {  	s15 =	simm.s32 $0x600;
	[sflag:s12] =	ssyncadd.s32 $0xFFFFF000  }
0x74: {  	[tilespmem:s25], [sflag:$0x5] =	stream.indirect.gather [hbm4b:s5+s17], $0x20, s15, s17, $0xb8;
	[tilespmem:$0x1C000] =	vst v63  }
0x75: {  	_ =	swait.ge [sflag:s13], $0x1000  }
0x76: {  	[sflag:s13] =	ssyncset.done $0x0  }
0x77: {  	s8 =	simm.s32 $0x680;
	[sflag:s13] =	ssyncadd.s32 $0xFFFFF000  }
0x78: {  	[tilespmem:s28], [sflag:$0x6] =	stream.indirect.gather [hbm4b:s5+s17], $0x20, s8, s17, $0xb8;
	[tilespmem:$0x1C000] =	vst v63  }
0x79: {  	_ =	swait.ge [sflag:s14], $0x1000  }
0x7a: {  	[sflag:s14] =	ssyncset.done $0x0  }
0x7b: {  	s15 =	simm.s32 $0x700;
	[sflag:s14] =	ssyncadd.s32 $0xFFFFF000  }
0x7c: {  	[tilespmem:s30], [sflag:$0x7] =	stream.indirect.gather [hbm4b:s5+s17], $0x20, s15, s17, $0xb8;
	[tilespmem:$0x1C000] =	vst v63  }
0x7d: {  	_ =	swait.ge [sflag:s4], $0x1000  }
0x7e: {  	[sflag:s4] =	ssyncset.done $0x0  }
0x7f: {  	s7 =	simm.s32 $0x780;
	s8 =	simm.s32 $0x1000;
	[sflag:s4] =	ssyncadd.s32 $0xFFFFF000  }
.LBB2_2:
0x80: {  	[tilespmem:s1], [sflag:$0x8] =	stream.indirect.gather [hbm4b:s5+s17], $0x20, s7, s17, $0xb8;
	[tilespmem:$0x1C000] =	vst v63  }
0x81: {  	s7 =	smov.u32 s8  }
0x82: {  	p0 =	sne.s32 s8, $0x8000;
	s8 =	sadd.s32 $0x1000, s8;
	_ =	swait.ge [sflag:s0], $0x1000  }
0x83: {  	s7 =	sshra.s32 s7, $0x2;
	[sflag:s0] =	ssyncset.done $0x0  }
0x84: {  	s15 =	sadd.s32 $0x2800, s7;
	[sflag:s0] =	ssyncadd.s32 $0xFFFFF000  }
0x85: {  	[spmem:s2] =	stream.indirect.scatter.add.bf16 [tilespmem:s18], [sflag:$0x9], $0x20, s15, s17, $0xb8;
	[tilespmem:$0x1C000] =	vst v63  }
0x86: {  	_ =	swait.ge [sflag:s16], $0x1000  }
0x87: {  	[sflag:s16] =	ssyncset.done $0x0  }
0x88: {  	s15 =	sadd.s32 $0x2880, s7;
	[sflag:s16] =	ssyncadd.s32 $0xFFFFF000  }
0x89: {  	[spmem:s3] =	stream.indirect.scatter.add.bf16 [tilespmem:s19], [sflag:$0xA], $0x20, s15, s17, $0xb8;
	[tilespmem:$0x1C000] =	vst v63  }
0x8a: {  	_ =	swait.ge [sflag:s20], $0x1000  }
0x8b: {  	[sflag:s20] =	ssyncset.done $0x0  }
0x8c: {  	s15 =	sadd.s32 $0x2900, s7;
	[sflag:s20] =	ssyncadd.s32 $0xFFFFF000  }
0x8d: {  	[spmem:s2] =	stream.indirect.scatter.add.bf16 [tilespmem:s21], [sflag:$0xB], $0x20, s15, s17, $0xb8;
	[tilespmem:$0x1C000] =	vst v63  }
0x8e: {  	_ =	swait.ge [sflag:s22], $0x1000  }
0x8f: {  	[sflag:s22] =	ssyncset.done $0x0  }
0x90: {  	s15 =	sadd.s32 $0x2980, s7;
	[sflag:s22] =	ssyncadd.s32 $0xFFFFF000  }
0x91: {  	[spmem:s3] =	stream.indirect.scatter.add.bf16 [tilespmem:s23], [sflag:$0xC], $0x20, s15, s17, $0xb8;
	[tilespmem:$0x1C000] =	vst v63  }
0x92: {  	_ =	swait.ge [sflag:s24], $0x1000  }
0x93: {  	[sflag:s24] =	ssyncset.done $0x0  }
0x94: {  	s15 =	sadd.s32 $0x2A00, s7;
	[sflag:s24] =	ssyncadd.s32 $0xFFFFF000  }
0x95: {  	[spmem:s2] =	stream.indirect.scatter.add.bf16 [tilespmem:s25], [sflag:$0xD], $0x20, s15, s17, $0xb8;
	[tilespmem:$0x1C000] =	vst v63  }
0x96: {  	_ =	swait.ge [sflag:s26], $0x1000  }
0x97: {  	[sflag:s26] =	ssyncset.done $0x0  }
0x98: {  	s15 =	sadd.s32 $0x2A80, s7;
	[sflag:s26] =	ssyncadd.s32 $0xFFFFF000  }
0x99: {  	[spmem:s3] =	stream.indirect.scatter.add.bf16 [tilespmem:s28], [sflag:$0xE], $0x20, s15, s17, $0xb8;
	[tilespmem:$0x1C000] =	vst v63  }
0x9a: {  	_ =	swait.ge [sflag:s29], $0x1000  }
0x9b: {  	[sflag:s29] =	ssyncset.done $0x0  }
0x9c: {  	s15 =	sadd.s32 $0x2B00, s7;
	[sflag:s29] =	ssyncadd.s32 $0xFFFFF000  }
0x9d: {  	[spmem:s2] =	stream.indirect.scatter.add.bf16 [tilespmem:s30], [sflag:$0xF], $0x20, s15, s17, $0xb8;
	[tilespmem:$0x1C000] =	vst v63  }
0x9e: {  	_ =	swait.ge [sflag:s31], $0x1000  }
0x9f: {  	[sflag:s31] =	ssyncset.done $0x0  }
0xa0: {  	s15 =	sadd.s32 $0x2B80, s7;
	[sflag:s31] =	ssyncadd.s32 $0xFFFFF000  }
0xa1: {  	[spmem:s3] =	stream.indirect.scatter.add.bf16 [tilespmem:s1], [sflag:$0x10], $0x20, s15, s17, $0xb8;
	[tilespmem:$0x1C000] =	vst v63  }
0xa2: {  	_ =	swait.ge [sflag:s6], $0x1000  }
0xa3: {  	[sflag:s6] =	ssyncset.done $0x0  }
0xa4: {  	s15 =	sadd.s32 $0x400, s7;
	[sflag:s6] =	ssyncadd.s32 $0xFFFFF000  }
0xa5: {  	[tilespmem:s18], [sflag:$0x1] =	stream.indirect.gather [hbm4b:s5+s17], $0x20, s15, s17, $0xb8;
	[tilespmem:$0x1C000] =	vst v63  }
0xa6: {  	_ =	swait.ge [sflag:s9], $0x1000  }
0xa7: {  	[sflag:s9] =	ssyncset.done $0x0  }
0xa8: {  	s15 =	sadd.s32 $0x480, s7;
	[sflag:s9] =	ssyncadd.s32 $0xFFFFF000  }
0xa9: {  	[tilespmem:s19], [sflag:$0x2] =	stream.indirect.gather [hbm4b:s5+s17], $0x20, s15, s17, $0xb8;
	[tilespmem:$0x1C000] =	vst v63  }
0xaa: {  	_ =	swait.ge [sflag:s10], $0x1000  }
0xab: {  	[sflag:s10] =	ssyncset.done $0x0  }
0xac: {  	s15 =	sadd.s32 $0x500, s7;
	[sflag:s10] =	ssyncadd.s32 $0xFFFFF000  }
0xad: {  	[tilespmem:s21], [sflag:$0x3] =	stream.indirect.gather [hbm4b:s5+s17], $0x20, s15, s17, $0xb8;
	[tilespmem:$0x1C000] =	vst v63  }
0xae: {  	_ =	swait.ge [sflag:s11], $0x1000  }
0xaf: {  	[sflag:s11] =	ssyncset.done $0x0  }
0xb0: {  	s15 =	sadd.s32 $0x580, s7;
	[sflag:s11] =	ssyncadd.s32 $0xFFFFF000  }
0xb1: {  	[tilespmem:s23], [sflag:$0x4] =	stream.indirect.gather [hbm4b:s5+s17], $0x20, s15, s17, $0xb8;
	[tilespmem:$0x1C000] =	vst v63  }
0xb2: {  	_ =	swait.ge [sflag:s12], $0x1000  }
0xb3: {  	[sflag:s12] =	ssyncset.done $0x0  }
0xb4: {  	s15 =	sadd.s32 $0x600, s7;
	[sflag:s12] =	ssyncadd.s32 $0xFFFFF000  }
0xb5: {  	[tilespmem:s25], [sflag:$0x5] =	stream.indirect.gather [hbm4b:s5+s17], $0x20, s15, s17, $0xb8;
	[tilespmem:$0x1C000] =	vst v63  }
0xb6: {  	_ =	swait.ge [sflag:s13], $0x1000  }
0xb7: {  	[sflag:s13] =	ssyncset.done $0x0  }
0xb8: {  	s15 =	sadd.s32 $0x680, s7;
	[sflag:s13] =	ssyncadd.s32 $0xFFFFF000  }
0xb9: {  	[tilespmem:s28], [sflag:$0x6] =	stream.indirect.gather [hbm4b:s5+s17], $0x20, s15, s17, $0xb8;
	[tilespmem:$0x1C000] =	vst v63  }
0xba: {  	_ =	swait.ge [sflag:s14], $0x1000  }
0xbb: {  	[sflag:s14] =	ssyncset.done $0x0  }
.Ltmp0:
0xbc: {  	s15 =	sadd.s32 $0x700, s7;
	[sflag:s14] =	ssyncadd.s32 $0xFFFFF000;
	(pc) =	sbr.rel @p0 .LBB2_2-.Ltmp0, $4  }
0xbd: {  	[tilespmem:s30], [sflag:$0x7] =	stream.indirect.gather [hbm4b:s5+s17], $0x20, s15, s17, $0xb8;
	[tilespmem:$0x1C000] =	vst v63  }
0xbe: {  	_ =	swait.ge [sflag:s4], $0x1000  }
0xbf: {  	[sflag:s4] =	ssyncset.done $0x0  }
0xc0: {  	s7 =	sadd.s32 $0x780, s7;
	[sflag:s4] =	ssyncadd.s32 $0xFFFFF000  }
0xc1: {  	[tilespmem:s1], [sflag:$0x8] =	stream.indirect.gather [hbm4b:s5+s17], $0x20, s7, s17, $0xb8;
	[tilespmem:$0x1C000] =	vst v63  }
0xc2: {  	_ =	swait.ge [sflag:s0], $0x1000  }
0xc3: {  	[sflag:s0] =	ssyncset.done $0x0  }
0xc4: {  	s8 =	simm.s32 $0x4C00;
	[sflag:s0] =	ssyncadd.s32 $0xFFFFF000  }
0xc5: {  	[spmem:s2] =	stream.indirect.scatter.add.bf16 [tilespmem:s18], [sflag:$0x9], $0x20, s8, s17, $0xb8;
	[tilespmem:$0x1C000] =	vst v63  }
0xc6: {  	_ =	swait.ge [sflag:s16], $0x1000  }
0xc7: {  	[sflag:s16] =	ssyncset.done $0x0  }
0xc8: {  	s15 =	simm.s32 $0x4C80;
	[sflag:s16] =	ssyncadd.s32 $0xFFFFF000  }
0xc9: {  	[spmem:s3] =	stream.indirect.scatter.add.bf16 [tilespmem:s19], [sflag:$0xA], $0x20, s15, s17, $0xb8;
	[tilespmem:$0x1C000] =	vst v63  }
0xca: {  	_ =	swait.ge [sflag:s20], $0x1000  }
0xcb: {  	[sflag:s20] =	ssyncset.done $0x0  }
0xcc: {  	s8 =	simm.s32 $0x4D00;
	[sflag:s20] =	ssyncadd.s32 $0xFFFFF000  }
0xcd: {  	[spmem:s2] =	stream.indirect.scatter.add.bf16 [tilespmem:s21], [sflag:$0xB], $0x20, s8, s17, $0xb8;
	[tilespmem:$0x1C000] =	vst v63  }
0xce: {  	_ =	swait.ge [sflag:s22], $0x1000  }
0xcf: {  	[sflag:s22] =	ssyncset.done $0x0  }
0xd0: {  	s15 =	simm.s32 $0x4D80;
	[sflag:s22] =	ssyncadd.s32 $0xFFFFF000  }
0xd1: {  	[spmem:s3] =	stream.indirect.scatter.add.bf16 [tilespmem:s23], [sflag:$0xC], $0x20, s15, s17, $0xb8;
	[tilespmem:$0x1C000] =	vst v63  }
0xd2: {  	_ =	swait.ge [sflag:s24], $0x1000  }
0xd3: {  	[sflag:s24] =	ssyncset.done $0x0  }
0xd4: {  	s8 =	simm.s32 $0x4E00;
	[sflag:s24] =	ssyncadd.s32 $0xFFFFF000  }
0xd5: {  	[spmem:s2] =	stream.indirect.scatter.add.bf16 [tilespmem:s25], [sflag:$0xD], $0x20, s8, s17, $0xb8;
	[tilespmem:$0x1C000] =	vst v63  }
0xd6: {  	_ =	swait.ge [sflag:s26], $0x1000  }
0xd7: {  	[sflag:s26] =	ssyncset.done $0x0  }
0xd8: {  	s15 =	simm.s32 $0x4E80;
	[sflag:s26] =	ssyncadd.s32 $0xFFFFF000  }
0xd9: {  	[spmem:s3] =	stream.indirect.scatter.add.bf16 [tilespmem:s28], [sflag:$0xE], $0x20, s15, s17, $0xb8;
	[tilespmem:$0x1C000] =	vst v63  }
0xda: {  	_ =	swait.ge [sflag:s29], $0x1000  }
0xdb: {  	[sflag:s29] =	ssyncset.done $0x0  }
0xdc: {  	s8 =	simm.s32 $0x4F00;
	[sflag:s29] =	ssyncadd.s32 $0xFFFFF000  }
0xdd: {  	[spmem:s2] =	stream.indirect.scatter.add.bf16 [tilespmem:s30], [sflag:$0xF], $0x20, s8, s17, $0xb8;
	[tilespmem:$0x1C000] =	vst v63  }
0xde: {  	_ =	swait.ge [sflag:s31], $0x1000  }
0xdf: {  	[sflag:s31] =	ssyncset.done $0x0  }
0xe0: {  	s15 =	simm.s32 $0x4F80;
	[sflag:s31] =	ssyncadd.s32 $0xFFFFF000  }
0xe1: {  	[spmem:s3] =	stream.indirect.scatter.add.bf16 [tilespmem:s1], [sflag:$0x10], $0x20, s15, s17, $0xb8;
	[tilespmem:$0x1C000] =	vst v63  }
0xe2: {  	_ =	swait.ge [sflag:s6], $0x1000  }
0xe3: {  	[sflag:s6] =	ssyncset.done $0x0  }
0xe4: {  	[sflag:s6] =	ssyncadd.s32 $0xFFFFF000  }
0xe5: {  	_ =	swait.ge [sflag:s9], $0x1000  }
0xe6: {  	[sflag:s9] =	ssyncset.done $0x0  }
0xe7: {  	[sflag:s9] =	ssyncadd.s32 $0xFFFFF000  }
0xe8: {  	_ =	swait.ge [sflag:s10], $0x1000  }
0xe9: {  	[sflag:s10] =	ssyncset.done $0x0  }
0xea: {  	[sflag:s10] =	ssyncadd.s32 $0xFFFFF000  }
0xeb: {  	_ =	swait.ge [sflag:s11], $0x1000  }
0xec: {  	[sflag:s11] =	ssyncset.done $0x0  }
0xed: {  	[sflag:s11] =	ssyncadd.s32 $0xFFFFF000  }
0xee: {  	_ =	swait.ge [sflag:s12], $0x1000  }
0xef: {  	[sflag:s12] =	ssyncset.done $0x0  }
0xf0: {  	[sflag:s12] =	ssyncadd.s32 $0xFFFFF000  }
0xf1: {  	_ =	swait.ge [sflag:s13], $0x1000  }
0xf2: {  	[sflag:s13] =	ssyncset.done $0x0  }
0xf3: {  	[sflag:s13] =	ssyncadd.s32 $0xFFFFF000  }
0xf4: {  	_ =	swait.ge [sflag:s14], $0x1000  }
0xf5: {  	[sflag:s14] =	ssyncset.done $0x0  }
0xf6: {  	[sflag:s14] =	ssyncadd.s32 $0xFFFFF000  }
0xf7: {  	_ =	swait.ge [sflag:s4], $0x1000  }
0xf8: {  	[sflag:s4] =	ssyncset.done $0x0  }
0xf9: {  	[sflag:s4] =	ssyncadd.s32 $0xFFFFF000  }
0xfa: {  	s8 =	stileid.u32;
	[bflag:$0x0] =	sbarrier.arrive $0xFFFF  }
0xfb: {  	s7 =	sshll.u32 s8, $0x6;
	s8 =	rddreg [dreg:$0x5]  }
0xfc: {  	s7 =	sor.u32 $0x1C11, s7;
	s15 =	rddreg [dreg:$0xa];
	s8 =	sshrl.u32 s8, $0x3  }
0xfd: {  	[hbm:s15], [sflag:s7] =	dma.local [spmem:s8], $0xA00  }
0xfe: {  	s15 =	simm.s32 $0x11  }
0xff: {  	_ =	swait.ge [sflag:s15], $0xA00  }
0x100: {  	[sflag:s15] =	ssyncset.done $0x0  }
0x101: {  	[sflag:s15] =	ssyncadd.s32 $0xFFFFF600;
	s15 =	rddreg [dreg:$0x6]  }
0x102: {  	s8 =	sshrl.u32 s15, $0x3;
	s15 =	rddreg [dreg:$0xb]  }
0x103: {  	[hbm:s15], [sflag:s7] =	dma.local [spmem:s8], $0xA00  }
0x104: {  	s7 =	simm.s32 $0x11  }
0x105: {  	_ =	swait.ge [sflag:s7], $0xA00  }
0x106: {  	s15 =	rddreg [dreg:$0xc]  }
0x107: {  	s8 =	sadd.s32 $0x1, s15;
	s15 =	rddreg [dreg:$0x9]  }
0x108: {  	p0 =	sne.s32 s8, s15  }
.Ltmp1:
0x109: {  	_ = 	snop;
	(pc) =	sbr.rel @p0 .LBB2_1-.Ltmp1, $3  }
0x10a: {  	_ =	sdelay $0x1  }
0x10b: {  	[sflag:s7] =	ssyncset.done $0x0;
	s15 =	simm.s32 $0x11  }
0x10c: {  	[sflag:s15] =	ssyncadd.s32 $0xFFFFF600  }
0x10d: {  	_ =	sfence.sel $0x180000  }
0x10e: {  	[bflag:$0x0] =	sbarrier.arrive $0xFFFF  }
0x10f: {  	_ =	strace $0x90000050  }
0x110: {  	s0 =	stileid.u32;
	[bflag:$0x2] =	sbarrier.arrive $0xFFFF  }
0x111: {  	p0 =	sne.s32 s0, $0x0;
	s0 =	rddreg [dreg:$0x3]  }
0x112: {  	s0 =	sadd.s32 @!p0 $0x100000, s0  }
0x113: {  	[sflag:s0] =	ssyncadd.tile.s32 @!p0 $0x1;
	_ =	shalt  }
.Lfunc_end2:
_tile_overlayer_lowered:
.L_overlay_start_2:
0x114: {  	(tag) =	ssettag $0x2  }
0x115: {  	s0 =	rddreg [dreg:$0x0];
	s2 =	stileid.u32  }
0x116: {  	s1 =	rddreg [dreg:$0x1];
	p0 =	sne.s32 s2, $0x0  }
0x117: {  	s3 =	rddreg [dreg:$0x2];
	[bflag:$0x3] =	sbarrier.arrive $0xFFFF;
	s2 =	simm.s32 @!p0 $0x1C11  }
0x118: {  	[timem:s3], [sflag:s2] =	dma.local @!p0 [hbm:s0], s1  }
0x119: {  	s0 =	simm.s32 @!p0 $0x11  }
0x11a: {  	_ =	swait.ge @!p0 [sflag:s0], s1  }
0x11b: {  	s1 =	ssub.s32 @!p0 $0x0, s1;
	[sflag:s0] =	ssyncset.done @!p0 $0x0  }
0x11c: {  	[sflag:s0] =	ssyncadd.s32 @!p0 s1  }
0x11d: {  	[bflag:$0x3] =	sbarrier.arrive $0xFFFF  }
0x11e: {  	_ =	shalt  }

</sc_bundles>
